<compile_context>
chip_gen: v7x
topology: tpu7x:2x2x1
jax: 0.10.2.dev20260603
libtpu: 0.0.44.dev20260713+nightly
codegen_flags: <defaults>
</compile_context>

<pallas_src>
import functools

import jax
import jax.numpy as jnp
from jax import lax
from jax.experimental import pallas as pl
from jax.experimental.pallas import tpu as pltpu
from jax.experimental.pallas import tpu_sc as plsc

_EMB = 64
_B = 16384
_NC = 2
_NS = 16
_NW = _NC * _NS
_BLKR = 16


def _sc_gather(uid_ref, iid_ref, tabu_ref, tabi_ref, ub_ref, ib_ref,
               x_out, bs_out,
               uix_v, iix_v, stu_v, sti_v, sub_v, sib_v, x_w, bs_w,
               sem_u, sem_i, sem_ub, sem_ib, sem_ox, sem_ob):
    bpw = uix_v.shape[0]
    nblk = bpw // _BLKR
    wid = lax.axis_index("s") * _NC + lax.axis_index("c")
    base = wid * bpw

    for j in range(bpw // 128):
        sl = pl.ds(base + j * 128, 128)
        pltpu.sync_copy(uid_ref.at[sl], uix_v.at[pl.ds(j * 128, 128)])
        pltpu.sync_copy(iid_ref.at[sl], iix_v.at[pl.ds(j * 128, 128)])

    lanes = lax.iota(jnp.int32, 16)

    def issue_block(b):
        sbase = (b % 2) * (16 * _BLKR)
        uvec0 = uix_v[pl.ds(b * _BLKR, 16)]
        ivec0 = iix_v[pl.ds(b * _BLKR, 16)]

        def issue(r, carry):
            urid = jnp.sum(jnp.where(lanes == r, uvec0, 0))
            irid = jnp.sum(jnp.where(lanes == r, ivec0, 0))
            ua = pl.multiple_of((urid >> 4) << 4, 16)
            ia = pl.multiple_of((irid >> 4) << 4, 16)
            r16 = pl.multiple_of(sbase + r * 16, 16)
            d16 = pl.ds(r16, 16)
            pltpu.async_copy(tabu_ref.at[:, :, pl.ds(ua, 16)],
                             stu_v.at[:, :, d16], sem_u)
            pltpu.async_copy(tabi_ref.at[:, :, pl.ds(ia, 16)],
                             sti_v.at[:, :, d16], sem_i)
            pltpu.async_copy(ub_ref.at[pl.ds(ua, 16)],
                             sub_v.at[d16], sem_ub)
            pltpu.async_copy(ib_ref.at[pl.ds(ia, 16)],
                             sib_v.at[d16], sem_ib)
            return carry

        lax.fori_loop(0, _BLKR, issue, 0)

    def drain_block():
        nw = 16 * _BLKR
        pltpu.make_async_copy(tabu_ref.at[:, :, pl.ds(0, nw)],
                              stu_v.at[:, :, pl.ds(0, nw)], sem_u).wait()
        pltpu.make_async_copy(tabi_ref.at[:, :, pl.ds(0, nw)],
                              sti_v.at[:, :, pl.ds(0, nw)], sem_i).wait()
        pltpu.make_async_copy(ub_ref.at[pl.ds(0, nw)],
                              sub_v.at[pl.ds(0, nw)], sem_ub).wait()
        pltpu.make_async_copy(ib_ref.at[pl.ds(0, nw)],
                              sib_v.at[pl.ds(0, nw)], sem_ib).wait()

    def drain_out():
        pltpu.make_async_copy(x_w.at[pl.ds(0, _BLKR)],
                              x_out.at[pl.ds(base, _BLKR)], sem_ox).wait()
        pltpu.make_async_copy(bs_w.at[pl.ds(0, _BLKR)],
                              bs_out.at[pl.ds(base, _BLKR)], sem_ob).wait()

    def extract_block(m):
        sprev = (m % 2) * (16 * _BLKR)
        xoff = (m % 2) * _BLKR
        uvec = uix_v[pl.ds(m * _BLKR, 16)]
        ivec = iix_v[pl.ds(m * _BLKR, 16)]
        upos = sprev + lanes * 16 + (uvec & 15)
        ipos = sprev + lanes * 16 + (ivec & 15)
        for c in range(_EMB):
            cv = jnp.full((16,), c, jnp.int32)
            vu = plsc.load_gather(stu_v, [cv >> 3, cv & 7, upos])
            plsc.store_scatter(x_w, [lanes + xoff, cv], vu)
            vi = plsc.load_gather(sti_v, [cv >> 3, cv & 7, ipos])
            plsc.store_scatter(x_w, [lanes + xoff, cv + _EMB], vi)
        bs_w[pl.ds(xoff, 16)] = (plsc.load_gather(sub_v, [upos])
                                 + plsc.load_gather(sib_v, [ipos]))
        m16 = pl.ds(base + m * _BLKR, _BLKR)
        pltpu.async_copy(x_w.at[pl.ds(xoff, _BLKR)], x_out.at[m16], sem_ox)
        pltpu.async_copy(bs_w.at[pl.ds(xoff, _BLKR)], bs_out.at[m16], sem_ob)

    def block_body(b, carry):
        issue_block(b)

        @pl.when(b >= 1)
        def _():
            @pl.when(b >= 3)
            def _():
                drain_out()

            drain_block()
            extract_block(b - 1)

        return carry

    lax.fori_loop(0, nblk, block_body, 0)

    drain_block()
    drain_out()
    extract_block(nblk - 1)

    def tail_outs(d, carry):
        drain_out()
        return carry

    lax.fori_loop(0, 2, tail_outs, 0)


def _make_sc_call(n):
    return functools.partial(
        pl.kernel,
        mesh=plsc.VectorSubcoreMesh(core_axis_name="c", subcore_axis_name="s"),
        compiler_params=pltpu.CompilerParams(needs_layout_passes=False),
        out_type=[
            jax.ShapeDtypeStruct((n, 2 * _EMB), jnp.float32),
            jax.ShapeDtypeStruct((n,), jnp.float32),
        ],
        scratch_types=[
            pltpu.VMEM((n // _NW,), jnp.int32),
            pltpu.VMEM((n // _NW,), jnp.int32),
            pltpu.VMEM((8, 8, 32 * _BLKR), jnp.float32),
            pltpu.VMEM((8, 8, 32 * _BLKR), jnp.float32),
            pltpu.VMEM((32 * _BLKR,), jnp.float32),
            pltpu.VMEM((32 * _BLKR,), jnp.float32),
            pltpu.VMEM((2 * _BLKR, 2 * _EMB), jnp.float32),
            pltpu.VMEM((2 * _BLKR,), jnp.float32),
            pltpu.SemaphoreType.DMA,
            pltpu.SemaphoreType.DMA,
            pltpu.SemaphoreType.DMA,
            pltpu.SemaphoreType.DMA,
            pltpu.SemaphoreType.DMA,
            pltpu.SemaphoreType.DMA,
        ],
    )(_sc_gather)


_BLK = 2048


def _mlp_body(x_ref, bs_ref, w1_ref, b1_ref, w2t_ref, b2_ref, w3r_ref,
              gb3_ref, out_ref):
    h1 = jnp.maximum(
        jnp.dot(x_ref[...], w1_ref[...], preferred_element_type=jnp.float32)
        + b1_ref[...], 0.0)
    h2 = jnp.maximum(
        lax.dot_general(h1, w2t_ref[...], (((1,), (1,)), ((), ())),
                        preferred_element_type=jnp.float32)
        + b2_ref[...], 0.0)
    m = jnp.sum(h2 * w3r_ref[...], axis=1)
    out_ref[...] = m + bs_ref[...] + gb3_ref[...]


def _mlp(x, bs, w1, b1, w2t, b2, w3r, gb3):
    grid = (x.shape[0] // _BLK,)
    return pl.pallas_call(
        _mlp_body,
        grid=grid,
        in_specs=[
            pl.BlockSpec((_BLK, 2 * _EMB), lambda i: (i, 0)),
            pl.BlockSpec((_BLK,), lambda i: (i,)),
            pl.BlockSpec((2 * _EMB, 128), lambda i: (0, 0)),
            pl.BlockSpec((128,), lambda i: (0,)),
            pl.BlockSpec((_EMB, 128), lambda i: (0, 0)),
            pl.BlockSpec((_EMB,), lambda i: (0,)),
            pl.BlockSpec((1, _EMB), lambda i: (0, 0)),
            pl.BlockSpec((1,), lambda i: (0,)),
        ],
        out_specs=pl.BlockSpec((_BLK,), lambda i: (i,)),
        out_shape=jax.ShapeDtypeStruct((x.shape[0],), jnp.float32),
    )(x, bs, w1, b1, w2t, b2, w3r, gb3)


def kernel(user_ids, item_ids, user_emb, item_emb, user_bias_t, item_bias_t,
           global_bias, W1, b1, W2, b2, W3, b3):
    uid = user_ids.astype(jnp.int32)
    iid = item_ids.astype(jnp.int32)
    tabu = user_emb.T.reshape(8, 8, 1000000)
    tabi = item_emb.T.reshape(8, 8, 1000000)

    w2t = W2.T
    w3r = W3.reshape(1, -1)
    gb3 = global_bias + b3

    x, bs = _make_sc_call(_B)(
        uid, iid, tabu, tabi,
        user_bias_t.reshape(-1), item_bias_t.reshape(-1))
    return _mlp(x, bs, W1, b1, w2t, b2, w3r, gb3)

# --- scband reference (transcript-rebuilt; emitter-appended) ---
"""Pipeline reference for scband-hybrid-recommender-model-11227044511785 (READ-ONLY COPY).

The authoritative reference and input builder live on the scoring server;
editing this copy changes nothing except your own understanding.
"""

import jax, jax.numpy as jnp
import numpy as np

NUM_USERS = 1000000
NUM_ITEMS = 1000000
EMB = 64
HID = 128
B = 16384


def setup_inputs(seed: int = 0) -> dict:
    key = jax.random.key(seed)
    ks = jax.random.split(key, 10)
    # xavier-uniform-ish scale for embeddings
    emb_scale = float(np.sqrt(6.0 / (NUM_USERS + EMB)))
    def xavier(k, fan_in, fan_out):
        lim = float(np.sqrt(6.0 / (fan_in + fan_out)))
        return jax.random.uniform(k, (fan_in, fan_out), jnp.float32, -lim, lim)
    return {
        "user_ids": jax.random.randint(ks[0], (B,), 0, NUM_USERS, dtype=jnp.int64 if jax.config.jax_enable_x64 else jnp.int32),
        "item_ids": jax.random.randint(ks[1], (B,), 0, NUM_ITEMS, dtype=jnp.int64 if jax.config.jax_enable_x64 else jnp.int32),
        "user_emb": jax.random.uniform(ks[2], (NUM_USERS, EMB), jnp.float32, -emb_scale, emb_scale),
        "item_emb": jax.random.uniform(ks[3], (NUM_ITEMS, EMB), jnp.float32, -emb_scale, emb_scale),
        "user_bias_t": jnp.zeros((NUM_USERS, 1), jnp.float32),
        "item_bias_t": jnp.zeros((NUM_ITEMS, 1), jnp.float32),
        "global_bias": jnp.zeros((1,), jnp.float32),
        "W1": xavier(ks[4], 2 * EMB, HID),
        "b1": jnp.zeros((HID,), jnp.float32),
        "W2": xavier(ks[5], HID, HID // 2),
        "b2": jnp.zeros((HID // 2,), jnp.float32),
        "W3": xavier(ks[6], HID // 2, 1),
        "b3": jnp.zeros((1,), jnp.float32),
    }


def reference(user_ids, item_ids, user_emb, item_emb, user_bias_t, item_bias_t,
              global_bias, W1, b1, W2, b2, W3, b3):
    ue = jnp.take(user_emb, user_ids, axis=0)            # [B, EMB]
    ie = jnp.take(item_emb, item_ids, axis=0)            # [B, EMB]
    ub = jnp.take(user_bias_t, user_ids, axis=0).squeeze(-1)  # [B]
    ib = jnp.take(item_bias_t, item_ids, axis=0).squeeze(-1)  # [B]
    x = jnp.concatenate([ue, ie], axis=-1)               # [B, 2*EMB]
    h = jax.nn.relu(x @ W1 + b1)
    # dropout is identity at inference
    h = jax.nn.relu(h @ W2 + b2)
    m = (h @ W3 + b3).squeeze(-1)                        # [B]
    return global_bias + ub + ib + m                     # [B]

if __name__ == "__main__":
    import jax
    _d = setup_inputs()
    print(jax.jit(kernel)(*tuple(_d.values())))

</pallas_src>

<mosaic_0001>
#map = affine_map<(d0, d1) -> (0)>
#map1 = affine_map<(d0, d1) -> (0, 0, 0)>
#map2 = affine_map<(d0, d1) -> (0, 0)>
module attributes {stable_mosaic.version = 14 : i64} {
  func.func @_sc_gather(%arg0: i32, %arg1: i32, %arg2: memref<16384xi32, #tpu.memory_space<hbm>>, %arg3: memref<16384xi32, #tpu.memory_space<hbm>>, %arg4: memref<8x8x1000000xf32, #tpu.memory_space<hbm>>, %arg5: memref<8x8x1000000xf32, #tpu.memory_space<hbm>>, %arg6: memref<1000000xf32, #tpu.memory_space<hbm>>, %arg7: memref<1000000xf32, #tpu.memory_space<hbm>>, %arg8: memref<16384x128xf32, #tpu.memory_space<hbm>>, %arg9: memref<16384xf32, #tpu.memory_space<hbm>>, %arg10: memref<512xi32, #tpu.memory_space<vmem>>, %arg11: memref<512xi32, #tpu.memory_space<vmem>>, %arg12: memref<8x8x512xf32, #tpu.memory_space<vmem>>, %arg13: memref<8x8x512xf32, #tpu.memory_space<vmem>>, %arg14: memref<512xf32, #tpu.memory_space<vmem>>, %arg15: memref<512xf32, #tpu.memory_space<vmem>>, %arg16: memref<32x128xf32, #tpu.memory_space<vmem>>, %arg17: memref<32xf32, #tpu.memory_space<vmem>>, %arg18: memref<!tpu.dma_semaphore, #tpu.memory_space<semaphore_mem>>, %arg19: memref<!tpu.dma_semaphore, #tpu.memory_space<semaphore_mem>>, %arg20: memref<!tpu.dma_semaphore, #tpu.memory_space<semaphore_mem>>, %arg21: memref<!tpu.dma_semaphore, #tpu.memory_space<semaphore_mem>>, %arg22: memref<!tpu.dma_semaphore, #tpu.memory_space<semaphore_mem>>, %arg23: memref<!tpu.dma_semaphore, #tpu.memory_space<semaphore_mem>>) attributes {dimension_semantics = [#tpu.dimension_semantics<core_parallel>, #tpu.dimension_semantics<subcore_parallel>], iteration_bounds = array<i64: 2, 16>, scalar_prefetch = 0 : i64, scratch_operands = 14 : i64, tpu.core_type = #tpu.core_type<sc_vector_subcore>, window_params = [{transform_indices = #map}, {transform_indices = #map}, {transform_indices = #map1}, {transform_indices = #map1}, {transform_indices = #map}, {transform_indices = #map}, {transform_indices = #map2}, {transform_indices = #map}]} {
    %mul3A = arith.constant 2 : i32
    %mul3A_0 = arith.muli %arg1, %mul3A : i32
    %add3A = arith.addi %mul3A_0, %arg0 : i32
    %mul3A_1 = arith.constant 512 : i32
    %mul3A_2 = arith.muli %add3A, %mul3A_1 : i32
    %add3A_3 = arith.constant 0 : i32
    %add3A_4 = arith.addi %mul3A_2, %add3A_3 : i32
    "tpu.region"() ({
      %run_scoped3A = tpu.sem_alloc : memref<!tpu.dma_semaphore, #tpu.memory_space<semaphore_mem>>
      %dma_start3A_1725 = arith.constant 0 : i32
      %dma_start3A_1726 = tpu.memref_slice %arg10[%dma_start3A_1725] : memref<512xi32, #tpu.memory_space<vmem>> -> memref<128xi32, #tpu.memory_space<vmem>>
      %dma_start3A_1727 = tpu.memref_slice %arg2[%add3A_4] : memref<16384xi32, #tpu.memory_space<hbm>> -> memref<128xi32, #tpu.memory_space<hbm>>
      %dma_start3A_1728 = arith.constant 0 : i32
      %dma_start3A_1729 = tpu.memref_slice %arg10[%dma_start3A_1728] : memref<512xi32, #tpu.memory_space<vmem>> -> memref<128xi32, #tpu.memory_space<vmem>>
      %dma_start3A_1730 = tpu.memref_slice %arg2[%add3A_4] : memref<16384xi32, #tpu.memory_space<hbm>> -> memref<128xi32, #tpu.memory_space<hbm>>
      tpu.enqueue_dma source(%dma_start3A_1730 : memref<128xi32, #tpu.memory_space<hbm>>) target(%dma_start3A_1729 : memref<128xi32, #tpu.memory_space<vmem>>) target_semaphore(%run_scoped3A : memref<!tpu.dma_semaphore, #tpu.memory_space<semaphore_mem>>)
      %dma_wait3A_1731 = arith.constant 0 : i32
      %dma_wait3A_1732 = tpu.memref_slice %arg10[%dma_wait3A_1731] : memref<512xi32, #tpu.memory_space<vmem>> -> memref<128xi32, #tpu.memory_space<vmem>>
      %dma_wait3A_1733 = tpu.memref_slice %arg2[%add3A_4] : memref<16384xi32, #tpu.memory_space<hbm>> -> memref<128xi32, #tpu.memory_space<hbm>>
      %dma_wait3A_1734 = arith.constant 0 : i32
      %dma_wait3A_1735 = tpu.memref_slice %arg10[%dma_wait3A_1734] : memref<512xi32, #tpu.memory_space<vmem>> -> memref<128xi32, #tpu.memory_space<vmem>>
      %dma_wait3A_1736 = tpu.memref_slice %arg2[%add3A_4] : memref<16384xi32, #tpu.memory_space<hbm>> -> memref<128xi32, #tpu.memory_space<hbm>>
      tpu.wait_dma2 semaphore(%run_scoped3A : memref<!tpu.dma_semaphore, #tpu.memory_space<semaphore_mem>>) src(%dma_wait3A_1736 : memref<128xi32, #tpu.memory_space<hbm>>) dst(%dma_wait3A_1735 : memref<128xi32, #tpu.memory_space<vmem>>)
      tpu.yield
    }) : () -> ()
    "tpu.region"() ({
      %run_scoped3A = tpu.sem_alloc : memref<!tpu.dma_semaphore, #tpu.memory_space<semaphore_mem>>
      %dma_start3A_1725 = arith.constant 0 : i32
      %dma_start3A_1726 = tpu.memref_slice %arg11[%dma_start3A_1725] : memref<512xi32, #tpu.memory_space<vmem>> -> memref<128xi32, #tpu.memory_space<vmem>>
      %dma_start3A_1727 = tpu.memref_slice %arg3[%add3A_4] : memref<16384xi32, #tpu.memory_space<hbm>> -> memref<128xi32, #tpu.memory_space<hbm>>
      %dma_start3A_1728 = arith.constant 0 : i32
      %dma_start3A_1729 = tpu.memref_slice %arg11[%dma_start3A_1728] : memref<512xi32, #tpu.memory_space<vmem>> -> memref<128xi32, #tpu.memory_space<vmem>>
      %dma_start3A_1730 = tpu.memref_slice %arg3[%add3A_4] : memref<16384xi32, #tpu.memory_space<hbm>> -> memref<128xi32, #tpu.memory_space<hbm>>
      tpu.enqueue_dma source(%dma_start3A_1730 : memref<128xi32, #tpu.memory_space<hbm>>) target(%dma_start3A_1729 : memref<128xi32, #tpu.memory_space<vmem>>) target_semaphore(%run_scoped3A : memref<!tpu.dma_semaphore, #tpu.memory_space<semaphore_mem>>)
      %dma_wait3A_1731 = arith.constant 0 : i32
      %dma_wait3A_1732 = tpu.memref_slice %arg11[%dma_wait3A_1731] : memref<512xi32, #tpu.memory_space<vmem>> -> memref<128xi32, #tpu.memory_space<vmem>>
      %dma_wait3A_1733 = tpu.memref_slice %arg3[%add3A_4] : memref<16384xi32, #tpu.memory_space<hbm>> -> memref<128xi32, #tpu.memory_space<hbm>>
      %dma_wait3A_1734 = arith.constant 0 : i32
      %dma_wait3A_1735 = tpu.memref_slice %arg11[%dma_wait3A_1734] : memref<512xi32, #tpu.memory_space<vmem>> -> memref<128xi32, #tpu.memory_space<vmem>>
      %dma_wait3A_1736 = tpu.memref_slice %arg3[%add3A_4] : memref<16384xi32, #tpu.memory_space<hbm>> -> memref<128xi32, #tpu.memory_space<hbm>>
      tpu.wait_dma2 semaphore(%run_scoped3A : memref<!tpu.dma_semaphore, #tpu.memory_space<semaphore_mem>>) src(%dma_wait3A_1736 : memref<128xi32, #tpu.memory_space<hbm>>) dst(%dma_wait3A_1735 : memref<128xi32, #tpu.memory_space<vmem>>)
      tpu.yield
    }) : () -> ()
    %add3A_5 = arith.constant 128 : i32
    %add3A_6 = arith.addi %mul3A_2, %add3A_5 : i32
    "tpu.region"() ({
      %run_scoped3A = tpu.sem_alloc : memref<!tpu.dma_semaphore, #tpu.memory_space<semaphore_mem>>
      %dma_start3A_1725 = arith.constant 128 : i32
      %dma_start3A_1726 = tpu.memref_slice %arg10[%dma_start3A_1725] : memref<512xi32, #tpu.memory_space<vmem>> -> memref<128xi32, #tpu.memory_space<vmem>>
      %dma_start3A_1727 = tpu.memref_slice %arg2[%add3A_6] : memref<16384xi32, #tpu.memory_space<hbm>> -> memref<128xi32, #tpu.memory_space<hbm>>
      %dma_start3A_1728 = arith.constant 128 : i32
      %dma_start3A_1729 = tpu.memref_slice %arg10[%dma_start3A_1728] : memref<512xi32, #tpu.memory_space<vmem>> -> memref<128xi32, #tpu.memory_space<vmem>>
      %dma_start3A_1730 = tpu.memref_slice %arg2[%add3A_6] : memref<16384xi32, #tpu.memory_space<hbm>> -> memref<128xi32, #tpu.memory_space<hbm>>
      tpu.enqueue_dma source(%dma_start3A_1730 : memref<128xi32, #tpu.memory_space<hbm>>) target(%dma_start3A_1729 : memref<128xi32, #tpu.memory_space<vmem>>) target_semaphore(%run_scoped3A : memref<!tpu.dma_semaphore, #tpu.memory_space<semaphore_mem>>)
      %dma_wait3A_1731 = arith.constant 128 : i32
      %dma_wait3A_1732 = tpu.memref_slice %arg10[%dma_wait3A_1731] : memref<512xi32, #tpu.memory_space<vmem>> -> memref<128xi32, #tpu.memory_space<vmem>>
      %dma_wait3A_1733 = tpu.memref_slice %arg2[%add3A_6] : memref<16384xi32, #tpu.memory_space<hbm>> -> memref<128xi32, #tpu.memory_space<hbm>>
      %dma_wait3A_1734 = arith.constant 128 : i32
      %dma_wait3A_1735 = tpu.memref_slice %arg10[%dma_wait3A_1734] : memref<512xi32, #tpu.memory_space<vmem>> -> memref<128xi32, #tpu.memory_space<vmem>>
      %dma_wait3A_1736 = tpu.memref_slice %arg2[%add3A_6] : memref<16384xi32, #tpu.memory_space<hbm>> -> memref<128xi32, #tpu.memory_space<hbm>>
      tpu.wait_dma2 semaphore(%run_scoped3A : memref<!tpu.dma_semaphore, #tpu.memory_space<semaphore_mem>>) src(%dma_wait3A_1736 : memref<128xi32, #tpu.memory_space<hbm>>) dst(%dma_wait3A_1735 : memref<128xi32, #tpu.memory_space<vmem>>)
      tpu.yield
    }) : () -> ()
    "tpu.region"() ({
      %run_scoped3A = tpu.sem_alloc : memref<!tpu.dma_semaphore, #tpu.memory_space<semaphore_mem>>
      %dma_start3A_1725 = arith.constant 128 : i32
      %dma_start3A_1726 = tpu.memref_slice %arg11[%dma_start3A_1725] : memref<512xi32, #tpu.memory_space<vmem>> -> memref<128xi32, #tpu.memory_space<vmem>>
      %dma_start3A_1727 = tpu.memref_slice %arg3[%add3A_6] : memref<16384xi32, #tpu.memory_space<hbm>> -> memref<128xi32, #tpu.memory_space<hbm>>
      %dma_start3A_1728 = arith.constant 128 : i32
      %dma_start3A_1729 = tpu.memref_slice %arg11[%dma_start3A_1728] : memref<512xi32, #tpu.memory_space<vmem>> -> memref<128xi32, #tpu.memory_space<vmem>>
      %dma_start3A_1730 = tpu.memref_slice %arg3[%add3A_6] : memref<16384xi32, #tpu.memory_space<hbm>> -> memref<128xi32, #tpu.memory_space<hbm>>
      tpu.enqueue_dma source(%dma_start3A_1730 : memref<128xi32, #tpu.memory_space<hbm>>) target(%dma_start3A_1729 : memref<128xi32, #tpu.memory_space<vmem>>) target_semaphore(%run_scoped3A : memref<!tpu.dma_semaphore, #tpu.memory_space<semaphore_mem>>)
      %dma_wait3A_1731 = arith.constant 128 : i32
      %dma_wait3A_1732 = tpu.memref_slice %arg11[%dma_wait3A_1731] : memref<512xi32, #tpu.memory_space<vmem>> -> memref<128xi32, #tpu.memory_space<vmem>>
      %dma_wait3A_1733 = tpu.memref_slice %arg3[%add3A_6] : memref<16384xi32, #tpu.memory_space<hbm>> -> memref<128xi32, #tpu.memory_space<hbm>>
      %dma_wait3A_1734 = arith.constant 128 : i32
      %dma_wait3A_1735 = tpu.memref_slice %arg11[%dma_wait3A_1734] : memref<512xi32, #tpu.memory_space<vmem>> -> memref<128xi32, #tpu.memory_space<vmem>>
      %dma_wait3A_1736 = tpu.memref_slice %arg3[%add3A_6] : memref<16384xi32, #tpu.memory_space<hbm>> -> memref<128xi32, #tpu.memory_space<hbm>>
      tpu.wait_dma2 semaphore(%run_scoped3A : memref<!tpu.dma_semaphore, #tpu.memory_space<semaphore_mem>>) src(%dma_wait3A_1736 : memref<128xi32, #tpu.memory_space<hbm>>) dst(%dma_wait3A_1735 : memref<128xi32, #tpu.memory_space<vmem>>)
      tpu.yield
    }) : () -> ()
    %add3A_7 = arith.constant 256 : i32
    %add3A_8 = arith.addi %mul3A_2, %add3A_7 : i32
    "tpu.region"() ({
      %run_scoped3A = tpu.sem_alloc : memref<!tpu.dma_semaphore, #tpu.memory_space<semaphore_mem>>
      %dma_start3A_1725 = arith.constant 256 : i32
      %dma_start3A_1726 = tpu.memref_slice %arg10[%dma_start3A_1725] : memref<512xi32, #tpu.memory_space<vmem>> -> memref<128xi32, #tpu.memory_space<vmem>>
      %dma_start3A_1727 = tpu.memref_slice %arg2[%add3A_8] : memref<16384xi32, #tpu.memory_space<hbm>> -> memref<128xi32, #tpu.memory_space<hbm>>
      %dma_start3A_1728 = arith.constant 256 : i32
      %dma_start3A_1729 = tpu.memref_slice %arg10[%dma_start3A_1728] : memref<512xi32, #tpu.memory_space<vmem>> -> memref<128xi32, #tpu.memory_space<vmem>>
      %dma_start3A_1730 = tpu.memref_slice %arg2[%add3A_8] : memref<16384xi32, #tpu.memory_space<hbm>> -> memref<128xi32, #tpu.memory_space<hbm>>
      tpu.enqueue_dma source(%dma_start3A_1730 : memref<128xi32, #tpu.memory_space<hbm>>) target(%dma_start3A_1729 : memref<128xi32, #tpu.memory_space<vmem>>) target_semaphore(%run_scoped3A : memref<!tpu.dma_semaphore, #tpu.memory_space<semaphore_mem>>)
      %dma_wait3A_1731 = arith.constant 256 : i32
      %dma_wait3A_1732 = tpu.memref_slice %arg10[%dma_wait3A_1731] : memref<512xi32, #tpu.memory_space<vmem>> -> memref<128xi32, #tpu.memory_space<vmem>>
      %dma_wait3A_1733 = tpu.memref_slice %arg2[%add3A_8] : memref<16384xi32, #tpu.memory_space<hbm>> -> memref<128xi32, #tpu.memory_space<hbm>>
      %dma_wait3A_1734 = arith.constant 256 : i32
      %dma_wait3A_1735 = tpu.memref_slice %arg10[%dma_wait3A_1734] : memref<512xi32, #tpu.memory_space<vmem>> -> memref<128xi32, #tpu.memory_space<vmem>>
      %dma_wait3A_1736 = tpu.memref_slice %arg2[%add3A_8] : memref<16384xi32, #tpu.memory_space<hbm>> -> memref<128xi32, #tpu.memory_space<hbm>>
      tpu.wait_dma2 semaphore(%run_scoped3A : memref<!tpu.dma_semaphore, #tpu.memory_space<semaphore_mem>>) src(%dma_wait3A_1736 : memref<128xi32, #tpu.memory_space<hbm>>) dst(%dma_wait3A_1735 : memref<128xi32, #tpu.memory_space<vmem>>)
      tpu.yield
    }) : () -> ()
    "tpu.region"() ({
      %run_scoped3A = tpu.sem_alloc : memref<!tpu.dma_semaphore, #tpu.memory_space<semaphore_mem>>
      %dma_start3A_1725 = arith.constant 256 : i32
      %dma_start3A_1726 = tpu.memref_slice %arg11[%dma_start3A_1725] : memref<512xi32, #tpu.memory_space<vmem>> -> memref<128xi32, #tpu.memory_space<vmem>>
      %dma_start3A_1727 = tpu.memref_slice %arg3[%add3A_8] : memref<16384xi32, #tpu.memory_space<hbm>> -> memref<128xi32, #tpu.memory_space<hbm>>
      %dma_start3A_1728 = arith.constant 256 : i32
      %dma_start3A_1729 = tpu.memref_slice %arg11[%dma_start3A_1728] : memref<512xi32, #tpu.memory_space<vmem>> -> memref<128xi32, #tpu.memory_space<vmem>>
      %dma_start3A_1730 = tpu.memref_slice %arg3[%add3A_8] : memref<16384xi32, #tpu.memory_space<hbm>> -> memref<128xi32, #tpu.memory_space<hbm>>
      tpu.enqueue_dma source(%dma_start3A_1730 : memref<128xi32, #tpu.memory_space<hbm>>) target(%dma_start3A_1729 : memref<128xi32, #tpu.memory_space<vmem>>) target_semaphore(%run_scoped3A : memref<!tpu.dma_semaphore, #tpu.memory_space<semaphore_mem>>)
      %dma_wait3A_1731 = arith.constant 256 : i32
      %dma_wait3A_1732 = tpu.memref_slice %arg11[%dma_wait3A_1731] : memref<512xi32, #tpu.memory_space<vmem>> -> memref<128xi32, #tpu.memory_space<vmem>>
      %dma_wait3A_1733 = tpu.memref_slice %arg3[%add3A_8] : memref<16384xi32, #tpu.memory_space<hbm>> -> memref<128xi32, #tpu.memory_space<hbm>>
      %dma_wait3A_1734 = arith.constant 256 : i32
      %dma_wait3A_1735 = tpu.memref_slice %arg11[%dma_wait3A_1734] : memref<512xi32, #tpu.memory_space<vmem>> -> memref<128xi32, #tpu.memory_space<vmem>>
      %dma_wait3A_1736 = tpu.memref_slice %arg3[%add3A_8] : memref<16384xi32, #tpu.memory_space<hbm>> -> memref<128xi32, #tpu.memory_space<hbm>>
      tpu.wait_dma2 semaphore(%run_scoped3A : memref<!tpu.dma_semaphore, #tpu.memory_space<semaphore_mem>>) src(%dma_wait3A_1736 : memref<128xi32, #tpu.memory_space<hbm>>) dst(%dma_wait3A_1735 : memref<128xi32, #tpu.memory_space<vmem>>)
      tpu.yield
    }) : () -> ()
    %add3A_9 = arith.constant 384 : i32
    %add3A_10 = arith.addi %mul3A_2, %add3A_9 : i32
    "tpu.region"() ({
      %run_scoped3A = tpu.sem_alloc : memref<!tpu.dma_semaphore, #tpu.memory_space<semaphore_mem>>
      %dma_start3A_1725 = arith.constant 384 : i32
      %dma_start3A_1726 = tpu.memref_slice %arg10[%dma_start3A_1725] : memref<512xi32, #tpu.memory_space<vmem>> -> memref<128xi32, #tpu.memory_space<vmem>>
      %dma_start3A_1727 = tpu.memref_slice %arg2[%add3A_10] : memref<16384xi32, #tpu.memory_space<hbm>> -> memref<128xi32, #tpu.memory_space<hbm>>
      %dma_start3A_1728 = arith.constant 384 : i32
      %dma_start3A_1729 = tpu.memref_slice %arg10[%dma_start3A_1728] : memref<512xi32, #tpu.memory_space<vmem>> -> memref<128xi32, #tpu.memory_space<vmem>>
      %dma_start3A_1730 = tpu.memref_slice %arg2[%add3A_10] : memref<16384xi32, #tpu.memory_space<hbm>> -> memref<128xi32, #tpu.memory_space<hbm>>
      tpu.enqueue_dma source(%dma_start3A_1730 : memref<128xi32, #tpu.memory_space<hbm>>) target(%dma_start3A_1729 : memref<128xi32, #tpu.memory_space<vmem>>) target_semaphore(%run_scoped3A : memref<!tpu.dma_semaphore, #tpu.memory_space<semaphore_mem>>)
      %dma_wait3A_1731 = arith.constant 384 : i32
      %dma_wait3A_1732 = tpu.memref_slice %arg10[%dma_wait3A_1731] : memref<512xi32, #tpu.memory_space<vmem>> -> memref<128xi32, #tpu.memory_space<vmem>>
      %dma_wait3A_1733 = tpu.memref_slice %arg2[%add3A_10] : memref<16384xi32, #tpu.memory_space<hbm>> -> memref<128xi32, #tpu.memory_space<hbm>>
      %dma_wait3A_1734 = arith.constant 384 : i32
      %dma_wait3A_1735 = tpu.memref_slice %arg10[%dma_wait3A_1734] : memref<512xi32, #tpu.memory_space<vmem>> -> memref<128xi32, #tpu.memory_space<vmem>>
      %dma_wait3A_1736 = tpu.memref_slice %arg2[%add3A_10] : memref<16384xi32, #tpu.memory_space<hbm>> -> memref<128xi32, #tpu.memory_space<hbm>>
      tpu.wait_dma2 semaphore(%run_scoped3A : memref<!tpu.dma_semaphore, #tpu.memory_space<semaphore_mem>>) src(%dma_wait3A_1736 : memref<128xi32, #tpu.memory_space<hbm>>) dst(%dma_wait3A_1735 : memref<128xi32, #tpu.memory_space<vmem>>)
      tpu.yield
    }) : () -> ()
    "tpu.region"() ({
      %run_scoped3A = tpu.sem_alloc : memref<!tpu.dma_semaphore, #tpu.memory_space<semaphore_mem>>
      %dma_start3A_1725 = arith.constant 384 : i32
      %dma_start3A_1726 = tpu.memref_slice %arg11[%dma_start3A_1725] : memref<512xi32, #tpu.memory_space<vmem>> -> memref<128xi32, #tpu.memory_space<vmem>>
      %dma_start3A_1727 = tpu.memref_slice %arg3[%add3A_10] : memref<16384xi32, #tpu.memory_space<hbm>> -> memref<128xi32, #tpu.memory_space<hbm>>
      %dma_start3A_1728 = arith.constant 384 : i32
      %dma_start3A_1729 = tpu.memref_slice %arg11[%dma_start3A_1728] : memref<512xi32, #tpu.memory_space<vmem>> -> memref<128xi32, #tpu.memory_space<vmem>>
      %dma_start3A_1730 = tpu.memref_slice %arg3[%add3A_10] : memref<16384xi32, #tpu.memory_space<hbm>> -> memref<128xi32, #tpu.memory_space<hbm>>
      tpu.enqueue_dma source(%dma_start3A_1730 : memref<128xi32, #tpu.memory_space<hbm>>) target(%dma_start3A_1729 : memref<128xi32, #tpu.memory_space<vmem>>) target_semaphore(%run_scoped3A : memref<!tpu.dma_semaphore, #tpu.memory_space<semaphore_mem>>)
      %dma_wait3A_1731 = arith.constant 384 : i32
      %dma_wait3A_1732 = tpu.memref_slice %arg11[%dma_wait3A_1731] : memref<512xi32, #tpu.memory_space<vmem>> -> memref<128xi32, #tpu.memory_space<vmem>>
      %dma_wait3A_1733 = tpu.memref_slice %arg3[%add3A_10] : memref<16384xi32, #tpu.memory_space<hbm>> -> memref<128xi32, #tpu.memory_space<hbm>>
      %dma_wait3A_1734 = arith.constant 384 : i32
      %dma_wait3A_1735 = tpu.memref_slice %arg11[%dma_wait3A_1734] : memref<512xi32, #tpu.memory_space<vmem>> -> memref<128xi32, #tpu.memory_space<vmem>>
      %dma_wait3A_1736 = tpu.memref_slice %arg3[%add3A_10] : memref<16384xi32, #tpu.memory_space<hbm>> -> memref<128xi32, #tpu.memory_space<hbm>>
      tpu.wait_dma2 semaphore(%run_scoped3A : memref<!tpu.dma_semaphore, #tpu.memory_space<semaphore_mem>>) src(%dma_wait3A_1736 : memref<128xi32, #tpu.memory_space<hbm>>) dst(%dma_wait3A_1735 : memref<128xi32, #tpu.memory_space<vmem>>)
      tpu.yield
    }) : () -> ()
    %iota3A = tpu.iota {dimensions = array<i32: 0>} : vector<16xi32>
    %scan3A = arith.constant 0 : i32
    %scan3A_11 = arith.constant 0 : i32
    %scan3A_12 = arith.constant 32 : i32
    %scan3A_13 = arith.addi %scan3A_11, %scan3A_12 : i32
    %scan3A_14 = arith.constant 1 : i32
    scf.for %scan3A_1725 = %scan3A_11 to %scan3A_13 step %scan3A_14  : i32 {
      %jit3A = arith.constant 2 : i32
      %eq3A = arith.constant 0 : i32
      %eq3A_1726 = arith.cmpi eq, %jit3A, %eq3A : i32
      %jit3A_1727 = arith.constant 1 : i32
      %select_n3A = arith.select %eq3A_1726, %jit3A_1727, %jit3A : i32
      %rem3A = arith.remsi %scan3A_1725, %select_n3A : i32
      %ne3A = arith.constant 0 : i32
      %ne3A_1728 = arith.cmpi ne, %rem3A, %ne3A : i32
      %lt3A = arith.constant 0 : i32
      %lt3A_1729 = arith.cmpi slt, %rem3A, %lt3A : i32
      %lt3A_1730 = arith.constant 0 : i32
      %lt3A_1731 = arith.cmpi slt, %select_n3A, %lt3A_1730 : i32
      %ne3A_1732 = arith.xori %lt3A_1729, %lt3A_1731 : i1
      %and3A_1733 = arith.andi %ne3A_1732, %ne3A_1728 : i1
      %add3A_1734 = arith.addi %rem3A, %select_n3A : i32
      %select_n3A_1735 = arith.select %and3A_1733, %add3A_1734, %rem3A : i32
      %mul3A_1736 = arith.constant 256 : i32
      %mul3A_1737 = arith.muli %select_n3A_1735, %mul3A_1736 : i32
      %mul3A_1738 = arith.constant 16 : i32
      %mul3A_1739 = arith.muli %scan3A_1725, %mul3A_1738 : i32
      %get3A_1740 = arith.index_cast %mul3A_1739 : i32 to index
      %get3A_1741 = tpu.vector_load %arg10[%get3A_1740] {strides = array<i32>} : memref<512xi32, #tpu.memory_space<vmem>>, vector<16xi32>,
      %mul3A_1742 = arith.constant 16 : i32
      %mul3A_1743 = arith.muli %scan3A_1725, %mul3A_1742 : i32
      %get3A_1744 = arith.index_cast %mul3A_1743 : i32 to index
      %get3A_1745 = tpu.vector_load %arg11[%get3A_1744] {strides = array<i32>} : memref<512xi32, #tpu.memory_space<vmem>>, vector<16xi32>,
      %scan3A_1746 = arith.constant 0 : i32
      %scan3A_1747 = arith.constant 0 : i32
      %scan3A_1748 = arith.constant 16 : i32
      %scan3A_1749 = arith.addi %scan3A_1747, %scan3A_1748 : i32
      %scan3A_1750 = arith.constant 1 : i32
      scf.for %scan3A_1754 = %scan3A_1747 to %scan3A_1749 step %scan3A_1750  : i32 {
        %eq3A_1755 = vector.broadcast %scan3A_1754 : i32 to vector<16xi32>
        %eq3A_1756 = arith.cmpi eq, %iota3A, %eq3A_1755 : vector<16xi32>
        %jit3A_1757 = arith.constant 0 : i32
        %broadcast_in_dim3A_1758 = vector.broadcast %jit3A_1757 : i32 to vector<16xi32>
        %select_n3A_1759 = arith.select %eq3A_1756, %get3A_1741, %broadcast_in_dim3A_1758 : vector<16xi1>, vector<16xi32>
        %reduce_sum3A = arith.constant true
        %reduce_sum3A_1760 = vector.broadcast %reduce_sum3A : i1 to vector<16xi1>
        %reduce_sum3A_1761 = tpu.scan <sum>, %select_n3A_1759 masked %reduce_sum3A_1760 : vector<16xi32>, vector<16xi1> -> vector<16xi32>
        %reduce_sum3A_1762 = vector.extract %reduce_sum3A_1761[15] : i32 from vector<16xi32>
        %eq3A_1763 = vector.broadcast %scan3A_1754 : i32 to vector<16xi32>
        %eq3A_1764 = arith.cmpi eq, %iota3A, %eq3A_1763 : vector<16xi32>
        %jit3A_1765 = arith.constant 0 : i32
        %broadcast_in_dim3A_1766 = vector.broadcast %jit3A_1765 : i32 to vector<16xi32>
        %select_n3A_1767 = arith.select %eq3A_1764, %get3A_1745, %broadcast_in_dim3A_1766 : vector<16xi1>, vector<16xi32>
        %reduce_sum3A_1768 = arith.constant true
        %reduce_sum3A_1769 = vector.broadcast %reduce_sum3A_1768 : i1 to vector<16xi1>
        %reduce_sum3A_1770 = tpu.scan <sum>, %select_n3A_1767 masked %reduce_sum3A_1769 : vector<16xi32>, vector<16xi1> -> vector<16xi32>
        %reduce_sum3A_1771 = vector.extract %reduce_sum3A_1770[15] : i32 from vector<16xi32>
        %shift_right_arithmetic3A_1772 = arith.constant 4 : i32
        %shift_right_arithmetic3A_1773 = arith.shrsi %reduce_sum3A_1762, %shift_right_arithmetic3A_1772 : i32
        %shift_left3A = arith.constant 4 : i32
        %shift_left3A_1774 = arith.shli %shift_right_arithmetic3A_1773, %shift_left3A : i32
        %multiple_of3A = tpu.assume_multiple %shift_left3A_1774, 16 : i32
        %shift_right_arithmetic3A_1775 = arith.constant 4 : i32
        %shift_right_arithmetic3A_1776 = arith.shrsi %reduce_sum3A_1771, %shift_right_arithmetic3A_1775 : i32
        %shift_left3A_1777 = arith.constant 4 : i32
        %shift_left3A_1778 = arith.shli %shift_right_arithmetic3A_1776, %shift_left3A_1777 : i32
        %multiple_of3A_1779 = tpu.assume_multiple %shift_left3A_1778, 16 : i32
        %mul3A_1780 = arith.constant 16 : i32
        %mul3A_1781 = arith.muli %scan3A_1754, %mul3A_1780 : i32
        %add3A_1782 = arith.addi %mul3A_1737, %mul3A_1781 : i32
        %multiple_of3A_1783 = tpu.assume_multiple %add3A_1782, 16 : i32
        %dma_start3A_1784 = arith.constant 0 : i32
        %dma_start3A_1785 = arith.constant 0 : i32
        %dma_start3A_1786 = tpu.memref_slice %arg12[%dma_start3A_1784, %dma_start3A_1785, %multiple_of3A_1783] : memref<8x8x512xf32, #tpu.memory_space<vmem>> -> memref<8x8x16xf32, #tpu.memory_space<vmem>>
        %dma_start3A_1787 = arith.constant 0 : i32
        %dma_start3A_1788 = arith.constant 0 : i32
        %dma_start3A_1789 = tpu.memref_slice %arg4[%dma_start3A_1787, %dma_start3A_1788, %multiple_of3A] : memref<8x8x1000000xf32, #tpu.memory_space<hbm>> -> memref<8x8x16xf32, #tpu.memory_space<hbm>>
        %dma_start3A_1790 = arith.constant 0 : i32
        %dma_start3A_1791 = arith.constant 0 : i32
        %dma_start3A_1792 = tpu.memref_slice %arg12[%dma_start3A_1790, %dma_start3A_1791, %multiple_of3A_1783] : memref<8x8x512xf32, #tpu.memory_space<vmem>> -> memref<8x8x16xf32, #tpu.memory_space<vmem>>
        %dma_start3A_1793 = arith.constant 0 : i32
        %dma_start3A_1794 = arith.constant 0 : i32
        %dma_start3A_1795 = tpu.memref_slice %arg4[%dma_start3A_1793, %dma_start3A_1794, %multiple_of3A] : memref<8x8x1000000xf32, #tpu.memory_space<hbm>> -> memref<8x8x16xf32, #tpu.memory_space<hbm>>
        tpu.enqueue_dma source(%dma_start3A_1795 : memref<8x8x16xf32, #tpu.memory_space<hbm>>) target(%dma_start3A_1792 : memref<8x8x16xf32, #tpu.memory_space<vmem>>) target_semaphore(%arg18 : memref<!tpu.dma_semaphore, #tpu.memory_space<semaphore_mem>>)
        %dma_start3A_1796 = arith.constant 0 : i32
        %dma_start3A_1797 = arith.constant 0 : i32
        %dma_start3A_1798 = tpu.memref_slice %arg13[%dma_start3A_1796, %dma_start3A_1797, %multiple_of3A_1783] : memref<8x8x512xf32, #tpu.memory_space<vmem>> -> memref<8x8x16xf32, #tpu.memory_space<vmem>>
        %dma_start3A_1799 = arith.constant 0 : i32
        %dma_start3A_1800 = arith.constant 0 : i32
        %dma_start3A_1801 = tpu.memref_slice %arg5[%dma_start3A_1799, %dma_start3A_1800, %multiple_of3A_1779] : memref<8x8x1000000xf32, #tpu.memory_space<hbm>> -> memref<8x8x16xf32, #tpu.memory_space<hbm>>
        %dma_start3A_1802 = arith.constant 0 : i32
        %dma_start3A_1803 = arith.constant 0 : i32
        %dma_start3A_1804 = tpu.memref_slice %arg13[%dma_start3A_1802, %dma_start3A_1803, %multiple_of3A_1783] : memref<8x8x512xf32, #tpu.memory_space<vmem>> -> memref<8x8x16xf32, #tpu.memory_space<vmem>>
        %dma_start3A_1805 = arith.constant 0 : i32
        %dma_start3A_1806 = arith.constant 0 : i32
        %dma_start3A_1807 = tpu.memref_slice %arg5[%dma_start3A_1805, %dma_start3A_1806, %multiple_of3A_1779] : memref<8x8x1000000xf32, #tpu.memory_space<hbm>> -> memref<8x8x16xf32, #tpu.memory_space<hbm>>
        tpu.enqueue_dma source(%dma_start3A_1807 : memref<8x8x16xf32, #tpu.memory_space<hbm>>) target(%dma_start3A_1804 : memref<8x8x16xf32, #tpu.memory_space<vmem>>) target_semaphore(%arg19 : memref<!tpu.dma_semaphore, #tpu.memory_space<semaphore_mem>>)
        %dma_start3A_1808 = tpu.memref_slice %arg14[%multiple_of3A_1783] : memref<512xf32, #tpu.memory_space<vmem>> -> memref<16xf32, #tpu.memory_space<vmem>>
        %dma_start3A_1809 = tpu.memref_slice %arg6[%multiple_of3A] : memref<1000000xf32, #tpu.memory_space<hbm>> -> memref<16xf32, #tpu.memory_space<hbm>>
        %dma_start3A_1810 = tpu.memref_slice %arg14[%multiple_of3A_1783] : memref<512xf32, #tpu.memory_space<vmem>> -> memref<16xf32, #tpu.memory_space<vmem>>
        %dma_start3A_1811 = tpu.memref_slice %arg6[%multiple_of3A] : memref<1000000xf32, #tpu.memory_space<hbm>> -> memref<16xf32, #tpu.memory_space<hbm>>
        tpu.enqueue_dma source(%dma_start3A_1811 : memref<16xf32, #tpu.memory_space<hbm>>) target(%dma_start3A_1810 : memref<16xf32, #tpu.memory_space<vmem>>) target_semaphore(%arg20 : memref<!tpu.dma_semaphore, #tpu.memory_space<semaphore_mem>>)
        %dma_start3A_1812 = tpu.memref_slice %arg15[%multiple_of3A_1783] : memref<512xf32, #tpu.memory_space<vmem>> -> memref<16xf32, #tpu.memory_space<vmem>>
        %dma_start3A_1813 = tpu.memref_slice %arg7[%multiple_of3A_1779] : memref<1000000xf32, #tpu.memory_space<hbm>> -> memref<16xf32, #tpu.memory_space<hbm>>
        %dma_start3A_1814 = tpu.memref_slice %arg15[%multiple_of3A_1783] : memref<512xf32, #tpu.memory_space<vmem>> -> memref<16xf32, #tpu.memory_space<vmem>>
        %dma_start3A_1815 = tpu.memref_slice %arg7[%multiple_of3A_1779] : memref<1000000xf32, #tpu.memory_space<hbm>> -> memref<16xf32, #tpu.memory_space<hbm>>
        tpu.enqueue_dma source(%dma_start3A_1815 : memref<16xf32, #tpu.memory_space<hbm>>) target(%dma_start3A_1814 : memref<16xf32, #tpu.memory_space<vmem>>) target_semaphore(%arg21 : memref<!tpu.dma_semaphore, #tpu.memory_space<semaphore_mem>>)
      }
      %scan3A_1751 = arith.constant 16 : i32
      %ge3A = arith.constant 1 : i32
      %ge3A_1752 = arith.cmpi sge, %scan3A_1725, %ge3A : i32
      %convert_element_type3A = arith.extui %ge3A_1752 : i1 to i32
      %cond3A = arith.constant 0 : i32
      %cond3A_1753 = arith.cmpi ne, %convert_element_type3A, %cond3A : i32
      scf.if %cond3A_1753 {
        %ge3A_1754 = arith.constant 3 : i32
        %ge3A_1755 = arith.cmpi sge, %scan3A_1725, %ge3A_1754 : i32
        %convert_element_type3A_1756 = arith.extui %ge3A_1755 : i1 to i32
        %cond3A_1757 = arith.constant 0 : i32
        %cond3A_1758 = arith.cmpi ne, %convert_element_type3A_1756, %cond3A_1757 : i32
        scf.if %cond3A_1758 {
          %dma_wait3A_3362 = arith.constant 0 : i32
          %dma_wait3A_3363 = arith.constant 0 : i32
          %dma_wait3A_3364 = tpu.memref_slice %arg16[%dma_wait3A_3362, %dma_wait3A_3363] : memref<32x128xf32, #tpu.memory_space<vmem>> -> memref<16x128xf32, #tpu.memory_space<vmem>>
          %dma_wait3A_3365 = arith.constant 0 : i32
          %dma_wait3A_3366 = tpu.memref_slice %arg8[%mul3A_2, %dma_wait3A_3365] : memref<16384x128xf32, #tpu.memory_space<hbm>> -> memref<16x128xf32, #tpu.memory_space<hbm>>
          %dma_wait3A_3367 = arith.constant 0 : i32
          %dma_wait3A_3368 = tpu.memref_slice %arg8[%mul3A_2, %dma_wait3A_3367] : memref<16384x128xf32, #tpu.memory_space<hbm>> -> memref<16x128xf32, #tpu.memory_space<hbm>>
          %dma_wait3A_3369 = arith.constant 0 : i32
          %dma_wait3A_3370 = arith.constant 0 : i32
          %dma_wait3A_3371 = tpu.memref_slice %arg16[%dma_wait3A_3369, %dma_wait3A_3370] : memref<32x128xf32, #tpu.memory_space<vmem>> -> memref<16x128xf32, #tpu.memory_space<vmem>>
          tpu.wait_dma2 semaphore(%arg22 : memref<!tpu.dma_semaphore, #tpu.memory_space<semaphore_mem>>) src(%dma_wait3A_3371 : memref<16x128xf32, #tpu.memory_space<vmem>>) dst(%dma_wait3A_3368 : memref<16x128xf32, #tpu.memory_space<hbm>>)
          %dma_wait3A_3372 = arith.constant 0 : i32
          %dma_wait3A_3373 = tpu.memref_slice %arg17[%dma_wait3A_3372] : memref<32xf32, #tpu.memory_space<vmem>> -> memref<16xf32, #tpu.memory_space<vmem>>
          %dma_wait3A_3374 = tpu.memref_slice %arg9[%mul3A_2] : memref<16384xf32, #tpu.memory_space<hbm>> -> memref<16xf32, #tpu.memory_space<hbm>>
          %dma_wait3A_3375 = tpu.memref_slice %arg9[%mul3A_2] : memref<16384xf32, #tpu.memory_space<hbm>> -> memref<16xf32, #tpu.memory_space<hbm>>
          %dma_wait3A_3376 = arith.constant 0 : i32
          %dma_wait3A_3377 = tpu.memref_slice %arg17[%dma_wait3A_3376] : memref<32xf32, #tpu.memory_space<vmem>> -> memref<16xf32, #tpu.memory_space<vmem>>
          tpu.wait_dma2 semaphore(%arg23 : memref<!tpu.dma_semaphore, #tpu.memory_space<semaphore_mem>>) src(%dma_wait3A_3377 : memref<16xf32, #tpu.memory_space<vmem>>) dst(%dma_wait3A_3375 : memref<16xf32, #tpu.memory_space<hbm>>)
        } else {
        }
        %dma_wait3A_1759 = arith.constant 0 : i32
        %dma_wait3A_1760 = arith.constant 0 : i32
        %dma_wait3A_1761 = arith.constant 0 : i32
        %dma_wait3A_1762 = tpu.memref_slice %arg12[%dma_wait3A_1759, %dma_wait3A_1760, %dma_wait3A_1761] : memref<8x8x512xf32, #tpu.memory_space<vmem>> -> memref<8x8x256xf32, #tpu.memory_space<vmem>>
        %dma_wait3A_1763 = arith.constant 0 : i32
        %dma_wait3A_1764 = arith.constant 0 : i32
        %dma_wait3A_1765 = arith.constant 0 : i32
        %dma_wait3A_1766 = tpu.memref_slice %arg4[%dma_wait3A_1763, %dma_wait3A_1764, %dma_wait3A_1765] : memref<8x8x1000000xf32, #tpu.memory_space<hbm>> -> memref<8x8x256xf32, #tpu.memory_space<hbm>>
        %dma_wait3A_1767 = arith.constant 0 : i32
        %dma_wait3A_1768 = arith.constant 0 : i32
        %dma_wait3A_1769 = arith.constant 0 : i32
        %dma_wait3A_1770 = tpu.memref_slice %arg12[%dma_wait3A_1767, %dma_wait3A_1768, %dma_wait3A_1769] : memref<8x8x512xf32, #tpu.memory_space<vmem>> -> memref<8x8x256xf32, #tpu.memory_space<vmem>>
        %dma_wait3A_1771 = arith.constant 0 : i32
        %dma_wait3A_1772 = arith.constant 0 : i32
        %dma_wait3A_1773 = arith.constant 0 : i32
        %dma_wait3A_1774 = tpu.memref_slice %arg4[%dma_wait3A_1771, %dma_wait3A_1772, %dma_wait3A_1773] : memref<8x8x1000000xf32, #tpu.memory_space<hbm>> -> memref<8x8x256xf32, #tpu.memory_space<hbm>>
        tpu.wait_dma2 semaphore(%arg18 : memref<!tpu.dma_semaphore, #tpu.memory_space<semaphore_mem>>) src(%dma_wait3A_1774 : memref<8x8x256xf32, #tpu.memory_space<hbm>>) dst(%dma_wait3A_1770 : memref<8x8x256xf32, #tpu.memory_space<vmem>>)
        %dma_wait3A_1775 = arith.constant 0 : i32
        %dma_wait3A_1776 = arith.constant 0 : i32
        %dma_wait3A_1777 = arith.constant 0 : i32
        %dma_wait3A_1778 = tpu.memref_slice %arg13[%dma_wait3A_1775, %dma_wait3A_1776, %dma_wait3A_1777] : memref<8x8x512xf32, #tpu.memory_space<vmem>> -> memref<8x8x256xf32, #tpu.memory_space<vmem>>
        %dma_wait3A_1779 = arith.constant 0 : i32
        %dma_wait3A_1780 = arith.constant 0 : i32
        %dma_wait3A_1781 = arith.constant 0 : i32
        %dma_wait3A_1782 = tpu.memref_slice %arg5[%dma_wait3A_1779, %dma_wait3A_1780, %dma_wait3A_1781] : memref<8x8x1000000xf32, #tpu.memory_space<hbm>> -> memref<8x8x256xf32, #tpu.memory_space<hbm>>
        %dma_wait3A_1783 = arith.constant 0 : i32
        %dma_wait3A_1784 = arith.constant 0 : i32
        %dma_wait3A_1785 = arith.constant 0 : i32
        %dma_wait3A_1786 = tpu.memref_slice %arg13[%dma_wait3A_1783, %dma_wait3A_1784, %dma_wait3A_1785] : memref<8x8x512xf32, #tpu.memory_space<vmem>> -> memref<8x8x256xf32, #tpu.memory_space<vmem>>
        %dma_wait3A_1787 = arith.constant 0 : i32
        %dma_wait3A_1788 = arith.constant 0 : i32
        %dma_wait3A_1789 = arith.constant 0 : i32
        %dma_wait3A_1790 = tpu.memref_slice %arg5[%dma_wait3A_1787, %dma_wait3A_1788, %dma_wait3A_1789] : memref<8x8x1000000xf32, #tpu.memory_space<hbm>> -> memref<8x8x256xf32, #tpu.memory_space<hbm>>
        tpu.wait_dma2 semaphore(%arg19 : memref<!tpu.dma_semaphore, #tpu.memory_space<semaphore_mem>>) src(%dma_wait3A_1790 : memref<8x8x256xf32, #tpu.memory_space<hbm>>) dst(%dma_wait3A_1786 : memref<8x8x256xf32, #tpu.memory_space<vmem>>)
        %dma_wait3A_1791 = arith.constant 0 : i32
        %dma_wait3A_1792 = tpu.memref_slice %arg14[%dma_wait3A_1791] : memref<512xf32, #tpu.memory_space<vmem>> -> memref<256xf32, #tpu.memory_space<vmem>>
        %dma_wait3A_1793 = arith.constant 0 : i32
        %dma_wait3A_1794 = tpu.memref_slice %arg6[%dma_wait3A_1793] : memref<1000000xf32, #tpu.memory_space<hbm>> -> memref<256xf32, #tpu.memory_space<hbm>>
        %dma_wait3A_1795 = arith.constant 0 : i32
        %dma_wait3A_1796 = tpu.memref_slice %arg14[%dma_wait3A_1795] : memref<512xf32, #tpu.memory_space<vmem>> -> memref<256xf32, #tpu.memory_space<vmem>>
        %dma_wait3A_1797 = arith.constant 0 : i32
        %dma_wait3A_1798 = tpu.memref_slice %arg6[%dma_wait3A_1797] : memref<1000000xf32, #tpu.memory_space<hbm>> -> memref<256xf32, #tpu.memory_space<hbm>>
        tpu.wait_dma2 semaphore(%arg20 : memref<!tpu.dma_semaphore, #tpu.memory_space<semaphore_mem>>) src(%dma_wait3A_1798 : memref<256xf32, #tpu.memory_space<hbm>>) dst(%dma_wait3A_1796 : memref<256xf32, #tpu.memory_space<vmem>>)
        %dma_wait3A_1799 = arith.constant 0 : i32
        %dma_wait3A_1800 = tpu.memref_slice %arg15[%dma_wait3A_1799] : memref<512xf32, #tpu.memory_space<vmem>> -> memref<256xf32, #tpu.memory_space<vmem>>
        %dma_wait3A_1801 = arith.constant 0 : i32
        %dma_wait3A_1802 = tpu.memref_slice %arg7[%dma_wait3A_1801] : memref<1000000xf32, #tpu.memory_space<hbm>> -> memref<256xf32, #tpu.memory_space<hbm>>
        %dma_wait3A_1803 = arith.constant 0 : i32
        %dma_wait3A_1804 = tpu.memref_slice %arg15[%dma_wait3A_1803] : memref<512xf32, #tpu.memory_space<vmem>> -> memref<256xf32, #tpu.memory_space<vmem>>
        %dma_wait3A_1805 = arith.constant 0 : i32
        %dma_wait3A_1806 = tpu.memref_slice %arg7[%dma_wait3A_1805] : memref<1000000xf32, #tpu.memory_space<hbm>> -> memref<256xf32, #tpu.memory_space<hbm>>
        tpu.wait_dma2 semaphore(%arg21 : memref<!tpu.dma_semaphore, #tpu.memory_space<semaphore_mem>>) src(%dma_wait3A_1806 : memref<256xf32, #tpu.memory_space<hbm>>) dst(%dma_wait3A_1804 : memref<256xf32, #tpu.memory_space<vmem>>)
        %sub3A = arith.constant 1 : i32
        %sub3A_1807 = arith.subi %scan3A_1725, %sub3A : i32
        %jit3A_1808 = arith.constant 2 : i32
        %eq3A_1809 = arith.constant 0 : i32
        %eq3A_1810 = arith.cmpi eq, %jit3A_1808, %eq3A_1809 : i32
        %jit3A_1811 = arith.constant 1 : i32
        %select_n3A_1812 = arith.select %eq3A_1810, %jit3A_1811, %jit3A_1808 : i32
        %rem3A_1813 = arith.remsi %sub3A_1807, %select_n3A_1812 : i32
        %ne3A_1814 = arith.constant 0 : i32
        %ne3A_1815 = arith.cmpi ne, %rem3A_1813, %ne3A_1814 : i32
        %lt3A_1816 = arith.constant 0 : i32
        %lt3A_1817 = arith.cmpi slt, %rem3A_1813, %lt3A_1816 : i32
        %lt3A_1818 = arith.constant 0 : i32
        %lt3A_1819 = arith.cmpi slt, %select_n3A_1812, %lt3A_1818 : i32
        %ne3A_1820 = arith.xori %lt3A_1817, %lt3A_1819 : i1
        %and3A_1821 = arith.andi %ne3A_1820, %ne3A_1815 : i1
        %add3A_1822 = arith.addi %rem3A_1813, %select_n3A_1812 : i32
        %select_n3A_1823 = arith.select %and3A_1821, %add3A_1822, %rem3A_1813 : i32
        %mul3A_1824 = arith.constant 256 : i32
        %mul3A_1825 = arith.muli %select_n3A_1823, %mul3A_1824 : i32
        %jit3A_1826 = arith.constant 2 : i32
        %eq3A_1827 = arith.constant 0 : i32
        %eq3A_1828 = arith.cmpi eq, %jit3A_1826, %eq3A_1827 : i32
        %jit3A_1829 = arith.constant 1 : i32
        %select_n3A_1830 = arith.select %eq3A_1828, %jit3A_1829, %jit3A_1826 : i32
        %rem3A_1831 = arith.remsi %sub3A_1807, %select_n3A_1830 : i32
        %ne3A_1832 = arith.constant 0 : i32
        %ne3A_1833 = arith.cmpi ne, %rem3A_1831, %ne3A_1832 : i32
        %lt3A_1834 = arith.constant 0 : i32
        %lt3A_1835 = arith.cmpi slt, %rem3A_1831, %lt3A_1834 : i32
        %lt3A_1836 = arith.constant 0 : i32
        %lt3A_1837 = arith.cmpi slt, %select_n3A_1830, %lt3A_1836 : i32
        %ne3A_1838 = arith.xori %lt3A_1835, %lt3A_1837 : i1
        %and3A_1839 = arith.andi %ne3A_1838, %ne3A_1833 : i1
        %add3A_1840 = arith.addi %rem3A_1831, %select_n3A_1830 : i32
        %select_n3A_1841 = arith.select %and3A_1839, %add3A_1840, %rem3A_1831 : i32
        %mul3A_1842 = arith.constant 16 : i32
        %mul3A_1843 = arith.muli %select_n3A_1841, %mul3A_1842 : i32
        %mul3A_1844 = arith.constant 16 : i32
        %mul3A_1845 = arith.muli %sub3A_1807, %mul3A_1844 : i32
        %get3A_1846 = arith.index_cast %mul3A_1845 : i32 to index
        %get3A_1847 = tpu.vector_load %arg10[%get3A_1846] {strides = array<i32>} : memref<512xi32, #tpu.memory_space<vmem>>, vector<16xi32>,
        %mul3A_1848 = arith.constant 16 : i32
        %mul3A_1849 = arith.muli %sub3A_1807, %mul3A_1848 : i32
        %get3A_1850 = arith.index_cast %mul3A_1849 : i32 to index
        %get3A_1851 = tpu.vector_load %arg11[%get3A_1850] {strides = array<i32>} : memref<512xi32, #tpu.memory_space<vmem>>, vector<16xi32>,
        %mul3A_1852 = arith.constant 16 : i32
        %mul3A_1853 = vector.broadcast %mul3A_1852 : i32 to vector<16xi32>
        %mul3A_1854 = arith.muli %iota3A, %mul3A_1853 : vector<16xi32>
        %add3A_1855 = vector.broadcast %mul3A_1825 : i32 to vector<16xi32>
        %add3A_1856 = arith.addi %add3A_1855, %mul3A_1854 : vector<16xi32>
        %and3A_1857 = arith.constant 15 : i32
        %and3A_1858 = vector.broadcast %and3A_1857 : i32 to vector<16xi32>
        %and3A_1859 = arith.andi %get3A_1847, %and3A_1858 : vector<16xi32>
        %add3A_1860 = arith.addi %add3A_1856, %and3A_1859 : vector<16xi32>
        %mul3A_1861 = arith.constant 16 : i32
        %mul3A_1862 = vector.broadcast %mul3A_1861 : i32 to vector<16xi32>
        %mul3A_1863 = arith.muli %iota3A, %mul3A_1862 : vector<16xi32>
        %add3A_1864 = vector.broadcast %mul3A_1825 : i32 to vector<16xi32>
        %add3A_1865 = arith.addi %add3A_1864, %mul3A_1863 : vector<16xi32>
        %and3A_1866 = arith.constant 15 : i32
        %and3A_1867 = vector.broadcast %and3A_1866 : i32 to vector<16xi32>
        %and3A_1868 = arith.andi %get3A_1851, %and3A_1867 : vector<16xi32>
        %add3A_1869 = arith.addi %add3A_1865, %and3A_1868 : vector<16xi32>
        %broadcast_in_dim3A_1870 = arith.constant 0 : i32
        %broadcast_in_dim3A_1871 = vector.broadcast %broadcast_in_dim3A_1870 : i32 to vector<16xi32>
        %shift_right_arithmetic3A_1872 = arith.constant 3 : i32
        %shift_right_arithmetic3A_1873 = vector.broadcast %shift_right_arithmetic3A_1872 : i32 to vector<16xi32>
        %shift_right_arithmetic3A_1874 = arith.shrsi %broadcast_in_dim3A_1871, %shift_right_arithmetic3A_1873 : vector<16xi32>
        %and3A_1875 = arith.constant 7 : i32
        %and3A_1876 = vector.broadcast %and3A_1875 : i32 to vector<16xi32>
        %and3A_1877 = arith.andi %broadcast_in_dim3A_1871, %and3A_1876 : vector<16xi32>
        %gather3A_1878 = tpu.vector_load_idx %arg12[%shift_right_arithmetic3A_1874, %and3A_1877, %add3A_1860] : memref<8x8x512xf32, #tpu.memory_space<vmem>>[vector<16xi32>, vector<16xi32>, vector<16xi32>], vector<16xf32>,
        %add3A_1879 = vector.broadcast %mul3A_1843 : i32 to vector<16xi32>
        %add3A_1880 = arith.addi %iota3A, %add3A_1879 : vector<16xi32>
        tpu.vector_store_idx %arg16[%add3A_1880, %broadcast_in_dim3A_1871], %gather3A_1878 : memref<32x128xf32, #tpu.memory_space<vmem>>[vector<16xi32>, vector<16xi32>], vector<16xf32>,
        %shift_right_arithmetic3A_1881 = arith.constant 3 : i32
        %shift_right_arithmetic3A_1882 = vector.broadcast %shift_right_arithmetic3A_1881 : i32 to vector<16xi32>
        %shift_right_arithmetic3A_1883 = arith.shrsi %broadcast_in_dim3A_1871, %shift_right_arithmetic3A_1882 : vector<16xi32>
        %and3A_1884 = arith.constant 7 : i32
        %and3A_1885 = vector.broadcast %and3A_1884 : i32 to vector<16xi32>
        %and3A_1886 = arith.andi %broadcast_in_dim3A_1871, %and3A_1885 : vector<16xi32>
        %gather3A_1887 = tpu.vector_load_idx %arg13[%shift_right_arithmetic3A_1883, %and3A_1886, %add3A_1869] : memref<8x8x512xf32, #tpu.memory_space<vmem>>[vector<16xi32>, vector<16xi32>, vector<16xi32>], vector<16xf32>,
        %add3A_1888 = vector.broadcast %mul3A_1843 : i32 to vector<16xi32>
        %add3A_1889 = arith.addi %iota3A, %add3A_1888 : vector<16xi32>
        %add3A_1890 = arith.constant 64 : i32
        %add3A_1891 = vector.broadcast %add3A_1890 : i32 to vector<16xi32>
        %add3A_1892 = arith.addi %broadcast_in_dim3A_1871, %add3A_1891 : vector<16xi32>
        tpu.vector_store_idx %arg16[%add3A_1889, %add3A_1892], %gather3A_1887 : memref<32x128xf32, #tpu.memory_space<vmem>>[vector<16xi32>, vector<16xi32>], vector<16xf32>,
        %broadcast_in_dim3A_1893 = arith.constant 1 : i32
        %broadcast_in_dim3A_1894 = vector.broadcast %broadcast_in_dim3A_1893 : i32 to vector<16xi32>
        %shift_right_arithmetic3A_1895 = arith.constant 3 : i32
        %shift_right_arithmetic3A_1896 = vector.broadcast %shift_right_arithmetic3A_1895 : i32 to vector<16xi32>
        %shift_right_arithmetic3A_1897 = arith.shrsi %broadcast_in_dim3A_1894, %shift_right_arithmetic3A_1896 : vector<16xi32>
        %and3A_1898 = arith.constant 7 : i32
        %and3A_1899 = vector.broadcast %and3A_1898 : i32 to vector<16xi32>
        %and3A_1900 = arith.andi %broadcast_in_dim3A_1894, %and3A_1899 : vector<16xi32>
        %gather3A_1901 = tpu.vector_load_idx %arg12[%shift_right_arithmetic3A_1897, %and3A_1900, %add3A_1860] : memref<8x8x512xf32, #tpu.memory_space<vmem>>[vector<16xi32>, vector<16xi32>, vector<16xi32>], vector<16xf32>,
        %add3A_1902 = vector.broadcast %mul3A_1843 : i32 to vector<16xi32>
        %add3A_1903 = arith.addi %iota3A, %add3A_1902 : vector<16xi32>
        tpu.vector_store_idx %arg16[%add3A_1903, %broadcast_in_dim3A_1894], %gather3A_1901 : memref<32x128xf32, #tpu.memory_space<vmem>>[vector<16xi32>, vector<16xi32>], vector<16xf32>,
        %shift_right_arithmetic3A_1904 = arith.constant 3 : i32
        %shift_right_arithmetic3A_1905 = vector.broadcast %shift_right_arithmetic3A_1904 : i32 to vector<16xi32>
        %shift_right_arithmetic3A_1906 = arith.shrsi %broadcast_in_dim3A_1894, %shift_right_arithmetic3A_1905 : vector<16xi32>
        %and3A_1907 = arith.constant 7 : i32
        %and3A_1908 = vector.broadcast %and3A_1907 : i32 to vector<16xi32>
        %and3A_1909 = arith.andi %broadcast_in_dim3A_1894, %and3A_1908 : vector<16xi32>
        %gather3A_1910 = tpu.vector_load_idx %arg13[%shift_right_arithmetic3A_1906, %and3A_1909, %add3A_1869] : memref<8x8x512xf32, #tpu.memory_space<vmem>>[vector<16xi32>, vector<16xi32>, vector<16xi32>], vector<16xf32>,
        %add3A_1911 = vector.broadcast %mul3A_1843 : i32 to vector<16xi32>
        %add3A_1912 = arith.addi %iota3A, %add3A_1911 : vector<16xi32>
        %add3A_1913 = arith.constant 64 : i32
        %add3A_1914 = vector.broadcast %add3A_1913 : i32 to vector<16xi32>
        %add3A_1915 = arith.addi %broadcast_in_dim3A_1894, %add3A_1914 : vector<16xi32>
        tpu.vector_store_idx %arg16[%add3A_1912, %add3A_1915], %gather3A_1910 : memref<32x128xf32, #tpu.memory_space<vmem>>[vector<16xi32>, vector<16xi32>], vector<16xf32>,
        %broadcast_in_dim3A_1916 = arith.constant 2 : i32
        %broadcast_in_dim3A_1917 = vector.broadcast %broadcast_in_dim3A_1916 : i32 to vector<16xi32>
        %shift_right_arithmetic3A_1918 = arith.constant 3 : i32
        %shift_right_arithmetic3A_1919 = vector.broadcast %shift_right_arithmetic3A_1918 : i32 to vector<16xi32>
        %shift_right_arithmetic3A_1920 = arith.shrsi %broadcast_in_dim3A_1917, %shift_right_arithmetic3A_1919 : vector<16xi32>
        %and3A_1921 = arith.constant 7 : i32
        %and3A_1922 = vector.broadcast %and3A_1921 : i32 to vector<16xi32>
        %and3A_1923 = arith.andi %broadcast_in_dim3A_1917, %and3A_1922 : vector<16xi32>
        %gather3A_1924 = tpu.vector_load_idx %arg12[%shift_right_arithmetic3A_1920, %and3A_1923, %add3A_1860] : memref<8x8x512xf32, #tpu.memory_space<vmem>>[vector<16xi32>, vector<16xi32>, vector<16xi32>], vector<16xf32>,
        %add3A_1925 = vector.broadcast %mul3A_1843 : i32 to vector<16xi32>
        %add3A_1926 = arith.addi %iota3A, %add3A_1925 : vector<16xi32>
        tpu.vector_store_idx %arg16[%add3A_1926, %broadcast_in_dim3A_1917], %gather3A_1924 : memref<32x128xf32, #tpu.memory_space<vmem>>[vector<16xi32>, vector<16xi32>], vector<16xf32>,
        %shift_right_arithmetic3A_1927 = arith.constant 3 : i32
        %shift_right_arithmetic3A_1928 = vector.broadcast %shift_right_arithmetic3A_1927 : i32 to vector<16xi32>
        %shift_right_arithmetic3A_1929 = arith.shrsi %broadcast_in_dim3A_1917, %shift_right_arithmetic3A_1928 : vector<16xi32>
        %and3A_1930 = arith.constant 7 : i32
        %and3A_1931 = vector.broadcast %and3A_1930 : i32 to vector<16xi32>
        %and3A_1932 = arith.andi %broadcast_in_dim3A_1917, %and3A_1931 : vector<16xi32>
        %gather3A_1933 = tpu.vector_load_idx %arg13[%shift_right_arithmetic3A_1929, %and3A_1932, %add3A_1869] : memref<8x8x512xf32, #tpu.memory_space<vmem>>[vector<16xi32>, vector<16xi32>, vector<16xi32>], vector<16xf32>,
        %add3A_1934 = vector.broadcast %mul3A_1843 : i32 to vector<16xi32>
        %add3A_1935 = arith.addi %iota3A, %add3A_1934 : vector<16xi32>
        %add3A_1936 = arith.constant 64 : i32
        %add3A_1937 = vector.broadcast %add3A_1936 : i32 to vector<16xi32>
        %add3A_1938 = arith.addi %broadcast_in_dim3A_1917, %add3A_1937 : vector<16xi32>
        tpu.vector_store_idx %arg16[%add3A_1935, %add3A_1938], %gather3A_1933 : memref<32x128xf32, #tpu.memory_space<vmem>>[vector<16xi32>, vector<16xi32>], vector<16xf32>,
        %broadcast_in_dim3A_1939 = arith.constant 3 : i32
        %broadcast_in_dim3A_1940 = vector.broadcast %broadcast_in_dim3A_1939 : i32 to vector<16xi32>
        %shift_right_arithmetic3A_1941 = arith.constant 3 : i32
        %shift_right_arithmetic3A_1942 = vector.broadcast %shift_right_arithmetic3A_1941 : i32 to vector<16xi32>
        %shift_right_arithmetic3A_1943 = arith.shrsi %broadcast_in_dim3A_1940, %shift_right_arithmetic3A_1942 : vector<16xi32>
        %and3A_1944 = arith.constant 7 : i32
        %and3A_1945 = vector.broadcast %and3A_1944 : i32 to vector<16xi32>
        %and3A_1946 = arith.andi %broadcast_in_dim3A_1940, %and3A_1945 : vector<16xi32>
        %gather3A_1947 = tpu.vector_load_idx %arg12[%shift_right_arithmetic3A_1943, %and3A_1946, %add3A_1860] : memref<8x8x512xf32, #tpu.memory_space<vmem>>[vector<16xi32>, vector<16xi32>, vector<16xi32>], vector<16xf32>,
        %add3A_1948 = vector.broadcast %mul3A_1843 : i32 to vector<16xi32>
        %add3A_1949 = arith.addi %iota3A, %add3A_1948 : vector<16xi32>
        tpu.vector_store_idx %arg16[%add3A_1949, %broadcast_in_dim3A_1940], %gather3A_1947 : memref<32x128xf32, #tpu.memory_space<vmem>>[vector<16xi32>, vector<16xi32>], vector<16xf32>,
        %shift_right_arithmetic3A_1950 = arith.constant 3 : i32
        %shift_right_arithmetic3A_1951 = vector.broadcast %shift_right_arithmetic3A_1950 : i32 to vector<16xi32>
        %shift_right_arithmetic3A_1952 = arith.shrsi %broadcast_in_dim3A_1940, %shift_right_arithmetic3A_1951 : vector<16xi32>
        %and3A_1953 = arith.constant 7 : i32
        %and3A_1954 = vector.broadcast %and3A_1953 : i32 to vector<16xi32>
        %and3A_1955 = arith.andi %broadcast_in_dim3A_1940, %and3A_1954 : vector<16xi32>
        %gather3A_1956 = tpu.vector_load_idx %arg13[%shift_right_arithmetic3A_1952, %and3A_1955, %add3A_1869] : memref<8x8x512xf32, #tpu.memory_space<vmem>>[vector<16xi32>, vector<16xi32>, vector<16xi32>], vector<16xf32>,
        %add3A_1957 = vector.broadcast %mul3A_1843 : i32 to vector<16xi32>
        %add3A_1958 = arith.addi %iota3A, %add3A_1957 : vector<16xi32>
        %add3A_1959 = arith.constant 64 : i32
        %add3A_1960 = vector.broadcast %add3A_1959 : i32 to vector<16xi32>
        %add3A_1961 = arith.addi %broadcast_in_dim3A_1940, %add3A_1960 : vector<16xi32>
        tpu.vector_store_idx %arg16[%add3A_1958, %add3A_1961], %gather3A_1956 : memref<32x128xf32, #tpu.memory_space<vmem>>[vector<16xi32>, vector<16xi32>], vector<16xf32>,
        %broadcast_in_dim3A_1962 = arith.constant 4 : i32
        %broadcast_in_dim3A_1963 = vector.broadcast %broadcast_in_dim3A_1962 : i32 to vector<16xi32>
        %shift_right_arithmetic3A_1964 = arith.constant 3 : i32
        %shift_right_arithmetic3A_1965 = vector.broadcast %shift_right_arithmetic3A_1964 : i32 to vector<16xi32>
        %shift_right_arithmetic3A_1966 = arith.shrsi %broadcast_in_dim3A_1963, %shift_right_arithmetic3A_1965 : vector<16xi32>
        %and3A_1967 = arith.constant 7 : i32
        %and3A_1968 = vector.broadcast %and3A_1967 : i32 to vector<16xi32>
        %and3A_1969 = arith.andi %broadcast_in_dim3A_1963, %and3A_1968 : vector<16xi32>
        %gather3A_1970 = tpu.vector_load_idx %arg12[%shift_right_arithmetic3A_1966, %and3A_1969, %add3A_1860] : memref<8x8x512xf32, #tpu.memory_space<vmem>>[vector<16xi32>, vector<16xi32>, vector<16xi32>], vector<16xf32>,
        %add3A_1971 = vector.broadcast %mul3A_1843 : i32 to vector<16xi32>
        %add3A_1972 = arith.addi %iota3A, %add3A_1971 : vector<16xi32>
        tpu.vector_store_idx %arg16[%add3A_1972, %broadcast_in_dim3A_1963], %gather3A_1970 : memref<32x128xf32, #tpu.memory_space<vmem>>[vector<16xi32>, vector<16xi32>], vector<16xf32>,
        %shift_right_arithmetic3A_1973 = arith.constant 3 : i32
        %shift_right_arithmetic3A_1974 = vector.broadcast %shift_right_arithmetic3A_1973 : i32 to vector<16xi32>
        %shift_right_arithmetic3A_1975 = arith.shrsi %broadcast_in_dim3A_1963, %shift_right_arithmetic3A_1974 : vector<16xi32>
        %and3A_1976 = arith.constant 7 : i32
        %and3A_1977 = vector.broadcast %and3A_1976 : i32 to vector<16xi32>
        %and3A_1978 = arith.andi %broadcast_in_dim3A_1963, %and3A_1977 : vector<16xi32>
        %gather3A_1979 = tpu.vector_load_idx %arg13[%shift_right_arithmetic3A_1975, %and3A_1978, %add3A_1869] : memref<8x8x512xf32, #tpu.memory_space<vmem>>[vector<16xi32>, vector<16xi32>, vector<16xi32>], vector<16xf32>,
        %add3A_1980 = vector.broadcast %mul3A_1843 : i32 to vector<16xi32>
        %add3A_1981 = arith.addi %iota3A, %add3A_1980 : vector<16xi32>
        %add3A_1982 = arith.constant 64 : i32
        %add3A_1983 = vector.broadcast %add3A_1982 : i32 to vector<16xi32>
        %add3A_1984 = arith.addi %broadcast_in_dim3A_1963, %add3A_1983 : vector<16xi32>
        tpu.vector_store_idx %arg16[%add3A_1981, %add3A_1984], %gather3A_1979 : memref<32x128xf32, #tpu.memory_space<vmem>>[vector<16xi32>, vector<16xi32>], vector<16xf32>,
        %broadcast_in_dim3A_1985 = arith.constant 5 : i32
        %broadcast_in_dim3A_1986 = vector.broadcast %broadcast_in_dim3A_1985 : i32 to vector<16xi32>
        %shift_right_arithmetic3A_1987 = arith.constant 3 : i32
        %shift_right_arithmetic3A_1988 = vector.broadcast %shift_right_arithmetic3A_1987 : i32 to vector<16xi32>
        %shift_right_arithmetic3A_1989 = arith.shrsi %broadcast_in_dim3A_1986, %shift_right_arithmetic3A_1988 : vector<16xi32>
        %and3A_1990 = arith.constant 7 : i32
        %and3A_1991 = vector.broadcast %and3A_1990 : i32 to vector<16xi32>
        %and3A_1992 = arith.andi %broadcast_in_dim3A_1986, %and3A_1991 : vector<16xi32>
        %gather3A_1993 = tpu.vector_load_idx %arg12[%shift_right_arithmetic3A_1989, %and3A_1992, %add3A_1860] : memref<8x8x512xf32, #tpu.memory_space<vmem>>[vector<16xi32>, vector<16xi32>, vector<16xi32>], vector<16xf32>,
        %add3A_1994 = vector.broadcast %mul3A_1843 : i32 to vector<16xi32>
        %add3A_1995 = arith.addi %iota3A, %add3A_1994 : vector<16xi32>
        tpu.vector_store_idx %arg16[%add3A_1995, %broadcast_in_dim3A_1986], %gather3A_1993 : memref<32x128xf32, #tpu.memory_space<vmem>>[vector<16xi32>, vector<16xi32>], vector<16xf32>,
        %shift_right_arithmetic3A_1996 = arith.constant 3 : i32
        %shift_right_arithmetic3A_1997 = vector.broadcast %shift_right_arithmetic3A_1996 : i32 to vector<16xi32>
        %shift_right_arithmetic3A_1998 = arith.shrsi %broadcast_in_dim3A_1986, %shift_right_arithmetic3A_1997 : vector<16xi32>
        %and3A_1999 = arith.constant 7 : i32
        %and3A_2000 = vector.broadcast %and3A_1999 : i32 to vector<16xi32>
        %and3A_2001 = arith.andi %broadcast_in_dim3A_1986, %and3A_2000 : vector<16xi32>
        %gather3A_2002 = tpu.vector_load_idx %arg13[%shift_right_arithmetic3A_1998, %and3A_2001, %add3A_1869] : memref<8x8x512xf32, #tpu.memory_space<vmem>>[vector<16xi32>, vector<16xi32>, vector<16xi32>], vector<16xf32>,
        %add3A_2003 = vector.broadcast %mul3A_1843 : i32 to vector<16xi32>
        %add3A_2004 = arith.addi %iota3A, %add3A_2003 : vector<16xi32>
        %add3A_2005 = arith.constant 64 : i32
        %add3A_2006 = vector.broadcast %add3A_2005 : i32 to vector<16xi32>
        %add3A_2007 = arith.addi %broadcast_in_dim3A_1986, %add3A_2006 : vector<16xi32>
        tpu.vector_store_idx %arg16[%add3A_2004, %add3A_2007], %gather3A_2002 : memref<32x128xf32, #tpu.memory_space<vmem>>[vector<16xi32>, vector<16xi32>], vector<16xf32>,
        %broadcast_in_dim3A_2008 = arith.constant 6 : i32
        %broadcast_in_dim3A_2009 = vector.broadcast %broadcast_in_dim3A_2008 : i32 to vector<16xi32>
        %shift_right_arithmetic3A_2010 = arith.constant 3 : i32
        %shift_right_arithmetic3A_2011 = vector.broadcast %shift_right_arithmetic3A_2010 : i32 to vector<16xi32>
        %shift_right_arithmetic3A_2012 = arith.shrsi %broadcast_in_dim3A_2009, %shift_right_arithmetic3A_2011 : vector<16xi32>
        %and3A_2013 = arith.constant 7 : i32
        %and3A_2014 = vector.broadcast %and3A_2013 : i32 to vector<16xi32>
        %and3A_2015 = arith.andi %broadcast_in_dim3A_2009, %and3A_2014 : vector<16xi32>
        %gather3A_2016 = tpu.vector_load_idx %arg12[%shift_right_arithmetic3A_2012, %and3A_2015, %add3A_1860] : memref<8x8x512xf32, #tpu.memory_space<vmem>>[vector<16xi32>, vector<16xi32>, vector<16xi32>], vector<16xf32>,
        %add3A_2017 = vector.broadcast %mul3A_1843 : i32 to vector<16xi32>
        %add3A_2018 = arith.addi %iota3A, %add3A_2017 : vector<16xi32>
        tpu.vector_store_idx %arg16[%add3A_2018, %broadcast_in_dim3A_2009], %gather3A_2016 : memref<32x128xf32, #tpu.memory_space<vmem>>[vector<16xi32>, vector<16xi32>], vector<16xf32>,
        %shift_right_arithmetic3A_2019 = arith.constant 3 : i32
        %shift_right_arithmetic3A_2020 = vector.broadcast %shift_right_arithmetic3A_2019 : i32 to vector<16xi32>
        %shift_right_arithmetic3A_2021 = arith.shrsi %broadcast_in_dim3A_2009, %shift_right_arithmetic3A_2020 : vector<16xi32>
        %and3A_2022 = arith.constant 7 : i32
        %and3A_2023 = vector.broadcast %and3A_2022 : i32 to vector<16xi32>
        %and3A_2024 = arith.andi %broadcast_in_dim3A_2009, %and3A_2023 : vector<16xi32>
        %gather3A_2025 = tpu.vector_load_idx %arg13[%shift_right_arithmetic3A_2021, %and3A_2024, %add3A_1869] : memref<8x8x512xf32, #tpu.memory_space<vmem>>[vector<16xi32>, vector<16xi32>, vector<16xi32>], vector<16xf32>,
        %add3A_2026 = vector.broadcast %mul3A_1843 : i32 to vector<16xi32>
        %add3A_2027 = arith.addi %iota3A, %add3A_2026 : vector<16xi32>
        %add3A_2028 = arith.constant 64 : i32
        %add3A_2029 = vector.broadcast %add3A_2028 : i32 to vector<16xi32>
        %add3A_2030 = arith.addi %broadcast_in_dim3A_2009, %add3A_2029 : vector<16xi32>
        tpu.vector_store_idx %arg16[%add3A_2027, %add3A_2030], %gather3A_2025 : memref<32x128xf32, #tpu.memory_space<vmem>>[vector<16xi32>, vector<16xi32>], vector<16xf32>,
        %broadcast_in_dim3A_2031 = arith.constant 7 : i32
        %broadcast_in_dim3A_2032 = vector.broadcast %broadcast_in_dim3A_2031 : i32 to vector<16xi32>
        %shift_right_arithmetic3A_2033 = arith.constant 3 : i32
        %shift_right_arithmetic3A_2034 = vector.broadcast %shift_right_arithmetic3A_2033 : i32 to vector<16xi32>
        %shift_right_arithmetic3A_2035 = arith.shrsi %broadcast_in_dim3A_2032, %shift_right_arithmetic3A_2034 : vector<16xi32>
        %and3A_2036 = arith.constant 7 : i32
        %and3A_2037 = vector.broadcast %and3A_2036 : i32 to vector<16xi32>
        %and3A_2038 = arith.andi %broadcast_in_dim3A_2032, %and3A_2037 : vector<16xi32>
        %gather3A_2039 = tpu.vector_load_idx %arg12[%shift_right_arithmetic3A_2035, %and3A_2038, %add3A_1860] : memref<8x8x512xf32, #tpu.memory_space<vmem>>[vector<16xi32>, vector<16xi32>, vector<16xi32>], vector<16xf32>,
        %add3A_2040 = vector.broadcast %mul3A_1843 : i32 to vector<16xi32>
        %add3A_2041 = arith.addi %iota3A, %add3A_2040 : vector<16xi32>
        tpu.vector_store_idx %arg16[%add3A_2041, %broadcast_in_dim3A_2032], %gather3A_2039 : memref<32x128xf32, #tpu.memory_space<vmem>>[vector<16xi32>, vector<16xi32>], vector<16xf32>,
        %shift_right_arithmetic3A_2042 = arith.constant 3 : i32
        %shift_right_arithmetic3A_2043 = vector.broadcast %shift_right_arithmetic3A_2042 : i32 to vector<16xi32>
        %shift_right_arithmetic3A_2044 = arith.shrsi %broadcast_in_dim3A_2032, %shift_right_arithmetic3A_2043 : vector<16xi32>
        %and3A_2045 = arith.constant 7 : i32
        %and3A_2046 = vector.broadcast %and3A_2045 : i32 to vector<16xi32>
        %and3A_2047 = arith.andi %broadcast_in_dim3A_2032, %and3A_2046 : vector<16xi32>
        %gather3A_2048 = tpu.vector_load_idx %arg13[%shift_right_arithmetic3A_2044, %and3A_2047, %add3A_1869] : memref<8x8x512xf32, #tpu.memory_space<vmem>>[vector<16xi32>, vector<16xi32>, vector<16xi32>], vector<16xf32>,
        %add3A_2049 = vector.broadcast %mul3A_1843 : i32 to vector<16xi32>
        %add3A_2050 = arith.addi %iota3A, %add3A_2049 : vector<16xi32>
        %add3A_2051 = arith.constant 64 : i32
        %add3A_2052 = vector.broadcast %add3A_2051 : i32 to vector<16xi32>
        %add3A_2053 = arith.addi %broadcast_in_dim3A_2032, %add3A_2052 : vector<16xi32>
        tpu.vector_store_idx %arg16[%add3A_2050, %add3A_2053], %gather3A_2048 : memref<32x128xf32, #tpu.memory_space<vmem>>[vector<16xi32>, vector<16xi32>], vector<16xf32>,
        %broadcast_in_dim3A_2054 = arith.constant 8 : i32
        %broadcast_in_dim3A_2055 = vector.broadcast %broadcast_in_dim3A_2054 : i32 to vector<16xi32>
        %shift_right_arithmetic3A_2056 = arith.constant 3 : i32
        %shift_right_arithmetic3A_2057 = vector.broadcast %shift_right_arithmetic3A_2056 : i32 to vector<16xi32>
        %shift_right_arithmetic3A_2058 = arith.shrsi %broadcast_in_dim3A_2055, %shift_right_arithmetic3A_2057 : vector<16xi32>
        %and3A_2059 = arith.constant 7 : i32
        %and3A_2060 = vector.broadcast %and3A_2059 : i32 to vector<16xi32>
        %and3A_2061 = arith.andi %broadcast_in_dim3A_2055, %and3A_2060 : vector<16xi32>
        %gather3A_2062 = tpu.vector_load_idx %arg12[%shift_right_arithmetic3A_2058, %and3A_2061, %add3A_1860] : memref<8x8x512xf32, #tpu.memory_space<vmem>>[vector<16xi32>, vector<16xi32>, vector<16xi32>], vector<16xf32>,
        %add3A_2063 = vector.broadcast %mul3A_1843 : i32 to vector<16xi32>
        %add3A_2064 = arith.addi %iota3A, %add3A_2063 : vector<16xi32>
        tpu.vector_store_idx %arg16[%add3A_2064, %broadcast_in_dim3A_2055], %gather3A_2062 : memref<32x128xf32, #tpu.memory_space<vmem>>[vector<16xi32>, vector<16xi32>], vector<16xf32>,
        %shift_right_arithmetic3A_2065 = arith.constant 3 : i32
        %shift_right_arithmetic3A_2066 = vector.broadcast %shift_right_arithmetic3A_2065 : i32 to vector<16xi32>
        %shift_right_arithmetic3A_2067 = arith.shrsi %broadcast_in_dim3A_2055, %shift_right_arithmetic3A_2066 : vector<16xi32>
        %and3A_2068 = arith.constant 7 : i32
        %and3A_2069 = vector.broadcast %and3A_2068 : i32 to vector<16xi32>
        %and3A_2070 = arith.andi %broadcast_in_dim3A_2055, %and3A_2069 : vector<16xi32>
        %gather3A_2071 = tpu.vector_load_idx %arg13[%shift_right_arithmetic3A_2067, %and3A_2070, %add3A_1869] : memref<8x8x512xf32, #tpu.memory_space<vmem>>[vector<16xi32>, vector<16xi32>, vector<16xi32>], vector<16xf32>,
        %add3A_2072 = vector.broadcast %mul3A_1843 : i32 to vector<16xi32>
        %add3A_2073 = arith.addi %iota3A, %add3A_2072 : vector<16xi32>
        %add3A_2074 = arith.constant 64 : i32
        %add3A_2075 = vector.broadcast %add3A_2074 : i32 to vector<16xi32>
        %add3A_2076 = arith.addi %broadcast_in_dim3A_2055, %add3A_2075 : vector<16xi32>
        tpu.vector_store_idx %arg16[%add3A_2073, %add3A_2076], %gather3A_2071 : memref<32x128xf32, #tpu.memory_space<vmem>>[vector<16xi32>, vector<16xi32>], vector<16xf32>,
        %broadcast_in_dim3A_2077 = arith.constant 9 : i32
        %broadcast_in_dim3A_2078 = vector.broadcast %broadcast_in_dim3A_2077 : i32 to vector<16xi32>
        %shift_right_arithmetic3A_2079 = arith.constant 3 : i32
        %shift_right_arithmetic3A_2080 = vector.broadcast %shift_right_arithmetic3A_2079 : i32 to vector<16xi32>
        %shift_right_arithmetic3A_2081 = arith.shrsi %broadcast_in_dim3A_2078, %shift_right_arithmetic3A_2080 : vector<16xi32>
        %and3A_2082 = arith.constant 7 : i32
        %and3A_2083 = vector.broadcast %and3A_2082 : i32 to vector<16xi32>
        %and3A_2084 = arith.andi %broadcast_in_dim3A_2078, %and3A_2083 : vector<16xi32>
        %gather3A_2085 = tpu.vector_load_idx %arg12[%shift_right_arithmetic3A_2081, %and3A_2084, %add3A_1860] : memref<8x8x512xf32, #tpu.memory_space<vmem>>[vector<16xi32>, vector<16xi32>, vector<16xi32>], vector<16xf32>,
        %add3A_2086 = vector.broadcast %mul3A_1843 : i32 to vector<16xi32>
        %add3A_2087 = arith.addi %iota3A, %add3A_2086 : vector<16xi32>
        tpu.vector_store_idx %arg16[%add3A_2087, %broadcast_in_dim3A_2078], %gather3A_2085 : memref<32x128xf32, #tpu.memory_space<vmem>>[vector<16xi32>, vector<16xi32>], vector<16xf32>,
        %shift_right_arithmetic3A_2088 = arith.constant 3 : i32
        %shift_right_arithmetic3A_2089 = vector.broadcast %shift_right_arithmetic3A_2088 : i32 to vector<16xi32>
        %shift_right_arithmetic3A_2090 = arith.shrsi %broadcast_in_dim3A_2078, %shift_right_arithmetic3A_2089 : vector<16xi32>
        %and3A_2091 = arith.constant 7 : i32
        %and3A_2092 = vector.broadcast %and3A_2091 : i32 to vector<16xi32>
        %and3A_2093 = arith.andi %broadcast_in_dim3A_2078, %and3A_2092 : vector<16xi32>
        %gather3A_2094 = tpu.vector_load_idx %arg13[%shift_right_arithmetic3A_2090, %and3A_2093, %add3A_1869] : memref<8x8x512xf32, #tpu.memory_space<vmem>>[vector<16xi32>, vector<16xi32>, vector<16xi32>], vector<16xf32>,
        %add3A_2095 = vector.broadcast %mul3A_1843 : i32 to vector<16xi32>
        %add3A_2096 = arith.addi %iota3A, %add3A_2095 : vector<16xi32>
        %add3A_2097 = arith.constant 64 : i32
        %add3A_2098 = vector.broadcast %add3A_2097 : i32 to vector<16xi32>
        %add3A_2099 = arith.addi %broadcast_in_dim3A_2078, %add3A_2098 : vector<16xi32>
        tpu.vector_store_idx %arg16[%add3A_2096, %add3A_2099], %gather3A_2094 : memref<32x128xf32, #tpu.memory_space<vmem>>[vector<16xi32>, vector<16xi32>], vector<16xf32>,
        %broadcast_in_dim3A_2100 = arith.constant 10 : i32
        %broadcast_in_dim3A_2101 = vector.broadcast %broadcast_in_dim3A_2100 : i32 to vector<16xi32>
        %shift_right_arithmetic3A_2102 = arith.constant 3 : i32
        %shift_right_arithmetic3A_2103 = vector.broadcast %shift_right_arithmetic3A_2102 : i32 to vector<16xi32>
        %shift_right_arithmetic3A_2104 = arith.shrsi %broadcast_in_dim3A_2101, %shift_right_arithmetic3A_2103 : vector<16xi32>
        %and3A_2105 = arith.constant 7 : i32
        %and3A_2106 = vector.broadcast %and3A_2105 : i32 to vector<16xi32>
        %and3A_2107 = arith.andi %broadcast_in_dim3A_2101, %and3A_2106 : vector<16xi32>
        %gather3A_2108 = tpu.vector_load_idx %arg12[%shift_right_arithmetic3A_2104, %and3A_2107, %add3A_1860] : memref<8x8x512xf32, #tpu.memory_space<vmem>>[vector<16xi32>, vector<16xi32>, vector<16xi32>], vector<16xf32>,
        %add3A_2109 = vector.broadcast %mul3A_1843 : i32 to vector<16xi32>
        %add3A_2110 = arith.addi %iota3A, %add3A_2109 : vector<16xi32>
        tpu.vector_store_idx %arg16[%add3A_2110, %broadcast_in_dim3A_2101], %gather3A_2108 : memref<32x128xf32, #tpu.memory_space<vmem>>[vector<16xi32>, vector<16xi32>], vector<16xf32>,
        %shift_right_arithmetic3A_2111 = arith.constant 3 : i32
        %shift_right_arithmetic3A_2112 = vector.broadcast %shift_right_arithmetic3A_2111 : i32 to vector<16xi32>
        %shift_right_arithmetic3A_2113 = arith.shrsi %broadcast_in_dim3A_2101, %shift_right_arithmetic3A_2112 : vector<16xi32>
        %and3A_2114 = arith.constant 7 : i32
        %and3A_2115 = vector.broadcast %and3A_2114 : i32 to vector<16xi32>
        %and3A_2116 = arith.andi %broadcast_in_dim3A_2101, %and3A_2115 : vector<16xi32>
        %gather3A_2117 = tpu.vector_load_idx %arg13[%shift_right_arithmetic3A_2113, %and3A_2116, %add3A_1869] : memref<8x8x512xf32, #tpu.memory_space<vmem>>[vector<16xi32>, vector<16xi32>, vector<16xi32>], vector<16xf32>,
        %add3A_2118 = vector.broadcast %mul3A_1843 : i32 to vector<16xi32>
        %add3A_2119 = arith.addi %iota3A, %add3A_2118 : vector<16xi32>
        %add3A_2120 = arith.constant 64 : i32
        %add3A_2121 = vector.broadcast %add3A_2120 : i32 to vector<16xi32>
        %add3A_2122 = arith.addi %broadcast_in_dim3A_2101, %add3A_2121 : vector<16xi32>
        tpu.vector_store_idx %arg16[%add3A_2119, %add3A_2122], %gather3A_2117 : memref<32x128xf32, #tpu.memory_space<vmem>>[vector<16xi32>, vector<16xi32>], vector<16xf32>,
        %broadcast_in_dim3A_2123 = arith.constant 11 : i32
        %broadcast_in_dim3A_2124 = vector.broadcast %broadcast_in_dim3A_2123 : i32 to vector<16xi32>
        %shift_right_arithmetic3A_2125 = arith.constant 3 : i32
        %shift_right_arithmetic3A_2126 = vector.broadcast %shift_right_arithmetic3A_2125 : i32 to vector<16xi32>
        %shift_right_arithmetic3A_2127 = arith.shrsi %broadcast_in_dim3A_2124, %shift_right_arithmetic3A_2126 : vector<16xi32>
        %and3A_2128 = arith.constant 7 : i32
        %and3A_2129 = vector.broadcast %and3A_2128 : i32 to vector<16xi32>
        %and3A_2130 = arith.andi %broadcast_in_dim3A_2124, %and3A_2129 : vector<16xi32>
        %gather3A_2131 = tpu.vector_load_idx %arg12[%shift_right_arithmetic3A_2127, %and3A_2130, %add3A_1860] : memref<8x8x512xf32, #tpu.memory_space<vmem>>[vector<16xi32>, vector<16xi32>, vector<16xi32>], vector<16xf32>,
        %add3A_2132 = vector.broadcast %mul3A_1843 : i32 to vector<16xi32>
        %add3A_2133 = arith.addi %iota3A, %add3A_2132 : vector<16xi32>
        tpu.vector_store_idx %arg16[%add3A_2133, %broadcast_in_dim3A_2124], %gather3A_2131 : memref<32x128xf32, #tpu.memory_space<vmem>>[vector<16xi32>, vector<16xi32>], vector<16xf32>,
        %shift_right_arithmetic3A_2134 = arith.constant 3 : i32
        %shift_right_arithmetic3A_2135 = vector.broadcast %shift_right_arithmetic3A_2134 : i32 to vector<16xi32>
        %shift_right_arithmetic3A_2136 = arith.shrsi %broadcast_in_dim3A_2124, %shift_right_arithmetic3A_2135 : vector<16xi32>
        %and3A_2137 = arith.constant 7 : i32
        %and3A_2138 = vector.broadcast %and3A_2137 : i32 to vector<16xi32>
        %and3A_2139 = arith.andi %broadcast_in_dim3A_2124, %and3A_2138 : vector<16xi32>
        %gather3A_2140 = tpu.vector_load_idx %arg13[%shift_right_arithmetic3A_2136, %and3A_2139, %add3A_1869] : memref<8x8x512xf32, #tpu.memory_space<vmem>>[vector<16xi32>, vector<16xi32>, vector<16xi32>], vector<16xf32>,
        %add3A_2141 = vector.broadcast %mul3A_1843 : i32 to vector<16xi32>
        %add3A_2142 = arith.addi %iota3A, %add3A_2141 : vector<16xi32>
        %add3A_2143 = arith.constant 64 : i32
        %add3A_2144 = vector.broadcast %add3A_2143 : i32 to vector<16xi32>
        %add3A_2145 = arith.addi %broadcast_in_dim3A_2124, %add3A_2144 : vector<16xi32>
        tpu.vector_store_idx %arg16[%add3A_2142, %add3A_2145], %gather3A_2140 : memref<32x128xf32, #tpu.memory_space<vmem>>[vector<16xi32>, vector<16xi32>], vector<16xf32>,
        %broadcast_in_dim3A_2146 = arith.constant 12 : i32
        %broadcast_in_dim3A_2147 = vector.broadcast %broadcast_in_dim3A_2146 : i32 to vector<16xi32>
        %shift_right_arithmetic3A_2148 = arith.constant 3 : i32
        %shift_right_arithmetic3A_2149 = vector.broadcast %shift_right_arithmetic3A_2148 : i32 to vector<16xi32>
        %shift_right_arithmetic3A_2150 = arith.shrsi %broadcast_in_dim3A_2147, %shift_right_arithmetic3A_2149 : vector<16xi32>
        %and3A_2151 = arith.constant 7 : i32
        %and3A_2152 = vector.broadcast %and3A_2151 : i32 to vector<16xi32>
        %and3A_2153 = arith.andi %broadcast_in_dim3A_2147, %and3A_2152 : vector<16xi32>
        %gather3A_2154 = tpu.vector_load_idx %arg12[%shift_right_arithmetic3A_2150, %and3A_2153, %add3A_1860] : memref<8x8x512xf32, #tpu.memory_space<vmem>>[vector<16xi32>, vector<16xi32>, vector<16xi32>], vector<16xf32>,
        %add3A_2155 = vector.broadcast %mul3A_1843 : i32 to vector<16xi32>
        %add3A_2156 = arith.addi %iota3A, %add3A_2155 : vector<16xi32>
        tpu.vector_store_idx %arg16[%add3A_2156, %broadcast_in_dim3A_2147], %gather3A_2154 : memref<32x128xf32, #tpu.memory_space<vmem>>[vector<16xi32>, vector<16xi32>], vector<16xf32>,
        %shift_right_arithmetic3A_2157 = arith.constant 3 : i32
        %shift_right_arithmetic3A_2158 = vector.broadcast %shift_right_arithmetic3A_2157 : i32 to vector<16xi32>
        %shift_right_arithmetic3A_2159 = arith.shrsi %broadcast_in_dim3A_2147, %shift_right_arithmetic3A_2158 : vector<16xi32>
        %and3A_2160 = arith.constant 7 : i32
        %and3A_2161 = vector.broadcast %and3A_2160 : i32 to vector<16xi32>
        %and3A_2162 = arith.andi %broadcast_in_dim3A_2147, %and3A_2161 : vector<16xi32>
        %gather3A_2163 = tpu.vector_load_idx %arg13[%shift_right_arithmetic3A_2159, %and3A_2162, %add3A_1869] : memref<8x8x512xf32, #tpu.memory_space<vmem>>[vector<16xi32>, vector<16xi32>, vector<16xi32>], vector<16xf32>,
        %add3A_2164 = vector.broadcast %mul3A_1843 : i32 to vector<16xi32>
        %add3A_2165 = arith.addi %iota3A, %add3A_2164 : vector<16xi32>
        %add3A_2166 = arith.constant 64 : i32
        %add3A_2167 = vector.broadcast %add3A_2166 : i32 to vector<16xi32>
        %add3A_2168 = arith.addi %broadcast_in_dim3A_2147, %add3A_2167 : vector<16xi32>
        tpu.vector_store_idx %arg16[%add3A_2165, %add3A_2168], %gather3A_2163 : memref<32x128xf32, #tpu.memory_space<vmem>>[vector<16xi32>, vector<16xi32>], vector<16xf32>,
        %broadcast_in_dim3A_2169 = arith.constant 13 : i32
        %broadcast_in_dim3A_2170 = vector.broadcast %broadcast_in_dim3A_2169 : i32 to vector<16xi32>
        %shift_right_arithmetic3A_2171 = arith.constant 3 : i32
        %shift_right_arithmetic3A_2172 = vector.broadcast %shift_right_arithmetic3A_2171 : i32 to vector<16xi32>
        %shift_right_arithmetic3A_2173 = arith.shrsi %broadcast_in_dim3A_2170, %shift_right_arithmetic3A_2172 : vector<16xi32>
        %and3A_2174 = arith.constant 7 : i32
        %and3A_2175 = vector.broadcast %and3A_2174 : i32 to vector<16xi32>
        %and3A_2176 = arith.andi %broadcast_in_dim3A_2170, %and3A_2175 : vector<16xi32>
        %gather3A_2177 = tpu.vector_load_idx %arg12[%shift_right_arithmetic3A_2173, %and3A_2176, %add3A_1860] : memref<8x8x512xf32, #tpu.memory_space<vmem>>[vector<16xi32>, vector<16xi32>, vector<16xi32>], vector<16xf32>,
        %add3A_2178 = vector.broadcast %mul3A_1843 : i32 to vector<16xi32>
        %add3A_2179 = arith.addi %iota3A, %add3A_2178 : vector<16xi32>
        tpu.vector_store_idx %arg16[%add3A_2179, %broadcast_in_dim3A_2170], %gather3A_2177 : memref<32x128xf32, #tpu.memory_space<vmem>>[vector<16xi32>, vector<16xi32>], vector<16xf32>,
        %shift_right_arithmetic3A_2180 = arith.constant 3 : i32
        %shift_right_arithmetic3A_2181 = vector.broadcast %shift_right_arithmetic3A_2180 : i32 to vector<16xi32>
        %shift_right_arithmetic3A_2182 = arith.shrsi %broadcast_in_dim3A_2170, %shift_right_arithmetic3A_2181 : vector<16xi32>
        %and3A_2183 = arith.constant 7 : i32
        %and3A_2184 = vector.broadcast %and3A_2183 : i32 to vector<16xi32>
        %and3A_2185 = arith.andi %broadcast_in_dim3A_2170, %and3A_2184 : vector<16xi32>
        %gather3A_2186 = tpu.vector_load_idx %arg13[%shift_right_arithmetic3A_2182, %and3A_2185, %add3A_1869] : memref<8x8x512xf32, #tpu.memory_space<vmem>>[vector<16xi32>, vector<16xi32>, vector<16xi32>], vector<16xf32>,
        %add3A_2187 = vector.broadcast %mul3A_1843 : i32 to vector<16xi32>
        %add3A_2188 = arith.addi %iota3A, %add3A_2187 : vector<16xi32>
        %add3A_2189 = arith.constant 64 : i32
        %add3A_2190 = vector.broadcast %add3A_2189 : i32 to vector<16xi32>
        %add3A_2191 = arith.addi %broadcast_in_dim3A_2170, %add3A_2190 : vector<16xi32>
        tpu.vector_store_idx %arg16[%add3A_2188, %add3A_2191], %gather3A_2186 : memref<32x128xf32, #tpu.memory_space<vmem>>[vector<16xi32>, vector<16xi32>], vector<16xf32>,
        %broadcast_in_dim3A_2192 = arith.constant 14 : i32
        %broadcast_in_dim3A_2193 = vector.broadcast %broadcast_in_dim3A_2192 : i32 to vector<16xi32>
        %shift_right_arithmetic3A_2194 = arith.constant 3 : i32
        %shift_right_arithmetic3A_2195 = vector.broadcast %shift_right_arithmetic3A_2194 : i32 to vector<16xi32>
        %shift_right_arithmetic3A_2196 = arith.shrsi %broadcast_in_dim3A_2193, %shift_right_arithmetic3A_2195 : vector<16xi32>
        %and3A_2197 = arith.constant 7 : i32
        %and3A_2198 = vector.broadcast %and3A_2197 : i32 to vector<16xi32>
        %and3A_2199 = arith.andi %broadcast_in_dim3A_2193, %and3A_2198 : vector<16xi32>
        %gather3A_2200 = tpu.vector_load_idx %arg12[%shift_right_arithmetic3A_2196, %and3A_2199, %add3A_1860] : memref<8x8x512xf32, #tpu.memory_space<vmem>>[vector<16xi32>, vector<16xi32>, vector<16xi32>], vector<16xf32>,
        %add3A_2201 = vector.broadcast %mul3A_1843 : i32 to vector<16xi32>
        %add3A_2202 = arith.addi %iota3A, %add3A_2201 : vector<16xi32>
        tpu.vector_store_idx %arg16[%add3A_2202, %broadcast_in_dim3A_2193], %gather3A_2200 : memref<32x128xf32, #tpu.memory_space<vmem>>[vector<16xi32>, vector<16xi32>], vector<16xf32>,
        %shift_right_arithmetic3A_2203 = arith.constant 3 : i32
        %shift_right_arithmetic3A_2204 = vector.broadcast %shift_right_arithmetic3A_2203 : i32 to vector<16xi32>
        %shift_right_arithmetic3A_2205 = arith.shrsi %broadcast_in_dim3A_2193, %shift_right_arithmetic3A_2204 : vector<16xi32>
        %and3A_2206 = arith.constant 7 : i32
        %and3A_2207 = vector.broadcast %and3A_2206 : i32 to vector<16xi32>
        %and3A_2208 = arith.andi %broadcast_in_dim3A_2193, %and3A_2207 : vector<16xi32>
        %gather3A_2209 = tpu.vector_load_idx %arg13[%shift_right_arithmetic3A_2205, %and3A_2208, %add3A_1869] : memref<8x8x512xf32, #tpu.memory_space<vmem>>[vector<16xi32>, vector<16xi32>, vector<16xi32>], vector<16xf32>,
        %add3A_2210 = vector.broadcast %mul3A_1843 : i32 to vector<16xi32>
        %add3A_2211 = arith.addi %iota3A, %add3A_2210 : vector<16xi32>
        %add3A_2212 = arith.constant 64 : i32
        %add3A_2213 = vector.broadcast %add3A_2212 : i32 to vector<16xi32>
        %add3A_2214 = arith.addi %broadcast_in_dim3A_2193, %add3A_2213 : vector<16xi32>
        tpu.vector_store_idx %arg16[%add3A_2211, %add3A_2214], %gather3A_2209 : memref<32x128xf32, #tpu.memory_space<vmem>>[vector<16xi32>, vector<16xi32>], vector<16xf32>,
        %broadcast_in_dim3A_2215 = arith.constant 15 : i32
        %broadcast_in_dim3A_2216 = vector.broadcast %broadcast_in_dim3A_2215 : i32 to vector<16xi32>
        %shift_right_arithmetic3A_2217 = arith.constant 3 : i32
        %shift_right_arithmetic3A_2218 = vector.broadcast %shift_right_arithmetic3A_2217 : i32 to vector<16xi32>
        %shift_right_arithmetic3A_2219 = arith.shrsi %broadcast_in_dim3A_2216, %shift_right_arithmetic3A_2218 : vector<16xi32>
        %and3A_2220 = arith.constant 7 : i32
        %and3A_2221 = vector.broadcast %and3A_2220 : i32 to vector<16xi32>
        %and3A_2222 = arith.andi %broadcast_in_dim3A_2216, %and3A_2221 : vector<16xi32>
        %gather3A_2223 = tpu.vector_load_idx %arg12[%shift_right_arithmetic3A_2219, %and3A_2222, %add3A_1860] : memref<8x8x512xf32, #tpu.memory_space<vmem>>[vector<16xi32>, vector<16xi32>, vector<16xi32>], vector<16xf32>,
        %add3A_2224 = vector.broadcast %mul3A_1843 : i32 to vector<16xi32>
        %add3A_2225 = arith.addi %iota3A, %add3A_2224 : vector<16xi32>
        tpu.vector_store_idx %arg16[%add3A_2225, %broadcast_in_dim3A_2216], %gather3A_2223 : memref<32x128xf32, #tpu.memory_space<vmem>>[vector<16xi32>, vector<16xi32>], vector<16xf32>,
        %shift_right_arithmetic3A_2226 = arith.constant 3 : i32
        %shift_right_arithmetic3A_2227 = vector.broadcast %shift_right_arithmetic3A_2226 : i32 to vector<16xi32>
        %shift_right_arithmetic3A_2228 = arith.shrsi %broadcast_in_dim3A_2216, %shift_right_arithmetic3A_2227 : vector<16xi32>
        %and3A_2229 = arith.constant 7 : i32
        %and3A_2230 = vector.broadcast %and3A_2229 : i32 to vector<16xi32>
        %and3A_2231 = arith.andi %broadcast_in_dim3A_2216, %and3A_2230 : vector<16xi32>
        %gather3A_2232 = tpu.vector_load_idx %arg13[%shift_right_arithmetic3A_2228, %and3A_2231, %add3A_1869] : memref<8x8x512xf32, #tpu.memory_space<vmem>>[vector<16xi32>, vector<16xi32>, vector<16xi32>], vector<16xf32>,
        %add3A_2233 = vector.broadcast %mul3A_1843 : i32 to vector<16xi32>
        %add3A_2234 = arith.addi %iota3A, %add3A_2233 : vector<16xi32>
        %add3A_2235 = arith.constant 64 : i32
        %add3A_2236 = vector.broadcast %add3A_2235 : i32 to vector<16xi32>
        %add3A_2237 = arith.addi %broadcast_in_dim3A_2216, %add3A_2236 : vector<16xi32>
        tpu.vector_store_idx %arg16[%add3A_2234, %add3A_2237], %gather3A_2232 : memref<32x128xf32, #tpu.memory_space<vmem>>[vector<16xi32>, vector<16xi32>], vector<16xf32>,
        %broadcast_in_dim3A_2238 = arith.constant 16 : i32
        %broadcast_in_dim3A_2239 = vector.broadcast %broadcast_in_dim3A_2238 : i32 to vector<16xi32>
        %shift_right_arithmetic3A_2240 = arith.constant 3 : i32
        %shift_right_arithmetic3A_2241 = vector.broadcast %shift_right_arithmetic3A_2240 : i32 to vector<16xi32>
        %shift_right_arithmetic3A_2242 = arith.shrsi %broadcast_in_dim3A_2239, %shift_right_arithmetic3A_2241 : vector<16xi32>
        %and3A_2243 = arith.constant 7 : i32
        %and3A_2244 = vector.broadcast %and3A_2243 : i32 to vector<16xi32>
        %and3A_2245 = arith.andi %broadcast_in_dim3A_2239, %and3A_2244 : vector<16xi32>
        %gather3A_2246 = tpu.vector_load_idx %arg12[%shift_right_arithmetic3A_2242, %and3A_2245, %add3A_1860] : memref<8x8x512xf32, #tpu.memory_space<vmem>>[vector<16xi32>, vector<16xi32>, vector<16xi32>], vector<16xf32>,
        %add3A_2247 = vector.broadcast %mul3A_1843 : i32 to vector<16xi32>
        %add3A_2248 = arith.addi %iota3A, %add3A_2247 : vector<16xi32>
        tpu.vector_store_idx %arg16[%add3A_2248, %broadcast_in_dim3A_2239], %gather3A_2246 : memref<32x128xf32, #tpu.memory_space<vmem>>[vector<16xi32>, vector<16xi32>], vector<16xf32>,
        %shift_right_arithmetic3A_2249 = arith.constant 3 : i32
        %shift_right_arithmetic3A_2250 = vector.broadcast %shift_right_arithmetic3A_2249 : i32 to vector<16xi32>
        %shift_right_arithmetic3A_2251 = arith.shrsi %broadcast_in_dim3A_2239, %shift_right_arithmetic3A_2250 : vector<16xi32>
        %and3A_2252 = arith.constant 7 : i32
        %and3A_2253 = vector.broadcast %and3A_2252 : i32 to vector<16xi32>
        %and3A_2254 = arith.andi %broadcast_in_dim3A_2239, %and3A_2253 : vector<16xi32>
        %gather3A_2255 = tpu.vector_load_idx %arg13[%shift_right_arithmetic3A_2251, %and3A_2254, %add3A_1869] : memref<8x8x512xf32, #tpu.memory_space<vmem>>[vector<16xi32>, vector<16xi32>, vector<16xi32>], vector<16xf32>,
        %add3A_2256 = vector.broadcast %mul3A_1843 : i32 to vector<16xi32>
        %add3A_2257 = arith.addi %iota3A, %add3A_2256 : vector<16xi32>
        %add3A_2258 = arith.constant 64 : i32
        %add3A_2259 = vector.broadcast %add3A_2258 : i32 to vector<16xi32>
        %add3A_2260 = arith.addi %broadcast_in_dim3A_2239, %add3A_2259 : vector<16xi32>
        tpu.vector_store_idx %arg16[%add3A_2257, %add3A_2260], %gather3A_2255 : memref<32x128xf32, #tpu.memory_space<vmem>>[vector<16xi32>, vector<16xi32>], vector<16xf32>,
        %broadcast_in_dim3A_2261 = arith.constant 17 : i32
        %broadcast_in_dim3A_2262 = vector.broadcast %broadcast_in_dim3A_2261 : i32 to vector<16xi32>
        %shift_right_arithmetic3A_2263 = arith.constant 3 : i32
        %shift_right_arithmetic3A_2264 = vector.broadcast %shift_right_arithmetic3A_2263 : i32 to vector<16xi32>
        %shift_right_arithmetic3A_2265 = arith.shrsi %broadcast_in_dim3A_2262, %shift_right_arithmetic3A_2264 : vector<16xi32>
        %and3A_2266 = arith.constant 7 : i32
        %and3A_2267 = vector.broadcast %and3A_2266 : i32 to vector<16xi32>
        %and3A_2268 = arith.andi %broadcast_in_dim3A_2262, %and3A_2267 : vector<16xi32>
        %gather3A_2269 = tpu.vector_load_idx %arg12[%shift_right_arithmetic3A_2265, %and3A_2268, %add3A_1860] : memref<8x8x512xf32, #tpu.memory_space<vmem>>[vector<16xi32>, vector<16xi32>, vector<16xi32>], vector<16xf32>,
        %add3A_2270 = vector.broadcast %mul3A_1843 : i32 to vector<16xi32>
        %add3A_2271 = arith.addi %iota3A, %add3A_2270 : vector<16xi32>
        tpu.vector_store_idx %arg16[%add3A_2271, %broadcast_in_dim3A_2262], %gather3A_2269 : memref<32x128xf32, #tpu.memory_space<vmem>>[vector<16xi32>, vector<16xi32>], vector<16xf32>,
        %shift_right_arithmetic3A_2272 = arith.constant 3 : i32
        %shift_right_arithmetic3A_2273 = vector.broadcast %shift_right_arithmetic3A_2272 : i32 to vector<16xi32>
        %shift_right_arithmetic3A_2274 = arith.shrsi %broadcast_in_dim3A_2262, %shift_right_arithmetic3A_2273 : vector<16xi32>
        %and3A_2275 = arith.constant 7 : i32
        %and3A_2276 = vector.broadcast %and3A_2275 : i32 to vector<16xi32>
        %and3A_2277 = arith.andi %broadcast_in_dim3A_2262, %and3A_2276 : vector<16xi32>
        %gather3A_2278 = tpu.vector_load_idx %arg13[%shift_right_arithmetic3A_2274, %and3A_2277, %add3A_1869] : memref<8x8x512xf32, #tpu.memory_space<vmem>>[vector<16xi32>, vector<16xi32>, vector<16xi32>], vector<16xf32>,
        %add3A_2279 = vector.broadcast %mul3A_1843 : i32 to vector<16xi32>
        %add3A_2280 = arith.addi %iota3A, %add3A_2279 : vector<16xi32>
        %add3A_2281 = arith.constant 64 : i32
        %add3A_2282 = vector.broadcast %add3A_2281 : i32 to vector<16xi32>
        %add3A_2283 = arith.addi %broadcast_in_dim3A_2262, %add3A_2282 : vector<16xi32>
        tpu.vector_store_idx %arg16[%add3A_2280, %add3A_2283], %gather3A_2278 : memref<32x128xf32, #tpu.memory_space<vmem>>[vector<16xi32>, vector<16xi32>], vector<16xf32>,
        %broadcast_in_dim3A_2284 = arith.constant 18 : i32
        %broadcast_in_dim3A_2285 = vector.broadcast %broadcast_in_dim3A_2284 : i32 to vector<16xi32>
        %shift_right_arithmetic3A_2286 = arith.constant 3 : i32
        %shift_right_arithmetic3A_2287 = vector.broadcast %shift_right_arithmetic3A_2286 : i32 to vector<16xi32>
        %shift_right_arithmetic3A_2288 = arith.shrsi %broadcast_in_dim3A_2285, %shift_right_arithmetic3A_2287 : vector<16xi32>
        %and3A_2289 = arith.constant 7 : i32
        %and3A_2290 = vector.broadcast %and3A_2289 : i32 to vector<16xi32>
        %and3A_2291 = arith.andi %broadcast_in_dim3A_2285, %and3A_2290 : vector<16xi32>
        %gather3A_2292 = tpu.vector_load_idx %arg12[%shift_right_arithmetic3A_2288, %and3A_2291, %add3A_1860] : memref<8x8x512xf32, #tpu.memory_space<vmem>>[vector<16xi32>, vector<16xi32>, vector<16xi32>], vector<16xf32>,
        %add3A_2293 = vector.broadcast %mul3A_1843 : i32 to vector<16xi32>
        %add3A_2294 = arith.addi %iota3A, %add3A_2293 : vector<16xi32>
        tpu.vector_store_idx %arg16[%add3A_2294, %broadcast_in_dim3A_2285], %gather3A_2292 : memref<32x128xf32, #tpu.memory_space<vmem>>[vector<16xi32>, vector<16xi32>], vector<16xf32>,
        %shift_right_arithmetic3A_2295 = arith.constant 3 : i32
        %shift_right_arithmetic3A_2296 = vector.broadcast %shift_right_arithmetic3A_2295 : i32 to vector<16xi32>
        %shift_right_arithmetic3A_2297 = arith.shrsi %broadcast_in_dim3A_2285, %shift_right_arithmetic3A_2296 : vector<16xi32>
        %and3A_2298 = arith.constant 7 : i32
        %and3A_2299 = vector.broadcast %and3A_2298 : i32 to vector<16xi32>
        %and3A_2300 = arith.andi %broadcast_in_dim3A_2285, %and3A_2299 : vector<16xi32>
        %gather3A_2301 = tpu.vector_load_idx %arg13[%shift_right_arithmetic3A_2297, %and3A_2300, %add3A_1869] : memref<8x8x512xf32, #tpu.memory_space<vmem>>[vector<16xi32>, vector<16xi32>, vector<16xi32>], vector<16xf32>,
        %add3A_2302 = vector.broadcast %mul3A_1843 : i32 to vector<16xi32>
        %add3A_2303 = arith.addi %iota3A, %add3A_2302 : vector<16xi32>
        %add3A_2304 = arith.constant 64 : i32
        %add3A_2305 = vector.broadcast %add3A_2304 : i32 to vector<16xi32>
        %add3A_2306 = arith.addi %broadcast_in_dim3A_2285, %add3A_2305 : vector<16xi32>
        tpu.vector_store_idx %arg16[%add3A_2303, %add3A_2306], %gather3A_2301 : memref<32x128xf32, #tpu.memory_space<vmem>>[vector<16xi32>, vector<16xi32>], vector<16xf32>,
        %broadcast_in_dim3A_2307 = arith.constant 19 : i32
        %broadcast_in_dim3A_2308 = vector.broadcast %broadcast_in_dim3A_2307 : i32 to vector<16xi32>
        %shift_right_arithmetic3A_2309 = arith.constant 3 : i32
        %shift_right_arithmetic3A_2310 = vector.broadcast %shift_right_arithmetic3A_2309 : i32 to vector<16xi32>
        %shift_right_arithmetic3A_2311 = arith.shrsi %broadcast_in_dim3A_2308, %shift_right_arithmetic3A_2310 : vector<16xi32>
        %and3A_2312 = arith.constant 7 : i32
        %and3A_2313 = vector.broadcast %and3A_2312 : i32 to vector<16xi32>
        %and3A_2314 = arith.andi %broadcast_in_dim3A_2308, %and3A_2313 : vector<16xi32>
        %gather3A_2315 = tpu.vector_load_idx %arg12[%shift_right_arithmetic3A_2311, %and3A_2314, %add3A_1860] : memref<8x8x512xf32, #tpu.memory_space<vmem>>[vector<16xi32>, vector<16xi32>, vector<16xi32>], vector<16xf32>,
        %add3A_2316 = vector.broadcast %mul3A_1843 : i32 to vector<16xi32>
        %add3A_2317 = arith.addi %iota3A, %add3A_2316 : vector<16xi32>
        tpu.vector_store_idx %arg16[%add3A_2317, %broadcast_in_dim3A_2308], %gather3A_2315 : memref<32x128xf32, #tpu.memory_space<vmem>>[vector<16xi32>, vector<16xi32>], vector<16xf32>,
        %shift_right_arithmetic3A_2318 = arith.constant 3 : i32
        %shift_right_arithmetic3A_2319 = vector.broadcast %shift_right_arithmetic3A_2318 : i32 to vector<16xi32>
        %shift_right_arithmetic3A_2320 = arith.shrsi %broadcast_in_dim3A_2308, %shift_right_arithmetic3A_2319 : vector<16xi32>
        %and3A_2321 = arith.constant 7 : i32
        %and3A_2322 = vector.broadcast %and3A_2321 : i32 to vector<16xi32>
        %and3A_2323 = arith.andi %broadcast_in_dim3A_2308, %and3A_2322 : vector<16xi32>
        %gather3A_2324 = tpu.vector_load_idx %arg13[%shift_right_arithmetic3A_2320, %and3A_2323, %add3A_1869] : memref<8x8x512xf32, #tpu.memory_space<vmem>>[vector<16xi32>, vector<16xi32>, vector<16xi32>], vector<16xf32>,
        %add3A_2325 = vector.broadcast %mul3A_1843 : i32 to vector<16xi32>
        %add3A_2326 = arith.addi %iota3A, %add3A_2325 : vector<16xi32>
        %add3A_2327 = arith.constant 64 : i32
        %add3A_2328 = vector.broadcast %add3A_2327 : i32 to vector<16xi32>
        %add3A_2329 = arith.addi %broadcast_in_dim3A_2308, %add3A_2328 : vector<16xi32>
        tpu.vector_store_idx %arg16[%add3A_2326, %add3A_2329], %gather3A_2324 : memref<32x128xf32, #tpu.memory_space<vmem>>[vector<16xi32>, vector<16xi32>], vector<16xf32>,
        %broadcast_in_dim3A_2330 = arith.constant 20 : i32
        %broadcast_in_dim3A_2331 = vector.broadcast %broadcast_in_dim3A_2330 : i32 to vector<16xi32>
        %shift_right_arithmetic3A_2332 = arith.constant 3 : i32
        %shift_right_arithmetic3A_2333 = vector.broadcast %shift_right_arithmetic3A_2332 : i32 to vector<16xi32>
        %shift_right_arithmetic3A_2334 = arith.shrsi %broadcast_in_dim3A_2331, %shift_right_arithmetic3A_2333 : vector<16xi32>
        %and3A_2335 = arith.constant 7 : i32
        %and3A_2336 = vector.broadcast %and3A_2335 : i32 to vector<16xi32>
        %and3A_2337 = arith.andi %broadcast_in_dim3A_2331, %and3A_2336 : vector<16xi32>
        %gather3A_2338 = tpu.vector_load_idx %arg12[%shift_right_arithmetic3A_2334, %and3A_2337, %add3A_1860] : memref<8x8x512xf32, #tpu.memory_space<vmem>>[vector<16xi32>, vector<16xi32>, vector<16xi32>], vector<16xf32>,
        %add3A_2339 = vector.broadcast %mul3A_1843 : i32 to vector<16xi32>
        %add3A_2340 = arith.addi %iota3A, %add3A_2339 : vector<16xi32>
        tpu.vector_store_idx %arg16[%add3A_2340, %broadcast_in_dim3A_2331], %gather3A_2338 : memref<32x128xf32, #tpu.memory_space<vmem>>[vector<16xi32>, vector<16xi32>], vector<16xf32>,
        %shift_right_arithmetic3A_2341 = arith.constant 3 : i32
        %shift_right_arithmetic3A_2342 = vector.broadcast %shift_right_arithmetic3A_2341 : i32 to vector<16xi32>
        %shift_right_arithmetic3A_2343 = arith.shrsi %broadcast_in_dim3A_2331, %shift_right_arithmetic3A_2342 : vector<16xi32>
        %and3A_2344 = arith.constant 7 : i32
        %and3A_2345 = vector.broadcast %and3A_2344 : i32 to vector<16xi32>
        %and3A_2346 = arith.andi %broadcast_in_dim3A_2331, %and3A_2345 : vector<16xi32>
        %gather3A_2347 = tpu.vector_load_idx %arg13[%shift_right_arithmetic3A_2343, %and3A_2346, %add3A_1869] : memref<8x8x512xf32, #tpu.memory_space<vmem>>[vector<16xi32>, vector<16xi32>, vector<16xi32>], vector<16xf32>,
        %add3A_2348 = vector.broadcast %mul3A_1843 : i32 to vector<16xi32>
        %add3A_2349 = arith.addi %iota3A, %add3A_2348 : vector<16xi32>
        %add3A_2350 = arith.constant 64 : i32
        %add3A_2351 = vector.broadcast %add3A_2350 : i32 to vector<16xi32>
        %add3A_2352 = arith.addi %broadcast_in_dim3A_2331, %add3A_2351 : vector<16xi32>
        tpu.vector_store_idx %arg16[%add3A_2349, %add3A_2352], %gather3A_2347 : memref<32x128xf32, #tpu.memory_space<vmem>>[vector<16xi32>, vector<16xi32>], vector<16xf32>,
        %broadcast_in_dim3A_2353 = arith.constant 21 : i32
        %broadcast_in_dim3A_2354 = vector.broadcast %broadcast_in_dim3A_2353 : i32 to vector<16xi32>
        %shift_right_arithmetic3A_2355 = arith.constant 3 : i32
        %shift_right_arithmetic3A_2356 = vector.broadcast %shift_right_arithmetic3A_2355 : i32 to vector<16xi32>
        %shift_right_arithmetic3A_2357 = arith.shrsi %broadcast_in_dim3A_2354, %shift_right_arithmetic3A_2356 : vector<16xi32>
        %and3A_2358 = arith.constant 7 : i32
        %and3A_2359 = vector.broadcast %and3A_2358 : i32 to vector<16xi32>
        %and3A_2360 = arith.andi %broadcast_in_dim3A_2354, %and3A_2359 : vector<16xi32>
        %gather3A_2361 = tpu.vector_load_idx %arg12[%shift_right_arithmetic3A_2357, %and3A_2360, %add3A_1860] : memref<8x8x512xf32, #tpu.memory_space<vmem>>[vector<16xi32>, vector<16xi32>, vector<16xi32>], vector<16xf32>,
        %add3A_2362 = vector.broadcast %mul3A_1843 : i32 to vector<16xi32>
        %add3A_2363 = arith.addi %iota3A, %add3A_2362 : vector<16xi32>
        tpu.vector_store_idx %arg16[%add3A_2363, %broadcast_in_dim3A_2354], %gather3A_2361 : memref<32x128xf32, #tpu.memory_space<vmem>>[vector<16xi32>, vector<16xi32>], vector<16xf32>,
        %shift_right_arithmetic3A_2364 = arith.constant 3 : i32
        %shift_right_arithmetic3A_2365 = vector.broadcast %shift_right_arithmetic3A_2364 : i32 to vector<16xi32>
        %shift_right_arithmetic3A_2366 = arith.shrsi %broadcast_in_dim3A_2354, %shift_right_arithmetic3A_2365 : vector<16xi32>
        %and3A_2367 = arith.constant 7 : i32
        %and3A_2368 = vector.broadcast %and3A_2367 : i32 to vector<16xi32>
        %and3A_2369 = arith.andi %broadcast_in_dim3A_2354, %and3A_2368 : vector<16xi32>
        %gather3A_2370 = tpu.vector_load_idx %arg13[%shift_right_arithmetic3A_2366, %and3A_2369, %add3A_1869] : memref<8x8x512xf32, #tpu.memory_space<vmem>>[vector<16xi32>, vector<16xi32>, vector<16xi32>], vector<16xf32>,
        %add3A_2371 = vector.broadcast %mul3A_1843 : i32 to vector<16xi32>
        %add3A_2372 = arith.addi %iota3A, %add3A_2371 : vector<16xi32>
        %add3A_2373 = arith.constant 64 : i32
        %add3A_2374 = vector.broadcast %add3A_2373 : i32 to vector<16xi32>
        %add3A_2375 = arith.addi %broadcast_in_dim3A_2354, %add3A_2374 : vector<16xi32>
        tpu.vector_store_idx %arg16[%add3A_2372, %add3A_2375], %gather3A_2370 : memref<32x128xf32, #tpu.memory_space<vmem>>[vector<16xi32>, vector<16xi32>], vector<16xf32>,
        %broadcast_in_dim3A_2376 = arith.constant 22 : i32
        %broadcast_in_dim3A_2377 = vector.broadcast %broadcast_in_dim3A_2376 : i32 to vector<16xi32>
        %shift_right_arithmetic3A_2378 = arith.constant 3 : i32
        %shift_right_arithmetic3A_2379 = vector.broadcast %shift_right_arithmetic3A_2378 : i32 to vector<16xi32>
        %shift_right_arithmetic3A_2380 = arith.shrsi %broadcast_in_dim3A_2377, %shift_right_arithmetic3A_2379 : vector<16xi32>
        %and3A_2381 = arith.constant 7 : i32
        %and3A_2382 = vector.broadcast %and3A_2381 : i32 to vector<16xi32>
        %and3A_2383 = arith.andi %broadcast_in_dim3A_2377, %and3A_2382 : vector<16xi32>
        %gather3A_2384 = tpu.vector_load_idx %arg12[%shift_right_arithmetic3A_2380, %and3A_2383, %add3A_1860] : memref<8x8x512xf32, #tpu.memory_space<vmem>>[vector<16xi32>, vector<16xi32>, vector<16xi32>], vector<16xf32>,
        %add3A_2385 = vector.broadcast %mul3A_1843 : i32 to vector<16xi32>
        %add3A_2386 = arith.addi %iota3A, %add3A_2385 : vector<16xi32>
        tpu.vector_store_idx %arg16[%add3A_2386, %broadcast_in_dim3A_2377], %gather3A_2384 : memref<32x128xf32, #tpu.memory_space<vmem>>[vector<16xi32>, vector<16xi32>], vector<16xf32>,
        %shift_right_arithmetic3A_2387 = arith.constant 3 : i32
        %shift_right_arithmetic3A_2388 = vector.broadcast %shift_right_arithmetic3A_2387 : i32 to vector<16xi32>
        %shift_right_arithmetic3A_2389 = arith.shrsi %broadcast_in_dim3A_2377, %shift_right_arithmetic3A_2388 : vector<16xi32>
        %and3A_2390 = arith.constant 7 : i32
        %and3A_2391 = vector.broadcast %and3A_2390 : i32 to vector<16xi32>
        %and3A_2392 = arith.andi %broadcast_in_dim3A_2377, %and3A_2391 : vector<16xi32>
        %gather3A_2393 = tpu.vector_load_idx %arg13[%shift_right_arithmetic3A_2389, %and3A_2392, %add3A_1869] : memref<8x8x512xf32, #tpu.memory_space<vmem>>[vector<16xi32>, vector<16xi32>, vector<16xi32>], vector<16xf32>,
        %add3A_2394 = vector.broadcast %mul3A_1843 : i32 to vector<16xi32>
        %add3A_2395 = arith.addi %iota3A, %add3A_2394 : vector<16xi32>
        %add3A_2396 = arith.constant 64 : i32
        %add3A_2397 = vector.broadcast %add3A_2396 : i32 to vector<16xi32>
        %add3A_2398 = arith.addi %broadcast_in_dim3A_2377, %add3A_2397 : vector<16xi32>
        tpu.vector_store_idx %arg16[%add3A_2395, %add3A_2398], %gather3A_2393 : memref<32x128xf32, #tpu.memory_space<vmem>>[vector<16xi32>, vector<16xi32>], vector<16xf32>,
        %broadcast_in_dim3A_2399 = arith.constant 23 : i32
        %broadcast_in_dim3A_2400 = vector.broadcast %broadcast_in_dim3A_2399 : i32 to vector<16xi32>
        %shift_right_arithmetic3A_2401 = arith.constant 3 : i32
        %shift_right_arithmetic3A_2402 = vector.broadcast %shift_right_arithmetic3A_2401 : i32 to vector<16xi32>
        %shift_right_arithmetic3A_2403 = arith.shrsi %broadcast_in_dim3A_2400, %shift_right_arithmetic3A_2402 : vector<16xi32>
        %and3A_2404 = arith.constant 7 : i32
        %and3A_2405 = vector.broadcast %and3A_2404 : i32 to vector<16xi32>
        %and3A_2406 = arith.andi %broadcast_in_dim3A_2400, %and3A_2405 : vector<16xi32>
        %gather3A_2407 = tpu.vector_load_idx %arg12[%shift_right_arithmetic3A_2403, %and3A_2406, %add3A_1860] : memref<8x8x512xf32, #tpu.memory_space<vmem>>[vector<16xi32>, vector<16xi32>, vector<16xi32>], vector<16xf32>,
        %add3A_2408 = vector.broadcast %mul3A_1843 : i32 to vector<16xi32>
        %add3A_2409 = arith.addi %iota3A, %add3A_2408 : vector<16xi32>
        tpu.vector_store_idx %arg16[%add3A_2409, %broadcast_in_dim3A_2400], %gather3A_2407 : memref<32x128xf32, #tpu.memory_space<vmem>>[vector<16xi32>, vector<16xi32>], vector<16xf32>,
        %shift_right_arithmetic3A_2410 = arith.constant 3 : i32
        %shift_right_arithmetic3A_2411 = vector.broadcast %shift_right_arithmetic3A_2410 : i32 to vector<16xi32>
        %shift_right_arithmetic3A_2412 = arith.shrsi %broadcast_in_dim3A_2400, %shift_right_arithmetic3A_2411 : vector<16xi32>
        %and3A_2413 = arith.constant 7 : i32
        %and3A_2414 = vector.broadcast %and3A_2413 : i32 to vector<16xi32>
        %and3A_2415 = arith.andi %broadcast_in_dim3A_2400, %and3A_2414 : vector<16xi32>
        %gather3A_2416 = tpu.vector_load_idx %arg13[%shift_right_arithmetic3A_2412, %and3A_2415, %add3A_1869] : memref<8x8x512xf32, #tpu.memory_space<vmem>>[vector<16xi32>, vector<16xi32>, vector<16xi32>], vector<16xf32>,
        %add3A_2417 = vector.broadcast %mul3A_1843 : i32 to vector<16xi32>
        %add3A_2418 = arith.addi %iota3A, %add3A_2417 : vector<16xi32>
        %add3A_2419 = arith.constant 64 : i32
        %add3A_2420 = vector.broadcast %add3A_2419 : i32 to vector<16xi32>
        %add3A_2421 = arith.addi %broadcast_in_dim3A_2400, %add3A_2420 : vector<16xi32>
        tpu.vector_store_idx %arg16[%add3A_2418, %add3A_2421], %gather3A_2416 : memref<32x128xf32, #tpu.memory_space<vmem>>[vector<16xi32>, vector<16xi32>], vector<16xf32>,
        %broadcast_in_dim3A_2422 = arith.constant 24 : i32
        %broadcast_in_dim3A_2423 = vector.broadcast %broadcast_in_dim3A_2422 : i32 to vector<16xi32>
        %shift_right_arithmetic3A_2424 = arith.constant 3 : i32
        %shift_right_arithmetic3A_2425 = vector.broadcast %shift_right_arithmetic3A_2424 : i32 to vector<16xi32>
        %shift_right_arithmetic3A_2426 = arith.shrsi %broadcast_in_dim3A_2423, %shift_right_arithmetic3A_2425 : vector<16xi32>
        %and3A_2427 = arith.constant 7 : i32
        %and3A_2428 = vector.broadcast %and3A_2427 : i32 to vector<16xi32>
        %and3A_2429 = arith.andi %broadcast_in_dim3A_2423, %and3A_2428 : vector<16xi32>
        %gather3A_2430 = tpu.vector_load_idx %arg12[%shift_right_arithmetic3A_2426, %and3A_2429, %add3A_1860] : memref<8x8x512xf32, #tpu.memory_space<vmem>>[vector<16xi32>, vector<16xi32>, vector<16xi32>], vector<16xf32>,
        %add3A_2431 = vector.broadcast %mul3A_1843 : i32 to vector<16xi32>
        %add3A_2432 = arith.addi %iota3A, %add3A_2431 : vector<16xi32>
        tpu.vector_store_idx %arg16[%add3A_2432, %broadcast_in_dim3A_2423], %gather3A_2430 : memref<32x128xf32, #tpu.memory_space<vmem>>[vector<16xi32>, vector<16xi32>], vector<16xf32>,
        %shift_right_arithmetic3A_2433 = arith.constant 3 : i32
        %shift_right_arithmetic3A_2434 = vector.broadcast %shift_right_arithmetic3A_2433 : i32 to vector<16xi32>
        %shift_right_arithmetic3A_2435 = arith.shrsi %broadcast_in_dim3A_2423, %shift_right_arithmetic3A_2434 : vector<16xi32>
        %and3A_2436 = arith.constant 7 : i32
        %and3A_2437 = vector.broadcast %and3A_2436 : i32 to vector<16xi32>
        %and3A_2438 = arith.andi %broadcast_in_dim3A_2423, %and3A_2437 : vector<16xi32>
        %gather3A_2439 = tpu.vector_load_idx %arg13[%shift_right_arithmetic3A_2435, %and3A_2438, %add3A_1869] : memref<8x8x512xf32, #tpu.memory_space<vmem>>[vector<16xi32>, vector<16xi32>, vector<16xi32>], vector<16xf32>,
        %add3A_2440 = vector.broadcast %mul3A_1843 : i32 to vector<16xi32>
        %add3A_2441 = arith.addi %iota3A, %add3A_2440 : vector<16xi32>
        %add3A_2442 = arith.constant 64 : i32
        %add3A_2443 = vector.broadcast %add3A_2442 : i32 to vector<16xi32>
        %add3A_2444 = arith.addi %broadcast_in_dim3A_2423, %add3A_2443 : vector<16xi32>
        tpu.vector_store_idx %arg16[%add3A_2441, %add3A_2444], %gather3A_2439 : memref<32x128xf32, #tpu.memory_space<vmem>>[vector<16xi32>, vector<16xi32>], vector<16xf32>,
        %broadcast_in_dim3A_2445 = arith.constant 25 : i32
        %broadcast_in_dim3A_2446 = vector.broadcast %broadcast_in_dim3A_2445 : i32 to vector<16xi32>
        %shift_right_arithmetic3A_2447 = arith.constant 3 : i32
        %shift_right_arithmetic3A_2448 = vector.broadcast %shift_right_arithmetic3A_2447 : i32 to vector<16xi32>
        %shift_right_arithmetic3A_2449 = arith.shrsi %broadcast_in_dim3A_2446, %shift_right_arithmetic3A_2448 : vector<16xi32>
        %and3A_2450 = arith.constant 7 : i32
        %and3A_2451 = vector.broadcast %and3A_2450 : i32 to vector<16xi32>
        %and3A_2452 = arith.andi %broadcast_in_dim3A_2446, %and3A_2451 : vector<16xi32>
        %gather3A_2453 = tpu.vector_load_idx %arg12[%shift_right_arithmetic3A_2449, %and3A_2452, %add3A_1860] : memref<8x8x512xf32, #tpu.memory_space<vmem>>[vector<16xi32>, vector<16xi32>, vector<16xi32>], vector<16xf32>,
        %add3A_2454 = vector.broadcast %mul3A_1843 : i32 to vector<16xi32>
        %add3A_2455 = arith.addi %iota3A, %add3A_2454 : vector<16xi32>
        tpu.vector_store_idx %arg16[%add3A_2455, %broadcast_in_dim3A_2446], %gather3A_2453 : memref<32x128xf32, #tpu.memory_space<vmem>>[vector<16xi32>, vector<16xi32>], vector<16xf32>,
        %shift_right_arithmetic3A_2456 = arith.constant 3 : i32
        %shift_right_arithmetic3A_2457 = vector.broadcast %shift_right_arithmetic3A_2456 : i32 to vector<16xi32>
        %shift_right_arithmetic3A_2458 = arith.shrsi %broadcast_in_dim3A_2446, %shift_right_arithmetic3A_2457 : vector<16xi32>
        %and3A_2459 = arith.constant 7 : i32
        %and3A_2460 = vector.broadcast %and3A_2459 : i32 to vector<16xi32>
        %and3A_2461 = arith.andi %broadcast_in_dim3A_2446, %and3A_2460 : vector<16xi32>
        %gather3A_2462 = tpu.vector_load_idx %arg13[%shift_right_arithmetic3A_2458, %and3A_2461, %add3A_1869] : memref<8x8x512xf32, #tpu.memory_space<vmem>>[vector<16xi32>, vector<16xi32>, vector<16xi32>], vector<16xf32>,
        %add3A_2463 = vector.broadcast %mul3A_1843 : i32 to vector<16xi32>
        %add3A_2464 = arith.addi %iota3A, %add3A_2463 : vector<16xi32>
        %add3A_2465 = arith.constant 64 : i32
        %add3A_2466 = vector.broadcast %add3A_2465 : i32 to vector<16xi32>
        %add3A_2467 = arith.addi %broadcast_in_dim3A_2446, %add3A_2466 : vector<16xi32>
        tpu.vector_store_idx %arg16[%add3A_2464, %add3A_2467], %gather3A_2462 : memref<32x128xf32, #tpu.memory_space<vmem>>[vector<16xi32>, vector<16xi32>], vector<16xf32>,
        %broadcast_in_dim3A_2468 = arith.constant 26 : i32
        %broadcast_in_dim3A_2469 = vector.broadcast %broadcast_in_dim3A_2468 : i32 to vector<16xi32>
        %shift_right_arithmetic3A_2470 = arith.constant 3 : i32
        %shift_right_arithmetic3A_2471 = vector.broadcast %shift_right_arithmetic3A_2470 : i32 to vector<16xi32>
        %shift_right_arithmetic3A_2472 = arith.shrsi %broadcast_in_dim3A_2469, %shift_right_arithmetic3A_2471 : vector<16xi32>
        %and3A_2473 = arith.constant 7 : i32
        %and3A_2474 = vector.broadcast %and3A_2473 : i32 to vector<16xi32>
        %and3A_2475 = arith.andi %broadcast_in_dim3A_2469, %and3A_2474 : vector<16xi32>
        %gather3A_2476 = tpu.vector_load_idx %arg12[%shift_right_arithmetic3A_2472, %and3A_2475, %add3A_1860] : memref<8x8x512xf32, #tpu.memory_space<vmem>>[vector<16xi32>, vector<16xi32>, vector<16xi32>], vector<16xf32>,
        %add3A_2477 = vector.broadcast %mul3A_1843 : i32 to vector<16xi32>
        %add3A_2478 = arith.addi %iota3A, %add3A_2477 : vector<16xi32>
        tpu.vector_store_idx %arg16[%add3A_2478, %broadcast_in_dim3A_2469], %gather3A_2476 : memref<32x128xf32, #tpu.memory_space<vmem>>[vector<16xi32>, vector<16xi32>], vector<16xf32>,
        %shift_right_arithmetic3A_2479 = arith.constant 3 : i32
        %shift_right_arithmetic3A_2480 = vector.broadcast %shift_right_arithmetic3A_2479 : i32 to vector<16xi32>
        %shift_right_arithmetic3A_2481 = arith.shrsi %broadcast_in_dim3A_2469, %shift_right_arithmetic3A_2480 : vector<16xi32>
        %and3A_2482 = arith.constant 7 : i32
        %and3A_2483 = vector.broadcast %and3A_2482 : i32 to vector<16xi32>
        %and3A_2484 = arith.andi %broadcast_in_dim3A_2469, %and3A_2483 : vector<16xi32>
        %gather3A_2485 = tpu.vector_load_idx %arg13[%shift_right_arithmetic3A_2481, %and3A_2484, %add3A_1869] : memref<8x8x512xf32, #tpu.memory_space<vmem>>[vector<16xi32>, vector<16xi32>, vector<16xi32>], vector<16xf32>,
        %add3A_2486 = vector.broadcast %mul3A_1843 : i32 to vector<16xi32>
        %add3A_2487 = arith.addi %iota3A, %add3A_2486 : vector<16xi32>
        %add3A_2488 = arith.constant 64 : i32
        %add3A_2489 = vector.broadcast %add3A_2488 : i32 to vector<16xi32>
        %add3A_2490 = arith.addi %broadcast_in_dim3A_2469, %add3A_2489 : vector<16xi32>
        tpu.vector_store_idx %arg16[%add3A_2487, %add3A_2490], %gather3A_2485 : memref<32x128xf32, #tpu.memory_space<vmem>>[vector<16xi32>, vector<16xi32>], vector<16xf32>,
        %broadcast_in_dim3A_2491 = arith.constant 27 : i32
        %broadcast_in_dim3A_2492 = vector.broadcast %broadcast_in_dim3A_2491 : i32 to vector<16xi32>
        %shift_right_arithmetic3A_2493 = arith.constant 3 : i32
        %shift_right_arithmetic3A_2494 = vector.broadcast %shift_right_arithmetic3A_2493 : i32 to vector<16xi32>
        %shift_right_arithmetic3A_2495 = arith.shrsi %broadcast_in_dim3A_2492, %shift_right_arithmetic3A_2494 : vector<16xi32>
        %and3A_2496 = arith.constant 7 : i32
        %and3A_2497 = vector.broadcast %and3A_2496 : i32 to vector<16xi32>
        %and3A_2498 = arith.andi %broadcast_in_dim3A_2492, %and3A_2497 : vector<16xi32>
        %gather3A_2499 = tpu.vector_load_idx %arg12[%shift_right_arithmetic3A_2495, %and3A_2498, %add3A_1860] : memref<8x8x512xf32, #tpu.memory_space<vmem>>[vector<16xi32>, vector<16xi32>, vector<16xi32>], vector<16xf32>,
        %add3A_2500 = vector.broadcast %mul3A_1843 : i32 to vector<16xi32>
        %add3A_2501 = arith.addi %iota3A, %add3A_2500 : vector<16xi32>
        tpu.vector_store_idx %arg16[%add3A_2501, %broadcast_in_dim3A_2492], %gather3A_2499 : memref<32x128xf32, #tpu.memory_space<vmem>>[vector<16xi32>, vector<16xi32>], vector<16xf32>,
        %shift_right_arithmetic3A_2502 = arith.constant 3 : i32
        %shift_right_arithmetic3A_2503 = vector.broadcast %shift_right_arithmetic3A_2502 : i32 to vector<16xi32>
        %shift_right_arithmetic3A_2504 = arith.shrsi %broadcast_in_dim3A_2492, %shift_right_arithmetic3A_2503 : vector<16xi32>
        %and3A_2505 = arith.constant 7 : i32
        %and3A_2506 = vector.broadcast %and3A_2505 : i32 to vector<16xi32>
        %and3A_2507 = arith.andi %broadcast_in_dim3A_2492, %and3A_2506 : vector<16xi32>
        %gather3A_2508 = tpu.vector_load_idx %arg13[%shift_right_arithmetic3A_2504, %and3A_2507, %add3A_1869] : memref<8x8x512xf32, #tpu.memory_space<vmem>>[vector<16xi32>, vector<16xi32>, vector<16xi32>], vector<16xf32>,
        %add3A_2509 = vector.broadcast %mul3A_1843 : i32 to vector<16xi32>
        %add3A_2510 = arith.addi %iota3A, %add3A_2509 : vector<16xi32>
        %add3A_2511 = arith.constant 64 : i32
        %add3A_2512 = vector.broadcast %add3A_2511 : i32 to vector<16xi32>
        %add3A_2513 = arith.addi %broadcast_in_dim3A_2492, %add3A_2512 : vector<16xi32>
        tpu.vector_store_idx %arg16[%add3A_2510, %add3A_2513], %gather3A_2508 : memref<32x128xf32, #tpu.memory_space<vmem>>[vector<16xi32>, vector<16xi32>], vector<16xf32>,
        %broadcast_in_dim3A_2514 = arith.constant 28 : i32
        %broadcast_in_dim3A_2515 = vector.broadcast %broadcast_in_dim3A_2514 : i32 to vector<16xi32>
        %shift_right_arithmetic3A_2516 = arith.constant 3 : i32
        %shift_right_arithmetic3A_2517 = vector.broadcast %shift_right_arithmetic3A_2516 : i32 to vector<16xi32>
        %shift_right_arithmetic3A_2518 = arith.shrsi %broadcast_in_dim3A_2515, %shift_right_arithmetic3A_2517 : vector<16xi32>
        %and3A_2519 = arith.constant 7 : i32
        %and3A_2520 = vector.broadcast %and3A_2519 : i32 to vector<16xi32>
        %and3A_2521 = arith.andi %broadcast_in_dim3A_2515, %and3A_2520 : vector<16xi32>
        %gather3A_2522 = tpu.vector_load_idx %arg12[%shift_right_arithmetic3A_2518, %and3A_2521, %add3A_1860] : memref<8x8x512xf32, #tpu.memory_space<vmem>>[vector<16xi32>, vector<16xi32>, vector<16xi32>], vector<16xf32>,
        %add3A_2523 = vector.broadcast %mul3A_1843 : i32 to vector<16xi32>
        %add3A_2524 = arith.addi %iota3A, %add3A_2523 : vector<16xi32>
        tpu.vector_store_idx %arg16[%add3A_2524, %broadcast_in_dim3A_2515], %gather3A_2522 : memref<32x128xf32, #tpu.memory_space<vmem>>[vector<16xi32>, vector<16xi32>], vector<16xf32>,
        %shift_right_arithmetic3A_2525 = arith.constant 3 : i32
        %shift_right_arithmetic3A_2526 = vector.broadcast %shift_right_arithmetic3A_2525 : i32 to vector<16xi32>
        %shift_right_arithmetic3A_2527 = arith.shrsi %broadcast_in_dim3A_2515, %shift_right_arithmetic3A_2526 : vector<16xi32>
        %and3A_2528 = arith.constant 7 : i32
        %and3A_2529 = vector.broadcast %and3A_2528 : i32 to vector<16xi32>
        %and3A_2530 = arith.andi %broadcast_in_dim3A_2515, %and3A_2529 : vector<16xi32>
        %gather3A_2531 = tpu.vector_load_idx %arg13[%shift_right_arithmetic3A_2527, %and3A_2530, %add3A_1869] : memref<8x8x512xf32, #tpu.memory_space<vmem>>[vector<16xi32>, vector<16xi32>, vector<16xi32>], vector<16xf32>,
        %add3A_2532 = vector.broadcast %mul3A_1843 : i32 to vector<16xi32>
        %add3A_2533 = arith.addi %iota3A, %add3A_2532 : vector<16xi32>
        %add3A_2534 = arith.constant 64 : i32
        %add3A_2535 = vector.broadcast %add3A_2534 : i32 to vector<16xi32>
        %add3A_2536 = arith.addi %broadcast_in_dim3A_2515, %add3A_2535 : vector<16xi32>
        tpu.vector_store_idx %arg16[%add3A_2533, %add3A_2536], %gather3A_2531 : memref<32x128xf32, #tpu.memory_space<vmem>>[vector<16xi32>, vector<16xi32>], vector<16xf32>,
        %broadcast_in_dim3A_2537 = arith.constant 29 : i32
        %broadcast_in_dim3A_2538 = vector.broadcast %broadcast_in_dim3A_2537 : i32 to vector<16xi32>
        %shift_right_arithmetic3A_2539 = arith.constant 3 : i32
        %shift_right_arithmetic3A_2540 = vector.broadcast %shift_right_arithmetic3A_2539 : i32 to vector<16xi32>
        %shift_right_arithmetic3A_2541 = arith.shrsi %broadcast_in_dim3A_2538, %shift_right_arithmetic3A_2540 : vector<16xi32>
        %and3A_2542 = arith.constant 7 : i32
        %and3A_2543 = vector.broadcast %and3A_2542 : i32 to vector<16xi32>
        %and3A_2544 = arith.andi %broadcast_in_dim3A_2538, %and3A_2543 : vector<16xi32>
        %gather3A_2545 = tpu.vector_load_idx %arg12[%shift_right_arithmetic3A_2541, %and3A_2544, %add3A_1860] : memref<8x8x512xf32, #tpu.memory_space<vmem>>[vector<16xi32>, vector<16xi32>, vector<16xi32>], vector<16xf32>,
        %add3A_2546 = vector.broadcast %mul3A_1843 : i32 to vector<16xi32>
        %add3A_2547 = arith.addi %iota3A, %add3A_2546 : vector<16xi32>
        tpu.vector_store_idx %arg16[%add3A_2547, %broadcast_in_dim3A_2538], %gather3A_2545 : memref<32x128xf32, #tpu.memory_space<vmem>>[vector<16xi32>, vector<16xi32>], vector<16xf32>,
        %shift_right_arithmetic3A_2548 = arith.constant 3 : i32
        %shift_right_arithmetic3A_2549 = vector.broadcast %shift_right_arithmetic3A_2548 : i32 to vector<16xi32>
        %shift_right_arithmetic3A_2550 = arith.shrsi %broadcast_in_dim3A_2538, %shift_right_arithmetic3A_2549 : vector<16xi32>
        %and3A_2551 = arith.constant 7 : i32
        %and3A_2552 = vector.broadcast %and3A_2551 : i32 to vector<16xi32>
        %and3A_2553 = arith.andi %broadcast_in_dim3A_2538, %and3A_2552 : vector<16xi32>
        %gather3A_2554 = tpu.vector_load_idx %arg13[%shift_right_arithmetic3A_2550, %and3A_2553, %add3A_1869] : memref<8x8x512xf32, #tpu.memory_space<vmem>>[vector<16xi32>, vector<16xi32>, vector<16xi32>], vector<16xf32>,
        %add3A_2555 = vector.broadcast %mul3A_1843 : i32 to vector<16xi32>
        %add3A_2556 = arith.addi %iota3A, %add3A_2555 : vector<16xi32>
        %add3A_2557 = arith.constant 64 : i32
        %add3A_2558 = vector.broadcast %add3A_2557 : i32 to vector<16xi32>
        %add3A_2559 = arith.addi %broadcast_in_dim3A_2538, %add3A_2558 : vector<16xi32>
        tpu.vector_store_idx %arg16[%add3A_2556, %add3A_2559], %gather3A_2554 : memref<32x128xf32, #tpu.memory_space<vmem>>[vector<16xi32>, vector<16xi32>], vector<16xf32>,
        %broadcast_in_dim3A_2560 = arith.constant 30 : i32
        %broadcast_in_dim3A_2561 = vector.broadcast %broadcast_in_dim3A_2560 : i32 to vector<16xi32>
        %shift_right_arithmetic3A_2562 = arith.constant 3 : i32
        %shift_right_arithmetic3A_2563 = vector.broadcast %shift_right_arithmetic3A_2562 : i32 to vector<16xi32>
        %shift_right_arithmetic3A_2564 = arith.shrsi %broadcast_in_dim3A_2561, %shift_right_arithmetic3A_2563 : vector<16xi32>
        %and3A_2565 = arith.constant 7 : i32
        %and3A_2566 = vector.broadcast %and3A_2565 : i32 to vector<16xi32>
        %and3A_2567 = arith.andi %broadcast_in_dim3A_2561, %and3A_2566 : vector<16xi32>
        %gather3A_2568 = tpu.vector_load_idx %arg12[%shift_right_arithmetic3A_2564, %and3A_2567, %add3A_1860] : memref<8x8x512xf32, #tpu.memory_space<vmem>>[vector<16xi32>, vector<16xi32>, vector<16xi32>], vector<16xf32>,
        %add3A_2569 = vector.broadcast %mul3A_1843 : i32 to vector<16xi32>
        %add3A_2570 = arith.addi %iota3A, %add3A_2569 : vector<16xi32>
        tpu.vector_store_idx %arg16[%add3A_2570, %broadcast_in_dim3A_2561], %gather3A_2568 : memref<32x128xf32, #tpu.memory_space<vmem>>[vector<16xi32>, vector<16xi32>], vector<16xf32>,
        %shift_right_arithmetic3A_2571 = arith.constant 3 : i32
        %shift_right_arithmetic3A_2572 = vector.broadcast %shift_right_arithmetic3A_2571 : i32 to vector<16xi32>
        %shift_right_arithmetic3A_2573 = arith.shrsi %broadcast_in_dim3A_2561, %shift_right_arithmetic3A_2572 : vector<16xi32>
        %and3A_2574 = arith.constant 7 : i32
        %and3A_2575 = vector.broadcast %and3A_2574 : i32 to vector<16xi32>
        %and3A_2576 = arith.andi %broadcast_in_dim3A_2561, %and3A_2575 : vector<16xi32>
        %gather3A_2577 = tpu.vector_load_idx %arg13[%shift_right_arithmetic3A_2573, %and3A_2576, %add3A_1869] : memref<8x8x512xf32, #tpu.memory_space<vmem>>[vector<16xi32>, vector<16xi32>, vector<16xi32>], vector<16xf32>,
        %add3A_2578 = vector.broadcast %mul3A_1843 : i32 to vector<16xi32>
        %add3A_2579 = arith.addi %iota3A, %add3A_2578 : vector<16xi32>
        %add3A_2580 = arith.constant 64 : i32
        %add3A_2581 = vector.broadcast %add3A_2580 : i32 to vector<16xi32>
        %add3A_2582 = arith.addi %broadcast_in_dim3A_2561, %add3A_2581 : vector<16xi32>
        tpu.vector_store_idx %arg16[%add3A_2579, %add3A_2582], %gather3A_2577 : memref<32x128xf32, #tpu.memory_space<vmem>>[vector<16xi32>, vector<16xi32>], vector<16xf32>,
        %broadcast_in_dim3A_2583 = arith.constant 31 : i32
        %broadcast_in_dim3A_2584 = vector.broadcast %broadcast_in_dim3A_2583 : i32 to vector<16xi32>
        %shift_right_arithmetic3A_2585 = arith.constant 3 : i32
        %shift_right_arithmetic3A_2586 = vector.broadcast %shift_right_arithmetic3A_2585 : i32 to vector<16xi32>
        %shift_right_arithmetic3A_2587 = arith.shrsi %broadcast_in_dim3A_2584, %shift_right_arithmetic3A_2586 : vector<16xi32>
        %and3A_2588 = arith.constant 7 : i32
        %and3A_2589 = vector.broadcast %and3A_2588 : i32 to vector<16xi32>
        %and3A_2590 = arith.andi %broadcast_in_dim3A_2584, %and3A_2589 : vector<16xi32>
        %gather3A_2591 = tpu.vector_load_idx %arg12[%shift_right_arithmetic3A_2587, %and3A_2590, %add3A_1860] : memref<8x8x512xf32, #tpu.memory_space<vmem>>[vector<16xi32>, vector<16xi32>, vector<16xi32>], vector<16xf32>,
        %add3A_2592 = vector.broadcast %mul3A_1843 : i32 to vector<16xi32>
        %add3A_2593 = arith.addi %iota3A, %add3A_2592 : vector<16xi32>
        tpu.vector_store_idx %arg16[%add3A_2593, %broadcast_in_dim3A_2584], %gather3A_2591 : memref<32x128xf32, #tpu.memory_space<vmem>>[vector<16xi32>, vector<16xi32>], vector<16xf32>,
        %shift_right_arithmetic3A_2594 = arith.constant 3 : i32
        %shift_right_arithmetic3A_2595 = vector.broadcast %shift_right_arithmetic3A_2594 : i32 to vector<16xi32>
        %shift_right_arithmetic3A_2596 = arith.shrsi %broadcast_in_dim3A_2584, %shift_right_arithmetic3A_2595 : vector<16xi32>
        %and3A_2597 = arith.constant 7 : i32
        %and3A_2598 = vector.broadcast %and3A_2597 : i32 to vector<16xi32>
        %and3A_2599 = arith.andi %broadcast_in_dim3A_2584, %and3A_2598 : vector<16xi32>
        %gather3A_2600 = tpu.vector_load_idx %arg13[%shift_right_arithmetic3A_2596, %and3A_2599, %add3A_1869] : memref<8x8x512xf32, #tpu.memory_space<vmem>>[vector<16xi32>, vector<16xi32>, vector<16xi32>], vector<16xf32>,
        %add3A_2601 = vector.broadcast %mul3A_1843 : i32 to vector<16xi32>
        %add3A_2602 = arith.addi %iota3A, %add3A_2601 : vector<16xi32>
        %add3A_2603 = arith.constant 64 : i32
        %add3A_2604 = vector.broadcast %add3A_2603 : i32 to vector<16xi32>
        %add3A_2605 = arith.addi %broadcast_in_dim3A_2584, %add3A_2604 : vector<16xi32>
        tpu.vector_store_idx %arg16[%add3A_2602, %add3A_2605], %gather3A_2600 : memref<32x128xf32, #tpu.memory_space<vmem>>[vector<16xi32>, vector<16xi32>], vector<16xf32>,
        %broadcast_in_dim3A_2606 = arith.constant 32 : i32
        %broadcast_in_dim3A_2607 = vector.broadcast %broadcast_in_dim3A_2606 : i32 to vector<16xi32>
        %shift_right_arithmetic3A_2608 = arith.constant 3 : i32
        %shift_right_arithmetic3A_2609 = vector.broadcast %shift_right_arithmetic3A_2608 : i32 to vector<16xi32>
        %shift_right_arithmetic3A_2610 = arith.shrsi %broadcast_in_dim3A_2607, %shift_right_arithmetic3A_2609 : vector<16xi32>
        %and3A_2611 = arith.constant 7 : i32
        %and3A_2612 = vector.broadcast %and3A_2611 : i32 to vector<16xi32>
        %and3A_2613 = arith.andi %broadcast_in_dim3A_2607, %and3A_2612 : vector<16xi32>
        %gather3A_2614 = tpu.vector_load_idx %arg12[%shift_right_arithmetic3A_2610, %and3A_2613, %add3A_1860] : memref<8x8x512xf32, #tpu.memory_space<vmem>>[vector<16xi32>, vector<16xi32>, vector<16xi32>], vector<16xf32>,
        %add3A_2615 = vector.broadcast %mul3A_1843 : i32 to vector<16xi32>
        %add3A_2616 = arith.addi %iota3A, %add3A_2615 : vector<16xi32>
        tpu.vector_store_idx %arg16[%add3A_2616, %broadcast_in_dim3A_2607], %gather3A_2614 : memref<32x128xf32, #tpu.memory_space<vmem>>[vector<16xi32>, vector<16xi32>], vector<16xf32>,
        %shift_right_arithmetic3A_2617 = arith.constant 3 : i32
        %shift_right_arithmetic3A_2618 = vector.broadcast %shift_right_arithmetic3A_2617 : i32 to vector<16xi32>
        %shift_right_arithmetic3A_2619 = arith.shrsi %broadcast_in_dim3A_2607, %shift_right_arithmetic3A_2618 : vector<16xi32>
        %and3A_2620 = arith.constant 7 : i32
        %and3A_2621 = vector.broadcast %and3A_2620 : i32 to vector<16xi32>
        %and3A_2622 = arith.andi %broadcast_in_dim3A_2607, %and3A_2621 : vector<16xi32>
        %gather3A_2623 = tpu.vector_load_idx %arg13[%shift_right_arithmetic3A_2619, %and3A_2622, %add3A_1869] : memref<8x8x512xf32, #tpu.memory_space<vmem>>[vector<16xi32>, vector<16xi32>, vector<16xi32>], vector<16xf32>,
        %add3A_2624 = vector.broadcast %mul3A_1843 : i32 to vector<16xi32>
        %add3A_2625 = arith.addi %iota3A, %add3A_2624 : vector<16xi32>
        %add3A_2626 = arith.constant 64 : i32
        %add3A_2627 = vector.broadcast %add3A_2626 : i32 to vector<16xi32>
        %add3A_2628 = arith.addi %broadcast_in_dim3A_2607, %add3A_2627 : vector<16xi32>
        tpu.vector_store_idx %arg16[%add3A_2625, %add3A_2628], %gather3A_2623 : memref<32x128xf32, #tpu.memory_space<vmem>>[vector<16xi32>, vector<16xi32>], vector<16xf32>,
        %broadcast_in_dim3A_2629 = arith.constant 33 : i32
        %broadcast_in_dim3A_2630 = vector.broadcast %broadcast_in_dim3A_2629 : i32 to vector<16xi32>
        %shift_right_arithmetic3A_2631 = arith.constant 3 : i32
        %shift_right_arithmetic3A_2632 = vector.broadcast %shift_right_arithmetic3A_2631 : i32 to vector<16xi32>
        %shift_right_arithmetic3A_2633 = arith.shrsi %broadcast_in_dim3A_2630, %shift_right_arithmetic3A_2632 : vector<16xi32>
        %and3A_2634 = arith.constant 7 : i32
        %and3A_2635 = vector.broadcast %and3A_2634 : i32 to vector<16xi32>
        %and3A_2636 = arith.andi %broadcast_in_dim3A_2630, %and3A_2635 : vector<16xi32>
        %gather3A_2637 = tpu.vector_load_idx %arg12[%shift_right_arithmetic3A_2633, %and3A_2636, %add3A_1860] : memref<8x8x512xf32, #tpu.memory_space<vmem>>[vector<16xi32>, vector<16xi32>, vector<16xi32>], vector<16xf32>,
        %add3A_2638 = vector.broadcast %mul3A_1843 : i32 to vector<16xi32>
        %add3A_2639 = arith.addi %iota3A, %add3A_2638 : vector<16xi32>
        tpu.vector_store_idx %arg16[%add3A_2639, %broadcast_in_dim3A_2630], %gather3A_2637 : memref<32x128xf32, #tpu.memory_space<vmem>>[vector<16xi32>, vector<16xi32>], vector<16xf32>,
        %shift_right_arithmetic3A_2640 = arith.constant 3 : i32
        %shift_right_arithmetic3A_2641 = vector.broadcast %shift_right_arithmetic3A_2640 : i32 to vector<16xi32>
        %shift_right_arithmetic3A_2642 = arith.shrsi %broadcast_in_dim3A_2630, %shift_right_arithmetic3A_2641 : vector<16xi32>
        %and3A_2643 = arith.constant 7 : i32
        %and3A_2644 = vector.broadcast %and3A_2643 : i32 to vector<16xi32>
        %and3A_2645 = arith.andi %broadcast_in_dim3A_2630, %and3A_2644 : vector<16xi32>
        %gather3A_2646 = tpu.vector_load_idx %arg13[%shift_right_arithmetic3A_2642, %and3A_2645, %add3A_1869] : memref<8x8x512xf32, #tpu.memory_space<vmem>>[vector<16xi32>, vector<16xi32>, vector<16xi32>], vector<16xf32>,
        %add3A_2647 = vector.broadcast %mul3A_1843 : i32 to vector<16xi32>
        %add3A_2648 = arith.addi %iota3A, %add3A_2647 : vector<16xi32>
        %add3A_2649 = arith.constant 64 : i32
        %add3A_2650 = vector.broadcast %add3A_2649 : i32 to vector<16xi32>
        %add3A_2651 = arith.addi %broadcast_in_dim3A_2630, %add3A_2650 : vector<16xi32>
        tpu.vector_store_idx %arg16[%add3A_2648, %add3A_2651], %gather3A_2646 : memref<32x128xf32, #tpu.memory_space<vmem>>[vector<16xi32>, vector<16xi32>], vector<16xf32>,
        %broadcast_in_dim3A_2652 = arith.constant 34 : i32
        %broadcast_in_dim3A_2653 = vector.broadcast %broadcast_in_dim3A_2652 : i32 to vector<16xi32>
        %shift_right_arithmetic3A_2654 = arith.constant 3 : i32
        %shift_right_arithmetic3A_2655 = vector.broadcast %shift_right_arithmetic3A_2654 : i32 to vector<16xi32>
        %shift_right_arithmetic3A_2656 = arith.shrsi %broadcast_in_dim3A_2653, %shift_right_arithmetic3A_2655 : vector<16xi32>
        %and3A_2657 = arith.constant 7 : i32
        %and3A_2658 = vector.broadcast %and3A_2657 : i32 to vector<16xi32>
        %and3A_2659 = arith.andi %broadcast_in_dim3A_2653, %and3A_2658 : vector<16xi32>
        %gather3A_2660 = tpu.vector_load_idx %arg12[%shift_right_arithmetic3A_2656, %and3A_2659, %add3A_1860] : memref<8x8x512xf32, #tpu.memory_space<vmem>>[vector<16xi32>, vector<16xi32>, vector<16xi32>], vector<16xf32>,
        %add3A_2661 = vector.broadcast %mul3A_1843 : i32 to vector<16xi32>
        %add3A_2662 = arith.addi %iota3A, %add3A_2661 : vector<16xi32>
        tpu.vector_store_idx %arg16[%add3A_2662, %broadcast_in_dim3A_2653], %gather3A_2660 : memref<32x128xf32, #tpu.memory_space<vmem>>[vector<16xi32>, vector<16xi32>], vector<16xf32>,
        %shift_right_arithmetic3A_2663 = arith.constant 3 : i32
        %shift_right_arithmetic3A_2664 = vector.broadcast %shift_right_arithmetic3A_2663 : i32 to vector<16xi32>
        %shift_right_arithmetic3A_2665 = arith.shrsi %broadcast_in_dim3A_2653, %shift_right_arithmetic3A_2664 : vector<16xi32>
        %and3A_2666 = arith.constant 7 : i32
        %and3A_2667 = vector.broadcast %and3A_2666 : i32 to vector<16xi32>
        %and3A_2668 = arith.andi %broadcast_in_dim3A_2653, %and3A_2667 : vector<16xi32>
        %gather3A_2669 = tpu.vector_load_idx %arg13[%shift_right_arithmetic3A_2665, %and3A_2668, %add3A_1869] : memref<8x8x512xf32, #tpu.memory_space<vmem>>[vector<16xi32>, vector<16xi32>, vector<16xi32>], vector<16xf32>,
        %add3A_2670 = vector.broadcast %mul3A_1843 : i32 to vector<16xi32>
        %add3A_2671 = arith.addi %iota3A, %add3A_2670 : vector<16xi32>
        %add3A_2672 = arith.constant 64 : i32
        %add3A_2673 = vector.broadcast %add3A_2672 : i32 to vector<16xi32>
        %add3A_2674 = arith.addi %broadcast_in_dim3A_2653, %add3A_2673 : vector<16xi32>
        tpu.vector_store_idx %arg16[%add3A_2671, %add3A_2674], %gather3A_2669 : memref<32x128xf32, #tpu.memory_space<vmem>>[vector<16xi32>, vector<16xi32>], vector<16xf32>,
        %broadcast_in_dim3A_2675 = arith.constant 35 : i32
        %broadcast_in_dim3A_2676 = vector.broadcast %broadcast_in_dim3A_2675 : i32 to vector<16xi32>
        %shift_right_arithmetic3A_2677 = arith.constant 3 : i32
        %shift_right_arithmetic3A_2678 = vector.broadcast %shift_right_arithmetic3A_2677 : i32 to vector<16xi32>
        %shift_right_arithmetic3A_2679 = arith.shrsi %broadcast_in_dim3A_2676, %shift_right_arithmetic3A_2678 : vector<16xi32>
        %and3A_2680 = arith.constant 7 : i32
        %and3A_2681 = vector.broadcast %and3A_2680 : i32 to vector<16xi32>
        %and3A_2682 = arith.andi %broadcast_in_dim3A_2676, %and3A_2681 : vector<16xi32>
        %gather3A_2683 = tpu.vector_load_idx %arg12[%shift_right_arithmetic3A_2679, %and3A_2682, %add3A_1860] : memref<8x8x512xf32, #tpu.memory_space<vmem>>[vector<16xi32>, vector<16xi32>, vector<16xi32>], vector<16xf32>,
        %add3A_2684 = vector.broadcast %mul3A_1843 : i32 to vector<16xi32>
        %add3A_2685 = arith.addi %iota3A, %add3A_2684 : vector<16xi32>
        tpu.vector_store_idx %arg16[%add3A_2685, %broadcast_in_dim3A_2676], %gather3A_2683 : memref<32x128xf32, #tpu.memory_space<vmem>>[vector<16xi32>, vector<16xi32>], vector<16xf32>,
        %shift_right_arithmetic3A_2686 = arith.constant 3 : i32
        %shift_right_arithmetic3A_2687 = vector.broadcast %shift_right_arithmetic3A_2686 : i32 to vector<16xi32>
        %shift_right_arithmetic3A_2688 = arith.shrsi %broadcast_in_dim3A_2676, %shift_right_arithmetic3A_2687 : vector<16xi32>
        %and3A_2689 = arith.constant 7 : i32
        %and3A_2690 = vector.broadcast %and3A_2689 : i32 to vector<16xi32>
        %and3A_2691 = arith.andi %broadcast_in_dim3A_2676, %and3A_2690 : vector<16xi32>
        %gather3A_2692 = tpu.vector_load_idx %arg13[%shift_right_arithmetic3A_2688, %and3A_2691, %add3A_1869] : memref<8x8x512xf32, #tpu.memory_space<vmem>>[vector<16xi32>, vector<16xi32>, vector<16xi32>], vector<16xf32>,
        %add3A_2693 = vector.broadcast %mul3A_1843 : i32 to vector<16xi32>
        %add3A_2694 = arith.addi %iota3A, %add3A_2693 : vector<16xi32>
        %add3A_2695 = arith.constant 64 : i32
        %add3A_2696 = vector.broadcast %add3A_2695 : i32 to vector<16xi32>
        %add3A_2697 = arith.addi %broadcast_in_dim3A_2676, %add3A_2696 : vector<16xi32>
        tpu.vector_store_idx %arg16[%add3A_2694, %add3A_2697], %gather3A_2692 : memref<32x128xf32, #tpu.memory_space<vmem>>[vector<16xi32>, vector<16xi32>], vector<16xf32>,
        %broadcast_in_dim3A_2698 = arith.constant 36 : i32
        %broadcast_in_dim3A_2699 = vector.broadcast %broadcast_in_dim3A_2698 : i32 to vector<16xi32>
        %shift_right_arithmetic3A_2700 = arith.constant 3 : i32
        %shift_right_arithmetic3A_2701 = vector.broadcast %shift_right_arithmetic3A_2700 : i32 to vector<16xi32>
        %shift_right_arithmetic3A_2702 = arith.shrsi %broadcast_in_dim3A_2699, %shift_right_arithmetic3A_2701 : vector<16xi32>
        %and3A_2703 = arith.constant 7 : i32
        %and3A_2704 = vector.broadcast %and3A_2703 : i32 to vector<16xi32>
        %and3A_2705 = arith.andi %broadcast_in_dim3A_2699, %and3A_2704 : vector<16xi32>
        %gather3A_2706 = tpu.vector_load_idx %arg12[%shift_right_arithmetic3A_2702, %and3A_2705, %add3A_1860] : memref<8x8x512xf32, #tpu.memory_space<vmem>>[vector<16xi32>, vector<16xi32>, vector<16xi32>], vector<16xf32>,
        %add3A_2707 = vector.broadcast %mul3A_1843 : i32 to vector<16xi32>
        %add3A_2708 = arith.addi %iota3A, %add3A_2707 : vector<16xi32>
        tpu.vector_store_idx %arg16[%add3A_2708, %broadcast_in_dim3A_2699], %gather3A_2706 : memref<32x128xf32, #tpu.memory_space<vmem>>[vector<16xi32>, vector<16xi32>], vector<16xf32>,
        %shift_right_arithmetic3A_2709 = arith.constant 3 : i32
        %shift_right_arithmetic3A_2710 = vector.broadcast %shift_right_arithmetic3A_2709 : i32 to vector<16xi32>
        %shift_right_arithmetic3A_2711 = arith.shrsi %broadcast_in_dim3A_2699, %shift_right_arithmetic3A_2710 : vector<16xi32>
        %and3A_2712 = arith.constant 7 : i32
        %and3A_2713 = vector.broadcast %and3A_2712 : i32 to vector<16xi32>
        %and3A_2714 = arith.andi %broadcast_in_dim3A_2699, %and3A_2713 : vector<16xi32>
        %gather3A_2715 = tpu.vector_load_idx %arg13[%shift_right_arithmetic3A_2711, %and3A_2714, %add3A_1869] : memref<8x8x512xf32, #tpu.memory_space<vmem>>[vector<16xi32>, vector<16xi32>, vector<16xi32>], vector<16xf32>,
        %add3A_2716 = vector.broadcast %mul3A_1843 : i32 to vector<16xi32>
        %add3A_2717 = arith.addi %iota3A, %add3A_2716 : vector<16xi32>
        %add3A_2718 = arith.constant 64 : i32
        %add3A_2719 = vector.broadcast %add3A_2718 : i32 to vector<16xi32>
        %add3A_2720 = arith.addi %broadcast_in_dim3A_2699, %add3A_2719 : vector<16xi32>
        tpu.vector_store_idx %arg16[%add3A_2717, %add3A_2720], %gather3A_2715 : memref<32x128xf32, #tpu.memory_space<vmem>>[vector<16xi32>, vector<16xi32>], vector<16xf32>,
        %broadcast_in_dim3A_2721 = arith.constant 37 : i32
        %broadcast_in_dim3A_2722 = vector.broadcast %broadcast_in_dim3A_2721 : i32 to vector<16xi32>
        %shift_right_arithmetic3A_2723 = arith.constant 3 : i32
        %shift_right_arithmetic3A_2724 = vector.broadcast %shift_right_arithmetic3A_2723 : i32 to vector<16xi32>
        %shift_right_arithmetic3A_2725 = arith.shrsi %broadcast_in_dim3A_2722, %shift_right_arithmetic3A_2724 : vector<16xi32>
        %and3A_2726 = arith.constant 7 : i32
        %and3A_2727 = vector.broadcast %and3A_2726 : i32 to vector<16xi32>
        %and3A_2728 = arith.andi %broadcast_in_dim3A_2722, %and3A_2727 : vector<16xi32>
        %gather3A_2729 = tpu.vector_load_idx %arg12[%shift_right_arithmetic3A_2725, %and3A_2728, %add3A_1860] : memref<8x8x512xf32, #tpu.memory_space<vmem>>[vector<16xi32>, vector<16xi32>, vector<16xi32>], vector<16xf32>,
        %add3A_2730 = vector.broadcast %mul3A_1843 : i32 to vector<16xi32>
        %add3A_2731 = arith.addi %iota3A, %add3A_2730 : vector<16xi32>
        tpu.vector_store_idx %arg16[%add3A_2731, %broadcast_in_dim3A_2722], %gather3A_2729 : memref<32x128xf32, #tpu.memory_space<vmem>>[vector<16xi32>, vector<16xi32>], vector<16xf32>,
        %shift_right_arithmetic3A_2732 = arith.constant 3 : i32
        %shift_right_arithmetic3A_2733 = vector.broadcast %shift_right_arithmetic3A_2732 : i32 to vector<16xi32>
        %shift_right_arithmetic3A_2734 = arith.shrsi %broadcast_in_dim3A_2722, %shift_right_arithmetic3A_2733 : vector<16xi32>
        %and3A_2735 = arith.constant 7 : i32
        %and3A_2736 = vector.broadcast %and3A_2735 : i32 to vector<16xi32>
        %and3A_2737 = arith.andi %broadcast_in_dim3A_2722, %and3A_2736 : vector<16xi32>
        %gather3A_2738 = tpu.vector_load_idx %arg13[%shift_right_arithmetic3A_2734, %and3A_2737, %add3A_1869] : memref<8x8x512xf32, #tpu.memory_space<vmem>>[vector<16xi32>, vector<16xi32>, vector<16xi32>], vector<16xf32>,
        %add3A_2739 = vector.broadcast %mul3A_1843 : i32 to vector<16xi32>
        %add3A_2740 = arith.addi %iota3A, %add3A_2739 : vector<16xi32>
        %add3A_2741 = arith.constant 64 : i32
        %add3A_2742 = vector.broadcast %add3A_2741 : i32 to vector<16xi32>
        %add3A_2743 = arith.addi %broadcast_in_dim3A_2722, %add3A_2742 : vector<16xi32>
        tpu.vector_store_idx %arg16[%add3A_2740, %add3A_2743], %gather3A_2738 : memref<32x128xf32, #tpu.memory_space<vmem>>[vector<16xi32>, vector<16xi32>], vector<16xf32>,
        %broadcast_in_dim3A_2744 = arith.constant 38 : i32
        %broadcast_in_dim3A_2745 = vector.broadcast %broadcast_in_dim3A_2744 : i32 to vector<16xi32>
        %shift_right_arithmetic3A_2746 = arith.constant 3 : i32
        %shift_right_arithmetic3A_2747 = vector.broadcast %shift_right_arithmetic3A_2746 : i32 to vector<16xi32>
        %shift_right_arithmetic3A_2748 = arith.shrsi %broadcast_in_dim3A_2745, %shift_right_arithmetic3A_2747 : vector<16xi32>
        %and3A_2749 = arith.constant 7 : i32
        %and3A_2750 = vector.broadcast %and3A_2749 : i32 to vector<16xi32>
        %and3A_2751 = arith.andi %broadcast_in_dim3A_2745, %and3A_2750 : vector<16xi32>
        %gather3A_2752 = tpu.vector_load_idx %arg12[%shift_right_arithmetic3A_2748, %and3A_2751, %add3A_1860] : memref<8x8x512xf32, #tpu.memory_space<vmem>>[vector<16xi32>, vector<16xi32>, vector<16xi32>], vector<16xf32>,
        %add3A_2753 = vector.broadcast %mul3A_1843 : i32 to vector<16xi32>
        %add3A_2754 = arith.addi %iota3A, %add3A_2753 : vector<16xi32>
        tpu.vector_store_idx %arg16[%add3A_2754, %broadcast_in_dim3A_2745], %gather3A_2752 : memref<32x128xf32, #tpu.memory_space<vmem>>[vector<16xi32>, vector<16xi32>], vector<16xf32>,
        %shift_right_arithmetic3A_2755 = arith.constant 3 : i32
        %shift_right_arithmetic3A_2756 = vector.broadcast %shift_right_arithmetic3A_2755 : i32 to vector<16xi32>
        %shift_right_arithmetic3A_2757 = arith.shrsi %broadcast_in_dim3A_2745, %shift_right_arithmetic3A_2756 : vector<16xi32>
        %and3A_2758 = arith.constant 7 : i32
        %and3A_2759 = vector.broadcast %and3A_2758 : i32 to vector<16xi32>
        %and3A_2760 = arith.andi %broadcast_in_dim3A_2745, %and3A_2759 : vector<16xi32>
        %gather3A_2761 = tpu.vector_load_idx %arg13[%shift_right_arithmetic3A_2757, %and3A_2760, %add3A_1869] : memref<8x8x512xf32, #tpu.memory_space<vmem>>[vector<16xi32>, vector<16xi32>, vector<16xi32>], vector<16xf32>,
        %add3A_2762 = vector.broadcast %mul3A_1843 : i32 to vector<16xi32>
        %add3A_2763 = arith.addi %iota3A, %add3A_2762 : vector<16xi32>
        %add3A_2764 = arith.constant 64 : i32
        %add3A_2765 = vector.broadcast %add3A_2764 : i32 to vector<16xi32>
        %add3A_2766 = arith.addi %broadcast_in_dim3A_2745, %add3A_2765 : vector<16xi32>
        tpu.vector_store_idx %arg16[%add3A_2763, %add3A_2766], %gather3A_2761 : memref<32x128xf32, #tpu.memory_space<vmem>>[vector<16xi32>, vector<16xi32>], vector<16xf32>,
        %broadcast_in_dim3A_2767 = arith.constant 39 : i32
        %broadcast_in_dim3A_2768 = vector.broadcast %broadcast_in_dim3A_2767 : i32 to vector<16xi32>
        %shift_right_arithmetic3A_2769 = arith.constant 3 : i32
        %shift_right_arithmetic3A_2770 = vector.broadcast %shift_right_arithmetic3A_2769 : i32 to vector<16xi32>
        %shift_right_arithmetic3A_2771 = arith.shrsi %broadcast_in_dim3A_2768, %shift_right_arithmetic3A_2770 : vector<16xi32>
        %and3A_2772 = arith.constant 7 : i32
        %and3A_2773 = vector.broadcast %and3A_2772 : i32 to vector<16xi32>
        %and3A_2774 = arith.andi %broadcast_in_dim3A_2768, %and3A_2773 : vector<16xi32>
        %gather3A_2775 = tpu.vector_load_idx %arg12[%shift_right_arithmetic3A_2771, %and3A_2774, %add3A_1860] : memref<8x8x512xf32, #tpu.memory_space<vmem>>[vector<16xi32>, vector<16xi32>, vector<16xi32>], vector<16xf32>,
        %add3A_2776 = vector.broadcast %mul3A_1843 : i32 to vector<16xi32>
        %add3A_2777 = arith.addi %iota3A, %add3A_2776 : vector<16xi32>
        tpu.vector_store_idx %arg16[%add3A_2777, %broadcast_in_dim3A_2768], %gather3A_2775 : memref<32x128xf32, #tpu.memory_space<vmem>>[vector<16xi32>, vector<16xi32>], vector<16xf32>,
        %shift_right_arithmetic3A_2778 = arith.constant 3 : i32
        %shift_right_arithmetic3A_2779 = vector.broadcast %shift_right_arithmetic3A_2778 : i32 to vector<16xi32>
        %shift_right_arithmetic3A_2780 = arith.shrsi %broadcast_in_dim3A_2768, %shift_right_arithmetic3A_2779 : vector<16xi32>
        %and3A_2781 = arith.constant 7 : i32
        %and3A_2782 = vector.broadcast %and3A_2781 : i32 to vector<16xi32>
        %and3A_2783 = arith.andi %broadcast_in_dim3A_2768, %and3A_2782 : vector<16xi32>
        %gather3A_2784 = tpu.vector_load_idx %arg13[%shift_right_arithmetic3A_2780, %and3A_2783, %add3A_1869] : memref<8x8x512xf32, #tpu.memory_space<vmem>>[vector<16xi32>, vector<16xi32>, vector<16xi32>], vector<16xf32>,
        %add3A_2785 = vector.broadcast %mul3A_1843 : i32 to vector<16xi32>
        %add3A_2786 = arith.addi %iota3A, %add3A_2785 : vector<16xi32>
        %add3A_2787 = arith.constant 64 : i32
        %add3A_2788 = vector.broadcast %add3A_2787 : i32 to vector<16xi32>
        %add3A_2789 = arith.addi %broadcast_in_dim3A_2768, %add3A_2788 : vector<16xi32>
        tpu.vector_store_idx %arg16[%add3A_2786, %add3A_2789], %gather3A_2784 : memref<32x128xf32, #tpu.memory_space<vmem>>[vector<16xi32>, vector<16xi32>], vector<16xf32>,
        %broadcast_in_dim3A_2790 = arith.constant 40 : i32
        %broadcast_in_dim3A_2791 = vector.broadcast %broadcast_in_dim3A_2790 : i32 to vector<16xi32>
        %shift_right_arithmetic3A_2792 = arith.constant 3 : i32
        %shift_right_arithmetic3A_2793 = vector.broadcast %shift_right_arithmetic3A_2792 : i32 to vector<16xi32>
        %shift_right_arithmetic3A_2794 = arith.shrsi %broadcast_in_dim3A_2791, %shift_right_arithmetic3A_2793 : vector<16xi32>
        %and3A_2795 = arith.constant 7 : i32
        %and3A_2796 = vector.broadcast %and3A_2795 : i32 to vector<16xi32>
        %and3A_2797 = arith.andi %broadcast_in_dim3A_2791, %and3A_2796 : vector<16xi32>
        %gather3A_2798 = tpu.vector_load_idx %arg12[%shift_right_arithmetic3A_2794, %and3A_2797, %add3A_1860] : memref<8x8x512xf32, #tpu.memory_space<vmem>>[vector<16xi32>, vector<16xi32>, vector<16xi32>], vector<16xf32>,
        %add3A_2799 = vector.broadcast %mul3A_1843 : i32 to vector<16xi32>
        %add3A_2800 = arith.addi %iota3A, %add3A_2799 : vector<16xi32>
        tpu.vector_store_idx %arg16[%add3A_2800, %broadcast_in_dim3A_2791], %gather3A_2798 : memref<32x128xf32, #tpu.memory_space<vmem>>[vector<16xi32>, vector<16xi32>], vector<16xf32>,
        %shift_right_arithmetic3A_2801 = arith.constant 3 : i32
        %shift_right_arithmetic3A_2802 = vector.broadcast %shift_right_arithmetic3A_2801 : i32 to vector<16xi32>
        %shift_right_arithmetic3A_2803 = arith.shrsi %broadcast_in_dim3A_2791, %shift_right_arithmetic3A_2802 : vector<16xi32>
        %and3A_2804 = arith.constant 7 : i32
        %and3A_2805 = vector.broadcast %and3A_2804 : i32 to vector<16xi32>
        %and3A_2806 = arith.andi %broadcast_in_dim3A_2791, %and3A_2805 : vector<16xi32>
        %gather3A_2807 = tpu.vector_load_idx %arg13[%shift_right_arithmetic3A_2803, %and3A_2806, %add3A_1869] : memref<8x8x512xf32, #tpu.memory_space<vmem>>[vector<16xi32>, vector<16xi32>, vector<16xi32>], vector<16xf32>,
        %add3A_2808 = vector.broadcast %mul3A_1843 : i32 to vector<16xi32>
        %add3A_2809 = arith.addi %iota3A, %add3A_2808 : vector<16xi32>
        %add3A_2810 = arith.constant 64 : i32
        %add3A_2811 = vector.broadcast %add3A_2810 : i32 to vector<16xi32>
        %add3A_2812 = arith.addi %broadcast_in_dim3A_2791, %add3A_2811 : vector<16xi32>
        tpu.vector_store_idx %arg16[%add3A_2809, %add3A_2812], %gather3A_2807 : memref<32x128xf32, #tpu.memory_space<vmem>>[vector<16xi32>, vector<16xi32>], vector<16xf32>,
        %broadcast_in_dim3A_2813 = arith.constant 41 : i32
        %broadcast_in_dim3A_2814 = vector.broadcast %broadcast_in_dim3A_2813 : i32 to vector<16xi32>
        %shift_right_arithmetic3A_2815 = arith.constant 3 : i32
        %shift_right_arithmetic3A_2816 = vector.broadcast %shift_right_arithmetic3A_2815 : i32 to vector<16xi32>
        %shift_right_arithmetic3A_2817 = arith.shrsi %broadcast_in_dim3A_2814, %shift_right_arithmetic3A_2816 : vector<16xi32>
        %and3A_2818 = arith.constant 7 : i32
        %and3A_2819 = vector.broadcast %and3A_2818 : i32 to vector<16xi32>
        %and3A_2820 = arith.andi %broadcast_in_dim3A_2814, %and3A_2819 : vector<16xi32>
        %gather3A_2821 = tpu.vector_load_idx %arg12[%shift_right_arithmetic3A_2817, %and3A_2820, %add3A_1860] : memref<8x8x512xf32, #tpu.memory_space<vmem>>[vector<16xi32>, vector<16xi32>, vector<16xi32>], vector<16xf32>,
        %add3A_2822 = vector.broadcast %mul3A_1843 : i32 to vector<16xi32>
        %add3A_2823 = arith.addi %iota3A, %add3A_2822 : vector<16xi32>
        tpu.vector_store_idx %arg16[%add3A_2823, %broadcast_in_dim3A_2814], %gather3A_2821 : memref<32x128xf32, #tpu.memory_space<vmem>>[vector<16xi32>, vector<16xi32>], vector<16xf32>,
        %shift_right_arithmetic3A_2824 = arith.constant 3 : i32
        %shift_right_arithmetic3A_2825 = vector.broadcast %shift_right_arithmetic3A_2824 : i32 to vector<16xi32>
        %shift_right_arithmetic3A_2826 = arith.shrsi %broadcast_in_dim3A_2814, %shift_right_arithmetic3A_2825 : vector<16xi32>
        %and3A_2827 = arith.constant 7 : i32
        %and3A_2828 = vector.broadcast %and3A_2827 : i32 to vector<16xi32>
        %and3A_2829 = arith.andi %broadcast_in_dim3A_2814, %and3A_2828 : vector<16xi32>
        %gather3A_2830 = tpu.vector_load_idx %arg13[%shift_right_arithmetic3A_2826, %and3A_2829, %add3A_1869] : memref<8x8x512xf32, #tpu.memory_space<vmem>>[vector<16xi32>, vector<16xi32>, vector<16xi32>], vector<16xf32>,
        %add3A_2831 = vector.broadcast %mul3A_1843 : i32 to vector<16xi32>
        %add3A_2832 = arith.addi %iota3A, %add3A_2831 : vector<16xi32>
        %add3A_2833 = arith.constant 64 : i32
        %add3A_2834 = vector.broadcast %add3A_2833 : i32 to vector<16xi32>
        %add3A_2835 = arith.addi %broadcast_in_dim3A_2814, %add3A_2834 : vector<16xi32>
        tpu.vector_store_idx %arg16[%add3A_2832, %add3A_2835], %gather3A_2830 : memref<32x128xf32, #tpu.memory_space<vmem>>[vector<16xi32>, vector<16xi32>], vector<16xf32>,
        %broadcast_in_dim3A_2836 = arith.constant 42 : i32
        %broadcast_in_dim3A_2837 = vector.broadcast %broadcast_in_dim3A_2836 : i32 to vector<16xi32>
        %shift_right_arithmetic3A_2838 = arith.constant 3 : i32
        %shift_right_arithmetic3A_2839 = vector.broadcast %shift_right_arithmetic3A_2838 : i32 to vector<16xi32>
        %shift_right_arithmetic3A_2840 = arith.shrsi %broadcast_in_dim3A_2837, %shift_right_arithmetic3A_2839 : vector<16xi32>
        %and3A_2841 = arith.constant 7 : i32
        %and3A_2842 = vector.broadcast %and3A_2841 : i32 to vector<16xi32>
        %and3A_2843 = arith.andi %broadcast_in_dim3A_2837, %and3A_2842 : vector<16xi32>
        %gather3A_2844 = tpu.vector_load_idx %arg12[%shift_right_arithmetic3A_2840, %and3A_2843, %add3A_1860] : memref<8x8x512xf32, #tpu.memory_space<vmem>>[vector<16xi32>, vector<16xi32>, vector<16xi32>], vector<16xf32>,
        %add3A_2845 = vector.broadcast %mul3A_1843 : i32 to vector<16xi32>
        %add3A_2846 = arith.addi %iota3A, %add3A_2845 : vector<16xi32>
        tpu.vector_store_idx %arg16[%add3A_2846, %broadcast_in_dim3A_2837], %gather3A_2844 : memref<32x128xf32, #tpu.memory_space<vmem>>[vector<16xi32>, vector<16xi32>], vector<16xf32>,
        %shift_right_arithmetic3A_2847 = arith.constant 3 : i32
        %shift_right_arithmetic3A_2848 = vector.broadcast %shift_right_arithmetic3A_2847 : i32 to vector<16xi32>
        %shift_right_arithmetic3A_2849 = arith.shrsi %broadcast_in_dim3A_2837, %shift_right_arithmetic3A_2848 : vector<16xi32>
        %and3A_2850 = arith.constant 7 : i32
        %and3A_2851 = vector.broadcast %and3A_2850 : i32 to vector<16xi32>
        %and3A_2852 = arith.andi %broadcast_in_dim3A_2837, %and3A_2851 : vector<16xi32>
        %gather3A_2853 = tpu.vector_load_idx %arg13[%shift_right_arithmetic3A_2849, %and3A_2852, %add3A_1869] : memref<8x8x512xf32, #tpu.memory_space<vmem>>[vector<16xi32>, vector<16xi32>, vector<16xi32>], vector<16xf32>,
        %add3A_2854 = vector.broadcast %mul3A_1843 : i32 to vector<16xi32>
        %add3A_2855 = arith.addi %iota3A, %add3A_2854 : vector<16xi32>
        %add3A_2856 = arith.constant 64 : i32
        %add3A_2857 = vector.broadcast %add3A_2856 : i32 to vector<16xi32>
        %add3A_2858 = arith.addi %broadcast_in_dim3A_2837, %add3A_2857 : vector<16xi32>
        tpu.vector_store_idx %arg16[%add3A_2855, %add3A_2858], %gather3A_2853 : memref<32x128xf32, #tpu.memory_space<vmem>>[vector<16xi32>, vector<16xi32>], vector<16xf32>,
        %broadcast_in_dim3A_2859 = arith.constant 43 : i32
        %broadcast_in_dim3A_2860 = vector.broadcast %broadcast_in_dim3A_2859 : i32 to vector<16xi32>
        %shift_right_arithmetic3A_2861 = arith.constant 3 : i32
        %shift_right_arithmetic3A_2862 = vector.broadcast %shift_right_arithmetic3A_2861 : i32 to vector<16xi32>
        %shift_right_arithmetic3A_2863 = arith.shrsi %broadcast_in_dim3A_2860, %shift_right_arithmetic3A_2862 : vector<16xi32>
        %and3A_2864 = arith.constant 7 : i32
        %and3A_2865 = vector.broadcast %and3A_2864 : i32 to vector<16xi32>
        %and3A_2866 = arith.andi %broadcast_in_dim3A_2860, %and3A_2865 : vector<16xi32>
        %gather3A_2867 = tpu.vector_load_idx %arg12[%shift_right_arithmetic3A_2863, %and3A_2866, %add3A_1860] : memref<8x8x512xf32, #tpu.memory_space<vmem>>[vector<16xi32>, vector<16xi32>, vector<16xi32>], vector<16xf32>,
        %add3A_2868 = vector.broadcast %mul3A_1843 : i32 to vector<16xi32>
        %add3A_2869 = arith.addi %iota3A, %add3A_2868 : vector<16xi32>
        tpu.vector_store_idx %arg16[%add3A_2869, %broadcast_in_dim3A_2860], %gather3A_2867 : memref<32x128xf32, #tpu.memory_space<vmem>>[vector<16xi32>, vector<16xi32>], vector<16xf32>,
        %shift_right_arithmetic3A_2870 = arith.constant 3 : i32
        %shift_right_arithmetic3A_2871 = vector.broadcast %shift_right_arithmetic3A_2870 : i32 to vector<16xi32>
        %shift_right_arithmetic3A_2872 = arith.shrsi %broadcast_in_dim3A_2860, %shift_right_arithmetic3A_2871 : vector<16xi32>
        %and3A_2873 = arith.constant 7 : i32
        %and3A_2874 = vector.broadcast %and3A_2873 : i32 to vector<16xi32>
        %and3A_2875 = arith.andi %broadcast_in_dim3A_2860, %and3A_2874 : vector<16xi32>
        %gather3A_2876 = tpu.vector_load_idx %arg13[%shift_right_arithmetic3A_2872, %and3A_2875, %add3A_1869] : memref<8x8x512xf32, #tpu.memory_space<vmem>>[vector<16xi32>, vector<16xi32>, vector<16xi32>], vector<16xf32>,
        %add3A_2877 = vector.broadcast %mul3A_1843 : i32 to vector<16xi32>
        %add3A_2878 = arith.addi %iota3A, %add3A_2877 : vector<16xi32>
        %add3A_2879 = arith.constant 64 : i32
        %add3A_2880 = vector.broadcast %add3A_2879 : i32 to vector<16xi32>
        %add3A_2881 = arith.addi %broadcast_in_dim3A_2860, %add3A_2880 : vector<16xi32>
        tpu.vector_store_idx %arg16[%add3A_2878, %add3A_2881], %gather3A_2876 : memref<32x128xf32, #tpu.memory_space<vmem>>[vector<16xi32>, vector<16xi32>], vector<16xf32>,
        %broadcast_in_dim3A_2882 = arith.constant 44 : i32
        %broadcast_in_dim3A_2883 = vector.broadcast %broadcast_in_dim3A_2882 : i32 to vector<16xi32>
        %shift_right_arithmetic3A_2884 = arith.constant 3 : i32
        %shift_right_arithmetic3A_2885 = vector.broadcast %shift_right_arithmetic3A_2884 : i32 to vector<16xi32>
        %shift_right_arithmetic3A_2886 = arith.shrsi %broadcast_in_dim3A_2883, %shift_right_arithmetic3A_2885 : vector<16xi32>
        %and3A_2887 = arith.constant 7 : i32
        %and3A_2888 = vector.broadcast %and3A_2887 : i32 to vector<16xi32>
        %and3A_2889 = arith.andi %broadcast_in_dim3A_2883, %and3A_2888 : vector<16xi32>
        %gather3A_2890 = tpu.vector_load_idx %arg12[%shift_right_arithmetic3A_2886, %and3A_2889, %add3A_1860] : memref<8x8x512xf32, #tpu.memory_space<vmem>>[vector<16xi32>, vector<16xi32>, vector<16xi32>], vector<16xf32>,
        %add3A_2891 = vector.broadcast %mul3A_1843 : i32 to vector<16xi32>
        %add3A_2892 = arith.addi %iota3A, %add3A_2891 : vector<16xi32>
        tpu.vector_store_idx %arg16[%add3A_2892, %broadcast_in_dim3A_2883], %gather3A_2890 : memref<32x128xf32, #tpu.memory_space<vmem>>[vector<16xi32>, vector<16xi32>], vector<16xf32>,
        %shift_right_arithmetic3A_2893 = arith.constant 3 : i32
        %shift_right_arithmetic3A_2894 = vector.broadcast %shift_right_arithmetic3A_2893 : i32 to vector<16xi32>
        %shift_right_arithmetic3A_2895 = arith.shrsi %broadcast_in_dim3A_2883, %shift_right_arithmetic3A_2894 : vector<16xi32>
        %and3A_2896 = arith.constant 7 : i32
        %and3A_2897 = vector.broadcast %and3A_2896 : i32 to vector<16xi32>
        %and3A_2898 = arith.andi %broadcast_in_dim3A_2883, %and3A_2897 : vector<16xi32>
        %gather3A_2899 = tpu.vector_load_idx %arg13[%shift_right_arithmetic3A_2895, %and3A_2898, %add3A_1869] : memref<8x8x512xf32, #tpu.memory_space<vmem>>[vector<16xi32>, vector<16xi32>, vector<16xi32>], vector<16xf32>,
        %add3A_2900 = vector.broadcast %mul3A_1843 : i32 to vector<16xi32>
        %add3A_2901 = arith.addi %iota3A, %add3A_2900 : vector<16xi32>
        %add3A_2902 = arith.constant 64 : i32
        %add3A_2903 = vector.broadcast %add3A_2902 : i32 to vector<16xi32>
        %add3A_2904 = arith.addi %broadcast_in_dim3A_2883, %add3A_2903 : vector<16xi32>
        tpu.vector_store_idx %arg16[%add3A_2901, %add3A_2904], %gather3A_2899 : memref<32x128xf32, #tpu.memory_space<vmem>>[vector<16xi32>, vector<16xi32>], vector<16xf32>,
        %broadcast_in_dim3A_2905 = arith.constant 45 : i32
        %broadcast_in_dim3A_2906 = vector.broadcast %broadcast_in_dim3A_2905 : i32 to vector<16xi32>
        %shift_right_arithmetic3A_2907 = arith.constant 3 : i32
        %shift_right_arithmetic3A_2908 = vector.broadcast %shift_right_arithmetic3A_2907 : i32 to vector<16xi32>
        %shift_right_arithmetic3A_2909 = arith.shrsi %broadcast_in_dim3A_2906, %shift_right_arithmetic3A_2908 : vector<16xi32>
        %and3A_2910 = arith.constant 7 : i32
        %and3A_2911 = vector.broadcast %and3A_2910 : i32 to vector<16xi32>
        %and3A_2912 = arith.andi %broadcast_in_dim3A_2906, %and3A_2911 : vector<16xi32>
        %gather3A_2913 = tpu.vector_load_idx %arg12[%shift_right_arithmetic3A_2909, %and3A_2912, %add3A_1860] : memref<8x8x512xf32, #tpu.memory_space<vmem>>[vector<16xi32>, vector<16xi32>, vector<16xi32>], vector<16xf32>,
        %add3A_2914 = vector.broadcast %mul3A_1843 : i32 to vector<16xi32>
        %add3A_2915 = arith.addi %iota3A, %add3A_2914 : vector<16xi32>
        tpu.vector_store_idx %arg16[%add3A_2915, %broadcast_in_dim3A_2906], %gather3A_2913 : memref<32x128xf32, #tpu.memory_space<vmem>>[vector<16xi32>, vector<16xi32>], vector<16xf32>,
        %shift_right_arithmetic3A_2916 = arith.constant 3 : i32
        %shift_right_arithmetic3A_2917 = vector.broadcast %shift_right_arithmetic3A_2916 : i32 to vector<16xi32>
        %shift_right_arithmetic3A_2918 = arith.shrsi %broadcast_in_dim3A_2906, %shift_right_arithmetic3A_2917 : vector<16xi32>
        %and3A_2919 = arith.constant 7 : i32
        %and3A_2920 = vector.broadcast %and3A_2919 : i32 to vector<16xi32>
        %and3A_2921 = arith.andi %broadcast_in_dim3A_2906, %and3A_2920 : vector<16xi32>
        %gather3A_2922 = tpu.vector_load_idx %arg13[%shift_right_arithmetic3A_2918, %and3A_2921, %add3A_1869] : memref<8x8x512xf32, #tpu.memory_space<vmem>>[vector<16xi32>, vector<16xi32>, vector<16xi32>], vector<16xf32>,
        %add3A_2923 = vector.broadcast %mul3A_1843 : i32 to vector<16xi32>
        %add3A_2924 = arith.addi %iota3A, %add3A_2923 : vector<16xi32>
        %add3A_2925 = arith.constant 64 : i32
        %add3A_2926 = vector.broadcast %add3A_2925 : i32 to vector<16xi32>
        %add3A_2927 = arith.addi %broadcast_in_dim3A_2906, %add3A_2926 : vector<16xi32>
        tpu.vector_store_idx %arg16[%add3A_2924, %add3A_2927], %gather3A_2922 : memref<32x128xf32, #tpu.memory_space<vmem>>[vector<16xi32>, vector<16xi32>], vector<16xf32>,
        %broadcast_in_dim3A_2928 = arith.constant 46 : i32
        %broadcast_in_dim3A_2929 = vector.broadcast %broadcast_in_dim3A_2928 : i32 to vector<16xi32>
        %shift_right_arithmetic3A_2930 = arith.constant 3 : i32
        %shift_right_arithmetic3A_2931 = vector.broadcast %shift_right_arithmetic3A_2930 : i32 to vector<16xi32>
        %shift_right_arithmetic3A_2932 = arith.shrsi %broadcast_in_dim3A_2929, %shift_right_arithmetic3A_2931 : vector<16xi32>
        %and3A_2933 = arith.constant 7 : i32
        %and3A_2934 = vector.broadcast %and3A_2933 : i32 to vector<16xi32>
        %and3A_2935 = arith.andi %broadcast_in_dim3A_2929, %and3A_2934 : vector<16xi32>
        %gather3A_2936 = tpu.vector_load_idx %arg12[%shift_right_arithmetic3A_2932, %and3A_2935, %add3A_1860] : memref<8x8x512xf32, #tpu.memory_space<vmem>>[vector<16xi32>, vector<16xi32>, vector<16xi32>], vector<16xf32>,
        %add3A_2937 = vector.broadcast %mul3A_1843 : i32 to vector<16xi32>
        %add3A_2938 = arith.addi %iota3A, %add3A_2937 : vector<16xi32>
        tpu.vector_store_idx %arg16[%add3A_2938, %broadcast_in_dim3A_2929], %gather3A_2936 : memref<32x128xf32, #tpu.memory_space<vmem>>[vector<16xi32>, vector<16xi32>], vector<16xf32>,
        %shift_right_arithmetic3A_2939 = arith.constant 3 : i32
        %shift_right_arithmetic3A_2940 = vector.broadcast %shift_right_arithmetic3A_2939 : i32 to vector<16xi32>
        %shift_right_arithmetic3A_2941 = arith.shrsi %broadcast_in_dim3A_2929, %shift_right_arithmetic3A_2940 : vector<16xi32>
        %and3A_2942 = arith.constant 7 : i32
        %and3A_2943 = vector.broadcast %and3A_2942 : i32 to vector<16xi32>
        %and3A_2944 = arith.andi %broadcast_in_dim3A_2929, %and3A_2943 : vector<16xi32>
        %gather3A_2945 = tpu.vector_load_idx %arg13[%shift_right_arithmetic3A_2941, %and3A_2944, %add3A_1869] : memref<8x8x512xf32, #tpu.memory_space<vmem>>[vector<16xi32>, vector<16xi32>, vector<16xi32>], vector<16xf32>,
        %add3A_2946 = vector.broadcast %mul3A_1843 : i32 to vector<16xi32>
        %add3A_2947 = arith.addi %iota3A, %add3A_2946 : vector<16xi32>
        %add3A_2948 = arith.constant 64 : i32
        %add3A_2949 = vector.broadcast %add3A_2948 : i32 to vector<16xi32>
        %add3A_2950 = arith.addi %broadcast_in_dim3A_2929, %add3A_2949 : vector<16xi32>
        tpu.vector_store_idx %arg16[%add3A_2947, %add3A_2950], %gather3A_2945 : memref<32x128xf32, #tpu.memory_space<vmem>>[vector<16xi32>, vector<16xi32>], vector<16xf32>,
        %broadcast_in_dim3A_2951 = arith.constant 47 : i32
        %broadcast_in_dim3A_2952 = vector.broadcast %broadcast_in_dim3A_2951 : i32 to vector<16xi32>
        %shift_right_arithmetic3A_2953 = arith.constant 3 : i32
        %shift_right_arithmetic3A_2954 = vector.broadcast %shift_right_arithmetic3A_2953 : i32 to vector<16xi32>
        %shift_right_arithmetic3A_2955 = arith.shrsi %broadcast_in_dim3A_2952, %shift_right_arithmetic3A_2954 : vector<16xi32>
        %and3A_2956 = arith.constant 7 : i32
        %and3A_2957 = vector.broadcast %and3A_2956 : i32 to vector<16xi32>
        %and3A_2958 = arith.andi %broadcast_in_dim3A_2952, %and3A_2957 : vector<16xi32>
        %gather3A_2959 = tpu.vector_load_idx %arg12[%shift_right_arithmetic3A_2955, %and3A_2958, %add3A_1860] : memref<8x8x512xf32, #tpu.memory_space<vmem>>[vector<16xi32>, vector<16xi32>, vector<16xi32>], vector<16xf32>,
        %add3A_2960 = vector.broadcast %mul3A_1843 : i32 to vector<16xi32>
        %add3A_2961 = arith.addi %iota3A, %add3A_2960 : vector<16xi32>
        tpu.vector_store_idx %arg16[%add3A_2961, %broadcast_in_dim3A_2952], %gather3A_2959 : memref<32x128xf32, #tpu.memory_space<vmem>>[vector<16xi32>, vector<16xi32>], vector<16xf32>,
        %shift_right_arithmetic3A_2962 = arith.constant 3 : i32
        %shift_right_arithmetic3A_2963 = vector.broadcast %shift_right_arithmetic3A_2962 : i32 to vector<16xi32>
        %shift_right_arithmetic3A_2964 = arith.shrsi %broadcast_in_dim3A_2952, %shift_right_arithmetic3A_2963 : vector<16xi32>
        %and3A_2965 = arith.constant 7 : i32
        %and3A_2966 = vector.broadcast %and3A_2965 : i32 to vector<16xi32>
        %and3A_2967 = arith.andi %broadcast_in_dim3A_2952, %and3A_2966 : vector<16xi32>
        %gather3A_2968 = tpu.vector_load_idx %arg13[%shift_right_arithmetic3A_2964, %and3A_2967, %add3A_1869] : memref<8x8x512xf32, #tpu.memory_space<vmem>>[vector<16xi32>, vector<16xi32>, vector<16xi32>], vector<16xf32>,
        %add3A_2969 = vector.broadcast %mul3A_1843 : i32 to vector<16xi32>
        %add3A_2970 = arith.addi %iota3A, %add3A_2969 : vector<16xi32>
        %add3A_2971 = arith.constant 64 : i32
        %add3A_2972 = vector.broadcast %add3A_2971 : i32 to vector<16xi32>
        %add3A_2973 = arith.addi %broadcast_in_dim3A_2952, %add3A_2972 : vector<16xi32>
        tpu.vector_store_idx %arg16[%add3A_2970, %add3A_2973], %gather3A_2968 : memref<32x128xf32, #tpu.memory_space<vmem>>[vector<16xi32>, vector<16xi32>], vector<16xf32>,
        %broadcast_in_dim3A_2974 = arith.constant 48 : i32
        %broadcast_in_dim3A_2975 = vector.broadcast %broadcast_in_dim3A_2974 : i32 to vector<16xi32>
        %shift_right_arithmetic3A_2976 = arith.constant 3 : i32
        %shift_right_arithmetic3A_2977 = vector.broadcast %shift_right_arithmetic3A_2976 : i32 to vector<16xi32>
        %shift_right_arithmetic3A_2978 = arith.shrsi %broadcast_in_dim3A_2975, %shift_right_arithmetic3A_2977 : vector<16xi32>
        %and3A_2979 = arith.constant 7 : i32
        %and3A_2980 = vector.broadcast %and3A_2979 : i32 to vector<16xi32>
        %and3A_2981 = arith.andi %broadcast_in_dim3A_2975, %and3A_2980 : vector<16xi32>
        %gather3A_2982 = tpu.vector_load_idx %arg12[%shift_right_arithmetic3A_2978, %and3A_2981, %add3A_1860] : memref<8x8x512xf32, #tpu.memory_space<vmem>>[vector<16xi32>, vector<16xi32>, vector<16xi32>], vector<16xf32>,
        %add3A_2983 = vector.broadcast %mul3A_1843 : i32 to vector<16xi32>
        %add3A_2984 = arith.addi %iota3A, %add3A_2983 : vector<16xi32>
        tpu.vector_store_idx %arg16[%add3A_2984, %broadcast_in_dim3A_2975], %gather3A_2982 : memref<32x128xf32, #tpu.memory_space<vmem>>[vector<16xi32>, vector<16xi32>], vector<16xf32>,
        %shift_right_arithmetic3A_2985 = arith.constant 3 : i32
        %shift_right_arithmetic3A_2986 = vector.broadcast %shift_right_arithmetic3A_2985 : i32 to vector<16xi32>
        %shift_right_arithmetic3A_2987 = arith.shrsi %broadcast_in_dim3A_2975, %shift_right_arithmetic3A_2986 : vector<16xi32>
        %and3A_2988 = arith.constant 7 : i32
        %and3A_2989 = vector.broadcast %and3A_2988 : i32 to vector<16xi32>
        %and3A_2990 = arith.andi %broadcast_in_dim3A_2975, %and3A_2989 : vector<16xi32>
        %gather3A_2991 = tpu.vector_load_idx %arg13[%shift_right_arithmetic3A_2987, %and3A_2990, %add3A_1869] : memref<8x8x512xf32, #tpu.memory_space<vmem>>[vector<16xi32>, vector<16xi32>, vector<16xi32>], vector<16xf32>,
        %add3A_2992 = vector.broadcast %mul3A_1843 : i32 to vector<16xi32>
        %add3A_2993 = arith.addi %iota3A, %add3A_2992 : vector<16xi32>
        %add3A_2994 = arith.constant 64 : i32
        %add3A_2995 = vector.broadcast %add3A_2994 : i32 to vector<16xi32>
        %add3A_2996 = arith.addi %broadcast_in_dim3A_2975, %add3A_2995 : vector<16xi32>
        tpu.vector_store_idx %arg16[%add3A_2993, %add3A_2996], %gather3A_2991 : memref<32x128xf32, #tpu.memory_space<vmem>>[vector<16xi32>, vector<16xi32>], vector<16xf32>,
        %broadcast_in_dim3A_2997 = arith.constant 49 : i32
        %broadcast_in_dim3A_2998 = vector.broadcast %broadcast_in_dim3A_2997 : i32 to vector<16xi32>
        %shift_right_arithmetic3A_2999 = arith.constant 3 : i32
        %shift_right_arithmetic3A_3000 = vector.broadcast %shift_right_arithmetic3A_2999 : i32 to vector<16xi32>
        %shift_right_arithmetic3A_3001 = arith.shrsi %broadcast_in_dim3A_2998, %shift_right_arithmetic3A_3000 : vector<16xi32>
        %and3A_3002 = arith.constant 7 : i32
        %and3A_3003 = vector.broadcast %and3A_3002 : i32 to vector<16xi32>
        %and3A_3004 = arith.andi %broadcast_in_dim3A_2998, %and3A_3003 : vector<16xi32>
        %gather3A_3005 = tpu.vector_load_idx %arg12[%shift_right_arithmetic3A_3001, %and3A_3004, %add3A_1860] : memref<8x8x512xf32, #tpu.memory_space<vmem>>[vector<16xi32>, vector<16xi32>, vector<16xi32>], vector<16xf32>,
        %add3A_3006 = vector.broadcast %mul3A_1843 : i32 to vector<16xi32>
        %add3A_3007 = arith.addi %iota3A, %add3A_3006 : vector<16xi32>
        tpu.vector_store_idx %arg16[%add3A_3007, %broadcast_in_dim3A_2998], %gather3A_3005 : memref<32x128xf32, #tpu.memory_space<vmem>>[vector<16xi32>, vector<16xi32>], vector<16xf32>,
        %shift_right_arithmetic3A_3008 = arith.constant 3 : i32
        %shift_right_arithmetic3A_3009 = vector.broadcast %shift_right_arithmetic3A_3008 : i32 to vector<16xi32>
        %shift_right_arithmetic3A_3010 = arith.shrsi %broadcast_in_dim3A_2998, %shift_right_arithmetic3A_3009 : vector<16xi32>
        %and3A_3011 = arith.constant 7 : i32
        %and3A_3012 = vector.broadcast %and3A_3011 : i32 to vector<16xi32>
        %and3A_3013 = arith.andi %broadcast_in_dim3A_2998, %and3A_3012 : vector<16xi32>
        %gather3A_3014 = tpu.vector_load_idx %arg13[%shift_right_arithmetic3A_3010, %and3A_3013, %add3A_1869] : memref<8x8x512xf32, #tpu.memory_space<vmem>>[vector<16xi32>, vector<16xi32>, vector<16xi32>], vector<16xf32>,
        %add3A_3015 = vector.broadcast %mul3A_1843 : i32 to vector<16xi32>
        %add3A_3016 = arith.addi %iota3A, %add3A_3015 : vector<16xi32>
        %add3A_3017 = arith.constant 64 : i32
        %add3A_3018 = vector.broadcast %add3A_3017 : i32 to vector<16xi32>
        %add3A_3019 = arith.addi %broadcast_in_dim3A_2998, %add3A_3018 : vector<16xi32>
        tpu.vector_store_idx %arg16[%add3A_3016, %add3A_3019], %gather3A_3014 : memref<32x128xf32, #tpu.memory_space<vmem>>[vector<16xi32>, vector<16xi32>], vector<16xf32>,
        %broadcast_in_dim3A_3020 = arith.constant 50 : i32
        %broadcast_in_dim3A_3021 = vector.broadcast %broadcast_in_dim3A_3020 : i32 to vector<16xi32>
        %shift_right_arithmetic3A_3022 = arith.constant 3 : i32
        %shift_right_arithmetic3A_3023 = vector.broadcast %shift_right_arithmetic3A_3022 : i32 to vector<16xi32>
        %shift_right_arithmetic3A_3024 = arith.shrsi %broadcast_in_dim3A_3021, %shift_right_arithmetic3A_3023 : vector<16xi32>
        %and3A_3025 = arith.constant 7 : i32
        %and3A_3026 = vector.broadcast %and3A_3025 : i32 to vector<16xi32>
        %and3A_3027 = arith.andi %broadcast_in_dim3A_3021, %and3A_3026 : vector<16xi32>
        %gather3A_3028 = tpu.vector_load_idx %arg12[%shift_right_arithmetic3A_3024, %and3A_3027, %add3A_1860] : memref<8x8x512xf32, #tpu.memory_space<vmem>>[vector<16xi32>, vector<16xi32>, vector<16xi32>], vector<16xf32>,
        %add3A_3029 = vector.broadcast %mul3A_1843 : i32 to vector<16xi32>
        %add3A_3030 = arith.addi %iota3A, %add3A_3029 : vector<16xi32>
        tpu.vector_store_idx %arg16[%add3A_3030, %broadcast_in_dim3A_3021], %gather3A_3028 : memref<32x128xf32, #tpu.memory_space<vmem>>[vector<16xi32>, vector<16xi32>], vector<16xf32>,
        %shift_right_arithmetic3A_3031 = arith.constant 3 : i32
        %shift_right_arithmetic3A_3032 = vector.broadcast %shift_right_arithmetic3A_3031 : i32 to vector<16xi32>
        %shift_right_arithmetic3A_3033 = arith.shrsi %broadcast_in_dim3A_3021, %shift_right_arithmetic3A_3032 : vector<16xi32>
        %and3A_3034 = arith.constant 7 : i32
        %and3A_3035 = vector.broadcast %and3A_3034 : i32 to vector<16xi32>
        %and3A_3036 = arith.andi %broadcast_in_dim3A_3021, %and3A_3035 : vector<16xi32>
        %gather3A_3037 = tpu.vector_load_idx %arg13[%shift_right_arithmetic3A_3033, %and3A_3036, %add3A_1869] : memref<8x8x512xf32, #tpu.memory_space<vmem>>[vector<16xi32>, vector<16xi32>, vector<16xi32>], vector<16xf32>,
        %add3A_3038 = vector.broadcast %mul3A_1843 : i32 to vector<16xi32>
        %add3A_3039 = arith.addi %iota3A, %add3A_3038 : vector<16xi32>
        %add3A_3040 = arith.constant 64 : i32
        %add3A_3041 = vector.broadcast %add3A_3040 : i32 to vector<16xi32>
        %add3A_3042 = arith.addi %broadcast_in_dim3A_3021, %add3A_3041 : vector<16xi32>
        tpu.vector_store_idx %arg16[%add3A_3039, %add3A_3042], %gather3A_3037 : memref<32x128xf32, #tpu.memory_space<vmem>>[vector<16xi32>, vector<16xi32>], vector<16xf32>,
        %broadcast_in_dim3A_3043 = arith.constant 51 : i32
        %broadcast_in_dim3A_3044 = vector.broadcast %broadcast_in_dim3A_3043 : i32 to vector<16xi32>
        %shift_right_arithmetic3A_3045 = arith.constant 3 : i32
        %shift_right_arithmetic3A_3046 = vector.broadcast %shift_right_arithmetic3A_3045 : i32 to vector<16xi32>
        %shift_right_arithmetic3A_3047 = arith.shrsi %broadcast_in_dim3A_3044, %shift_right_arithmetic3A_3046 : vector<16xi32>
        %and3A_3048 = arith.constant 7 : i32
        %and3A_3049 = vector.broadcast %and3A_3048 : i32 to vector<16xi32>
        %and3A_3050 = arith.andi %broadcast_in_dim3A_3044, %and3A_3049 : vector<16xi32>
        %gather3A_3051 = tpu.vector_load_idx %arg12[%shift_right_arithmetic3A_3047, %and3A_3050, %add3A_1860] : memref<8x8x512xf32, #tpu.memory_space<vmem>>[vector<16xi32>, vector<16xi32>, vector<16xi32>], vector<16xf32>,
        %add3A_3052 = vector.broadcast %mul3A_1843 : i32 to vector<16xi32>
        %add3A_3053 = arith.addi %iota3A, %add3A_3052 : vector<16xi32>
        tpu.vector_store_idx %arg16[%add3A_3053, %broadcast_in_dim3A_3044], %gather3A_3051 : memref<32x128xf32, #tpu.memory_space<vmem>>[vector<16xi32>, vector<16xi32>], vector<16xf32>,
        %shift_right_arithmetic3A_3054 = arith.constant 3 : i32
        %shift_right_arithmetic3A_3055 = vector.broadcast %shift_right_arithmetic3A_3054 : i32 to vector<16xi32>
        %shift_right_arithmetic3A_3056 = arith.shrsi %broadcast_in_dim3A_3044, %shift_right_arithmetic3A_3055 : vector<16xi32>
        %and3A_3057 = arith.constant 7 : i32
        %and3A_3058 = vector.broadcast %and3A_3057 : i32 to vector<16xi32>
        %and3A_3059 = arith.andi %broadcast_in_dim3A_3044, %and3A_3058 : vector<16xi32>
        %gather3A_3060 = tpu.vector_load_idx %arg13[%shift_right_arithmetic3A_3056, %and3A_3059, %add3A_1869] : memref<8x8x512xf32, #tpu.memory_space<vmem>>[vector<16xi32>, vector<16xi32>, vector<16xi32>], vector<16xf32>,
        %add3A_3061 = vector.broadcast %mul3A_1843 : i32 to vector<16xi32>
        %add3A_3062 = arith.addi %iota3A, %add3A_3061 : vector<16xi32>
        %add3A_3063 = arith.constant 64 : i32
        %add3A_3064 = vector.broadcast %add3A_3063 : i32 to vector<16xi32>
        %add3A_3065 = arith.addi %broadcast_in_dim3A_3044, %add3A_3064 : vector<16xi32>
        tpu.vector_store_idx %arg16[%add3A_3062, %add3A_3065], %gather3A_3060 : memref<32x128xf32, #tpu.memory_space<vmem>>[vector<16xi32>, vector<16xi32>], vector<16xf32>,
        %broadcast_in_dim3A_3066 = arith.constant 52 : i32
        %broadcast_in_dim3A_3067 = vector.broadcast %broadcast_in_dim3A_3066 : i32 to vector<16xi32>
        %shift_right_arithmetic3A_3068 = arith.constant 3 : i32
        %shift_right_arithmetic3A_3069 = vector.broadcast %shift_right_arithmetic3A_3068 : i32 to vector<16xi32>
        %shift_right_arithmetic3A_3070 = arith.shrsi %broadcast_in_dim3A_3067, %shift_right_arithmetic3A_3069 : vector<16xi32>
        %and3A_3071 = arith.constant 7 : i32
        %and3A_3072 = vector.broadcast %and3A_3071 : i32 to vector<16xi32>
        %and3A_3073 = arith.andi %broadcast_in_dim3A_3067, %and3A_3072 : vector<16xi32>
        %gather3A_3074 = tpu.vector_load_idx %arg12[%shift_right_arithmetic3A_3070, %and3A_3073, %add3A_1860] : memref<8x8x512xf32, #tpu.memory_space<vmem>>[vector<16xi32>, vector<16xi32>, vector<16xi32>], vector<16xf32>,
        %add3A_3075 = vector.broadcast %mul3A_1843 : i32 to vector<16xi32>
        %add3A_3076 = arith.addi %iota3A, %add3A_3075 : vector<16xi32>
        tpu.vector_store_idx %arg16[%add3A_3076, %broadcast_in_dim3A_3067], %gather3A_3074 : memref<32x128xf32, #tpu.memory_space<vmem>>[vector<16xi32>, vector<16xi32>], vector<16xf32>,
        %shift_right_arithmetic3A_3077 = arith.constant 3 : i32
        %shift_right_arithmetic3A_3078 = vector.broadcast %shift_right_arithmetic3A_3077 : i32 to vector<16xi32>
        %shift_right_arithmetic3A_3079 = arith.shrsi %broadcast_in_dim3A_3067, %shift_right_arithmetic3A_3078 : vector<16xi32>
        %and3A_3080 = arith.constant 7 : i32
        %and3A_3081 = vector.broadcast %and3A_3080 : i32 to vector<16xi32>
        %and3A_3082 = arith.andi %broadcast_in_dim3A_3067, %and3A_3081 : vector<16xi32>
        %gather3A_3083 = tpu.vector_load_idx %arg13[%shift_right_arithmetic3A_3079, %and3A_3082, %add3A_1869] : memref<8x8x512xf32, #tpu.memory_space<vmem>>[vector<16xi32>, vector<16xi32>, vector<16xi32>], vector<16xf32>,
        %add3A_3084 = vector.broadcast %mul3A_1843 : i32 to vector<16xi32>
        %add3A_3085 = arith.addi %iota3A, %add3A_3084 : vector<16xi32>
        %add3A_3086 = arith.constant 64 : i32
        %add3A_3087 = vector.broadcast %add3A_3086 : i32 to vector<16xi32>
        %add3A_3088 = arith.addi %broadcast_in_dim3A_3067, %add3A_3087 : vector<16xi32>
        tpu.vector_store_idx %arg16[%add3A_3085, %add3A_3088], %gather3A_3083 : memref<32x128xf32, #tpu.memory_space<vmem>>[vector<16xi32>, vector<16xi32>], vector<16xf32>,
        %broadcast_in_dim3A_3089 = arith.constant 53 : i32
        %broadcast_in_dim3A_3090 = vector.broadcast %broadcast_in_dim3A_3089 : i32 to vector<16xi32>
        %shift_right_arithmetic3A_3091 = arith.constant 3 : i32
        %shift_right_arithmetic3A_3092 = vector.broadcast %shift_right_arithmetic3A_3091 : i32 to vector<16xi32>
        %shift_right_arithmetic3A_3093 = arith.shrsi %broadcast_in_dim3A_3090, %shift_right_arithmetic3A_3092 : vector<16xi32>
        %and3A_3094 = arith.constant 7 : i32
        %and3A_3095 = vector.broadcast %and3A_3094 : i32 to vector<16xi32>
        %and3A_3096 = arith.andi %broadcast_in_dim3A_3090, %and3A_3095 : vector<16xi32>
        %gather3A_3097 = tpu.vector_load_idx %arg12[%shift_right_arithmetic3A_3093, %and3A_3096, %add3A_1860] : memref<8x8x512xf32, #tpu.memory_space<vmem>>[vector<16xi32>, vector<16xi32>, vector<16xi32>], vector<16xf32>,
        %add3A_3098 = vector.broadcast %mul3A_1843 : i32 to vector<16xi32>
        %add3A_3099 = arith.addi %iota3A, %add3A_3098 : vector<16xi32>
        tpu.vector_store_idx %arg16[%add3A_3099, %broadcast_in_dim3A_3090], %gather3A_3097 : memref<32x128xf32, #tpu.memory_space<vmem>>[vector<16xi32>, vector<16xi32>], vector<16xf32>,
        %shift_right_arithmetic3A_3100 = arith.constant 3 : i32
        %shift_right_arithmetic3A_3101 = vector.broadcast %shift_right_arithmetic3A_3100 : i32 to vector<16xi32>
        %shift_right_arithmetic3A_3102 = arith.shrsi %broadcast_in_dim3A_3090, %shift_right_arithmetic3A_3101 : vector<16xi32>
        %and3A_3103 = arith.constant 7 : i32
        %and3A_3104 = vector.broadcast %and3A_3103 : i32 to vector<16xi32>
        %and3A_3105 = arith.andi %broadcast_in_dim3A_3090, %and3A_3104 : vector<16xi32>
        %gather3A_3106 = tpu.vector_load_idx %arg13[%shift_right_arithmetic3A_3102, %and3A_3105, %add3A_1869] : memref<8x8x512xf32, #tpu.memory_space<vmem>>[vector<16xi32>, vector<16xi32>, vector<16xi32>], vector<16xf32>,
        %add3A_3107 = vector.broadcast %mul3A_1843 : i32 to vector<16xi32>
        %add3A_3108 = arith.addi %iota3A, %add3A_3107 : vector<16xi32>
        %add3A_3109 = arith.constant 64 : i32
        %add3A_3110 = vector.broadcast %add3A_3109 : i32 to vector<16xi32>
        %add3A_3111 = arith.addi %broadcast_in_dim3A_3090, %add3A_3110 : vector<16xi32>
        tpu.vector_store_idx %arg16[%add3A_3108, %add3A_3111], %gather3A_3106 : memref<32x128xf32, #tpu.memory_space<vmem>>[vector<16xi32>, vector<16xi32>], vector<16xf32>,
        %broadcast_in_dim3A_3112 = arith.constant 54 : i32
        %broadcast_in_dim3A_3113 = vector.broadcast %broadcast_in_dim3A_3112 : i32 to vector<16xi32>
        %shift_right_arithmetic3A_3114 = arith.constant 3 : i32
        %shift_right_arithmetic3A_3115 = vector.broadcast %shift_right_arithmetic3A_3114 : i32 to vector<16xi32>
        %shift_right_arithmetic3A_3116 = arith.shrsi %broadcast_in_dim3A_3113, %shift_right_arithmetic3A_3115 : vector<16xi32>
        %and3A_3117 = arith.constant 7 : i32
        %and3A_3118 = vector.broadcast %and3A_3117 : i32 to vector<16xi32>
        %and3A_3119 = arith.andi %broadcast_in_dim3A_3113, %and3A_3118 : vector<16xi32>
        %gather3A_3120 = tpu.vector_load_idx %arg12[%shift_right_arithmetic3A_3116, %and3A_3119, %add3A_1860] : memref<8x8x512xf32, #tpu.memory_space<vmem>>[vector<16xi32>, vector<16xi32>, vector<16xi32>], vector<16xf32>,
        %add3A_3121 = vector.broadcast %mul3A_1843 : i32 to vector<16xi32>
        %add3A_3122 = arith.addi %iota3A, %add3A_3121 : vector<16xi32>
        tpu.vector_store_idx %arg16[%add3A_3122, %broadcast_in_dim3A_3113], %gather3A_3120 : memref<32x128xf32, #tpu.memory_space<vmem>>[vector<16xi32>, vector<16xi32>], vector<16xf32>,
        %shift_right_arithmetic3A_3123 = arith.constant 3 : i32
        %shift_right_arithmetic3A_3124 = vector.broadcast %shift_right_arithmetic3A_3123 : i32 to vector<16xi32>
        %shift_right_arithmetic3A_3125 = arith.shrsi %broadcast_in_dim3A_3113, %shift_right_arithmetic3A_3124 : vector<16xi32>
        %and3A_3126 = arith.constant 7 : i32
        %and3A_3127 = vector.broadcast %and3A_3126 : i32 to vector<16xi32>
        %and3A_3128 = arith.andi %broadcast_in_dim3A_3113, %and3A_3127 : vector<16xi32>
        %gather3A_3129 = tpu.vector_load_idx %arg13[%shift_right_arithmetic3A_3125, %and3A_3128, %add3A_1869] : memref<8x8x512xf32, #tpu.memory_space<vmem>>[vector<16xi32>, vector<16xi32>, vector<16xi32>], vector<16xf32>,
        %add3A_3130 = vector.broadcast %mul3A_1843 : i32 to vector<16xi32>
        %add3A_3131 = arith.addi %iota3A, %add3A_3130 : vector<16xi32>
        %add3A_3132 = arith.constant 64 : i32
        %add3A_3133 = vector.broadcast %add3A_3132 : i32 to vector<16xi32>
        %add3A_3134 = arith.addi %broadcast_in_dim3A_3113, %add3A_3133 : vector<16xi32>
        tpu.vector_store_idx %arg16[%add3A_3131, %add3A_3134], %gather3A_3129 : memref<32x128xf32, #tpu.memory_space<vmem>>[vector<16xi32>, vector<16xi32>], vector<16xf32>,
        %broadcast_in_dim3A_3135 = arith.constant 55 : i32
        %broadcast_in_dim3A_3136 = vector.broadcast %broadcast_in_dim3A_3135 : i32 to vector<16xi32>
        %shift_right_arithmetic3A_3137 = arith.constant 3 : i32
        %shift_right_arithmetic3A_3138 = vector.broadcast %shift_right_arithmetic3A_3137 : i32 to vector<16xi32>
        %shift_right_arithmetic3A_3139 = arith.shrsi %broadcast_in_dim3A_3136, %shift_right_arithmetic3A_3138 : vector<16xi32>
        %and3A_3140 = arith.constant 7 : i32
        %and3A_3141 = vector.broadcast %and3A_3140 : i32 to vector<16xi32>
        %and3A_3142 = arith.andi %broadcast_in_dim3A_3136, %and3A_3141 : vector<16xi32>
        %gather3A_3143 = tpu.vector_load_idx %arg12[%shift_right_arithmetic3A_3139, %and3A_3142, %add3A_1860] : memref<8x8x512xf32, #tpu.memory_space<vmem>>[vector<16xi32>, vector<16xi32>, vector<16xi32>], vector<16xf32>,
        %add3A_3144 = vector.broadcast %mul3A_1843 : i32 to vector<16xi32>
        %add3A_3145 = arith.addi %iota3A, %add3A_3144 : vector<16xi32>
        tpu.vector_store_idx %arg16[%add3A_3145, %broadcast_in_dim3A_3136], %gather3A_3143 : memref<32x128xf32, #tpu.memory_space<vmem>>[vector<16xi32>, vector<16xi32>], vector<16xf32>,
        %shift_right_arithmetic3A_3146 = arith.constant 3 : i32
        %shift_right_arithmetic3A_3147 = vector.broadcast %shift_right_arithmetic3A_3146 : i32 to vector<16xi32>
        %shift_right_arithmetic3A_3148 = arith.shrsi %broadcast_in_dim3A_3136, %shift_right_arithmetic3A_3147 : vector<16xi32>
        %and3A_3149 = arith.constant 7 : i32
        %and3A_3150 = vector.broadcast %and3A_3149 : i32 to vector<16xi32>
        %and3A_3151 = arith.andi %broadcast_in_dim3A_3136, %and3A_3150 : vector<16xi32>
        %gather3A_3152 = tpu.vector_load_idx %arg13[%shift_right_arithmetic3A_3148, %and3A_3151, %add3A_1869] : memref<8x8x512xf32, #tpu.memory_space<vmem>>[vector<16xi32>, vector<16xi32>, vector<16xi32>], vector<16xf32>,
        %add3A_3153 = vector.broadcast %mul3A_1843 : i32 to vector<16xi32>
        %add3A_3154 = arith.addi %iota3A, %add3A_3153 : vector<16xi32>
        %add3A_3155 = arith.constant 64 : i32
        %add3A_3156 = vector.broadcast %add3A_3155 : i32 to vector<16xi32>
        %add3A_3157 = arith.addi %broadcast_in_dim3A_3136, %add3A_3156 : vector<16xi32>
        tpu.vector_store_idx %arg16[%add3A_3154, %add3A_3157], %gather3A_3152 : memref<32x128xf32, #tpu.memory_space<vmem>>[vector<16xi32>, vector<16xi32>], vector<16xf32>,
        %broadcast_in_dim3A_3158 = arith.constant 56 : i32
        %broadcast_in_dim3A_3159 = vector.broadcast %broadcast_in_dim3A_3158 : i32 to vector<16xi32>
        %shift_right_arithmetic3A_3160 = arith.constant 3 : i32
        %shift_right_arithmetic3A_3161 = vector.broadcast %shift_right_arithmetic3A_3160 : i32 to vector<16xi32>
        %shift_right_arithmetic3A_3162 = arith.shrsi %broadcast_in_dim3A_3159, %shift_right_arithmetic3A_3161 : vector<16xi32>
        %and3A_3163 = arith.constant 7 : i32
        %and3A_3164 = vector.broadcast %and3A_3163 : i32 to vector<16xi32>
        %and3A_3165 = arith.andi %broadcast_in_dim3A_3159, %and3A_3164 : vector<16xi32>
        %gather3A_3166 = tpu.vector_load_idx %arg12[%shift_right_arithmetic3A_3162, %and3A_3165, %add3A_1860] : memref<8x8x512xf32, #tpu.memory_space<vmem>>[vector<16xi32>, vector<16xi32>, vector<16xi32>], vector<16xf32>,
        %add3A_3167 = vector.broadcast %mul3A_1843 : i32 to vector<16xi32>
        %add3A_3168 = arith.addi %iota3A, %add3A_3167 : vector<16xi32>
        tpu.vector_store_idx %arg16[%add3A_3168, %broadcast_in_dim3A_3159], %gather3A_3166 : memref<32x128xf32, #tpu.memory_space<vmem>>[vector<16xi32>, vector<16xi32>], vector<16xf32>,
        %shift_right_arithmetic3A_3169 = arith.constant 3 : i32
        %shift_right_arithmetic3A_3170 = vector.broadcast %shift_right_arithmetic3A_3169 : i32 to vector<16xi32>
        %shift_right_arithmetic3A_3171 = arith.shrsi %broadcast_in_dim3A_3159, %shift_right_arithmetic3A_3170 : vector<16xi32>
        %and3A_3172 = arith.constant 7 : i32
        %and3A_3173 = vector.broadcast %and3A_3172 : i32 to vector<16xi32>
        %and3A_3174 = arith.andi %broadcast_in_dim3A_3159, %and3A_3173 : vector<16xi32>
        %gather3A_3175 = tpu.vector_load_idx %arg13[%shift_right_arithmetic3A_3171, %and3A_3174, %add3A_1869] : memref<8x8x512xf32, #tpu.memory_space<vmem>>[vector<16xi32>, vector<16xi32>, vector<16xi32>], vector<16xf32>,
        %add3A_3176 = vector.broadcast %mul3A_1843 : i32 to vector<16xi32>
        %add3A_3177 = arith.addi %iota3A, %add3A_3176 : vector<16xi32>
        %add3A_3178 = arith.constant 64 : i32
        %add3A_3179 = vector.broadcast %add3A_3178 : i32 to vector<16xi32>
        %add3A_3180 = arith.addi %broadcast_in_dim3A_3159, %add3A_3179 : vector<16xi32>
        tpu.vector_store_idx %arg16[%add3A_3177, %add3A_3180], %gather3A_3175 : memref<32x128xf32, #tpu.memory_space<vmem>>[vector<16xi32>, vector<16xi32>], vector<16xf32>,
        %broadcast_in_dim3A_3181 = arith.constant 57 : i32
        %broadcast_in_dim3A_3182 = vector.broadcast %broadcast_in_dim3A_3181 : i32 to vector<16xi32>
        %shift_right_arithmetic3A_3183 = arith.constant 3 : i32
        %shift_right_arithmetic3A_3184 = vector.broadcast %shift_right_arithmetic3A_3183 : i32 to vector<16xi32>
        %shift_right_arithmetic3A_3185 = arith.shrsi %broadcast_in_dim3A_3182, %shift_right_arithmetic3A_3184 : vector<16xi32>
        %and3A_3186 = arith.constant 7 : i32
        %and3A_3187 = vector.broadcast %and3A_3186 : i32 to vector<16xi32>
        %and3A_3188 = arith.andi %broadcast_in_dim3A_3182, %and3A_3187 : vector<16xi32>
        %gather3A_3189 = tpu.vector_load_idx %arg12[%shift_right_arithmetic3A_3185, %and3A_3188, %add3A_1860] : memref<8x8x512xf32, #tpu.memory_space<vmem>>[vector<16xi32>, vector<16xi32>, vector<16xi32>], vector<16xf32>,
        %add3A_3190 = vector.broadcast %mul3A_1843 : i32 to vector<16xi32>
        %add3A_3191 = arith.addi %iota3A, %add3A_3190 : vector<16xi32>
        tpu.vector_store_idx %arg16[%add3A_3191, %broadcast_in_dim3A_3182], %gather3A_3189 : memref<32x128xf32, #tpu.memory_space<vmem>>[vector<16xi32>, vector<16xi32>], vector<16xf32>,
        %shift_right_arithmetic3A_3192 = arith.constant 3 : i32
        %shift_right_arithmetic3A_3193 = vector.broadcast %shift_right_arithmetic3A_3192 : i32 to vector<16xi32>
        %shift_right_arithmetic3A_3194 = arith.shrsi %broadcast_in_dim3A_3182, %shift_right_arithmetic3A_3193 : vector<16xi32>
        %and3A_3195 = arith.constant 7 : i32
        %and3A_3196 = vector.broadcast %and3A_3195 : i32 to vector<16xi32>
        %and3A_3197 = arith.andi %broadcast_in_dim3A_3182, %and3A_3196 : vector<16xi32>
        %gather3A_3198 = tpu.vector_load_idx %arg13[%shift_right_arithmetic3A_3194, %and3A_3197, %add3A_1869] : memref<8x8x512xf32, #tpu.memory_space<vmem>>[vector<16xi32>, vector<16xi32>, vector<16xi32>], vector<16xf32>,
        %add3A_3199 = vector.broadcast %mul3A_1843 : i32 to vector<16xi32>
        %add3A_3200 = arith.addi %iota3A, %add3A_3199 : vector<16xi32>
        %add3A_3201 = arith.constant 64 : i32
        %add3A_3202 = vector.broadcast %add3A_3201 : i32 to vector<16xi32>
        %add3A_3203 = arith.addi %broadcast_in_dim3A_3182, %add3A_3202 : vector<16xi32>
        tpu.vector_store_idx %arg16[%add3A_3200, %add3A_3203], %gather3A_3198 : memref<32x128xf32, #tpu.memory_space<vmem>>[vector<16xi32>, vector<16xi32>], vector<16xf32>,
        %broadcast_in_dim3A_3204 = arith.constant 58 : i32
        %broadcast_in_dim3A_3205 = vector.broadcast %broadcast_in_dim3A_3204 : i32 to vector<16xi32>
        %shift_right_arithmetic3A_3206 = arith.constant 3 : i32
        %shift_right_arithmetic3A_3207 = vector.broadcast %shift_right_arithmetic3A_3206 : i32 to vector<16xi32>
        %shift_right_arithmetic3A_3208 = arith.shrsi %broadcast_in_dim3A_3205, %shift_right_arithmetic3A_3207 : vector<16xi32>
        %and3A_3209 = arith.constant 7 : i32
        %and3A_3210 = vector.broadcast %and3A_3209 : i32 to vector<16xi32>
        %and3A_3211 = arith.andi %broadcast_in_dim3A_3205, %and3A_3210 : vector<16xi32>
        %gather3A_3212 = tpu.vector_load_idx %arg12[%shift_right_arithmetic3A_3208, %and3A_3211, %add3A_1860] : memref<8x8x512xf32, #tpu.memory_space<vmem>>[vector<16xi32>, vector<16xi32>, vector<16xi32>], vector<16xf32>,
        %add3A_3213 = vector.broadcast %mul3A_1843 : i32 to vector<16xi32>
        %add3A_3214 = arith.addi %iota3A, %add3A_3213 : vector<16xi32>
        tpu.vector_store_idx %arg16[%add3A_3214, %broadcast_in_dim3A_3205], %gather3A_3212 : memref<32x128xf32, #tpu.memory_space<vmem>>[vector<16xi32>, vector<16xi32>], vector<16xf32>,
        %shift_right_arithmetic3A_3215 = arith.constant 3 : i32
        %shift_right_arithmetic3A_3216 = vector.broadcast %shift_right_arithmetic3A_3215 : i32 to vector<16xi32>
        %shift_right_arithmetic3A_3217 = arith.shrsi %broadcast_in_dim3A_3205, %shift_right_arithmetic3A_3216 : vector<16xi32>
        %and3A_3218 = arith.constant 7 : i32
        %and3A_3219 = vector.broadcast %and3A_3218 : i32 to vector<16xi32>
        %and3A_3220 = arith.andi %broadcast_in_dim3A_3205, %and3A_3219 : vector<16xi32>
        %gather3A_3221 = tpu.vector_load_idx %arg13[%shift_right_arithmetic3A_3217, %and3A_3220, %add3A_1869] : memref<8x8x512xf32, #tpu.memory_space<vmem>>[vector<16xi32>, vector<16xi32>, vector<16xi32>], vector<16xf32>,
        %add3A_3222 = vector.broadcast %mul3A_1843 : i32 to vector<16xi32>
        %add3A_3223 = arith.addi %iota3A, %add3A_3222 : vector<16xi32>
        %add3A_3224 = arith.constant 64 : i32
        %add3A_3225 = vector.broadcast %add3A_3224 : i32 to vector<16xi32>
        %add3A_3226 = arith.addi %broadcast_in_dim3A_3205, %add3A_3225 : vector<16xi32>
        tpu.vector_store_idx %arg16[%add3A_3223, %add3A_3226], %gather3A_3221 : memref<32x128xf32, #tpu.memory_space<vmem>>[vector<16xi32>, vector<16xi32>], vector<16xf32>,
        %broadcast_in_dim3A_3227 = arith.constant 59 : i32
        %broadcast_in_dim3A_3228 = vector.broadcast %broadcast_in_dim3A_3227 : i32 to vector<16xi32>
        %shift_right_arithmetic3A_3229 = arith.constant 3 : i32
        %shift_right_arithmetic3A_3230 = vector.broadcast %shift_right_arithmetic3A_3229 : i32 to vector<16xi32>
        %shift_right_arithmetic3A_3231 = arith.shrsi %broadcast_in_dim3A_3228, %shift_right_arithmetic3A_3230 : vector<16xi32>
        %and3A_3232 = arith.constant 7 : i32
        %and3A_3233 = vector.broadcast %and3A_3232 : i32 to vector<16xi32>
        %and3A_3234 = arith.andi %broadcast_in_dim3A_3228, %and3A_3233 : vector<16xi32>
        %gather3A_3235 = tpu.vector_load_idx %arg12[%shift_right_arithmetic3A_3231, %and3A_3234, %add3A_1860] : memref<8x8x512xf32, #tpu.memory_space<vmem>>[vector<16xi32>, vector<16xi32>, vector<16xi32>], vector<16xf32>,
        %add3A_3236 = vector.broadcast %mul3A_1843 : i32 to vector<16xi32>
        %add3A_3237 = arith.addi %iota3A, %add3A_3236 : vector<16xi32>
        tpu.vector_store_idx %arg16[%add3A_3237, %broadcast_in_dim3A_3228], %gather3A_3235 : memref<32x128xf32, #tpu.memory_space<vmem>>[vector<16xi32>, vector<16xi32>], vector<16xf32>,
        %shift_right_arithmetic3A_3238 = arith.constant 3 : i32
        %shift_right_arithmetic3A_3239 = vector.broadcast %shift_right_arithmetic3A_3238 : i32 to vector<16xi32>
        %shift_right_arithmetic3A_3240 = arith.shrsi %broadcast_in_dim3A_3228, %shift_right_arithmetic3A_3239 : vector<16xi32>
        %and3A_3241 = arith.constant 7 : i32
        %and3A_3242 = vector.broadcast %and3A_3241 : i32 to vector<16xi32>
        %and3A_3243 = arith.andi %broadcast_in_dim3A_3228, %and3A_3242 : vector<16xi32>
        %gather3A_3244 = tpu.vector_load_idx %arg13[%shift_right_arithmetic3A_3240, %and3A_3243, %add3A_1869] : memref<8x8x512xf32, #tpu.memory_space<vmem>>[vector<16xi32>, vector<16xi32>, vector<16xi32>], vector<16xf32>,
        %add3A_3245 = vector.broadcast %mul3A_1843 : i32 to vector<16xi32>
        %add3A_3246 = arith.addi %iota3A, %add3A_3245 : vector<16xi32>
        %add3A_3247 = arith.constant 64 : i32
        %add3A_3248 = vector.broadcast %add3A_3247 : i32 to vector<16xi32>
        %add3A_3249 = arith.addi %broadcast_in_dim3A_3228, %add3A_3248 : vector<16xi32>
        tpu.vector_store_idx %arg16[%add3A_3246, %add3A_3249], %gather3A_3244 : memref<32x128xf32, #tpu.memory_space<vmem>>[vector<16xi32>, vector<16xi32>], vector<16xf32>,
        %broadcast_in_dim3A_3250 = arith.constant 60 : i32
        %broadcast_in_dim3A_3251 = vector.broadcast %broadcast_in_dim3A_3250 : i32 to vector<16xi32>
        %shift_right_arithmetic3A_3252 = arith.constant 3 : i32
        %shift_right_arithmetic3A_3253 = vector.broadcast %shift_right_arithmetic3A_3252 : i32 to vector<16xi32>
        %shift_right_arithmetic3A_3254 = arith.shrsi %broadcast_in_dim3A_3251, %shift_right_arithmetic3A_3253 : vector<16xi32>
        %and3A_3255 = arith.constant 7 : i32
        %and3A_3256 = vector.broadcast %and3A_3255 : i32 to vector<16xi32>
        %and3A_3257 = arith.andi %broadcast_in_dim3A_3251, %and3A_3256 : vector<16xi32>
        %gather3A_3258 = tpu.vector_load_idx %arg12[%shift_right_arithmetic3A_3254, %and3A_3257, %add3A_1860] : memref<8x8x512xf32, #tpu.memory_space<vmem>>[vector<16xi32>, vector<16xi32>, vector<16xi32>], vector<16xf32>,
        %add3A_3259 = vector.broadcast %mul3A_1843 : i32 to vector<16xi32>
        %add3A_3260 = arith.addi %iota3A, %add3A_3259 : vector<16xi32>
        tpu.vector_store_idx %arg16[%add3A_3260, %broadcast_in_dim3A_3251], %gather3A_3258 : memref<32x128xf32, #tpu.memory_space<vmem>>[vector<16xi32>, vector<16xi32>], vector<16xf32>,
        %shift_right_arithmetic3A_3261 = arith.constant 3 : i32
        %shift_right_arithmetic3A_3262 = vector.broadcast %shift_right_arithmetic3A_3261 : i32 to vector<16xi32>
        %shift_right_arithmetic3A_3263 = arith.shrsi %broadcast_in_dim3A_3251, %shift_right_arithmetic3A_3262 : vector<16xi32>
        %and3A_3264 = arith.constant 7 : i32
        %and3A_3265 = vector.broadcast %and3A_3264 : i32 to vector<16xi32>
        %and3A_3266 = arith.andi %broadcast_in_dim3A_3251, %and3A_3265 : vector<16xi32>
        %gather3A_3267 = tpu.vector_load_idx %arg13[%shift_right_arithmetic3A_3263, %and3A_3266, %add3A_1869] : memref<8x8x512xf32, #tpu.memory_space<vmem>>[vector<16xi32>, vector<16xi32>, vector<16xi32>], vector<16xf32>,
        %add3A_3268 = vector.broadcast %mul3A_1843 : i32 to vector<16xi32>
        %add3A_3269 = arith.addi %iota3A, %add3A_3268 : vector<16xi32>
        %add3A_3270 = arith.constant 64 : i32
        %add3A_3271 = vector.broadcast %add3A_3270 : i32 to vector<16xi32>
        %add3A_3272 = arith.addi %broadcast_in_dim3A_3251, %add3A_3271 : vector<16xi32>
        tpu.vector_store_idx %arg16[%add3A_3269, %add3A_3272], %gather3A_3267 : memref<32x128xf32, #tpu.memory_space<vmem>>[vector<16xi32>, vector<16xi32>], vector<16xf32>,
        %broadcast_in_dim3A_3273 = arith.constant 61 : i32
        %broadcast_in_dim3A_3274 = vector.broadcast %broadcast_in_dim3A_3273 : i32 to vector<16xi32>
        %shift_right_arithmetic3A_3275 = arith.constant 3 : i32
        %shift_right_arithmetic3A_3276 = vector.broadcast %shift_right_arithmetic3A_3275 : i32 to vector<16xi32>
        %shift_right_arithmetic3A_3277 = arith.shrsi %broadcast_in_dim3A_3274, %shift_right_arithmetic3A_3276 : vector<16xi32>
        %and3A_3278 = arith.constant 7 : i32
        %and3A_3279 = vector.broadcast %and3A_3278 : i32 to vector<16xi32>
        %and3A_3280 = arith.andi %broadcast_in_dim3A_3274, %and3A_3279 : vector<16xi32>
        %gather3A_3281 = tpu.vector_load_idx %arg12[%shift_right_arithmetic3A_3277, %and3A_3280, %add3A_1860] : memref<8x8x512xf32, #tpu.memory_space<vmem>>[vector<16xi32>, vector<16xi32>, vector<16xi32>], vector<16xf32>,
        %add3A_3282 = vector.broadcast %mul3A_1843 : i32 to vector<16xi32>
        %add3A_3283 = arith.addi %iota3A, %add3A_3282 : vector<16xi32>
        tpu.vector_store_idx %arg16[%add3A_3283, %broadcast_in_dim3A_3274], %gather3A_3281 : memref<32x128xf32, #tpu.memory_space<vmem>>[vector<16xi32>, vector<16xi32>], vector<16xf32>,
        %shift_right_arithmetic3A_3284 = arith.constant 3 : i32
        %shift_right_arithmetic3A_3285 = vector.broadcast %shift_right_arithmetic3A_3284 : i32 to vector<16xi32>
        %shift_right_arithmetic3A_3286 = arith.shrsi %broadcast_in_dim3A_3274, %shift_right_arithmetic3A_3285 : vector<16xi32>
        %and3A_3287 = arith.constant 7 : i32
        %and3A_3288 = vector.broadcast %and3A_3287 : i32 to vector<16xi32>
        %and3A_3289 = arith.andi %broadcast_in_dim3A_3274, %and3A_3288 : vector<16xi32>
        %gather3A_3290 = tpu.vector_load_idx %arg13[%shift_right_arithmetic3A_3286, %and3A_3289, %add3A_1869] : memref<8x8x512xf32, #tpu.memory_space<vmem>>[vector<16xi32>, vector<16xi32>, vector<16xi32>], vector<16xf32>,
        %add3A_3291 = vector.broadcast %mul3A_1843 : i32 to vector<16xi32>
        %add3A_3292 = arith.addi %iota3A, %add3A_3291 : vector<16xi32>
        %add3A_3293 = arith.constant 64 : i32
        %add3A_3294 = vector.broadcast %add3A_3293 : i32 to vector<16xi32>
        %add3A_3295 = arith.addi %broadcast_in_dim3A_3274, %add3A_3294 : vector<16xi32>
        tpu.vector_store_idx %arg16[%add3A_3292, %add3A_3295], %gather3A_3290 : memref<32x128xf32, #tpu.memory_space<vmem>>[vector<16xi32>, vector<16xi32>], vector<16xf32>,
        %broadcast_in_dim3A_3296 = arith.constant 62 : i32
        %broadcast_in_dim3A_3297 = vector.broadcast %broadcast_in_dim3A_3296 : i32 to vector<16xi32>
        %shift_right_arithmetic3A_3298 = arith.constant 3 : i32
        %shift_right_arithmetic3A_3299 = vector.broadcast %shift_right_arithmetic3A_3298 : i32 to vector<16xi32>
        %shift_right_arithmetic3A_3300 = arith.shrsi %broadcast_in_dim3A_3297, %shift_right_arithmetic3A_3299 : vector<16xi32>
        %and3A_3301 = arith.constant 7 : i32
        %and3A_3302 = vector.broadcast %and3A_3301 : i32 to vector<16xi32>
        %and3A_3303 = arith.andi %broadcast_in_dim3A_3297, %and3A_3302 : vector<16xi32>
        %gather3A_3304 = tpu.vector_load_idx %arg12[%shift_right_arithmetic3A_3300, %and3A_3303, %add3A_1860] : memref<8x8x512xf32, #tpu.memory_space<vmem>>[vector<16xi32>, vector<16xi32>, vector<16xi32>], vector<16xf32>,
        %add3A_3305 = vector.broadcast %mul3A_1843 : i32 to vector<16xi32>
        %add3A_3306 = arith.addi %iota3A, %add3A_3305 : vector<16xi32>
        tpu.vector_store_idx %arg16[%add3A_3306, %broadcast_in_dim3A_3297], %gather3A_3304 : memref<32x128xf32, #tpu.memory_space<vmem>>[vector<16xi32>, vector<16xi32>], vector<16xf32>,
        %shift_right_arithmetic3A_3307 = arith.constant 3 : i32
        %shift_right_arithmetic3A_3308 = vector.broadcast %shift_right_arithmetic3A_3307 : i32 to vector<16xi32>
        %shift_right_arithmetic3A_3309 = arith.shrsi %broadcast_in_dim3A_3297, %shift_right_arithmetic3A_3308 : vector<16xi32>
        %and3A_3310 = arith.constant 7 : i32
        %and3A_3311 = vector.broadcast %and3A_3310 : i32 to vector<16xi32>
        %and3A_3312 = arith.andi %broadcast_in_dim3A_3297, %and3A_3311 : vector<16xi32>
        %gather3A_3313 = tpu.vector_load_idx %arg13[%shift_right_arithmetic3A_3309, %and3A_3312, %add3A_1869] : memref<8x8x512xf32, #tpu.memory_space<vmem>>[vector<16xi32>, vector<16xi32>, vector<16xi32>], vector<16xf32>,
        %add3A_3314 = vector.broadcast %mul3A_1843 : i32 to vector<16xi32>
        %add3A_3315 = arith.addi %iota3A, %add3A_3314 : vector<16xi32>
        %add3A_3316 = arith.constant 64 : i32
        %add3A_3317 = vector.broadcast %add3A_3316 : i32 to vector<16xi32>
        %add3A_3318 = arith.addi %broadcast_in_dim3A_3297, %add3A_3317 : vector<16xi32>
        tpu.vector_store_idx %arg16[%add3A_3315, %add3A_3318], %gather3A_3313 : memref<32x128xf32, #tpu.memory_space<vmem>>[vector<16xi32>, vector<16xi32>], vector<16xf32>,
        %broadcast_in_dim3A_3319 = arith.constant 63 : i32
        %broadcast_in_dim3A_3320 = vector.broadcast %broadcast_in_dim3A_3319 : i32 to vector<16xi32>
        %shift_right_arithmetic3A_3321 = arith.constant 3 : i32
        %shift_right_arithmetic3A_3322 = vector.broadcast %shift_right_arithmetic3A_3321 : i32 to vector<16xi32>
        %shift_right_arithmetic3A_3323 = arith.shrsi %broadcast_in_dim3A_3320, %shift_right_arithmetic3A_3322 : vector<16xi32>
        %and3A_3324 = arith.constant 7 : i32
        %and3A_3325 = vector.broadcast %and3A_3324 : i32 to vector<16xi32>
        %and3A_3326 = arith.andi %broadcast_in_dim3A_3320, %and3A_3325 : vector<16xi32>
        %gather3A_3327 = tpu.vector_load_idx %arg12[%shift_right_arithmetic3A_3323, %and3A_3326, %add3A_1860] : memref<8x8x512xf32, #tpu.memory_space<vmem>>[vector<16xi32>, vector<16xi32>, vector<16xi32>], vector<16xf32>,
        %add3A_3328 = vector.broadcast %mul3A_1843 : i32 to vector<16xi32>
        %add3A_3329 = arith.addi %iota3A, %add3A_3328 : vector<16xi32>
        tpu.vector_store_idx %arg16[%add3A_3329, %broadcast_in_dim3A_3320], %gather3A_3327 : memref<32x128xf32, #tpu.memory_space<vmem>>[vector<16xi32>, vector<16xi32>], vector<16xf32>,
        %shift_right_arithmetic3A_3330 = arith.constant 3 : i32
        %shift_right_arithmetic3A_3331 = vector.broadcast %shift_right_arithmetic3A_3330 : i32 to vector<16xi32>
        %shift_right_arithmetic3A_3332 = arith.shrsi %broadcast_in_dim3A_3320, %shift_right_arithmetic3A_3331 : vector<16xi32>
        %and3A_3333 = arith.constant 7 : i32
        %and3A_3334 = vector.broadcast %and3A_3333 : i32 to vector<16xi32>
        %and3A_3335 = arith.andi %broadcast_in_dim3A_3320, %and3A_3334 : vector<16xi32>
        %gather3A_3336 = tpu.vector_load_idx %arg13[%shift_right_arithmetic3A_3332, %and3A_3335, %add3A_1869] : memref<8x8x512xf32, #tpu.memory_space<vmem>>[vector<16xi32>, vector<16xi32>, vector<16xi32>], vector<16xf32>,
        %add3A_3337 = vector.broadcast %mul3A_1843 : i32 to vector<16xi32>
        %add3A_3338 = arith.addi %iota3A, %add3A_3337 : vector<16xi32>
        %add3A_3339 = arith.constant 64 : i32
        %add3A_3340 = vector.broadcast %add3A_3339 : i32 to vector<16xi32>
        %add3A_3341 = arith.addi %broadcast_in_dim3A_3320, %add3A_3340 : vector<16xi32>
        tpu.vector_store_idx %arg16[%add3A_3338, %add3A_3341], %gather3A_3336 : memref<32x128xf32, #tpu.memory_space<vmem>>[vector<16xi32>, vector<16xi32>], vector<16xf32>,
        %gather3A_3342 = tpu.vector_load_idx %arg14[%add3A_1860] : memref<512xf32, #tpu.memory_space<vmem>>[vector<16xi32>], vector<16xf32>,
        %gather3A_3343 = tpu.vector_load_idx %arg15[%add3A_1869] : memref<512xf32, #tpu.memory_space<vmem>>[vector<16xi32>], vector<16xf32>,
        %add3A_3344 = arith.addf %gather3A_3342, %gather3A_3343 : vector<16xf32>
        %swap3A_3345 = arith.index_cast %mul3A_1843 : i32 to index
        %swap3A_3346 = tpu.vector_load %arg17[%swap3A_3345] {strides = array<i32>} : memref<32xf32, #tpu.memory_space<vmem>>, vector<16xf32>,
        tpu.vector_store %arg17[%swap3A_3345], %add3A_3344 {strides = array<i32>} : memref<32xf32, #tpu.memory_space<vmem>>, vector<16xf32>,
        %mul3A_3347 = arith.constant 16 : i32
        %mul3A_3348 = arith.muli %sub3A_1807, %mul3A_3347 : i32
        %add3A_3349 = arith.addi %mul3A_2, %mul3A_3348 : i32
        %dma_start3A_3350 = arith.constant 0 : i32
        %dma_start3A_3351 = tpu.memref_slice %arg16[%mul3A_1843, %dma_start3A_3350] : memref<32x128xf32, #tpu.memory_space<vmem>> -> memref<16x128xf32, #tpu.memory_space<vmem>>
        %dma_start3A_3352 = arith.constant 0 : i32
        %dma_start3A_3353 = tpu.memref_slice %arg8[%add3A_3349, %dma_start3A_3352] : memref<16384x128xf32, #tpu.memory_space<hbm>> -> memref<16x128xf32, #tpu.memory_space<hbm>>
        %dma_start3A_3354 = arith.constant 0 : i32
        %dma_start3A_3355 = tpu.memref_slice %arg8[%add3A_3349, %dma_start3A_3354] : memref<16384x128xf32, #tpu.memory_space<hbm>> -> memref<16x128xf32, #tpu.memory_space<hbm>>
        %dma_start3A_3356 = arith.constant 0 : i32
        %dma_start3A_3357 = tpu.memref_slice %arg16[%mul3A_1843, %dma_start3A_3356] : memref<32x128xf32, #tpu.memory_space<vmem>> -> memref<16x128xf32, #tpu.memory_space<vmem>>
        tpu.enqueue_dma source(%dma_start3A_3357 : memref<16x128xf32, #tpu.memory_space<vmem>>) target(%dma_start3A_3355 : memref<16x128xf32, #tpu.memory_space<hbm>>) target_semaphore(%arg22 : memref<!tpu.dma_semaphore, #tpu.memory_space<semaphore_mem>>)
        %dma_start3A_3358 = tpu.memref_slice %arg17[%mul3A_1843] : memref<32xf32, #tpu.memory_space<vmem>> -> memref<16xf32, #tpu.memory_space<vmem>>
        %dma_start3A_3359 = tpu.memref_slice %arg9[%add3A_3349] : memref<16384xf32, #tpu.memory_space<hbm>> -> memref<16xf32, #tpu.memory_space<hbm>>
        %dma_start3A_3360 = tpu.memref_slice %arg9[%add3A_3349] : memref<16384xf32, #tpu.memory_space<hbm>> -> memref<16xf32, #tpu.memory_space<hbm>>
        %dma_start3A_3361 = tpu.memref_slice %arg17[%mul3A_1843] : memref<32xf32, #tpu.memory_space<vmem>> -> memref<16xf32, #tpu.memory_space<vmem>>
        tpu.enqueue_dma source(%dma_start3A_3361 : memref<16xf32, #tpu.memory_space<vmem>>) target(%dma_start3A_3360 : memref<16xf32, #tpu.memory_space<hbm>>) target_semaphore(%arg23 : memref<!tpu.dma_semaphore, #tpu.memory_space<semaphore_mem>>)
      } else {
      }
    }
    %scan3A_15 = arith.constant 32 : i32
    %dma_wait3A = arith.constant 0 : i32
    %dma_wait3A_16 = arith.constant 0 : i32
    %dma_wait3A_17 = arith.constant 0 : i32
    %dma_wait3A_18 = tpu.memref_slice %arg12[%dma_wait3A, %dma_wait3A_16, %dma_wait3A_17] : memref<8x8x512xf32, #tpu.memory_space<vmem>> -> memref<8x8x256xf32, #tpu.memory_space<vmem>>
    %dma_wait3A_19 = arith.constant 0 : i32
    %dma_wait3A_20 = arith.constant 0 : i32
    %dma_wait3A_21 = arith.constant 0 : i32
    %dma_wait3A_22 = tpu.memref_slice %arg4[%dma_wait3A_19, %dma_wait3A_20, %dma_wait3A_21] : memref<8x8x1000000xf32, #tpu.memory_space<hbm>> -> memref<8x8x256xf32, #tpu.memory_space<hbm>>
    %dma_wait3A_23 = arith.constant 0 : i32
    %dma_wait3A_24 = arith.constant 0 : i32
    %dma_wait3A_25 = arith.constant 0 : i32
    %dma_wait3A_26 = tpu.memref_slice %arg12[%dma_wait3A_23, %dma_wait3A_24, %dma_wait3A_25] : memref<8x8x512xf32, #tpu.memory_space<vmem>> -> memref<8x8x256xf32, #tpu.memory_space<vmem>>
    %dma_wait3A_27 = arith.constant 0 : i32
    %dma_wait3A_28 = arith.constant 0 : i32
    %dma_wait3A_29 = arith.constant 0 : i32
    %dma_wait3A_30 = tpu.memref_slice %arg4[%dma_wait3A_27, %dma_wait3A_28, %dma_wait3A_29] : memref<8x8x1000000xf32, #tpu.memory_space<hbm>> -> memref<8x8x256xf32, #tpu.memory_space<hbm>>
    tpu.wait_dma2 semaphore(%arg18 : memref<!tpu.dma_semaphore, #tpu.memory_space<semaphore_mem>>) src(%dma_wait3A_30 : memref<8x8x256xf32, #tpu.memory_space<hbm>>) dst(%dma_wait3A_26 : memref<8x8x256xf32, #tpu.memory_space<vmem>>)
    %dma_wait3A_31 = arith.constant 0 : i32
    %dma_wait3A_32 = arith.constant 0 : i32
    %dma_wait3A_33 = arith.constant 0 : i32
    %dma_wait3A_34 = tpu.memref_slice %arg13[%dma_wait3A_31, %dma_wait3A_32, %dma_wait3A_33] : memref<8x8x512xf32, #tpu.memory_space<vmem>> -> memref<8x8x256xf32, #tpu.memory_space<vmem>>
    %dma_wait3A_35 = arith.constant 0 : i32
    %dma_wait3A_36 = arith.constant 0 : i32
    %dma_wait3A_37 = arith.constant 0 : i32
    %dma_wait3A_38 = tpu.memref_slice %arg5[%dma_wait3A_35, %dma_wait3A_36, %dma_wait3A_37] : memref<8x8x1000000xf32, #tpu.memory_space<hbm>> -> memref<8x8x256xf32, #tpu.memory_space<hbm>>
    %dma_wait3A_39 = arith.constant 0 : i32
    %dma_wait3A_40 = arith.constant 0 : i32
    %dma_wait3A_41 = arith.constant 0 : i32
    %dma_wait3A_42 = tpu.memref_slice %arg13[%dma_wait3A_39, %dma_wait3A_40, %dma_wait3A_41] : memref<8x8x512xf32, #tpu.memory_space<vmem>> -> memref<8x8x256xf32, #tpu.memory_space<vmem>>
    %dma_wait3A_43 = arith.constant 0 : i32
    %dma_wait3A_44 = arith.constant 0 : i32
    %dma_wait3A_45 = arith.constant 0 : i32
    %dma_wait3A_46 = tpu.memref_slice %arg5[%dma_wait3A_43, %dma_wait3A_44, %dma_wait3A_45] : memref<8x8x1000000xf32, #tpu.memory_space<hbm>> -> memref<8x8x256xf32, #tpu.memory_space<hbm>>
    tpu.wait_dma2 semaphore(%arg19 : memref<!tpu.dma_semaphore, #tpu.memory_space<semaphore_mem>>) src(%dma_wait3A_46 : memref<8x8x256xf32, #tpu.memory_space<hbm>>) dst(%dma_wait3A_42 : memref<8x8x256xf32, #tpu.memory_space<vmem>>)
    %dma_wait3A_47 = arith.constant 0 : i32
    %dma_wait3A_48 = tpu.memref_slice %arg14[%dma_wait3A_47] : memref<512xf32, #tpu.memory_space<vmem>> -> memref<256xf32, #tpu.memory_space<vmem>>
    %dma_wait3A_49 = arith.constant 0 : i32
    %dma_wait3A_50 = tpu.memref_slice %arg6[%dma_wait3A_49] : memref<1000000xf32, #tpu.memory_space<hbm>> -> memref<256xf32, #tpu.memory_space<hbm>>
    %dma_wait3A_51 = arith.constant 0 : i32
    %dma_wait3A_52 = tpu.memref_slice %arg14[%dma_wait3A_51] : memref<512xf32, #tpu.memory_space<vmem>> -> memref<256xf32, #tpu.memory_space<vmem>>
    %dma_wait3A_53 = arith.constant 0 : i32
    %dma_wait3A_54 = tpu.memref_slice %arg6[%dma_wait3A_53] : memref<1000000xf32, #tpu.memory_space<hbm>> -> memref<256xf32, #tpu.memory_space<hbm>>
    tpu.wait_dma2 semaphore(%arg20 : memref<!tpu.dma_semaphore, #tpu.memory_space<semaphore_mem>>) src(%dma_wait3A_54 : memref<256xf32, #tpu.memory_space<hbm>>) dst(%dma_wait3A_52 : memref<256xf32, #tpu.memory_space<vmem>>)
    %dma_wait3A_55 = arith.constant 0 : i32
    %dma_wait3A_56 = tpu.memref_slice %arg15[%dma_wait3A_55] : memref<512xf32, #tpu.memory_space<vmem>> -> memref<256xf32, #tpu.memory_space<vmem>>
    %dma_wait3A_57 = arith.constant 0 : i32
    %dma_wait3A_58 = tpu.memref_slice %arg7[%dma_wait3A_57] : memref<1000000xf32, #tpu.memory_space<hbm>> -> memref<256xf32, #tpu.memory_space<hbm>>
    %dma_wait3A_59 = arith.constant 0 : i32
    %dma_wait3A_60 = tpu.memref_slice %arg15[%dma_wait3A_59] : memref<512xf32, #tpu.memory_space<vmem>> -> memref<256xf32, #tpu.memory_space<vmem>>
    %dma_wait3A_61 = arith.constant 0 : i32
    %dma_wait3A_62 = tpu.memref_slice %arg7[%dma_wait3A_61] : memref<1000000xf32, #tpu.memory_space<hbm>> -> memref<256xf32, #tpu.memory_space<hbm>>
    tpu.wait_dma2 semaphore(%arg21 : memref<!tpu.dma_semaphore, #tpu.memory_space<semaphore_mem>>) src(%dma_wait3A_62 : memref<256xf32, #tpu.memory_space<hbm>>) dst(%dma_wait3A_60 : memref<256xf32, #tpu.memory_space<vmem>>)
    %dma_wait3A_63 = arith.constant 0 : i32
    %dma_wait3A_64 = arith.constant 0 : i32
    %dma_wait3A_65 = tpu.memref_slice %arg16[%dma_wait3A_63, %dma_wait3A_64] : memref<32x128xf32, #tpu.memory_space<vmem>> -> memref<16x128xf32, #tpu.memory_space<vmem>>
    %dma_wait3A_66 = arith.constant 0 : i32
    %dma_wait3A_67 = tpu.memref_slice %arg8[%mul3A_2, %dma_wait3A_66] : memref<16384x128xf32, #tpu.memory_space<hbm>> -> memref<16x128xf32, #tpu.memory_space<hbm>>
    %dma_wait3A_68 = arith.constant 0 : i32
    %dma_wait3A_69 = tpu.memref_slice %arg8[%mul3A_2, %dma_wait3A_68] : memref<16384x128xf32, #tpu.memory_space<hbm>> -> memref<16x128xf32, #tpu.memory_space<hbm>>
    %dma_wait3A_70 = arith.constant 0 : i32
    %dma_wait3A_71 = arith.constant 0 : i32
    %dma_wait3A_72 = tpu.memref_slice %arg16[%dma_wait3A_70, %dma_wait3A_71] : memref<32x128xf32, #tpu.memory_space<vmem>> -> memref<16x128xf32, #tpu.memory_space<vmem>>
    tpu.wait_dma2 semaphore(%arg22 : memref<!tpu.dma_semaphore, #tpu.memory_space<semaphore_mem>>) src(%dma_wait3A_72 : memref<16x128xf32, #tpu.memory_space<vmem>>) dst(%dma_wait3A_69 : memref<16x128xf32, #tpu.memory_space<hbm>>)
    %dma_wait3A_73 = arith.constant 0 : i32
    %dma_wait3A_74 = tpu.memref_slice %arg17[%dma_wait3A_73] : memref<32xf32, #tpu.memory_space<vmem>> -> memref<16xf32, #tpu.memory_space<vmem>>
    %dma_wait3A_75 = tpu.memref_slice %arg9[%mul3A_2] : memref<16384xf32, #tpu.memory_space<hbm>> -> memref<16xf32, #tpu.memory_space<hbm>>
    %dma_wait3A_76 = tpu.memref_slice %arg9[%mul3A_2] : memref<16384xf32, #tpu.memory_space<hbm>> -> memref<16xf32, #tpu.memory_space<hbm>>
    %dma_wait3A_77 = arith.constant 0 : i32
    %dma_wait3A_78 = tpu.memref_slice %arg17[%dma_wait3A_77] : memref<32xf32, #tpu.memory_space<vmem>> -> memref<16xf32, #tpu.memory_space<vmem>>
    tpu.wait_dma2 semaphore(%arg23 : memref<!tpu.dma_semaphore, #tpu.memory_space<semaphore_mem>>) src(%dma_wait3A_78 : memref<16xf32, #tpu.memory_space<vmem>>) dst(%dma_wait3A_76 : memref<16xf32, #tpu.memory_space<hbm>>)
    %get3A = arith.constant 496 : index
    %get3A_79 = tpu.vector_load %arg10[%get3A] {strides = array<i32>} : memref<512xi32, #tpu.memory_space<vmem>>, vector<16xi32>,
    %get3A_80 = arith.constant 496 : index
    %get3A_81 = tpu.vector_load %arg11[%get3A_80] {strides = array<i32>} : memref<512xi32, #tpu.memory_space<vmem>>, vector<16xi32>,
    %mul3A_82 = arith.constant 16 : i32
    %mul3A_83 = vector.broadcast %mul3A_82 : i32 to vector<16xi32>
    %mul3A_84 = arith.muli %iota3A, %mul3A_83 : vector<16xi32>
    %add3A_85 = arith.constant 256 : i32
    %add3A_86 = vector.broadcast %add3A_85 : i32 to vector<16xi32>
    %add3A_87 = arith.addi %add3A_86, %mul3A_84 : vector<16xi32>
    %and3A = arith.constant 15 : i32
    %and3A_88 = vector.broadcast %and3A : i32 to vector<16xi32>
    %and3A_89 = arith.andi %get3A_79, %and3A_88 : vector<16xi32>
    %add3A_90 = arith.addi %add3A_87, %and3A_89 : vector<16xi32>
    %mul3A_91 = arith.constant 16 : i32
    %mul3A_92 = vector.broadcast %mul3A_91 : i32 to vector<16xi32>
    %mul3A_93 = arith.muli %iota3A, %mul3A_92 : vector<16xi32>
    %add3A_94 = arith.constant 256 : i32
    %add3A_95 = vector.broadcast %add3A_94 : i32 to vector<16xi32>
    %add3A_96 = arith.addi %add3A_95, %mul3A_93 : vector<16xi32>
    %and3A_97 = arith.constant 15 : i32
    %and3A_98 = vector.broadcast %and3A_97 : i32 to vector<16xi32>
    %and3A_99 = arith.andi %get3A_81, %and3A_98 : vector<16xi32>
    %add3A_100 = arith.addi %add3A_96, %and3A_99 : vector<16xi32>
    %broadcast_in_dim3A = arith.constant 0 : i32
    %broadcast_in_dim3A_101 = vector.broadcast %broadcast_in_dim3A : i32 to vector<16xi32>
    %shift_right_arithmetic3A = arith.constant 3 : i32
    %shift_right_arithmetic3A_102 = vector.broadcast %shift_right_arithmetic3A : i32 to vector<16xi32>
    %shift_right_arithmetic3A_103 = arith.shrsi %broadcast_in_dim3A_101, %shift_right_arithmetic3A_102 : vector<16xi32>
    %and3A_104 = arith.constant 7 : i32
    %and3A_105 = vector.broadcast %and3A_104 : i32 to vector<16xi32>
    %and3A_106 = arith.andi %broadcast_in_dim3A_101, %and3A_105 : vector<16xi32>
    %gather3A = tpu.vector_load_idx %arg12[%shift_right_arithmetic3A_103, %and3A_106, %add3A_90] : memref<8x8x512xf32, #tpu.memory_space<vmem>>[vector<16xi32>, vector<16xi32>, vector<16xi32>], vector<16xf32>,
    %add3A_107 = arith.constant 16 : i32
    %add3A_108 = vector.broadcast %add3A_107 : i32 to vector<16xi32>
    %add3A_109 = arith.addi %iota3A, %add3A_108 : vector<16xi32>
    tpu.vector_store_idx %arg16[%add3A_109, %broadcast_in_dim3A_101], %gather3A : memref<32x128xf32, #tpu.memory_space<vmem>>[vector<16xi32>, vector<16xi32>], vector<16xf32>,
    %shift_right_arithmetic3A_110 = arith.constant 3 : i32
    %shift_right_arithmetic3A_111 = vector.broadcast %shift_right_arithmetic3A_110 : i32 to vector<16xi32>
    %shift_right_arithmetic3A_112 = arith.shrsi %broadcast_in_dim3A_101, %shift_right_arithmetic3A_111 : vector<16xi32>
    %and3A_113 = arith.constant 7 : i32
    %and3A_114 = vector.broadcast %and3A_113 : i32 to vector<16xi32>
    %and3A_115 = arith.andi %broadcast_in_dim3A_101, %and3A_114 : vector<16xi32>
    %gather3A_116 = tpu.vector_load_idx %arg13[%shift_right_arithmetic3A_112, %and3A_115, %add3A_100] : memref<8x8x512xf32, #tpu.memory_space<vmem>>[vector<16xi32>, vector<16xi32>, vector<16xi32>], vector<16xf32>,
    %add3A_117 = arith.constant 16 : i32
    %add3A_118 = vector.broadcast %add3A_117 : i32 to vector<16xi32>
    %add3A_119 = arith.addi %iota3A, %add3A_118 : vector<16xi32>
    %add3A_120 = arith.constant 64 : i32
    %add3A_121 = vector.broadcast %add3A_120 : i32 to vector<16xi32>
    %add3A_122 = arith.addi %broadcast_in_dim3A_101, %add3A_121 : vector<16xi32>
    tpu.vector_store_idx %arg16[%add3A_119, %add3A_122], %gather3A_116 : memref<32x128xf32, #tpu.memory_space<vmem>>[vector<16xi32>, vector<16xi32>], vector<16xf32>,
    %broadcast_in_dim3A_123 = arith.constant 1 : i32
    %broadcast_in_dim3A_124 = vector.broadcast %broadcast_in_dim3A_123 : i32 to vector<16xi32>
    %shift_right_arithmetic3A_125 = arith.constant 3 : i32
    %shift_right_arithmetic3A_126 = vector.broadcast %shift_right_arithmetic3A_125 : i32 to vector<16xi32>
    %shift_right_arithmetic3A_127 = arith.shrsi %broadcast_in_dim3A_124, %shift_right_arithmetic3A_126 : vector<16xi32>
    %and3A_128 = arith.constant 7 : i32
    %and3A_129 = vector.broadcast %and3A_128 : i32 to vector<16xi32>
    %and3A_130 = arith.andi %broadcast_in_dim3A_124, %and3A_129 : vector<16xi32>
    %gather3A_131 = tpu.vector_load_idx %arg12[%shift_right_arithmetic3A_127, %and3A_130, %add3A_90] : memref<8x8x512xf32, #tpu.memory_space<vmem>>[vector<16xi32>, vector<16xi32>, vector<16xi32>], vector<16xf32>,
    %add3A_132 = arith.constant 16 : i32
    %add3A_133 = vector.broadcast %add3A_132 : i32 to vector<16xi32>
    %add3A_134 = arith.addi %iota3A, %add3A_133 : vector<16xi32>
    tpu.vector_store_idx %arg16[%add3A_134, %broadcast_in_dim3A_124], %gather3A_131 : memref<32x128xf32, #tpu.memory_space<vmem>>[vector<16xi32>, vector<16xi32>], vector<16xf32>,
    %shift_right_arithmetic3A_135 = arith.constant 3 : i32
    %shift_right_arithmetic3A_136 = vector.broadcast %shift_right_arithmetic3A_135 : i32 to vector<16xi32>
    %shift_right_arithmetic3A_137 = arith.shrsi %broadcast_in_dim3A_124, %shift_right_arithmetic3A_136 : vector<16xi32>
    %and3A_138 = arith.constant 7 : i32
    %and3A_139 = vector.broadcast %and3A_138 : i32 to vector<16xi32>
    %and3A_140 = arith.andi %broadcast_in_dim3A_124, %and3A_139 : vector<16xi32>
    %gather3A_141 = tpu.vector_load_idx %arg13[%shift_right_arithmetic3A_137, %and3A_140, %add3A_100] : memref<8x8x512xf32, #tpu.memory_space<vmem>>[vector<16xi32>, vector<16xi32>, vector<16xi32>], vector<16xf32>,
    %add3A_142 = arith.constant 16 : i32
    %add3A_143 = vector.broadcast %add3A_142 : i32 to vector<16xi32>
    %add3A_144 = arith.addi %iota3A, %add3A_143 : vector<16xi32>
    %add3A_145 = arith.constant 64 : i32
    %add3A_146 = vector.broadcast %add3A_145 : i32 to vector<16xi32>
    %add3A_147 = arith.addi %broadcast_in_dim3A_124, %add3A_146 : vector<16xi32>
    tpu.vector_store_idx %arg16[%add3A_144, %add3A_147], %gather3A_141 : memref<32x128xf32, #tpu.memory_space<vmem>>[vector<16xi32>, vector<16xi32>], vector<16xf32>,
    %broadcast_in_dim3A_148 = arith.constant 2 : i32
    %broadcast_in_dim3A_149 = vector.broadcast %broadcast_in_dim3A_148 : i32 to vector<16xi32>
    %shift_right_arithmetic3A_150 = arith.constant 3 : i32
    %shift_right_arithmetic3A_151 = vector.broadcast %shift_right_arithmetic3A_150 : i32 to vector<16xi32>
    %shift_right_arithmetic3A_152 = arith.shrsi %broadcast_in_dim3A_149, %shift_right_arithmetic3A_151 : vector<16xi32>
    %and3A_153 = arith.constant 7 : i32
    %and3A_154 = vector.broadcast %and3A_153 : i32 to vector<16xi32>
    %and3A_155 = arith.andi %broadcast_in_dim3A_149, %and3A_154 : vector<16xi32>
    %gather3A_156 = tpu.vector_load_idx %arg12[%shift_right_arithmetic3A_152, %and3A_155, %add3A_90] : memref<8x8x512xf32, #tpu.memory_space<vmem>>[vector<16xi32>, vector<16xi32>, vector<16xi32>], vector<16xf32>,
    %add3A_157 = arith.constant 16 : i32
    %add3A_158 = vector.broadcast %add3A_157 : i32 to vector<16xi32>
    %add3A_159 = arith.addi %iota3A, %add3A_158 : vector<16xi32>
    tpu.vector_store_idx %arg16[%add3A_159, %broadcast_in_dim3A_149], %gather3A_156 : memref<32x128xf32, #tpu.memory_space<vmem>>[vector<16xi32>, vector<16xi32>], vector<16xf32>,
    %shift_right_arithmetic3A_160 = arith.constant 3 : i32
    %shift_right_arithmetic3A_161 = vector.broadcast %shift_right_arithmetic3A_160 : i32 to vector<16xi32>
    %shift_right_arithmetic3A_162 = arith.shrsi %broadcast_in_dim3A_149, %shift_right_arithmetic3A_161 : vector<16xi32>
    %and3A_163 = arith.constant 7 : i32
    %and3A_164 = vector.broadcast %and3A_163 : i32 to vector<16xi32>
    %and3A_165 = arith.andi %broadcast_in_dim3A_149, %and3A_164 : vector<16xi32>
    %gather3A_166 = tpu.vector_load_idx %arg13[%shift_right_arithmetic3A_162, %and3A_165, %add3A_100] : memref<8x8x512xf32, #tpu.memory_space<vmem>>[vector<16xi32>, vector<16xi32>, vector<16xi32>], vector<16xf32>,
    %add3A_167 = arith.constant 16 : i32
    %add3A_168 = vector.broadcast %add3A_167 : i32 to vector<16xi32>
    %add3A_169 = arith.addi %iota3A, %add3A_168 : vector<16xi32>
    %add3A_170 = arith.constant 64 : i32
    %add3A_171 = vector.broadcast %add3A_170 : i32 to vector<16xi32>
    %add3A_172 = arith.addi %broadcast_in_dim3A_149, %add3A_171 : vector<16xi32>
    tpu.vector_store_idx %arg16[%add3A_169, %add3A_172], %gather3A_166 : memref<32x128xf32, #tpu.memory_space<vmem>>[vector<16xi32>, vector<16xi32>], vector<16xf32>,
    %broadcast_in_dim3A_173 = arith.constant 3 : i32
    %broadcast_in_dim3A_174 = vector.broadcast %broadcast_in_dim3A_173 : i32 to vector<16xi32>
    %shift_right_arithmetic3A_175 = arith.constant 3 : i32
    %shift_right_arithmetic3A_176 = vector.broadcast %shift_right_arithmetic3A_175 : i32 to vector<16xi32>
    %shift_right_arithmetic3A_177 = arith.shrsi %broadcast_in_dim3A_174, %shift_right_arithmetic3A_176 : vector<16xi32>
    %and3A_178 = arith.constant 7 : i32
    %and3A_179 = vector.broadcast %and3A_178 : i32 to vector<16xi32>
    %and3A_180 = arith.andi %broadcast_in_dim3A_174, %and3A_179 : vector<16xi32>
    %gather3A_181 = tpu.vector_load_idx %arg12[%shift_right_arithmetic3A_177, %and3A_180, %add3A_90] : memref<8x8x512xf32, #tpu.memory_space<vmem>>[vector<16xi32>, vector<16xi32>, vector<16xi32>], vector<16xf32>,
    %add3A_182 = arith.constant 16 : i32
    %add3A_183 = vector.broadcast %add3A_182 : i32 to vector<16xi32>
    %add3A_184 = arith.addi %iota3A, %add3A_183 : vector<16xi32>
    tpu.vector_store_idx %arg16[%add3A_184, %broadcast_in_dim3A_174], %gather3A_181 : memref<32x128xf32, #tpu.memory_space<vmem>>[vector<16xi32>, vector<16xi32>], vector<16xf32>,
    %shift_right_arithmetic3A_185 = arith.constant 3 : i32
    %shift_right_arithmetic3A_186 = vector.broadcast %shift_right_arithmetic3A_185 : i32 to vector<16xi32>
    %shift_right_arithmetic3A_187 = arith.shrsi %broadcast_in_dim3A_174, %shift_right_arithmetic3A_186 : vector<16xi32>
    %and3A_188 = arith.constant 7 : i32
    %and3A_189 = vector.broadcast %and3A_188 : i32 to vector<16xi32>
    %and3A_190 = arith.andi %broadcast_in_dim3A_174, %and3A_189 : vector<16xi32>
    %gather3A_191 = tpu.vector_load_idx %arg13[%shift_right_arithmetic3A_187, %and3A_190, %add3A_100] : memref<8x8x512xf32, #tpu.memory_space<vmem>>[vector<16xi32>, vector<16xi32>, vector<16xi32>], vector<16xf32>,
    %add3A_192 = arith.constant 16 : i32
    %add3A_193 = vector.broadcast %add3A_192 : i32 to vector<16xi32>
    %add3A_194 = arith.addi %iota3A, %add3A_193 : vector<16xi32>
    %add3A_195 = arith.constant 64 : i32
    %add3A_196 = vector.broadcast %add3A_195 : i32 to vector<16xi32>
    %add3A_197 = arith.addi %broadcast_in_dim3A_174, %add3A_196 : vector<16xi32>
    tpu.vector_store_idx %arg16[%add3A_194, %add3A_197], %gather3A_191 : memref<32x128xf32, #tpu.memory_space<vmem>>[vector<16xi32>, vector<16xi32>], vector<16xf32>,
    %broadcast_in_dim3A_198 = arith.constant 4 : i32
    %broadcast_in_dim3A_199 = vector.broadcast %broadcast_in_dim3A_198 : i32 to vector<16xi32>
    %shift_right_arithmetic3A_200 = arith.constant 3 : i32
    %shift_right_arithmetic3A_201 = vector.broadcast %shift_right_arithmetic3A_200 : i32 to vector<16xi32>
    %shift_right_arithmetic3A_202 = arith.shrsi %broadcast_in_dim3A_199, %shift_right_arithmetic3A_201 : vector<16xi32>
    %and3A_203 = arith.constant 7 : i32
    %and3A_204 = vector.broadcast %and3A_203 : i32 to vector<16xi32>
    %and3A_205 = arith.andi %broadcast_in_dim3A_199, %and3A_204 : vector<16xi32>
    %gather3A_206 = tpu.vector_load_idx %arg12[%shift_right_arithmetic3A_202, %and3A_205, %add3A_90] : memref<8x8x512xf32, #tpu.memory_space<vmem>>[vector<16xi32>, vector<16xi32>, vector<16xi32>], vector<16xf32>,
    %add3A_207 = arith.constant 16 : i32
    %add3A_208 = vector.broadcast %add3A_207 : i32 to vector<16xi32>
    %add3A_209 = arith.addi %iota3A, %add3A_208 : vector<16xi32>
    tpu.vector_store_idx %arg16[%add3A_209, %broadcast_in_dim3A_199], %gather3A_206 : memref<32x128xf32, #tpu.memory_space<vmem>>[vector<16xi32>, vector<16xi32>], vector<16xf32>,
    %shift_right_arithmetic3A_210 = arith.constant 3 : i32
    %shift_right_arithmetic3A_211 = vector.broadcast %shift_right_arithmetic3A_210 : i32 to vector<16xi32>
    %shift_right_arithmetic3A_212 = arith.shrsi %broadcast_in_dim3A_199, %shift_right_arithmetic3A_211 : vector<16xi32>
    %and3A_213 = arith.constant 7 : i32
    %and3A_214 = vector.broadcast %and3A_213 : i32 to vector<16xi32>
    %and3A_215 = arith.andi %broadcast_in_dim3A_199, %and3A_214 : vector<16xi32>
    %gather3A_216 = tpu.vector_load_idx %arg13[%shift_right_arithmetic3A_212, %and3A_215, %add3A_100] : memref<8x8x512xf32, #tpu.memory_space<vmem>>[vector<16xi32>, vector<16xi32>, vector<16xi32>], vector<16xf32>,
    %add3A_217 = arith.constant 16 : i32
    %add3A_218 = vector.broadcast %add3A_217 : i32 to vector<16xi32>
    %add3A_219 = arith.addi %iota3A, %add3A_218 : vector<16xi32>
    %add3A_220 = arith.constant 64 : i32
    %add3A_221 = vector.broadcast %add3A_220 : i32 to vector<16xi32>
    %add3A_222 = arith.addi %broadcast_in_dim3A_199, %add3A_221 : vector<16xi32>
    tpu.vector_store_idx %arg16[%add3A_219, %add3A_222], %gather3A_216 : memref<32x128xf32, #tpu.memory_space<vmem>>[vector<16xi32>, vector<16xi32>], vector<16xf32>,
    %broadcast_in_dim3A_223 = arith.constant 5 : i32
    %broadcast_in_dim3A_224 = vector.broadcast %broadcast_in_dim3A_223 : i32 to vector<16xi32>
    %shift_right_arithmetic3A_225 = arith.constant 3 : i32
    %shift_right_arithmetic3A_226 = vector.broadcast %shift_right_arithmetic3A_225 : i32 to vector<16xi32>
    %shift_right_arithmetic3A_227 = arith.shrsi %broadcast_in_dim3A_224, %shift_right_arithmetic3A_226 : vector<16xi32>
    %and3A_228 = arith.constant 7 : i32
    %and3A_229 = vector.broadcast %and3A_228 : i32 to vector<16xi32>
    %and3A_230 = arith.andi %broadcast_in_dim3A_224, %and3A_229 : vector<16xi32>
    %gather3A_231 = tpu.vector_load_idx %arg12[%shift_right_arithmetic3A_227, %and3A_230, %add3A_90] : memref<8x8x512xf32, #tpu.memory_space<vmem>>[vector<16xi32>, vector<16xi32>, vector<16xi32>], vector<16xf32>,
    %add3A_232 = arith.constant 16 : i32
    %add3A_233 = vector.broadcast %add3A_232 : i32 to vector<16xi32>
    %add3A_234 = arith.addi %iota3A, %add3A_233 : vector<16xi32>
    tpu.vector_store_idx %arg16[%add3A_234, %broadcast_in_dim3A_224], %gather3A_231 : memref<32x128xf32, #tpu.memory_space<vmem>>[vector<16xi32>, vector<16xi32>], vector<16xf32>,
    %shift_right_arithmetic3A_235 = arith.constant 3 : i32
    %shift_right_arithmetic3A_236 = vector.broadcast %shift_right_arithmetic3A_235 : i32 to vector<16xi32>
    %shift_right_arithmetic3A_237 = arith.shrsi %broadcast_in_dim3A_224, %shift_right_arithmetic3A_236 : vector<16xi32>
    %and3A_238 = arith.constant 7 : i32
    %and3A_239 = vector.broadcast %and3A_238 : i32 to vector<16xi32>
    %and3A_240 = arith.andi %broadcast_in_dim3A_224, %and3A_239 : vector<16xi32>
    %gather3A_241 = tpu.vector_load_idx %arg13[%shift_right_arithmetic3A_237, %and3A_240, %add3A_100] : memref<8x8x512xf32, #tpu.memory_space<vmem>>[vector<16xi32>, vector<16xi32>, vector<16xi32>], vector<16xf32>,
    %add3A_242 = arith.constant 16 : i32
    %add3A_243 = vector.broadcast %add3A_242 : i32 to vector<16xi32>
    %add3A_244 = arith.addi %iota3A, %add3A_243 : vector<16xi32>
    %add3A_245 = arith.constant 64 : i32
    %add3A_246 = vector.broadcast %add3A_245 : i32 to vector<16xi32>
    %add3A_247 = arith.addi %broadcast_in_dim3A_224, %add3A_246 : vector<16xi32>
    tpu.vector_store_idx %arg16[%add3A_244, %add3A_247], %gather3A_241 : memref<32x128xf32, #tpu.memory_space<vmem>>[vector<16xi32>, vector<16xi32>], vector<16xf32>,
    %broadcast_in_dim3A_248 = arith.constant 6 : i32
    %broadcast_in_dim3A_249 = vector.broadcast %broadcast_in_dim3A_248 : i32 to vector<16xi32>
    %shift_right_arithmetic3A_250 = arith.constant 3 : i32
    %shift_right_arithmetic3A_251 = vector.broadcast %shift_right_arithmetic3A_250 : i32 to vector<16xi32>
    %shift_right_arithmetic3A_252 = arith.shrsi %broadcast_in_dim3A_249, %shift_right_arithmetic3A_251 : vector<16xi32>
    %and3A_253 = arith.constant 7 : i32
    %and3A_254 = vector.broadcast %and3A_253 : i32 to vector<16xi32>
    %and3A_255 = arith.andi %broadcast_in_dim3A_249, %and3A_254 : vector<16xi32>
    %gather3A_256 = tpu.vector_load_idx %arg12[%shift_right_arithmetic3A_252, %and3A_255, %add3A_90] : memref<8x8x512xf32, #tpu.memory_space<vmem>>[vector<16xi32>, vector<16xi32>, vector<16xi32>], vector<16xf32>,
    %add3A_257 = arith.constant 16 : i32
    %add3A_258 = vector.broadcast %add3A_257 : i32 to vector<16xi32>
    %add3A_259 = arith.addi %iota3A, %add3A_258 : vector<16xi32>
    tpu.vector_store_idx %arg16[%add3A_259, %broadcast_in_dim3A_249], %gather3A_256 : memref<32x128xf32, #tpu.memory_space<vmem>>[vector<16xi32>, vector<16xi32>], vector<16xf32>,
    %shift_right_arithmetic3A_260 = arith.constant 3 : i32
    %shift_right_arithmetic3A_261 = vector.broadcast %shift_right_arithmetic3A_260 : i32 to vector<16xi32>
    %shift_right_arithmetic3A_262 = arith.shrsi %broadcast_in_dim3A_249, %shift_right_arithmetic3A_261 : vector<16xi32>
    %and3A_263 = arith.constant 7 : i32
    %and3A_264 = vector.broadcast %and3A_263 : i32 to vector<16xi32>
    %and3A_265 = arith.andi %broadcast_in_dim3A_249, %and3A_264 : vector<16xi32>
    %gather3A_266 = tpu.vector_load_idx %arg13[%shift_right_arithmetic3A_262, %and3A_265, %add3A_100] : memref<8x8x512xf32, #tpu.memory_space<vmem>>[vector<16xi32>, vector<16xi32>, vector<16xi32>], vector<16xf32>,
    %add3A_267 = arith.constant 16 : i32
    %add3A_268 = vector.broadcast %add3A_267 : i32 to vector<16xi32>
    %add3A_269 = arith.addi %iota3A, %add3A_268 : vector<16xi32>
    %add3A_270 = arith.constant 64 : i32
    %add3A_271 = vector.broadcast %add3A_270 : i32 to vector<16xi32>
    %add3A_272 = arith.addi %broadcast_in_dim3A_249, %add3A_271 : vector<16xi32>
    tpu.vector_store_idx %arg16[%add3A_269, %add3A_272], %gather3A_266 : memref<32x128xf32, #tpu.memory_space<vmem>>[vector<16xi32>, vector<16xi32>], vector<16xf32>,
    %broadcast_in_dim3A_273 = arith.constant 7 : i32
    %broadcast_in_dim3A_274 = vector.broadcast %broadcast_in_dim3A_273 : i32 to vector<16xi32>
    %shift_right_arithmetic3A_275 = arith.constant 3 : i32
    %shift_right_arithmetic3A_276 = vector.broadcast %shift_right_arithmetic3A_275 : i32 to vector<16xi32>
    %shift_right_arithmetic3A_277 = arith.shrsi %broadcast_in_dim3A_274, %shift_right_arithmetic3A_276 : vector<16xi32>
    %and3A_278 = arith.constant 7 : i32
    %and3A_279 = vector.broadcast %and3A_278 : i32 to vector<16xi32>
    %and3A_280 = arith.andi %broadcast_in_dim3A_274, %and3A_279 : vector<16xi32>
    %gather3A_281 = tpu.vector_load_idx %arg12[%shift_right_arithmetic3A_277, %and3A_280, %add3A_90] : memref<8x8x512xf32, #tpu.memory_space<vmem>>[vector<16xi32>, vector<16xi32>, vector<16xi32>], vector<16xf32>,
    %add3A_282 = arith.constant 16 : i32
    %add3A_283 = vector.broadcast %add3A_282 : i32 to vector<16xi32>
    %add3A_284 = arith.addi %iota3A, %add3A_283 : vector<16xi32>
    tpu.vector_store_idx %arg16[%add3A_284, %broadcast_in_dim3A_274], %gather3A_281 : memref<32x128xf32, #tpu.memory_space<vmem>>[vector<16xi32>, vector<16xi32>], vector<16xf32>,
    %shift_right_arithmetic3A_285 = arith.constant 3 : i32
    %shift_right_arithmetic3A_286 = vector.broadcast %shift_right_arithmetic3A_285 : i32 to vector<16xi32>
    %shift_right_arithmetic3A_287 = arith.shrsi %broadcast_in_dim3A_274, %shift_right_arithmetic3A_286 : vector<16xi32>
    %and3A_288 = arith.constant 7 : i32
    %and3A_289 = vector.broadcast %and3A_288 : i32 to vector<16xi32>
    %and3A_290 = arith.andi %broadcast_in_dim3A_274, %and3A_289 : vector<16xi32>
    %gather3A_291 = tpu.vector_load_idx %arg13[%shift_right_arithmetic3A_287, %and3A_290, %add3A_100] : memref<8x8x512xf32, #tpu.memory_space<vmem>>[vector<16xi32>, vector<16xi32>, vector<16xi32>], vector<16xf32>,
    %add3A_292 = arith.constant 16 : i32
    %add3A_293 = vector.broadcast %add3A_292 : i32 to vector<16xi32>
    %add3A_294 = arith.addi %iota3A, %add3A_293 : vector<16xi32>
    %add3A_295 = arith.constant 64 : i32
    %add3A_296 = vector.broadcast %add3A_295 : i32 to vector<16xi32>
    %add3A_297 = arith.addi %broadcast_in_dim3A_274, %add3A_296 : vector<16xi32>
    tpu.vector_store_idx %arg16[%add3A_294, %add3A_297], %gather3A_291 : memref<32x128xf32, #tpu.memory_space<vmem>>[vector<16xi32>, vector<16xi32>], vector<16xf32>,
    %broadcast_in_dim3A_298 = arith.constant 8 : i32
    %broadcast_in_dim3A_299 = vector.broadcast %broadcast_in_dim3A_298 : i32 to vector<16xi32>
    %shift_right_arithmetic3A_300 = arith.constant 3 : i32
    %shift_right_arithmetic3A_301 = vector.broadcast %shift_right_arithmetic3A_300 : i32 to vector<16xi32>
    %shift_right_arithmetic3A_302 = arith.shrsi %broadcast_in_dim3A_299, %shift_right_arithmetic3A_301 : vector<16xi32>
    %and3A_303 = arith.constant 7 : i32
    %and3A_304 = vector.broadcast %and3A_303 : i32 to vector<16xi32>
    %and3A_305 = arith.andi %broadcast_in_dim3A_299, %and3A_304 : vector<16xi32>
    %gather3A_306 = tpu.vector_load_idx %arg12[%shift_right_arithmetic3A_302, %and3A_305, %add3A_90] : memref<8x8x512xf32, #tpu.memory_space<vmem>>[vector<16xi32>, vector<16xi32>, vector<16xi32>], vector<16xf32>,
    %add3A_307 = arith.constant 16 : i32
    %add3A_308 = vector.broadcast %add3A_307 : i32 to vector<16xi32>
    %add3A_309 = arith.addi %iota3A, %add3A_308 : vector<16xi32>
    tpu.vector_store_idx %arg16[%add3A_309, %broadcast_in_dim3A_299], %gather3A_306 : memref<32x128xf32, #tpu.memory_space<vmem>>[vector<16xi32>, vector<16xi32>], vector<16xf32>,
    %shift_right_arithmetic3A_310 = arith.constant 3 : i32
    %shift_right_arithmetic3A_311 = vector.broadcast %shift_right_arithmetic3A_310 : i32 to vector<16xi32>
    %shift_right_arithmetic3A_312 = arith.shrsi %broadcast_in_dim3A_299, %shift_right_arithmetic3A_311 : vector<16xi32>
    %and3A_313 = arith.constant 7 : i32
    %and3A_314 = vector.broadcast %and3A_313 : i32 to vector<16xi32>
    %and3A_315 = arith.andi %broadcast_in_dim3A_299, %and3A_314 : vector<16xi32>
    %gather3A_316 = tpu.vector_load_idx %arg13[%shift_right_arithmetic3A_312, %and3A_315, %add3A_100] : memref<8x8x512xf32, #tpu.memory_space<vmem>>[vector<16xi32>, vector<16xi32>, vector<16xi32>], vector<16xf32>,
    %add3A_317 = arith.constant 16 : i32
    %add3A_318 = vector.broadcast %add3A_317 : i32 to vector<16xi32>
    %add3A_319 = arith.addi %iota3A, %add3A_318 : vector<16xi32>
    %add3A_320 = arith.constant 64 : i32
    %add3A_321 = vector.broadcast %add3A_320 : i32 to vector<16xi32>
    %add3A_322 = arith.addi %broadcast_in_dim3A_299, %add3A_321 : vector<16xi32>
    tpu.vector_store_idx %arg16[%add3A_319, %add3A_322], %gather3A_316 : memref<32x128xf32, #tpu.memory_space<vmem>>[vector<16xi32>, vector<16xi32>], vector<16xf32>,
    %broadcast_in_dim3A_323 = arith.constant 9 : i32
    %broadcast_in_dim3A_324 = vector.broadcast %broadcast_in_dim3A_323 : i32 to vector<16xi32>
    %shift_right_arithmetic3A_325 = arith.constant 3 : i32
    %shift_right_arithmetic3A_326 = vector.broadcast %shift_right_arithmetic3A_325 : i32 to vector<16xi32>
    %shift_right_arithmetic3A_327 = arith.shrsi %broadcast_in_dim3A_324, %shift_right_arithmetic3A_326 : vector<16xi32>
    %and3A_328 = arith.constant 7 : i32
    %and3A_329 = vector.broadcast %and3A_328 : i32 to vector<16xi32>
    %and3A_330 = arith.andi %broadcast_in_dim3A_324, %and3A_329 : vector<16xi32>
    %gather3A_331 = tpu.vector_load_idx %arg12[%shift_right_arithmetic3A_327, %and3A_330, %add3A_90] : memref<8x8x512xf32, #tpu.memory_space<vmem>>[vector<16xi32>, vector<16xi32>, vector<16xi32>], vector<16xf32>,
    %add3A_332 = arith.constant 16 : i32
    %add3A_333 = vector.broadcast %add3A_332 : i32 to vector<16xi32>
    %add3A_334 = arith.addi %iota3A, %add3A_333 : vector<16xi32>
    tpu.vector_store_idx %arg16[%add3A_334, %broadcast_in_dim3A_324], %gather3A_331 : memref<32x128xf32, #tpu.memory_space<vmem>>[vector<16xi32>, vector<16xi32>], vector<16xf32>,
    %shift_right_arithmetic3A_335 = arith.constant 3 : i32
    %shift_right_arithmetic3A_336 = vector.broadcast %shift_right_arithmetic3A_335 : i32 to vector<16xi32>
    %shift_right_arithmetic3A_337 = arith.shrsi %broadcast_in_dim3A_324, %shift_right_arithmetic3A_336 : vector<16xi32>
    %and3A_338 = arith.constant 7 : i32
    %and3A_339 = vector.broadcast %and3A_338 : i32 to vector<16xi32>
    %and3A_340 = arith.andi %broadcast_in_dim3A_324, %and3A_339 : vector<16xi32>
    %gather3A_341 = tpu.vector_load_idx %arg13[%shift_right_arithmetic3A_337, %and3A_340, %add3A_100] : memref<8x8x512xf32, #tpu.memory_space<vmem>>[vector<16xi32>, vector<16xi32>, vector<16xi32>], vector<16xf32>,
    %add3A_342 = arith.constant 16 : i32
    %add3A_343 = vector.broadcast %add3A_342 : i32 to vector<16xi32>
    %add3A_344 = arith.addi %iota3A, %add3A_343 : vector<16xi32>
    %add3A_345 = arith.constant 64 : i32
    %add3A_346 = vector.broadcast %add3A_345 : i32 to vector<16xi32>
    %add3A_347 = arith.addi %broadcast_in_dim3A_324, %add3A_346 : vector<16xi32>
    tpu.vector_store_idx %arg16[%add3A_344, %add3A_347], %gather3A_341 : memref<32x128xf32, #tpu.memory_space<vmem>>[vector<16xi32>, vector<16xi32>], vector<16xf32>,
    %broadcast_in_dim3A_348 = arith.constant 10 : i32
    %broadcast_in_dim3A_349 = vector.broadcast %broadcast_in_dim3A_348 : i32 to vector<16xi32>
    %shift_right_arithmetic3A_350 = arith.constant 3 : i32
    %shift_right_arithmetic3A_351 = vector.broadcast %shift_right_arithmetic3A_350 : i32 to vector<16xi32>
    %shift_right_arithmetic3A_352 = arith.shrsi %broadcast_in_dim3A_349, %shift_right_arithmetic3A_351 : vector<16xi32>
    %and3A_353 = arith.constant 7 : i32
    %and3A_354 = vector.broadcast %and3A_353 : i32 to vector<16xi32>
    %and3A_355 = arith.andi %broadcast_in_dim3A_349, %and3A_354 : vector<16xi32>
    %gather3A_356 = tpu.vector_load_idx %arg12[%shift_right_arithmetic3A_352, %and3A_355, %add3A_90] : memref<8x8x512xf32, #tpu.memory_space<vmem>>[vector<16xi32>, vector<16xi32>, vector<16xi32>], vector<16xf32>,
    %add3A_357 = arith.constant 16 : i32
    %add3A_358 = vector.broadcast %add3A_357 : i32 to vector<16xi32>
    %add3A_359 = arith.addi %iota3A, %add3A_358 : vector<16xi32>
    tpu.vector_store_idx %arg16[%add3A_359, %broadcast_in_dim3A_349], %gather3A_356 : memref<32x128xf32, #tpu.memory_space<vmem>>[vector<16xi32>, vector<16xi32>], vector<16xf32>,
    %shift_right_arithmetic3A_360 = arith.constant 3 : i32
    %shift_right_arithmetic3A_361 = vector.broadcast %shift_right_arithmetic3A_360 : i32 to vector<16xi32>
    %shift_right_arithmetic3A_362 = arith.shrsi %broadcast_in_dim3A_349, %shift_right_arithmetic3A_361 : vector<16xi32>
    %and3A_363 = arith.constant 7 : i32
    %and3A_364 = vector.broadcast %and3A_363 : i32 to vector<16xi32>
    %and3A_365 = arith.andi %broadcast_in_dim3A_349, %and3A_364 : vector<16xi32>
    %gather3A_366 = tpu.vector_load_idx %arg13[%shift_right_arithmetic3A_362, %and3A_365, %add3A_100] : memref<8x8x512xf32, #tpu.memory_space<vmem>>[vector<16xi32>, vector<16xi32>, vector<16xi32>], vector<16xf32>,
    %add3A_367 = arith.constant 16 : i32
    %add3A_368 = vector.broadcast %add3A_367 : i32 to vector<16xi32>
    %add3A_369 = arith.addi %iota3A, %add3A_368 : vector<16xi32>
    %add3A_370 = arith.constant 64 : i32
    %add3A_371 = vector.broadcast %add3A_370 : i32 to vector<16xi32>
    %add3A_372 = arith.addi %broadcast_in_dim3A_349, %add3A_371 : vector<16xi32>
    tpu.vector_store_idx %arg16[%add3A_369, %add3A_372], %gather3A_366 : memref<32x128xf32, #tpu.memory_space<vmem>>[vector<16xi32>, vector<16xi32>], vector<16xf32>,
    %broadcast_in_dim3A_373 = arith.constant 11 : i32
    %broadcast_in_dim3A_374 = vector.broadcast %broadcast_in_dim3A_373 : i32 to vector<16xi32>
    %shift_right_arithmetic3A_375 = arith.constant 3 : i32
    %shift_right_arithmetic3A_376 = vector.broadcast %shift_right_arithmetic3A_375 : i32 to vector<16xi32>
    %shift_right_arithmetic3A_377 = arith.shrsi %broadcast_in_dim3A_374, %shift_right_arithmetic3A_376 : vector<16xi32>
    %and3A_378 = arith.constant 7 : i32
    %and3A_379 = vector.broadcast %and3A_378 : i32 to vector<16xi32>
    %and3A_380 = arith.andi %broadcast_in_dim3A_374, %and3A_379 : vector<16xi32>
    %gather3A_381 = tpu.vector_load_idx %arg12[%shift_right_arithmetic3A_377, %and3A_380, %add3A_90] : memref<8x8x512xf32, #tpu.memory_space<vmem>>[vector<16xi32>, vector<16xi32>, vector<16xi32>], vector<16xf32>,
    %add3A_382 = arith.constant 16 : i32
    %add3A_383 = vector.broadcast %add3A_382 : i32 to vector<16xi32>
    %add3A_384 = arith.addi %iota3A, %add3A_383 : vector<16xi32>
    tpu.vector_store_idx %arg16[%add3A_384, %broadcast_in_dim3A_374], %gather3A_381 : memref<32x128xf32, #tpu.memory_space<vmem>>[vector<16xi32>, vector<16xi32>], vector<16xf32>,
    %shift_right_arithmetic3A_385 = arith.constant 3 : i32
    %shift_right_arithmetic3A_386 = vector.broadcast %shift_right_arithmetic3A_385 : i32 to vector<16xi32>
    %shift_right_arithmetic3A_387 = arith.shrsi %broadcast_in_dim3A_374, %shift_right_arithmetic3A_386 : vector<16xi32>
    %and3A_388 = arith.constant 7 : i32
    %and3A_389 = vector.broadcast %and3A_388 : i32 to vector<16xi32>
    %and3A_390 = arith.andi %broadcast_in_dim3A_374, %and3A_389 : vector<16xi32>
    %gather3A_391 = tpu.vector_load_idx %arg13[%shift_right_arithmetic3A_387, %and3A_390, %add3A_100] : memref<8x8x512xf32, #tpu.memory_space<vmem>>[vector<16xi32>, vector<16xi32>, vector<16xi32>], vector<16xf32>,
    %add3A_392 = arith.constant 16 : i32
    %add3A_393 = vector.broadcast %add3A_392 : i32 to vector<16xi32>
    %add3A_394 = arith.addi %iota3A, %add3A_393 : vector<16xi32>
    %add3A_395 = arith.constant 64 : i32
    %add3A_396 = vector.broadcast %add3A_395 : i32 to vector<16xi32>
    %add3A_397 = arith.addi %broadcast_in_dim3A_374, %add3A_396 : vector<16xi32>
    tpu.vector_store_idx %arg16[%add3A_394, %add3A_397], %gather3A_391 : memref<32x128xf32, #tpu.memory_space<vmem>>[vector<16xi32>, vector<16xi32>], vector<16xf32>,
    %broadcast_in_dim3A_398 = arith.constant 12 : i32
    %broadcast_in_dim3A_399 = vector.broadcast %broadcast_in_dim3A_398 : i32 to vector<16xi32>
    %shift_right_arithmetic3A_400 = arith.constant 3 : i32
    %shift_right_arithmetic3A_401 = vector.broadcast %shift_right_arithmetic3A_400 : i32 to vector<16xi32>
    %shift_right_arithmetic3A_402 = arith.shrsi %broadcast_in_dim3A_399, %shift_right_arithmetic3A_401 : vector<16xi32>
    %and3A_403 = arith.constant 7 : i32
    %and3A_404 = vector.broadcast %and3A_403 : i32 to vector<16xi32>
    %and3A_405 = arith.andi %broadcast_in_dim3A_399, %and3A_404 : vector<16xi32>
    %gather3A_406 = tpu.vector_load_idx %arg12[%shift_right_arithmetic3A_402, %and3A_405, %add3A_90] : memref<8x8x512xf32, #tpu.memory_space<vmem>>[vector<16xi32>, vector<16xi32>, vector<16xi32>], vector<16xf32>,
    %add3A_407 = arith.constant 16 : i32
    %add3A_408 = vector.broadcast %add3A_407 : i32 to vector<16xi32>
    %add3A_409 = arith.addi %iota3A, %add3A_408 : vector<16xi32>
    tpu.vector_store_idx %arg16[%add3A_409, %broadcast_in_dim3A_399], %gather3A_406 : memref<32x128xf32, #tpu.memory_space<vmem>>[vector<16xi32>, vector<16xi32>], vector<16xf32>,
    %shift_right_arithmetic3A_410 = arith.constant 3 : i32
    %shift_right_arithmetic3A_411 = vector.broadcast %shift_right_arithmetic3A_410 : i32 to vector<16xi32>
    %shift_right_arithmetic3A_412 = arith.shrsi %broadcast_in_dim3A_399, %shift_right_arithmetic3A_411 : vector<16xi32>
    %and3A_413 = arith.constant 7 : i32
    %and3A_414 = vector.broadcast %and3A_413 : i32 to vector<16xi32>
    %and3A_415 = arith.andi %broadcast_in_dim3A_399, %and3A_414 : vector<16xi32>
    %gather3A_416 = tpu.vector_load_idx %arg13[%shift_right_arithmetic3A_412, %and3A_415, %add3A_100] : memref<8x8x512xf32, #tpu.memory_space<vmem>>[vector<16xi32>, vector<16xi32>, vector<16xi32>], vector<16xf32>,
    %add3A_417 = arith.constant 16 : i32
    %add3A_418 = vector.broadcast %add3A_417 : i32 to vector<16xi32>
    %add3A_419 = arith.addi %iota3A, %add3A_418 : vector<16xi32>
    %add3A_420 = arith.constant 64 : i32
    %add3A_421 = vector.broadcast %add3A_420 : i32 to vector<16xi32>
    %add3A_422 = arith.addi %broadcast_in_dim3A_399, %add3A_421 : vector<16xi32>
    tpu.vector_store_idx %arg16[%add3A_419, %add3A_422], %gather3A_416 : memref<32x128xf32, #tpu.memory_space<vmem>>[vector<16xi32>, vector<16xi32>], vector<16xf32>,
    %broadcast_in_dim3A_423 = arith.constant 13 : i32
    %broadcast_in_dim3A_424 = vector.broadcast %broadcast_in_dim3A_423 : i32 to vector<16xi32>
    %shift_right_arithmetic3A_425 = arith.constant 3 : i32
    %shift_right_arithmetic3A_426 = vector.broadcast %shift_right_arithmetic3A_425 : i32 to vector<16xi32>
    %shift_right_arithmetic3A_427 = arith.shrsi %broadcast_in_dim3A_424, %shift_right_arithmetic3A_426 : vector<16xi32>
    %and3A_428 = arith.constant 7 : i32
    %and3A_429 = vector.broadcast %and3A_428 : i32 to vector<16xi32>
    %and3A_430 = arith.andi %broadcast_in_dim3A_424, %and3A_429 : vector<16xi32>
    %gather3A_431 = tpu.vector_load_idx %arg12[%shift_right_arithmetic3A_427, %and3A_430, %add3A_90] : memref<8x8x512xf32, #tpu.memory_space<vmem>>[vector<16xi32>, vector<16xi32>, vector<16xi32>], vector<16xf32>,
    %add3A_432 = arith.constant 16 : i32
    %add3A_433 = vector.broadcast %add3A_432 : i32 to vector<16xi32>
    %add3A_434 = arith.addi %iota3A, %add3A_433 : vector<16xi32>
    tpu.vector_store_idx %arg16[%add3A_434, %broadcast_in_dim3A_424], %gather3A_431 : memref<32x128xf32, #tpu.memory_space<vmem>>[vector<16xi32>, vector<16xi32>], vector<16xf32>,
    %shift_right_arithmetic3A_435 = arith.constant 3 : i32
    %shift_right_arithmetic3A_436 = vector.broadcast %shift_right_arithmetic3A_435 : i32 to vector<16xi32>
    %shift_right_arithmetic3A_437 = arith.shrsi %broadcast_in_dim3A_424, %shift_right_arithmetic3A_436 : vector<16xi32>
    %and3A_438 = arith.constant 7 : i32
    %and3A_439 = vector.broadcast %and3A_438 : i32 to vector<16xi32>
    %and3A_440 = arith.andi %broadcast_in_dim3A_424, %and3A_439 : vector<16xi32>
    %gather3A_441 = tpu.vector_load_idx %arg13[%shift_right_arithmetic3A_437, %and3A_440, %add3A_100] : memref<8x8x512xf32, #tpu.memory_space<vmem>>[vector<16xi32>, vector<16xi32>, vector<16xi32>], vector<16xf32>,
    %add3A_442 = arith.constant 16 : i32
    %add3A_443 = vector.broadcast %add3A_442 : i32 to vector<16xi32>
    %add3A_444 = arith.addi %iota3A, %add3A_443 : vector<16xi32>
    %add3A_445 = arith.constant 64 : i32
    %add3A_446 = vector.broadcast %add3A_445 : i32 to vector<16xi32>
    %add3A_447 = arith.addi %broadcast_in_dim3A_424, %add3A_446 : vector<16xi32>
    tpu.vector_store_idx %arg16[%add3A_444, %add3A_447], %gather3A_441 : memref<32x128xf32, #tpu.memory_space<vmem>>[vector<16xi32>, vector<16xi32>], vector<16xf32>,
    %broadcast_in_dim3A_448 = arith.constant 14 : i32
    %broadcast_in_dim3A_449 = vector.broadcast %broadcast_in_dim3A_448 : i32 to vector<16xi32>
    %shift_right_arithmetic3A_450 = arith.constant 3 : i32
    %shift_right_arithmetic3A_451 = vector.broadcast %shift_right_arithmetic3A_450 : i32 to vector<16xi32>
    %shift_right_arithmetic3A_452 = arith.shrsi %broadcast_in_dim3A_449, %shift_right_arithmetic3A_451 : vector<16xi32>
    %and3A_453 = arith.constant 7 : i32
    %and3A_454 = vector.broadcast %and3A_453 : i32 to vector<16xi32>
    %and3A_455 = arith.andi %broadcast_in_dim3A_449, %and3A_454 : vector<16xi32>
    %gather3A_456 = tpu.vector_load_idx %arg12[%shift_right_arithmetic3A_452, %and3A_455, %add3A_90] : memref<8x8x512xf32, #tpu.memory_space<vmem>>[vector<16xi32>, vector<16xi32>, vector<16xi32>], vector<16xf32>,
    %add3A_457 = arith.constant 16 : i32
    %add3A_458 = vector.broadcast %add3A_457 : i32 to vector<16xi32>
    %add3A_459 = arith.addi %iota3A, %add3A_458 : vector<16xi32>
    tpu.vector_store_idx %arg16[%add3A_459, %broadcast_in_dim3A_449], %gather3A_456 : memref<32x128xf32, #tpu.memory_space<vmem>>[vector<16xi32>, vector<16xi32>], vector<16xf32>,
    %shift_right_arithmetic3A_460 = arith.constant 3 : i32
    %shift_right_arithmetic3A_461 = vector.broadcast %shift_right_arithmetic3A_460 : i32 to vector<16xi32>
    %shift_right_arithmetic3A_462 = arith.shrsi %broadcast_in_dim3A_449, %shift_right_arithmetic3A_461 : vector<16xi32>
    %and3A_463 = arith.constant 7 : i32
    %and3A_464 = vector.broadcast %and3A_463 : i32 to vector<16xi32>
    %and3A_465 = arith.andi %broadcast_in_dim3A_449, %and3A_464 : vector<16xi32>
    %gather3A_466 = tpu.vector_load_idx %arg13[%shift_right_arithmetic3A_462, %and3A_465, %add3A_100] : memref<8x8x512xf32, #tpu.memory_space<vmem>>[vector<16xi32>, vector<16xi32>, vector<16xi32>], vector<16xf32>,
    %add3A_467 = arith.constant 16 : i32
    %add3A_468 = vector.broadcast %add3A_467 : i32 to vector<16xi32>
    %add3A_469 = arith.addi %iota3A, %add3A_468 : vector<16xi32>
    %add3A_470 = arith.constant 64 : i32
    %add3A_471 = vector.broadcast %add3A_470 : i32 to vector<16xi32>
    %add3A_472 = arith.addi %broadcast_in_dim3A_449, %add3A_471 : vector<16xi32>
    tpu.vector_store_idx %arg16[%add3A_469, %add3A_472], %gather3A_466 : memref<32x128xf32, #tpu.memory_space<vmem>>[vector<16xi32>, vector<16xi32>], vector<16xf32>,
    %broadcast_in_dim3A_473 = arith.constant 15 : i32
    %broadcast_in_dim3A_474 = vector.broadcast %broadcast_in_dim3A_473 : i32 to vector<16xi32>
    %shift_right_arithmetic3A_475 = arith.constant 3 : i32
    %shift_right_arithmetic3A_476 = vector.broadcast %shift_right_arithmetic3A_475 : i32 to vector<16xi32>
    %shift_right_arithmetic3A_477 = arith.shrsi %broadcast_in_dim3A_474, %shift_right_arithmetic3A_476 : vector<16xi32>
    %and3A_478 = arith.constant 7 : i32
    %and3A_479 = vector.broadcast %and3A_478 : i32 to vector<16xi32>
    %and3A_480 = arith.andi %broadcast_in_dim3A_474, %and3A_479 : vector<16xi32>
    %gather3A_481 = tpu.vector_load_idx %arg12[%shift_right_arithmetic3A_477, %and3A_480, %add3A_90] : memref<8x8x512xf32, #tpu.memory_space<vmem>>[vector<16xi32>, vector<16xi32>, vector<16xi32>], vector<16xf32>,
    %add3A_482 = arith.constant 16 : i32
    %add3A_483 = vector.broadcast %add3A_482 : i32 to vector<16xi32>
    %add3A_484 = arith.addi %iota3A, %add3A_483 : vector<16xi32>
    tpu.vector_store_idx %arg16[%add3A_484, %broadcast_in_dim3A_474], %gather3A_481 : memref<32x128xf32, #tpu.memory_space<vmem>>[vector<16xi32>, vector<16xi32>], vector<16xf32>,
    %shift_right_arithmetic3A_485 = arith.constant 3 : i32
    %shift_right_arithmetic3A_486 = vector.broadcast %shift_right_arithmetic3A_485 : i32 to vector<16xi32>
    %shift_right_arithmetic3A_487 = arith.shrsi %broadcast_in_dim3A_474, %shift_right_arithmetic3A_486 : vector<16xi32>
    %and3A_488 = arith.constant 7 : i32
    %and3A_489 = vector.broadcast %and3A_488 : i32 to vector<16xi32>
    %and3A_490 = arith.andi %broadcast_in_dim3A_474, %and3A_489 : vector<16xi32>
    %gather3A_491 = tpu.vector_load_idx %arg13[%shift_right_arithmetic3A_487, %and3A_490, %add3A_100] : memref<8x8x512xf32, #tpu.memory_space<vmem>>[vector<16xi32>, vector<16xi32>, vector<16xi32>], vector<16xf32>,
    %add3A_492 = arith.constant 16 : i32
    %add3A_493 = vector.broadcast %add3A_492 : i32 to vector<16xi32>
    %add3A_494 = arith.addi %iota3A, %add3A_493 : vector<16xi32>
    %add3A_495 = arith.constant 64 : i32
    %add3A_496 = vector.broadcast %add3A_495 : i32 to vector<16xi32>
    %add3A_497 = arith.addi %broadcast_in_dim3A_474, %add3A_496 : vector<16xi32>
    tpu.vector_store_idx %arg16[%add3A_494, %add3A_497], %gather3A_491 : memref<32x128xf32, #tpu.memory_space<vmem>>[vector<16xi32>, vector<16xi32>], vector<16xf32>,
    %broadcast_in_dim3A_498 = arith.constant 16 : i32
    %broadcast_in_dim3A_499 = vector.broadcast %broadcast_in_dim3A_498 : i32 to vector<16xi32>
    %shift_right_arithmetic3A_500 = arith.constant 3 : i32
    %shift_right_arithmetic3A_501 = vector.broadcast %shift_right_arithmetic3A_500 : i32 to vector<16xi32>
    %shift_right_arithmetic3A_502 = arith.shrsi %broadcast_in_dim3A_499, %shift_right_arithmetic3A_501 : vector<16xi32>
    %and3A_503 = arith.constant 7 : i32
    %and3A_504 = vector.broadcast %and3A_503 : i32 to vector<16xi32>
    %and3A_505 = arith.andi %broadcast_in_dim3A_499, %and3A_504 : vector<16xi32>
    %gather3A_506 = tpu.vector_load_idx %arg12[%shift_right_arithmetic3A_502, %and3A_505, %add3A_90] : memref<8x8x512xf32, #tpu.memory_space<vmem>>[vector<16xi32>, vector<16xi32>, vector<16xi32>], vector<16xf32>,
    %add3A_507 = arith.constant 16 : i32
    %add3A_508 = vector.broadcast %add3A_507 : i32 to vector<16xi32>
    %add3A_509 = arith.addi %iota3A, %add3A_508 : vector<16xi32>
    tpu.vector_store_idx %arg16[%add3A_509, %broadcast_in_dim3A_499], %gather3A_506 : memref<32x128xf32, #tpu.memory_space<vmem>>[vector<16xi32>, vector<16xi32>], vector<16xf32>,
    %shift_right_arithmetic3A_510 = arith.constant 3 : i32
    %shift_right_arithmetic3A_511 = vector.broadcast %shift_right_arithmetic3A_510 : i32 to vector<16xi32>
    %shift_right_arithmetic3A_512 = arith.shrsi %broadcast_in_dim3A_499, %shift_right_arithmetic3A_511 : vector<16xi32>
    %and3A_513 = arith.constant 7 : i32
    %and3A_514 = vector.broadcast %and3A_513 : i32 to vector<16xi32>
    %and3A_515 = arith.andi %broadcast_in_dim3A_499, %and3A_514 : vector<16xi32>
    %gather3A_516 = tpu.vector_load_idx %arg13[%shift_right_arithmetic3A_512, %and3A_515, %add3A_100] : memref<8x8x512xf32, #tpu.memory_space<vmem>>[vector<16xi32>, vector<16xi32>, vector<16xi32>], vector<16xf32>,
    %add3A_517 = arith.constant 16 : i32
    %add3A_518 = vector.broadcast %add3A_517 : i32 to vector<16xi32>
    %add3A_519 = arith.addi %iota3A, %add3A_518 : vector<16xi32>
    %add3A_520 = arith.constant 64 : i32
    %add3A_521 = vector.broadcast %add3A_520 : i32 to vector<16xi32>
    %add3A_522 = arith.addi %broadcast_in_dim3A_499, %add3A_521 : vector<16xi32>
    tpu.vector_store_idx %arg16[%add3A_519, %add3A_522], %gather3A_516 : memref<32x128xf32, #tpu.memory_space<vmem>>[vector<16xi32>, vector<16xi32>], vector<16xf32>,
    %broadcast_in_dim3A_523 = arith.constant 17 : i32
    %broadcast_in_dim3A_524 = vector.broadcast %broadcast_in_dim3A_523 : i32 to vector<16xi32>
    %shift_right_arithmetic3A_525 = arith.constant 3 : i32
    %shift_right_arithmetic3A_526 = vector.broadcast %shift_right_arithmetic3A_525 : i32 to vector<16xi32>
    %shift_right_arithmetic3A_527 = arith.shrsi %broadcast_in_dim3A_524, %shift_right_arithmetic3A_526 : vector<16xi32>
    %and3A_528 = arith.constant 7 : i32
    %and3A_529 = vector.broadcast %and3A_528 : i32 to vector<16xi32>
    %and3A_530 = arith.andi %broadcast_in_dim3A_524, %and3A_529 : vector<16xi32>
    %gather3A_531 = tpu.vector_load_idx %arg12[%shift_right_arithmetic3A_527, %and3A_530, %add3A_90] : memref<8x8x512xf32, #tpu.memory_space<vmem>>[vector<16xi32>, vector<16xi32>, vector<16xi32>], vector<16xf32>,
    %add3A_532 = arith.constant 16 : i32
    %add3A_533 = vector.broadcast %add3A_532 : i32 to vector<16xi32>
    %add3A_534 = arith.addi %iota3A, %add3A_533 : vector<16xi32>
    tpu.vector_store_idx %arg16[%add3A_534, %broadcast_in_dim3A_524], %gather3A_531 : memref<32x128xf32, #tpu.memory_space<vmem>>[vector<16xi32>, vector<16xi32>], vector<16xf32>,
    %shift_right_arithmetic3A_535 = arith.constant 3 : i32
    %shift_right_arithmetic3A_536 = vector.broadcast %shift_right_arithmetic3A_535 : i32 to vector<16xi32>
    %shift_right_arithmetic3A_537 = arith.shrsi %broadcast_in_dim3A_524, %shift_right_arithmetic3A_536 : vector<16xi32>
    %and3A_538 = arith.constant 7 : i32
    %and3A_539 = vector.broadcast %and3A_538 : i32 to vector<16xi32>
    %and3A_540 = arith.andi %broadcast_in_dim3A_524, %and3A_539 : vector<16xi32>
    %gather3A_541 = tpu.vector_load_idx %arg13[%shift_right_arithmetic3A_537, %and3A_540, %add3A_100] : memref<8x8x512xf32, #tpu.memory_space<vmem>>[vector<16xi32>, vector<16xi32>, vector<16xi32>], vector<16xf32>,
    %add3A_542 = arith.constant 16 : i32
    %add3A_543 = vector.broadcast %add3A_542 : i32 to vector<16xi32>
    %add3A_544 = arith.addi %iota3A, %add3A_543 : vector<16xi32>
    %add3A_545 = arith.constant 64 : i32
    %add3A_546 = vector.broadcast %add3A_545 : i32 to vector<16xi32>
    %add3A_547 = arith.addi %broadcast_in_dim3A_524, %add3A_546 : vector<16xi32>
    tpu.vector_store_idx %arg16[%add3A_544, %add3A_547], %gather3A_541 : memref<32x128xf32, #tpu.memory_space<vmem>>[vector<16xi32>, vector<16xi32>], vector<16xf32>,
    %broadcast_in_dim3A_548 = arith.constant 18 : i32
    %broadcast_in_dim3A_549 = vector.broadcast %broadcast_in_dim3A_548 : i32 to vector<16xi32>
    %shift_right_arithmetic3A_550 = arith.constant 3 : i32
    %shift_right_arithmetic3A_551 = vector.broadcast %shift_right_arithmetic3A_550 : i32 to vector<16xi32>
    %shift_right_arithmetic3A_552 = arith.shrsi %broadcast_in_dim3A_549, %shift_right_arithmetic3A_551 : vector<16xi32>
    %and3A_553 = arith.constant 7 : i32
    %and3A_554 = vector.broadcast %and3A_553 : i32 to vector<16xi32>
    %and3A_555 = arith.andi %broadcast_in_dim3A_549, %and3A_554 : vector<16xi32>
    %gather3A_556 = tpu.vector_load_idx %arg12[%shift_right_arithmetic3A_552, %and3A_555, %add3A_90] : memref<8x8x512xf32, #tpu.memory_space<vmem>>[vector<16xi32>, vector<16xi32>, vector<16xi32>], vector<16xf32>,
    %add3A_557 = arith.constant 16 : i32
    %add3A_558 = vector.broadcast %add3A_557 : i32 to vector<16xi32>
    %add3A_559 = arith.addi %iota3A, %add3A_558 : vector<16xi32>
    tpu.vector_store_idx %arg16[%add3A_559, %broadcast_in_dim3A_549], %gather3A_556 : memref<32x128xf32, #tpu.memory_space<vmem>>[vector<16xi32>, vector<16xi32>], vector<16xf32>,
    %shift_right_arithmetic3A_560 = arith.constant 3 : i32
    %shift_right_arithmetic3A_561 = vector.broadcast %shift_right_arithmetic3A_560 : i32 to vector<16xi32>
    %shift_right_arithmetic3A_562 = arith.shrsi %broadcast_in_dim3A_549, %shift_right_arithmetic3A_561 : vector<16xi32>
    %and3A_563 = arith.constant 7 : i32
    %and3A_564 = vector.broadcast %and3A_563 : i32 to vector<16xi32>
    %and3A_565 = arith.andi %broadcast_in_dim3A_549, %and3A_564 : vector<16xi32>
    %gather3A_566 = tpu.vector_load_idx %arg13[%shift_right_arithmetic3A_562, %and3A_565, %add3A_100] : memref<8x8x512xf32, #tpu.memory_space<vmem>>[vector<16xi32>, vector<16xi32>, vector<16xi32>], vector<16xf32>,
    %add3A_567 = arith.constant 16 : i32
    %add3A_568 = vector.broadcast %add3A_567 : i32 to vector<16xi32>
    %add3A_569 = arith.addi %iota3A, %add3A_568 : vector<16xi32>
    %add3A_570 = arith.constant 64 : i32
    %add3A_571 = vector.broadcast %add3A_570 : i32 to vector<16xi32>
    %add3A_572 = arith.addi %broadcast_in_dim3A_549, %add3A_571 : vector<16xi32>
    tpu.vector_store_idx %arg16[%add3A_569, %add3A_572], %gather3A_566 : memref<32x128xf32, #tpu.memory_space<vmem>>[vector<16xi32>, vector<16xi32>], vector<16xf32>,
    %broadcast_in_dim3A_573 = arith.constant 19 : i32
    %broadcast_in_dim3A_574 = vector.broadcast %broadcast_in_dim3A_573 : i32 to vector<16xi32>
    %shift_right_arithmetic3A_575 = arith.constant 3 : i32
    %shift_right_arithmetic3A_576 = vector.broadcast %shift_right_arithmetic3A_575 : i32 to vector<16xi32>
    %shift_right_arithmetic3A_577 = arith.shrsi %broadcast_in_dim3A_574, %shift_right_arithmetic3A_576 : vector<16xi32>
    %and3A_578 = arith.constant 7 : i32
    %and3A_579 = vector.broadcast %and3A_578 : i32 to vector<16xi32>
    %and3A_580 = arith.andi %broadcast_in_dim3A_574, %and3A_579 : vector<16xi32>
    %gather3A_581 = tpu.vector_load_idx %arg12[%shift_right_arithmetic3A_577, %and3A_580, %add3A_90] : memref<8x8x512xf32, #tpu.memory_space<vmem>>[vector<16xi32>, vector<16xi32>, vector<16xi32>], vector<16xf32>,
    %add3A_582 = arith.constant 16 : i32
    %add3A_583 = vector.broadcast %add3A_582 : i32 to vector<16xi32>
    %add3A_584 = arith.addi %iota3A, %add3A_583 : vector<16xi32>
    tpu.vector_store_idx %arg16[%add3A_584, %broadcast_in_dim3A_574], %gather3A_581 : memref<32x128xf32, #tpu.memory_space<vmem>>[vector<16xi32>, vector<16xi32>], vector<16xf32>,
    %shift_right_arithmetic3A_585 = arith.constant 3 : i32
    %shift_right_arithmetic3A_586 = vector.broadcast %shift_right_arithmetic3A_585 : i32 to vector<16xi32>
    %shift_right_arithmetic3A_587 = arith.shrsi %broadcast_in_dim3A_574, %shift_right_arithmetic3A_586 : vector<16xi32>
    %and3A_588 = arith.constant 7 : i32
    %and3A_589 = vector.broadcast %and3A_588 : i32 to vector<16xi32>
    %and3A_590 = arith.andi %broadcast_in_dim3A_574, %and3A_589 : vector<16xi32>
    %gather3A_591 = tpu.vector_load_idx %arg13[%shift_right_arithmetic3A_587, %and3A_590, %add3A_100] : memref<8x8x512xf32, #tpu.memory_space<vmem>>[vector<16xi32>, vector<16xi32>, vector<16xi32>], vector<16xf32>,
    %add3A_592 = arith.constant 16 : i32
    %add3A_593 = vector.broadcast %add3A_592 : i32 to vector<16xi32>
    %add3A_594 = arith.addi %iota3A, %add3A_593 : vector<16xi32>
    %add3A_595 = arith.constant 64 : i32
    %add3A_596 = vector.broadcast %add3A_595 : i32 to vector<16xi32>
    %add3A_597 = arith.addi %broadcast_in_dim3A_574, %add3A_596 : vector<16xi32>
    tpu.vector_store_idx %arg16[%add3A_594, %add3A_597], %gather3A_591 : memref<32x128xf32, #tpu.memory_space<vmem>>[vector<16xi32>, vector<16xi32>], vector<16xf32>,
    %broadcast_in_dim3A_598 = arith.constant 20 : i32
    %broadcast_in_dim3A_599 = vector.broadcast %broadcast_in_dim3A_598 : i32 to vector<16xi32>
    %shift_right_arithmetic3A_600 = arith.constant 3 : i32
    %shift_right_arithmetic3A_601 = vector.broadcast %shift_right_arithmetic3A_600 : i32 to vector<16xi32>
    %shift_right_arithmetic3A_602 = arith.shrsi %broadcast_in_dim3A_599, %shift_right_arithmetic3A_601 : vector<16xi32>
    %and3A_603 = arith.constant 7 : i32
    %and3A_604 = vector.broadcast %and3A_603 : i32 to vector<16xi32>
    %and3A_605 = arith.andi %broadcast_in_dim3A_599, %and3A_604 : vector<16xi32>
    %gather3A_606 = tpu.vector_load_idx %arg12[%shift_right_arithmetic3A_602, %and3A_605, %add3A_90] : memref<8x8x512xf32, #tpu.memory_space<vmem>>[vector<16xi32>, vector<16xi32>, vector<16xi32>], vector<16xf32>,
    %add3A_607 = arith.constant 16 : i32
    %add3A_608 = vector.broadcast %add3A_607 : i32 to vector<16xi32>
    %add3A_609 = arith.addi %iota3A, %add3A_608 : vector<16xi32>
    tpu.vector_store_idx %arg16[%add3A_609, %broadcast_in_dim3A_599], %gather3A_606 : memref<32x128xf32, #tpu.memory_space<vmem>>[vector<16xi32>, vector<16xi32>], vector<16xf32>,
    %shift_right_arithmetic3A_610 = arith.constant 3 : i32
    %shift_right_arithmetic3A_611 = vector.broadcast %shift_right_arithmetic3A_610 : i32 to vector<16xi32>
    %shift_right_arithmetic3A_612 = arith.shrsi %broadcast_in_dim3A_599, %shift_right_arithmetic3A_611 : vector<16xi32>
    %and3A_613 = arith.constant 7 : i32
    %and3A_614 = vector.broadcast %and3A_613 : i32 to vector<16xi32>
    %and3A_615 = arith.andi %broadcast_in_dim3A_599, %and3A_614 : vector<16xi32>
    %gather3A_616 = tpu.vector_load_idx %arg13[%shift_right_arithmetic3A_612, %and3A_615, %add3A_100] : memref<8x8x512xf32, #tpu.memory_space<vmem>>[vector<16xi32>, vector<16xi32>, vector<16xi32>], vector<16xf32>,
    %add3A_617 = arith.constant 16 : i32
    %add3A_618 = vector.broadcast %add3A_617 : i32 to vector<16xi32>
    %add3A_619 = arith.addi %iota3A, %add3A_618 : vector<16xi32>
    %add3A_620 = arith.constant 64 : i32
    %add3A_621 = vector.broadcast %add3A_620 : i32 to vector<16xi32>
    %add3A_622 = arith.addi %broadcast_in_dim3A_599, %add3A_621 : vector<16xi32>
    tpu.vector_store_idx %arg16[%add3A_619, %add3A_622], %gather3A_616 : memref<32x128xf32, #tpu.memory_space<vmem>>[vector<16xi32>, vector<16xi32>], vector<16xf32>,
    %broadcast_in_dim3A_623 = arith.constant 21 : i32
    %broadcast_in_dim3A_624 = vector.broadcast %broadcast_in_dim3A_623 : i32 to vector<16xi32>
    %shift_right_arithmetic3A_625 = arith.constant 3 : i32
    %shift_right_arithmetic3A_626 = vector.broadcast %shift_right_arithmetic3A_625 : i32 to vector<16xi32>
    %shift_right_arithmetic3A_627 = arith.shrsi %broadcast_in_dim3A_624, %shift_right_arithmetic3A_626 : vector<16xi32>
    %and3A_628 = arith.constant 7 : i32
    %and3A_629 = vector.broadcast %and3A_628 : i32 to vector<16xi32>
    %and3A_630 = arith.andi %broadcast_in_dim3A_624, %and3A_629 : vector<16xi32>
    %gather3A_631 = tpu.vector_load_idx %arg12[%shift_right_arithmetic3A_627, %and3A_630, %add3A_90] : memref<8x8x512xf32, #tpu.memory_space<vmem>>[vector<16xi32>, vector<16xi32>, vector<16xi32>], vector<16xf32>,
    %add3A_632 = arith.constant 16 : i32
    %add3A_633 = vector.broadcast %add3A_632 : i32 to vector<16xi32>
    %add3A_634 = arith.addi %iota3A, %add3A_633 : vector<16xi32>
    tpu.vector_store_idx %arg16[%add3A_634, %broadcast_in_dim3A_624], %gather3A_631 : memref<32x128xf32, #tpu.memory_space<vmem>>[vector<16xi32>, vector<16xi32>], vector<16xf32>,
    %shift_right_arithmetic3A_635 = arith.constant 3 : i32
    %shift_right_arithmetic3A_636 = vector.broadcast %shift_right_arithmetic3A_635 : i32 to vector<16xi32>
    %shift_right_arithmetic3A_637 = arith.shrsi %broadcast_in_dim3A_624, %shift_right_arithmetic3A_636 : vector<16xi32>
    %and3A_638 = arith.constant 7 : i32
    %and3A_639 = vector.broadcast %and3A_638 : i32 to vector<16xi32>
    %and3A_640 = arith.andi %broadcast_in_dim3A_624, %and3A_639 : vector<16xi32>
    %gather3A_641 = tpu.vector_load_idx %arg13[%shift_right_arithmetic3A_637, %and3A_640, %add3A_100] : memref<8x8x512xf32, #tpu.memory_space<vmem>>[vector<16xi32>, vector<16xi32>, vector<16xi32>], vector<16xf32>,
    %add3A_642 = arith.constant 16 : i32
    %add3A_643 = vector.broadcast %add3A_642 : i32 to vector<16xi32>
    %add3A_644 = arith.addi %iota3A, %add3A_643 : vector<16xi32>
    %add3A_645 = arith.constant 64 : i32
    %add3A_646 = vector.broadcast %add3A_645 : i32 to vector<16xi32>
    %add3A_647 = arith.addi %broadcast_in_dim3A_624, %add3A_646 : vector<16xi32>
    tpu.vector_store_idx %arg16[%add3A_644, %add3A_647], %gather3A_641 : memref<32x128xf32, #tpu.memory_space<vmem>>[vector<16xi32>, vector<16xi32>], vector<16xf32>,
    %broadcast_in_dim3A_648 = arith.constant 22 : i32
    %broadcast_in_dim3A_649 = vector.broadcast %broadcast_in_dim3A_648 : i32 to vector<16xi32>
    %shift_right_arithmetic3A_650 = arith.constant 3 : i32
    %shift_right_arithmetic3A_651 = vector.broadcast %shift_right_arithmetic3A_650 : i32 to vector<16xi32>
    %shift_right_arithmetic3A_652 = arith.shrsi %broadcast_in_dim3A_649, %shift_right_arithmetic3A_651 : vector<16xi32>
    %and3A_653 = arith.constant 7 : i32
    %and3A_654 = vector.broadcast %and3A_653 : i32 to vector<16xi32>
    %and3A_655 = arith.andi %broadcast_in_dim3A_649, %and3A_654 : vector<16xi32>
    %gather3A_656 = tpu.vector_load_idx %arg12[%shift_right_arithmetic3A_652, %and3A_655, %add3A_90] : memref<8x8x512xf32, #tpu.memory_space<vmem>>[vector<16xi32>, vector<16xi32>, vector<16xi32>], vector<16xf32>,
    %add3A_657 = arith.constant 16 : i32
    %add3A_658 = vector.broadcast %add3A_657 : i32 to vector<16xi32>
    %add3A_659 = arith.addi %iota3A, %add3A_658 : vector<16xi32>
    tpu.vector_store_idx %arg16[%add3A_659, %broadcast_in_dim3A_649], %gather3A_656 : memref<32x128xf32, #tpu.memory_space<vmem>>[vector<16xi32>, vector<16xi32>], vector<16xf32>,
    %shift_right_arithmetic3A_660 = arith.constant 3 : i32
    %shift_right_arithmetic3A_661 = vector.broadcast %shift_right_arithmetic3A_660 : i32 to vector<16xi32>
    %shift_right_arithmetic3A_662 = arith.shrsi %broadcast_in_dim3A_649, %shift_right_arithmetic3A_661 : vector<16xi32>
    %and3A_663 = arith.constant 7 : i32
    %and3A_664 = vector.broadcast %and3A_663 : i32 to vector<16xi32>
    %and3A_665 = arith.andi %broadcast_in_dim3A_649, %and3A_664 : vector<16xi32>
    %gather3A_666 = tpu.vector_load_idx %arg13[%shift_right_arithmetic3A_662, %and3A_665, %add3A_100] : memref<8x8x512xf32, #tpu.memory_space<vmem>>[vector<16xi32>, vector<16xi32>, vector<16xi32>], vector<16xf32>,
    %add3A_667 = arith.constant 16 : i32
    %add3A_668 = vector.broadcast %add3A_667 : i32 to vector<16xi32>
    %add3A_669 = arith.addi %iota3A, %add3A_668 : vector<16xi32>
    %add3A_670 = arith.constant 64 : i32
    %add3A_671 = vector.broadcast %add3A_670 : i32 to vector<16xi32>
    %add3A_672 = arith.addi %broadcast_in_dim3A_649, %add3A_671 : vector<16xi32>
    tpu.vector_store_idx %arg16[%add3A_669, %add3A_672], %gather3A_666 : memref<32x128xf32, #tpu.memory_space<vmem>>[vector<16xi32>, vector<16xi32>], vector<16xf32>,
    %broadcast_in_dim3A_673 = arith.constant 23 : i32
    %broadcast_in_dim3A_674 = vector.broadcast %broadcast_in_dim3A_673 : i32 to vector<16xi32>
    %shift_right_arithmetic3A_675 = arith.constant 3 : i32
    %shift_right_arithmetic3A_676 = vector.broadcast %shift_right_arithmetic3A_675 : i32 to vector<16xi32>
    %shift_right_arithmetic3A_677 = arith.shrsi %broadcast_in_dim3A_674, %shift_right_arithmetic3A_676 : vector<16xi32>
    %and3A_678 = arith.constant 7 : i32
    %and3A_679 = vector.broadcast %and3A_678 : i32 to vector<16xi32>
    %and3A_680 = arith.andi %broadcast_in_dim3A_674, %and3A_679 : vector<16xi32>
    %gather3A_681 = tpu.vector_load_idx %arg12[%shift_right_arithmetic3A_677, %and3A_680, %add3A_90] : memref<8x8x512xf32, #tpu.memory_space<vmem>>[vector<16xi32>, vector<16xi32>, vector<16xi32>], vector<16xf32>,
    %add3A_682 = arith.constant 16 : i32
    %add3A_683 = vector.broadcast %add3A_682 : i32 to vector<16xi32>
    %add3A_684 = arith.addi %iota3A, %add3A_683 : vector<16xi32>
    tpu.vector_store_idx %arg16[%add3A_684, %broadcast_in_dim3A_674], %gather3A_681 : memref<32x128xf32, #tpu.memory_space<vmem>>[vector<16xi32>, vector<16xi32>], vector<16xf32>,
    %shift_right_arithmetic3A_685 = arith.constant 3 : i32
    %shift_right_arithmetic3A_686 = vector.broadcast %shift_right_arithmetic3A_685 : i32 to vector<16xi32>
    %shift_right_arithmetic3A_687 = arith.shrsi %broadcast_in_dim3A_674, %shift_right_arithmetic3A_686 : vector<16xi32>
    %and3A_688 = arith.constant 7 : i32
    %and3A_689 = vector.broadcast %and3A_688 : i32 to vector<16xi32>
    %and3A_690 = arith.andi %broadcast_in_dim3A_674, %and3A_689 : vector<16xi32>
    %gather3A_691 = tpu.vector_load_idx %arg13[%shift_right_arithmetic3A_687, %and3A_690, %add3A_100] : memref<8x8x512xf32, #tpu.memory_space<vmem>>[vector<16xi32>, vector<16xi32>, vector<16xi32>], vector<16xf32>,
    %add3A_692 = arith.constant 16 : i32
    %add3A_693 = vector.broadcast %add3A_692 : i32 to vector<16xi32>
    %add3A_694 = arith.addi %iota3A, %add3A_693 : vector<16xi32>
    %add3A_695 = arith.constant 64 : i32
    %add3A_696 = vector.broadcast %add3A_695 : i32 to vector<16xi32>
    %add3A_697 = arith.addi %broadcast_in_dim3A_674, %add3A_696 : vector<16xi32>
    tpu.vector_store_idx %arg16[%add3A_694, %add3A_697], %gather3A_691 : memref<32x128xf32, #tpu.memory_space<vmem>>[vector<16xi32>, vector<16xi32>], vector<16xf32>,
    %broadcast_in_dim3A_698 = arith.constant 24 : i32
    %broadcast_in_dim3A_699 = vector.broadcast %broadcast_in_dim3A_698 : i32 to vector<16xi32>
    %shift_right_arithmetic3A_700 = arith.constant 3 : i32
    %shift_right_arithmetic3A_701 = vector.broadcast %shift_right_arithmetic3A_700 : i32 to vector<16xi32>
    %shift_right_arithmetic3A_702 = arith.shrsi %broadcast_in_dim3A_699, %shift_right_arithmetic3A_701 : vector<16xi32>
    %and3A_703 = arith.constant 7 : i32
    %and3A_704 = vector.broadcast %and3A_703 : i32 to vector<16xi32>
    %and3A_705 = arith.andi %broadcast_in_dim3A_699, %and3A_704 : vector<16xi32>
    %gather3A_706 = tpu.vector_load_idx %arg12[%shift_right_arithmetic3A_702, %and3A_705, %add3A_90] : memref<8x8x512xf32, #tpu.memory_space<vmem>>[vector<16xi32>, vector<16xi32>, vector<16xi32>], vector<16xf32>,
    %add3A_707 = arith.constant 16 : i32
    %add3A_708 = vector.broadcast %add3A_707 : i32 to vector<16xi32>
    %add3A_709 = arith.addi %iota3A, %add3A_708 : vector<16xi32>
    tpu.vector_store_idx %arg16[%add3A_709, %broadcast_in_dim3A_699], %gather3A_706 : memref<32x128xf32, #tpu.memory_space<vmem>>[vector<16xi32>, vector<16xi32>], vector<16xf32>,
    %shift_right_arithmetic3A_710 = arith.constant 3 : i32
    %shift_right_arithmetic3A_711 = vector.broadcast %shift_right_arithmetic3A_710 : i32 to vector<16xi32>
    %shift_right_arithmetic3A_712 = arith.shrsi %broadcast_in_dim3A_699, %shift_right_arithmetic3A_711 : vector<16xi32>
    %and3A_713 = arith.constant 7 : i32
    %and3A_714 = vector.broadcast %and3A_713 : i32 to vector<16xi32>
    %and3A_715 = arith.andi %broadcast_in_dim3A_699, %and3A_714 : vector<16xi32>
    %gather3A_716 = tpu.vector_load_idx %arg13[%shift_right_arithmetic3A_712, %and3A_715, %add3A_100] : memref<8x8x512xf32, #tpu.memory_space<vmem>>[vector<16xi32>, vector<16xi32>, vector<16xi32>], vector<16xf32>,
    %add3A_717 = arith.constant 16 : i32
    %add3A_718 = vector.broadcast %add3A_717 : i32 to vector<16xi32>
    %add3A_719 = arith.addi %iota3A, %add3A_718 : vector<16xi32>
    %add3A_720 = arith.constant 64 : i32
    %add3A_721 = vector.broadcast %add3A_720 : i32 to vector<16xi32>
    %add3A_722 = arith.addi %broadcast_in_dim3A_699, %add3A_721 : vector<16xi32>
    tpu.vector_store_idx %arg16[%add3A_719, %add3A_722], %gather3A_716 : memref<32x128xf32, #tpu.memory_space<vmem>>[vector<16xi32>, vector<16xi32>], vector<16xf32>,
    %broadcast_in_dim3A_723 = arith.constant 25 : i32
    %broadcast_in_dim3A_724 = vector.broadcast %broadcast_in_dim3A_723 : i32 to vector<16xi32>
    %shift_right_arithmetic3A_725 = arith.constant 3 : i32
    %shift_right_arithmetic3A_726 = vector.broadcast %shift_right_arithmetic3A_725 : i32 to vector<16xi32>
    %shift_right_arithmetic3A_727 = arith.shrsi %broadcast_in_dim3A_724, %shift_right_arithmetic3A_726 : vector<16xi32>
    %and3A_728 = arith.constant 7 : i32
    %and3A_729 = vector.broadcast %and3A_728 : i32 to vector<16xi32>
    %and3A_730 = arith.andi %broadcast_in_dim3A_724, %and3A_729 : vector<16xi32>
    %gather3A_731 = tpu.vector_load_idx %arg12[%shift_right_arithmetic3A_727, %and3A_730, %add3A_90] : memref<8x8x512xf32, #tpu.memory_space<vmem>>[vector<16xi32>, vector<16xi32>, vector<16xi32>], vector<16xf32>,
    %add3A_732 = arith.constant 16 : i32
    %add3A_733 = vector.broadcast %add3A_732 : i32 to vector<16xi32>
    %add3A_734 = arith.addi %iota3A, %add3A_733 : vector<16xi32>
    tpu.vector_store_idx %arg16[%add3A_734, %broadcast_in_dim3A_724], %gather3A_731 : memref<32x128xf32, #tpu.memory_space<vmem>>[vector<16xi32>, vector<16xi32>], vector<16xf32>,
    %shift_right_arithmetic3A_735 = arith.constant 3 : i32
    %shift_right_arithmetic3A_736 = vector.broadcast %shift_right_arithmetic3A_735 : i32 to vector<16xi32>
    %shift_right_arithmetic3A_737 = arith.shrsi %broadcast_in_dim3A_724, %shift_right_arithmetic3A_736 : vector<16xi32>
    %and3A_738 = arith.constant 7 : i32
    %and3A_739 = vector.broadcast %and3A_738 : i32 to vector<16xi32>
    %and3A_740 = arith.andi %broadcast_in_dim3A_724, %and3A_739 : vector<16xi32>
    %gather3A_741 = tpu.vector_load_idx %arg13[%shift_right_arithmetic3A_737, %and3A_740, %add3A_100] : memref<8x8x512xf32, #tpu.memory_space<vmem>>[vector<16xi32>, vector<16xi32>, vector<16xi32>], vector<16xf32>,
    %add3A_742 = arith.constant 16 : i32
    %add3A_743 = vector.broadcast %add3A_742 : i32 to vector<16xi32>
    %add3A_744 = arith.addi %iota3A, %add3A_743 : vector<16xi32>
    %add3A_745 = arith.constant 64 : i32
    %add3A_746 = vector.broadcast %add3A_745 : i32 to vector<16xi32>
    %add3A_747 = arith.addi %broadcast_in_dim3A_724, %add3A_746 : vector<16xi32>
    tpu.vector_store_idx %arg16[%add3A_744, %add3A_747], %gather3A_741 : memref<32x128xf32, #tpu.memory_space<vmem>>[vector<16xi32>, vector<16xi32>], vector<16xf32>,
    %broadcast_in_dim3A_748 = arith.constant 26 : i32
    %broadcast_in_dim3A_749 = vector.broadcast %broadcast_in_dim3A_748 : i32 to vector<16xi32>
    %shift_right_arithmetic3A_750 = arith.constant 3 : i32
    %shift_right_arithmetic3A_751 = vector.broadcast %shift_right_arithmetic3A_750 : i32 to vector<16xi32>
    %shift_right_arithmetic3A_752 = arith.shrsi %broadcast_in_dim3A_749, %shift_right_arithmetic3A_751 : vector<16xi32>
    %and3A_753 = arith.constant 7 : i32
    %and3A_754 = vector.broadcast %and3A_753 : i32 to vector<16xi32>
    %and3A_755 = arith.andi %broadcast_in_dim3A_749, %and3A_754 : vector<16xi32>
    %gather3A_756 = tpu.vector_load_idx %arg12[%shift_right_arithmetic3A_752, %and3A_755, %add3A_90] : memref<8x8x512xf32, #tpu.memory_space<vmem>>[vector<16xi32>, vector<16xi32>, vector<16xi32>], vector<16xf32>,
    %add3A_757 = arith.constant 16 : i32
    %add3A_758 = vector.broadcast %add3A_757 : i32 to vector<16xi32>
    %add3A_759 = arith.addi %iota3A, %add3A_758 : vector<16xi32>
    tpu.vector_store_idx %arg16[%add3A_759, %broadcast_in_dim3A_749], %gather3A_756 : memref<32x128xf32, #tpu.memory_space<vmem>>[vector<16xi32>, vector<16xi32>], vector<16xf32>,
    %shift_right_arithmetic3A_760 = arith.constant 3 : i32
    %shift_right_arithmetic3A_761 = vector.broadcast %shift_right_arithmetic3A_760 : i32 to vector<16xi32>
    %shift_right_arithmetic3A_762 = arith.shrsi %broadcast_in_dim3A_749, %shift_right_arithmetic3A_761 : vector<16xi32>
    %and3A_763 = arith.constant 7 : i32
    %and3A_764 = vector.broadcast %and3A_763 : i32 to vector<16xi32>
    %and3A_765 = arith.andi %broadcast_in_dim3A_749, %and3A_764 : vector<16xi32>
    %gather3A_766 = tpu.vector_load_idx %arg13[%shift_right_arithmetic3A_762, %and3A_765, %add3A_100] : memref<8x8x512xf32, #tpu.memory_space<vmem>>[vector<16xi32>, vector<16xi32>, vector<16xi32>], vector<16xf32>,
    %add3A_767 = arith.constant 16 : i32
    %add3A_768 = vector.broadcast %add3A_767 : i32 to vector<16xi32>
    %add3A_769 = arith.addi %iota3A, %add3A_768 : vector<16xi32>
    %add3A_770 = arith.constant 64 : i32
    %add3A_771 = vector.broadcast %add3A_770 : i32 to vector<16xi32>
    %add3A_772 = arith.addi %broadcast_in_dim3A_749, %add3A_771 : vector<16xi32>
    tpu.vector_store_idx %arg16[%add3A_769, %add3A_772], %gather3A_766 : memref<32x128xf32, #tpu.memory_space<vmem>>[vector<16xi32>, vector<16xi32>], vector<16xf32>,
    %broadcast_in_dim3A_773 = arith.constant 27 : i32
    %broadcast_in_dim3A_774 = vector.broadcast %broadcast_in_dim3A_773 : i32 to vector<16xi32>
    %shift_right_arithmetic3A_775 = arith.constant 3 : i32
    %shift_right_arithmetic3A_776 = vector.broadcast %shift_right_arithmetic3A_775 : i32 to vector<16xi32>
    %shift_right_arithmetic3A_777 = arith.shrsi %broadcast_in_dim3A_774, %shift_right_arithmetic3A_776 : vector<16xi32>
    %and3A_778 = arith.constant 7 : i32
    %and3A_779 = vector.broadcast %and3A_778 : i32 to vector<16xi32>
    %and3A_780 = arith.andi %broadcast_in_dim3A_774, %and3A_779 : vector<16xi32>
    %gather3A_781 = tpu.vector_load_idx %arg12[%shift_right_arithmetic3A_777, %and3A_780, %add3A_90] : memref<8x8x512xf32, #tpu.memory_space<vmem>>[vector<16xi32>, vector<16xi32>, vector<16xi32>], vector<16xf32>,
    %add3A_782 = arith.constant 16 : i32
    %add3A_783 = vector.broadcast %add3A_782 : i32 to vector<16xi32>
    %add3A_784 = arith.addi %iota3A, %add3A_783 : vector<16xi32>
    tpu.vector_store_idx %arg16[%add3A_784, %broadcast_in_dim3A_774], %gather3A_781 : memref<32x128xf32, #tpu.memory_space<vmem>>[vector<16xi32>, vector<16xi32>], vector<16xf32>,
    %shift_right_arithmetic3A_785 = arith.constant 3 : i32
    %shift_right_arithmetic3A_786 = vector.broadcast %shift_right_arithmetic3A_785 : i32 to vector<16xi32>
    %shift_right_arithmetic3A_787 = arith.shrsi %broadcast_in_dim3A_774, %shift_right_arithmetic3A_786 : vector<16xi32>
    %and3A_788 = arith.constant 7 : i32
    %and3A_789 = vector.broadcast %and3A_788 : i32 to vector<16xi32>
    %and3A_790 = arith.andi %broadcast_in_dim3A_774, %and3A_789 : vector<16xi32>
    %gather3A_791 = tpu.vector_load_idx %arg13[%shift_right_arithmetic3A_787, %and3A_790, %add3A_100] : memref<8x8x512xf32, #tpu.memory_space<vmem>>[vector<16xi32>, vector<16xi32>, vector<16xi32>], vector<16xf32>,
    %add3A_792 = arith.constant 16 : i32
    %add3A_793 = vector.broadcast %add3A_792 : i32 to vector<16xi32>
    %add3A_794 = arith.addi %iota3A, %add3A_793 : vector<16xi32>
    %add3A_795 = arith.constant 64 : i32
    %add3A_796 = vector.broadcast %add3A_795 : i32 to vector<16xi32>
    %add3A_797 = arith.addi %broadcast_in_dim3A_774, %add3A_796 : vector<16xi32>
    tpu.vector_store_idx %arg16[%add3A_794, %add3A_797], %gather3A_791 : memref<32x128xf32, #tpu.memory_space<vmem>>[vector<16xi32>, vector<16xi32>], vector<16xf32>,
    %broadcast_in_dim3A_798 = arith.constant 28 : i32
    %broadcast_in_dim3A_799 = vector.broadcast %broadcast_in_dim3A_798 : i32 to vector<16xi32>
    %shift_right_arithmetic3A_800 = arith.constant 3 : i32
    %shift_right_arithmetic3A_801 = vector.broadcast %shift_right_arithmetic3A_800 : i32 to vector<16xi32>
    %shift_right_arithmetic3A_802 = arith.shrsi %broadcast_in_dim3A_799, %shift_right_arithmetic3A_801 : vector<16xi32>
    %and3A_803 = arith.constant 7 : i32
    %and3A_804 = vector.broadcast %and3A_803 : i32 to vector<16xi32>
    %and3A_805 = arith.andi %broadcast_in_dim3A_799, %and3A_804 : vector<16xi32>
    %gather3A_806 = tpu.vector_load_idx %arg12[%shift_right_arithmetic3A_802, %and3A_805, %add3A_90] : memref<8x8x512xf32, #tpu.memory_space<vmem>>[vector<16xi32>, vector<16xi32>, vector<16xi32>], vector<16xf32>,
    %add3A_807 = arith.constant 16 : i32
    %add3A_808 = vector.broadcast %add3A_807 : i32 to vector<16xi32>
    %add3A_809 = arith.addi %iota3A, %add3A_808 : vector<16xi32>
    tpu.vector_store_idx %arg16[%add3A_809, %broadcast_in_dim3A_799], %gather3A_806 : memref<32x128xf32, #tpu.memory_space<vmem>>[vector<16xi32>, vector<16xi32>], vector<16xf32>,
    %shift_right_arithmetic3A_810 = arith.constant 3 : i32
    %shift_right_arithmetic3A_811 = vector.broadcast %shift_right_arithmetic3A_810 : i32 to vector<16xi32>
    %shift_right_arithmetic3A_812 = arith.shrsi %broadcast_in_dim3A_799, %shift_right_arithmetic3A_811 : vector<16xi32>
    %and3A_813 = arith.constant 7 : i32
    %and3A_814 = vector.broadcast %and3A_813 : i32 to vector<16xi32>
    %and3A_815 = arith.andi %broadcast_in_dim3A_799, %and3A_814 : vector<16xi32>
    %gather3A_816 = tpu.vector_load_idx %arg13[%shift_right_arithmetic3A_812, %and3A_815, %add3A_100] : memref<8x8x512xf32, #tpu.memory_space<vmem>>[vector<16xi32>, vector<16xi32>, vector<16xi32>], vector<16xf32>,
    %add3A_817 = arith.constant 16 : i32
    %add3A_818 = vector.broadcast %add3A_817 : i32 to vector<16xi32>
    %add3A_819 = arith.addi %iota3A, %add3A_818 : vector<16xi32>
    %add3A_820 = arith.constant 64 : i32
    %add3A_821 = vector.broadcast %add3A_820 : i32 to vector<16xi32>
    %add3A_822 = arith.addi %broadcast_in_dim3A_799, %add3A_821 : vector<16xi32>
    tpu.vector_store_idx %arg16[%add3A_819, %add3A_822], %gather3A_816 : memref<32x128xf32, #tpu.memory_space<vmem>>[vector<16xi32>, vector<16xi32>], vector<16xf32>,
    %broadcast_in_dim3A_823 = arith.constant 29 : i32
    %broadcast_in_dim3A_824 = vector.broadcast %broadcast_in_dim3A_823 : i32 to vector<16xi32>
    %shift_right_arithmetic3A_825 = arith.constant 3 : i32
    %shift_right_arithmetic3A_826 = vector.broadcast %shift_right_arithmetic3A_825 : i32 to vector<16xi32>
    %shift_right_arithmetic3A_827 = arith.shrsi %broadcast_in_dim3A_824, %shift_right_arithmetic3A_826 : vector<16xi32>
    %and3A_828 = arith.constant 7 : i32
    %and3A_829 = vector.broadcast %and3A_828 : i32 to vector<16xi32>
    %and3A_830 = arith.andi %broadcast_in_dim3A_824, %and3A_829 : vector<16xi32>
    %gather3A_831 = tpu.vector_load_idx %arg12[%shift_right_arithmetic3A_827, %and3A_830, %add3A_90] : memref<8x8x512xf32, #tpu.memory_space<vmem>>[vector<16xi32>, vector<16xi32>, vector<16xi32>], vector<16xf32>,
    %add3A_832 = arith.constant 16 : i32
    %add3A_833 = vector.broadcast %add3A_832 : i32 to vector<16xi32>
    %add3A_834 = arith.addi %iota3A, %add3A_833 : vector<16xi32>
    tpu.vector_store_idx %arg16[%add3A_834, %broadcast_in_dim3A_824], %gather3A_831 : memref<32x128xf32, #tpu.memory_space<vmem>>[vector<16xi32>, vector<16xi32>], vector<16xf32>,
    %shift_right_arithmetic3A_835 = arith.constant 3 : i32
    %shift_right_arithmetic3A_836 = vector.broadcast %shift_right_arithmetic3A_835 : i32 to vector<16xi32>
    %shift_right_arithmetic3A_837 = arith.shrsi %broadcast_in_dim3A_824, %shift_right_arithmetic3A_836 : vector<16xi32>
    %and3A_838 = arith.constant 7 : i32
    %and3A_839 = vector.broadcast %and3A_838 : i32 to vector<16xi32>
    %and3A_840 = arith.andi %broadcast_in_dim3A_824, %and3A_839 : vector<16xi32>
    %gather3A_841 = tpu.vector_load_idx %arg13[%shift_right_arithmetic3A_837, %and3A_840, %add3A_100] : memref<8x8x512xf32, #tpu.memory_space<vmem>>[vector<16xi32>, vector<16xi32>, vector<16xi32>], vector<16xf32>,
    %add3A_842 = arith.constant 16 : i32
    %add3A_843 = vector.broadcast %add3A_842 : i32 to vector<16xi32>
    %add3A_844 = arith.addi %iota3A, %add3A_843 : vector<16xi32>
    %add3A_845 = arith.constant 64 : i32
    %add3A_846 = vector.broadcast %add3A_845 : i32 to vector<16xi32>
    %add3A_847 = arith.addi %broadcast_in_dim3A_824, %add3A_846 : vector<16xi32>
    tpu.vector_store_idx %arg16[%add3A_844, %add3A_847], %gather3A_841 : memref<32x128xf32, #tpu.memory_space<vmem>>[vector<16xi32>, vector<16xi32>], vector<16xf32>,
    %broadcast_in_dim3A_848 = arith.constant 30 : i32
    %broadcast_in_dim3A_849 = vector.broadcast %broadcast_in_dim3A_848 : i32 to vector<16xi32>
    %shift_right_arithmetic3A_850 = arith.constant 3 : i32
    %shift_right_arithmetic3A_851 = vector.broadcast %shift_right_arithmetic3A_850 : i32 to vector<16xi32>
    %shift_right_arithmetic3A_852 = arith.shrsi %broadcast_in_dim3A_849, %shift_right_arithmetic3A_851 : vector<16xi32>
    %and3A_853 = arith.constant 7 : i32
    %and3A_854 = vector.broadcast %and3A_853 : i32 to vector<16xi32>
    %and3A_855 = arith.andi %broadcast_in_dim3A_849, %and3A_854 : vector<16xi32>
    %gather3A_856 = tpu.vector_load_idx %arg12[%shift_right_arithmetic3A_852, %and3A_855, %add3A_90] : memref<8x8x512xf32, #tpu.memory_space<vmem>>[vector<16xi32>, vector<16xi32>, vector<16xi32>], vector<16xf32>,
    %add3A_857 = arith.constant 16 : i32
    %add3A_858 = vector.broadcast %add3A_857 : i32 to vector<16xi32>
    %add3A_859 = arith.addi %iota3A, %add3A_858 : vector<16xi32>
    tpu.vector_store_idx %arg16[%add3A_859, %broadcast_in_dim3A_849], %gather3A_856 : memref<32x128xf32, #tpu.memory_space<vmem>>[vector<16xi32>, vector<16xi32>], vector<16xf32>,
    %shift_right_arithmetic3A_860 = arith.constant 3 : i32
    %shift_right_arithmetic3A_861 = vector.broadcast %shift_right_arithmetic3A_860 : i32 to vector<16xi32>
    %shift_right_arithmetic3A_862 = arith.shrsi %broadcast_in_dim3A_849, %shift_right_arithmetic3A_861 : vector<16xi32>
    %and3A_863 = arith.constant 7 : i32
    %and3A_864 = vector.broadcast %and3A_863 : i32 to vector<16xi32>
    %and3A_865 = arith.andi %broadcast_in_dim3A_849, %and3A_864 : vector<16xi32>
    %gather3A_866 = tpu.vector_load_idx %arg13[%shift_right_arithmetic3A_862, %and3A_865, %add3A_100] : memref<8x8x512xf32, #tpu.memory_space<vmem>>[vector<16xi32>, vector<16xi32>, vector<16xi32>], vector<16xf32>,
    %add3A_867 = arith.constant 16 : i32
    %add3A_868 = vector.broadcast %add3A_867 : i32 to vector<16xi32>
    %add3A_869 = arith.addi %iota3A, %add3A_868 : vector<16xi32>
    %add3A_870 = arith.constant 64 : i32
    %add3A_871 = vector.broadcast %add3A_870 : i32 to vector<16xi32>
    %add3A_872 = arith.addi %broadcast_in_dim3A_849, %add3A_871 : vector<16xi32>
    tpu.vector_store_idx %arg16[%add3A_869, %add3A_872], %gather3A_866 : memref<32x128xf32, #tpu.memory_space<vmem>>[vector<16xi32>, vector<16xi32>], vector<16xf32>,
    %broadcast_in_dim3A_873 = arith.constant 31 : i32
    %broadcast_in_dim3A_874 = vector.broadcast %broadcast_in_dim3A_873 : i32 to vector<16xi32>
    %shift_right_arithmetic3A_875 = arith.constant 3 : i32
    %shift_right_arithmetic3A_876 = vector.broadcast %shift_right_arithmetic3A_875 : i32 to vector<16xi32>
    %shift_right_arithmetic3A_877 = arith.shrsi %broadcast_in_dim3A_874, %shift_right_arithmetic3A_876 : vector<16xi32>
    %and3A_878 = arith.constant 7 : i32
    %and3A_879 = vector.broadcast %and3A_878 : i32 to vector<16xi32>
    %and3A_880 = arith.andi %broadcast_in_dim3A_874, %and3A_879 : vector<16xi32>
    %gather3A_881 = tpu.vector_load_idx %arg12[%shift_right_arithmetic3A_877, %and3A_880, %add3A_90] : memref<8x8x512xf32, #tpu.memory_space<vmem>>[vector<16xi32>, vector<16xi32>, vector<16xi32>], vector<16xf32>,
    %add3A_882 = arith.constant 16 : i32
    %add3A_883 = vector.broadcast %add3A_882 : i32 to vector<16xi32>
    %add3A_884 = arith.addi %iota3A, %add3A_883 : vector<16xi32>
    tpu.vector_store_idx %arg16[%add3A_884, %broadcast_in_dim3A_874], %gather3A_881 : memref<32x128xf32, #tpu.memory_space<vmem>>[vector<16xi32>, vector<16xi32>], vector<16xf32>,
    %shift_right_arithmetic3A_885 = arith.constant 3 : i32
    %shift_right_arithmetic3A_886 = vector.broadcast %shift_right_arithmetic3A_885 : i32 to vector<16xi32>
    %shift_right_arithmetic3A_887 = arith.shrsi %broadcast_in_dim3A_874, %shift_right_arithmetic3A_886 : vector<16xi32>
    %and3A_888 = arith.constant 7 : i32
    %and3A_889 = vector.broadcast %and3A_888 : i32 to vector<16xi32>
    %and3A_890 = arith.andi %broadcast_in_dim3A_874, %and3A_889 : vector<16xi32>
    %gather3A_891 = tpu.vector_load_idx %arg13[%shift_right_arithmetic3A_887, %and3A_890, %add3A_100] : memref<8x8x512xf32, #tpu.memory_space<vmem>>[vector<16xi32>, vector<16xi32>, vector<16xi32>], vector<16xf32>,
    %add3A_892 = arith.constant 16 : i32
    %add3A_893 = vector.broadcast %add3A_892 : i32 to vector<16xi32>
    %add3A_894 = arith.addi %iota3A, %add3A_893 : vector<16xi32>
    %add3A_895 = arith.constant 64 : i32
    %add3A_896 = vector.broadcast %add3A_895 : i32 to vector<16xi32>
    %add3A_897 = arith.addi %broadcast_in_dim3A_874, %add3A_896 : vector<16xi32>
    tpu.vector_store_idx %arg16[%add3A_894, %add3A_897], %gather3A_891 : memref<32x128xf32, #tpu.memory_space<vmem>>[vector<16xi32>, vector<16xi32>], vector<16xf32>,
    %broadcast_in_dim3A_898 = arith.constant 32 : i32
    %broadcast_in_dim3A_899 = vector.broadcast %broadcast_in_dim3A_898 : i32 to vector<16xi32>
    %shift_right_arithmetic3A_900 = arith.constant 3 : i32
    %shift_right_arithmetic3A_901 = vector.broadcast %shift_right_arithmetic3A_900 : i32 to vector<16xi32>
    %shift_right_arithmetic3A_902 = arith.shrsi %broadcast_in_dim3A_899, %shift_right_arithmetic3A_901 : vector<16xi32>
    %and3A_903 = arith.constant 7 : i32
    %and3A_904 = vector.broadcast %and3A_903 : i32 to vector<16xi32>
    %and3A_905 = arith.andi %broadcast_in_dim3A_899, %and3A_904 : vector<16xi32>
    %gather3A_906 = tpu.vector_load_idx %arg12[%shift_right_arithmetic3A_902, %and3A_905, %add3A_90] : memref<8x8x512xf32, #tpu.memory_space<vmem>>[vector<16xi32>, vector<16xi32>, vector<16xi32>], vector<16xf32>,
    %add3A_907 = arith.constant 16 : i32
    %add3A_908 = vector.broadcast %add3A_907 : i32 to vector<16xi32>
    %add3A_909 = arith.addi %iota3A, %add3A_908 : vector<16xi32>
    tpu.vector_store_idx %arg16[%add3A_909, %broadcast_in_dim3A_899], %gather3A_906 : memref<32x128xf32, #tpu.memory_space<vmem>>[vector<16xi32>, vector<16xi32>], vector<16xf32>,
    %shift_right_arithmetic3A_910 = arith.constant 3 : i32
    %shift_right_arithmetic3A_911 = vector.broadcast %shift_right_arithmetic3A_910 : i32 to vector<16xi32>
    %shift_right_arithmetic3A_912 = arith.shrsi %broadcast_in_dim3A_899, %shift_right_arithmetic3A_911 : vector<16xi32>
    %and3A_913 = arith.constant 7 : i32
    %and3A_914 = vector.broadcast %and3A_913 : i32 to vector<16xi32>
    %and3A_915 = arith.andi %broadcast_in_dim3A_899, %and3A_914 : vector<16xi32>
    %gather3A_916 = tpu.vector_load_idx %arg13[%shift_right_arithmetic3A_912, %and3A_915, %add3A_100] : memref<8x8x512xf32, #tpu.memory_space<vmem>>[vector<16xi32>, vector<16xi32>, vector<16xi32>], vector<16xf32>,
    %add3A_917 = arith.constant 16 : i32
    %add3A_918 = vector.broadcast %add3A_917 : i32 to vector<16xi32>
    %add3A_919 = arith.addi %iota3A, %add3A_918 : vector<16xi32>
    %add3A_920 = arith.constant 64 : i32
    %add3A_921 = vector.broadcast %add3A_920 : i32 to vector<16xi32>
    %add3A_922 = arith.addi %broadcast_in_dim3A_899, %add3A_921 : vector<16xi32>
    tpu.vector_store_idx %arg16[%add3A_919, %add3A_922], %gather3A_916 : memref<32x128xf32, #tpu.memory_space<vmem>>[vector<16xi32>, vector<16xi32>], vector<16xf32>,
    %broadcast_in_dim3A_923 = arith.constant 33 : i32
    %broadcast_in_dim3A_924 = vector.broadcast %broadcast_in_dim3A_923 : i32 to vector<16xi32>
    %shift_right_arithmetic3A_925 = arith.constant 3 : i32
    %shift_right_arithmetic3A_926 = vector.broadcast %shift_right_arithmetic3A_925 : i32 to vector<16xi32>
    %shift_right_arithmetic3A_927 = arith.shrsi %broadcast_in_dim3A_924, %shift_right_arithmetic3A_926 : vector<16xi32>
    %and3A_928 = arith.constant 7 : i32
    %and3A_929 = vector.broadcast %and3A_928 : i32 to vector<16xi32>
    %and3A_930 = arith.andi %broadcast_in_dim3A_924, %and3A_929 : vector<16xi32>
    %gather3A_931 = tpu.vector_load_idx %arg12[%shift_right_arithmetic3A_927, %and3A_930, %add3A_90] : memref<8x8x512xf32, #tpu.memory_space<vmem>>[vector<16xi32>, vector<16xi32>, vector<16xi32>], vector<16xf32>,
    %add3A_932 = arith.constant 16 : i32
    %add3A_933 = vector.broadcast %add3A_932 : i32 to vector<16xi32>
    %add3A_934 = arith.addi %iota3A, %add3A_933 : vector<16xi32>
    tpu.vector_store_idx %arg16[%add3A_934, %broadcast_in_dim3A_924], %gather3A_931 : memref<32x128xf32, #tpu.memory_space<vmem>>[vector<16xi32>, vector<16xi32>], vector<16xf32>,
    %shift_right_arithmetic3A_935 = arith.constant 3 : i32
    %shift_right_arithmetic3A_936 = vector.broadcast %shift_right_arithmetic3A_935 : i32 to vector<16xi32>
    %shift_right_arithmetic3A_937 = arith.shrsi %broadcast_in_dim3A_924, %shift_right_arithmetic3A_936 : vector<16xi32>
    %and3A_938 = arith.constant 7 : i32
    %and3A_939 = vector.broadcast %and3A_938 : i32 to vector<16xi32>
    %and3A_940 = arith.andi %broadcast_in_dim3A_924, %and3A_939 : vector<16xi32>
    %gather3A_941 = tpu.vector_load_idx %arg13[%shift_right_arithmetic3A_937, %and3A_940, %add3A_100] : memref<8x8x512xf32, #tpu.memory_space<vmem>>[vector<16xi32>, vector<16xi32>, vector<16xi32>], vector<16xf32>,
    %add3A_942 = arith.constant 16 : i32
    %add3A_943 = vector.broadcast %add3A_942 : i32 to vector<16xi32>
    %add3A_944 = arith.addi %iota3A, %add3A_943 : vector<16xi32>
    %add3A_945 = arith.constant 64 : i32
    %add3A_946 = vector.broadcast %add3A_945 : i32 to vector<16xi32>
    %add3A_947 = arith.addi %broadcast_in_dim3A_924, %add3A_946 : vector<16xi32>
    tpu.vector_store_idx %arg16[%add3A_944, %add3A_947], %gather3A_941 : memref<32x128xf32, #tpu.memory_space<vmem>>[vector<16xi32>, vector<16xi32>], vector<16xf32>,
    %broadcast_in_dim3A_948 = arith.constant 34 : i32
    %broadcast_in_dim3A_949 = vector.broadcast %broadcast_in_dim3A_948 : i32 to vector<16xi32>
    %shift_right_arithmetic3A_950 = arith.constant 3 : i32
    %shift_right_arithmetic3A_951 = vector.broadcast %shift_right_arithmetic3A_950 : i32 to vector<16xi32>
    %shift_right_arithmetic3A_952 = arith.shrsi %broadcast_in_dim3A_949, %shift_right_arithmetic3A_951 : vector<16xi32>
    %and3A_953 = arith.constant 7 : i32
    %and3A_954 = vector.broadcast %and3A_953 : i32 to vector<16xi32>
    %and3A_955 = arith.andi %broadcast_in_dim3A_949, %and3A_954 : vector<16xi32>
    %gather3A_956 = tpu.vector_load_idx %arg12[%shift_right_arithmetic3A_952, %and3A_955, %add3A_90] : memref<8x8x512xf32, #tpu.memory_space<vmem>>[vector<16xi32>, vector<16xi32>, vector<16xi32>], vector<16xf32>,
    %add3A_957 = arith.constant 16 : i32
    %add3A_958 = vector.broadcast %add3A_957 : i32 to vector<16xi32>
    %add3A_959 = arith.addi %iota3A, %add3A_958 : vector<16xi32>
    tpu.vector_store_idx %arg16[%add3A_959, %broadcast_in_dim3A_949], %gather3A_956 : memref<32x128xf32, #tpu.memory_space<vmem>>[vector<16xi32>, vector<16xi32>], vector<16xf32>,
    %shift_right_arithmetic3A_960 = arith.constant 3 : i32
    %shift_right_arithmetic3A_961 = vector.broadcast %shift_right_arithmetic3A_960 : i32 to vector<16xi32>
    %shift_right_arithmetic3A_962 = arith.shrsi %broadcast_in_dim3A_949, %shift_right_arithmetic3A_961 : vector<16xi32>
    %and3A_963 = arith.constant 7 : i32
    %and3A_964 = vector.broadcast %and3A_963 : i32 to vector<16xi32>
    %and3A_965 = arith.andi %broadcast_in_dim3A_949, %and3A_964 : vector<16xi32>
    %gather3A_966 = tpu.vector_load_idx %arg13[%shift_right_arithmetic3A_962, %and3A_965, %add3A_100] : memref<8x8x512xf32, #tpu.memory_space<vmem>>[vector<16xi32>, vector<16xi32>, vector<16xi32>], vector<16xf32>,
    %add3A_967 = arith.constant 16 : i32
    %add3A_968 = vector.broadcast %add3A_967 : i32 to vector<16xi32>
    %add3A_969 = arith.addi %iota3A, %add3A_968 : vector<16xi32>
    %add3A_970 = arith.constant 64 : i32
    %add3A_971 = vector.broadcast %add3A_970 : i32 to vector<16xi32>
    %add3A_972 = arith.addi %broadcast_in_dim3A_949, %add3A_971 : vector<16xi32>
    tpu.vector_store_idx %arg16[%add3A_969, %add3A_972], %gather3A_966 : memref<32x128xf32, #tpu.memory_space<vmem>>[vector<16xi32>, vector<16xi32>], vector<16xf32>,
    %broadcast_in_dim3A_973 = arith.constant 35 : i32
    %broadcast_in_dim3A_974 = vector.broadcast %broadcast_in_dim3A_973 : i32 to vector<16xi32>
    %shift_right_arithmetic3A_975 = arith.constant 3 : i32
    %shift_right_arithmetic3A_976 = vector.broadcast %shift_right_arithmetic3A_975 : i32 to vector<16xi32>
    %shift_right_arithmetic3A_977 = arith.shrsi %broadcast_in_dim3A_974, %shift_right_arithmetic3A_976 : vector<16xi32>
    %and3A_978 = arith.constant 7 : i32
    %and3A_979 = vector.broadcast %and3A_978 : i32 to vector<16xi32>
    %and3A_980 = arith.andi %broadcast_in_dim3A_974, %and3A_979 : vector<16xi32>
    %gather3A_981 = tpu.vector_load_idx %arg12[%shift_right_arithmetic3A_977, %and3A_980, %add3A_90] : memref<8x8x512xf32, #tpu.memory_space<vmem>>[vector<16xi32>, vector<16xi32>, vector<16xi32>], vector<16xf32>,
    %add3A_982 = arith.constant 16 : i32
    %add3A_983 = vector.broadcast %add3A_982 : i32 to vector<16xi32>
    %add3A_984 = arith.addi %iota3A, %add3A_983 : vector<16xi32>
    tpu.vector_store_idx %arg16[%add3A_984, %broadcast_in_dim3A_974], %gather3A_981 : memref<32x128xf32, #tpu.memory_space<vmem>>[vector<16xi32>, vector<16xi32>], vector<16xf32>,
    %shift_right_arithmetic3A_985 = arith.constant 3 : i32
    %shift_right_arithmetic3A_986 = vector.broadcast %shift_right_arithmetic3A_985 : i32 to vector<16xi32>
    %shift_right_arithmetic3A_987 = arith.shrsi %broadcast_in_dim3A_974, %shift_right_arithmetic3A_986 : vector<16xi32>
    %and3A_988 = arith.constant 7 : i32
    %and3A_989 = vector.broadcast %and3A_988 : i32 to vector<16xi32>
    %and3A_990 = arith.andi %broadcast_in_dim3A_974, %and3A_989 : vector<16xi32>
    %gather3A_991 = tpu.vector_load_idx %arg13[%shift_right_arithmetic3A_987, %and3A_990, %add3A_100] : memref<8x8x512xf32, #tpu.memory_space<vmem>>[vector<16xi32>, vector<16xi32>, vector<16xi32>], vector<16xf32>,
    %add3A_992 = arith.constant 16 : i32
    %add3A_993 = vector.broadcast %add3A_992 : i32 to vector<16xi32>
    %add3A_994 = arith.addi %iota3A, %add3A_993 : vector<16xi32>
    %add3A_995 = arith.constant 64 : i32
    %add3A_996 = vector.broadcast %add3A_995 : i32 to vector<16xi32>
    %add3A_997 = arith.addi %broadcast_in_dim3A_974, %add3A_996 : vector<16xi32>
    tpu.vector_store_idx %arg16[%add3A_994, %add3A_997], %gather3A_991 : memref<32x128xf32, #tpu.memory_space<vmem>>[vector<16xi32>, vector<16xi32>], vector<16xf32>,
    %broadcast_in_dim3A_998 = arith.constant 36 : i32
    %broadcast_in_dim3A_999 = vector.broadcast %broadcast_in_dim3A_998 : i32 to vector<16xi32>
    %shift_right_arithmetic3A_1000 = arith.constant 3 : i32
    %shift_right_arithmetic3A_1001 = vector.broadcast %shift_right_arithmetic3A_1000 : i32 to vector<16xi32>
    %shift_right_arithmetic3A_1002 = arith.shrsi %broadcast_in_dim3A_999, %shift_right_arithmetic3A_1001 : vector<16xi32>
    %and3A_1003 = arith.constant 7 : i32
    %and3A_1004 = vector.broadcast %and3A_1003 : i32 to vector<16xi32>
    %and3A_1005 = arith.andi %broadcast_in_dim3A_999, %and3A_1004 : vector<16xi32>
    %gather3A_1006 = tpu.vector_load_idx %arg12[%shift_right_arithmetic3A_1002, %and3A_1005, %add3A_90] : memref<8x8x512xf32, #tpu.memory_space<vmem>>[vector<16xi32>, vector<16xi32>, vector<16xi32>], vector<16xf32>,
    %add3A_1007 = arith.constant 16 : i32
    %add3A_1008 = vector.broadcast %add3A_1007 : i32 to vector<16xi32>
    %add3A_1009 = arith.addi %iota3A, %add3A_1008 : vector<16xi32>
    tpu.vector_store_idx %arg16[%add3A_1009, %broadcast_in_dim3A_999], %gather3A_1006 : memref<32x128xf32, #tpu.memory_space<vmem>>[vector<16xi32>, vector<16xi32>], vector<16xf32>,
    %shift_right_arithmetic3A_1010 = arith.constant 3 : i32
    %shift_right_arithmetic3A_1011 = vector.broadcast %shift_right_arithmetic3A_1010 : i32 to vector<16xi32>
    %shift_right_arithmetic3A_1012 = arith.shrsi %broadcast_in_dim3A_999, %shift_right_arithmetic3A_1011 : vector<16xi32>
    %and3A_1013 = arith.constant 7 : i32
    %and3A_1014 = vector.broadcast %and3A_1013 : i32 to vector<16xi32>
    %and3A_1015 = arith.andi %broadcast_in_dim3A_999, %and3A_1014 : vector<16xi32>
    %gather3A_1016 = tpu.vector_load_idx %arg13[%shift_right_arithmetic3A_1012, %and3A_1015, %add3A_100] : memref<8x8x512xf32, #tpu.memory_space<vmem>>[vector<16xi32>, vector<16xi32>, vector<16xi32>], vector<16xf32>,
    %add3A_1017 = arith.constant 16 : i32
    %add3A_1018 = vector.broadcast %add3A_1017 : i32 to vector<16xi32>
    %add3A_1019 = arith.addi %iota3A, %add3A_1018 : vector<16xi32>
    %add3A_1020 = arith.constant 64 : i32
    %add3A_1021 = vector.broadcast %add3A_1020 : i32 to vector<16xi32>
    %add3A_1022 = arith.addi %broadcast_in_dim3A_999, %add3A_1021 : vector<16xi32>
    tpu.vector_store_idx %arg16[%add3A_1019, %add3A_1022], %gather3A_1016 : memref<32x128xf32, #tpu.memory_space<vmem>>[vector<16xi32>, vector<16xi32>], vector<16xf32>,
    %broadcast_in_dim3A_1023 = arith.constant 37 : i32
    %broadcast_in_dim3A_1024 = vector.broadcast %broadcast_in_dim3A_1023 : i32 to vector<16xi32>
    %shift_right_arithmetic3A_1025 = arith.constant 3 : i32
    %shift_right_arithmetic3A_1026 = vector.broadcast %shift_right_arithmetic3A_1025 : i32 to vector<16xi32>
    %shift_right_arithmetic3A_1027 = arith.shrsi %broadcast_in_dim3A_1024, %shift_right_arithmetic3A_1026 : vector<16xi32>
    %and3A_1028 = arith.constant 7 : i32
    %and3A_1029 = vector.broadcast %and3A_1028 : i32 to vector<16xi32>
    %and3A_1030 = arith.andi %broadcast_in_dim3A_1024, %and3A_1029 : vector<16xi32>
    %gather3A_1031 = tpu.vector_load_idx %arg12[%shift_right_arithmetic3A_1027, %and3A_1030, %add3A_90] : memref<8x8x512xf32, #tpu.memory_space<vmem>>[vector<16xi32>, vector<16xi32>, vector<16xi32>], vector<16xf32>,
    %add3A_1032 = arith.constant 16 : i32
    %add3A_1033 = vector.broadcast %add3A_1032 : i32 to vector<16xi32>
    %add3A_1034 = arith.addi %iota3A, %add3A_1033 : vector<16xi32>
    tpu.vector_store_idx %arg16[%add3A_1034, %broadcast_in_dim3A_1024], %gather3A_1031 : memref<32x128xf32, #tpu.memory_space<vmem>>[vector<16xi32>, vector<16xi32>], vector<16xf32>,
    %shift_right_arithmetic3A_1035 = arith.constant 3 : i32
    %shift_right_arithmetic3A_1036 = vector.broadcast %shift_right_arithmetic3A_1035 : i32 to vector<16xi32>
    %shift_right_arithmetic3A_1037 = arith.shrsi %broadcast_in_dim3A_1024, %shift_right_arithmetic3A_1036 : vector<16xi32>
    %and3A_1038 = arith.constant 7 : i32
    %and3A_1039 = vector.broadcast %and3A_1038 : i32 to vector<16xi32>
    %and3A_1040 = arith.andi %broadcast_in_dim3A_1024, %and3A_1039 : vector<16xi32>
    %gather3A_1041 = tpu.vector_load_idx %arg13[%shift_right_arithmetic3A_1037, %and3A_1040, %add3A_100] : memref<8x8x512xf32, #tpu.memory_space<vmem>>[vector<16xi32>, vector<16xi32>, vector<16xi32>], vector<16xf32>,
    %add3A_1042 = arith.constant 16 : i32
    %add3A_1043 = vector.broadcast %add3A_1042 : i32 to vector<16xi32>
    %add3A_1044 = arith.addi %iota3A, %add3A_1043 : vector<16xi32>
    %add3A_1045 = arith.constant 64 : i32
    %add3A_1046 = vector.broadcast %add3A_1045 : i32 to vector<16xi32>
    %add3A_1047 = arith.addi %broadcast_in_dim3A_1024, %add3A_1046 : vector<16xi32>
    tpu.vector_store_idx %arg16[%add3A_1044, %add3A_1047], %gather3A_1041 : memref<32x128xf32, #tpu.memory_space<vmem>>[vector<16xi32>, vector<16xi32>], vector<16xf32>,
    %broadcast_in_dim3A_1048 = arith.constant 38 : i32
    %broadcast_in_dim3A_1049 = vector.broadcast %broadcast_in_dim3A_1048 : i32 to vector<16xi32>
    %shift_right_arithmetic3A_1050 = arith.constant 3 : i32
    %shift_right_arithmetic3A_1051 = vector.broadcast %shift_right_arithmetic3A_1050 : i32 to vector<16xi32>
    %shift_right_arithmetic3A_1052 = arith.shrsi %broadcast_in_dim3A_1049, %shift_right_arithmetic3A_1051 : vector<16xi32>
    %and3A_1053 = arith.constant 7 : i32
    %and3A_1054 = vector.broadcast %and3A_1053 : i32 to vector<16xi32>
    %and3A_1055 = arith.andi %broadcast_in_dim3A_1049, %and3A_1054 : vector<16xi32>
    %gather3A_1056 = tpu.vector_load_idx %arg12[%shift_right_arithmetic3A_1052, %and3A_1055, %add3A_90] : memref<8x8x512xf32, #tpu.memory_space<vmem>>[vector<16xi32>, vector<16xi32>, vector<16xi32>], vector<16xf32>,
    %add3A_1057 = arith.constant 16 : i32
    %add3A_1058 = vector.broadcast %add3A_1057 : i32 to vector<16xi32>
    %add3A_1059 = arith.addi %iota3A, %add3A_1058 : vector<16xi32>
    tpu.vector_store_idx %arg16[%add3A_1059, %broadcast_in_dim3A_1049], %gather3A_1056 : memref<32x128xf32, #tpu.memory_space<vmem>>[vector<16xi32>, vector<16xi32>], vector<16xf32>,
    %shift_right_arithmetic3A_1060 = arith.constant 3 : i32
    %shift_right_arithmetic3A_1061 = vector.broadcast %shift_right_arithmetic3A_1060 : i32 to vector<16xi32>
    %shift_right_arithmetic3A_1062 = arith.shrsi %broadcast_in_dim3A_1049, %shift_right_arithmetic3A_1061 : vector<16xi32>
    %and3A_1063 = arith.constant 7 : i32
    %and3A_1064 = vector.broadcast %and3A_1063 : i32 to vector<16xi32>
    %and3A_1065 = arith.andi %broadcast_in_dim3A_1049, %and3A_1064 : vector<16xi32>
    %gather3A_1066 = tpu.vector_load_idx %arg13[%shift_right_arithmetic3A_1062, %and3A_1065, %add3A_100] : memref<8x8x512xf32, #tpu.memory_space<vmem>>[vector<16xi32>, vector<16xi32>, vector<16xi32>], vector<16xf32>,
    %add3A_1067 = arith.constant 16 : i32
    %add3A_1068 = vector.broadcast %add3A_1067 : i32 to vector<16xi32>
    %add3A_1069 = arith.addi %iota3A, %add3A_1068 : vector<16xi32>
    %add3A_1070 = arith.constant 64 : i32
    %add3A_1071 = vector.broadcast %add3A_1070 : i32 to vector<16xi32>
    %add3A_1072 = arith.addi %broadcast_in_dim3A_1049, %add3A_1071 : vector<16xi32>
    tpu.vector_store_idx %arg16[%add3A_1069, %add3A_1072], %gather3A_1066 : memref<32x128xf32, #tpu.memory_space<vmem>>[vector<16xi32>, vector<16xi32>], vector<16xf32>,
    %broadcast_in_dim3A_1073 = arith.constant 39 : i32
    %broadcast_in_dim3A_1074 = vector.broadcast %broadcast_in_dim3A_1073 : i32 to vector<16xi32>
    %shift_right_arithmetic3A_1075 = arith.constant 3 : i32
    %shift_right_arithmetic3A_1076 = vector.broadcast %shift_right_arithmetic3A_1075 : i32 to vector<16xi32>
    %shift_right_arithmetic3A_1077 = arith.shrsi %broadcast_in_dim3A_1074, %shift_right_arithmetic3A_1076 : vector<16xi32>
    %and3A_1078 = arith.constant 7 : i32
    %and3A_1079 = vector.broadcast %and3A_1078 : i32 to vector<16xi32>
    %and3A_1080 = arith.andi %broadcast_in_dim3A_1074, %and3A_1079 : vector<16xi32>
    %gather3A_1081 = tpu.vector_load_idx %arg12[%shift_right_arithmetic3A_1077, %and3A_1080, %add3A_90] : memref<8x8x512xf32, #tpu.memory_space<vmem>>[vector<16xi32>, vector<16xi32>, vector<16xi32>], vector<16xf32>,
    %add3A_1082 = arith.constant 16 : i32
    %add3A_1083 = vector.broadcast %add3A_1082 : i32 to vector<16xi32>
    %add3A_1084 = arith.addi %iota3A, %add3A_1083 : vector<16xi32>
    tpu.vector_store_idx %arg16[%add3A_1084, %broadcast_in_dim3A_1074], %gather3A_1081 : memref<32x128xf32, #tpu.memory_space<vmem>>[vector<16xi32>, vector<16xi32>], vector<16xf32>,
    %shift_right_arithmetic3A_1085 = arith.constant 3 : i32
    %shift_right_arithmetic3A_1086 = vector.broadcast %shift_right_arithmetic3A_1085 : i32 to vector<16xi32>
    %shift_right_arithmetic3A_1087 = arith.shrsi %broadcast_in_dim3A_1074, %shift_right_arithmetic3A_1086 : vector<16xi32>
    %and3A_1088 = arith.constant 7 : i32
    %and3A_1089 = vector.broadcast %and3A_1088 : i32 to vector<16xi32>
    %and3A_1090 = arith.andi %broadcast_in_dim3A_1074, %and3A_1089 : vector<16xi32>
    %gather3A_1091 = tpu.vector_load_idx %arg13[%shift_right_arithmetic3A_1087, %and3A_1090, %add3A_100] : memref<8x8x512xf32, #tpu.memory_space<vmem>>[vector<16xi32>, vector<16xi32>, vector<16xi32>], vector<16xf32>,
    %add3A_1092 = arith.constant 16 : i32
    %add3A_1093 = vector.broadcast %add3A_1092 : i32 to vector<16xi32>
    %add3A_1094 = arith.addi %iota3A, %add3A_1093 : vector<16xi32>
    %add3A_1095 = arith.constant 64 : i32
    %add3A_1096 = vector.broadcast %add3A_1095 : i32 to vector<16xi32>
    %add3A_1097 = arith.addi %broadcast_in_dim3A_1074, %add3A_1096 : vector<16xi32>
    tpu.vector_store_idx %arg16[%add3A_1094, %add3A_1097], %gather3A_1091 : memref<32x128xf32, #tpu.memory_space<vmem>>[vector<16xi32>, vector<16xi32>], vector<16xf32>,
    %broadcast_in_dim3A_1098 = arith.constant 40 : i32
    %broadcast_in_dim3A_1099 = vector.broadcast %broadcast_in_dim3A_1098 : i32 to vector<16xi32>
    %shift_right_arithmetic3A_1100 = arith.constant 3 : i32
    %shift_right_arithmetic3A_1101 = vector.broadcast %shift_right_arithmetic3A_1100 : i32 to vector<16xi32>
    %shift_right_arithmetic3A_1102 = arith.shrsi %broadcast_in_dim3A_1099, %shift_right_arithmetic3A_1101 : vector<16xi32>
    %and3A_1103 = arith.constant 7 : i32
    %and3A_1104 = vector.broadcast %and3A_1103 : i32 to vector<16xi32>
    %and3A_1105 = arith.andi %broadcast_in_dim3A_1099, %and3A_1104 : vector<16xi32>
    %gather3A_1106 = tpu.vector_load_idx %arg12[%shift_right_arithmetic3A_1102, %and3A_1105, %add3A_90] : memref<8x8x512xf32, #tpu.memory_space<vmem>>[vector<16xi32>, vector<16xi32>, vector<16xi32>], vector<16xf32>,
    %add3A_1107 = arith.constant 16 : i32
    %add3A_1108 = vector.broadcast %add3A_1107 : i32 to vector<16xi32>
    %add3A_1109 = arith.addi %iota3A, %add3A_1108 : vector<16xi32>
    tpu.vector_store_idx %arg16[%add3A_1109, %broadcast_in_dim3A_1099], %gather3A_1106 : memref<32x128xf32, #tpu.memory_space<vmem>>[vector<16xi32>, vector<16xi32>], vector<16xf32>,
    %shift_right_arithmetic3A_1110 = arith.constant 3 : i32
    %shift_right_arithmetic3A_1111 = vector.broadcast %shift_right_arithmetic3A_1110 : i32 to vector<16xi32>
    %shift_right_arithmetic3A_1112 = arith.shrsi %broadcast_in_dim3A_1099, %shift_right_arithmetic3A_1111 : vector<16xi32>
    %and3A_1113 = arith.constant 7 : i32
    %and3A_1114 = vector.broadcast %and3A_1113 : i32 to vector<16xi32>
    %and3A_1115 = arith.andi %broadcast_in_dim3A_1099, %and3A_1114 : vector<16xi32>
    %gather3A_1116 = tpu.vector_load_idx %arg13[%shift_right_arithmetic3A_1112, %and3A_1115, %add3A_100] : memref<8x8x512xf32, #tpu.memory_space<vmem>>[vector<16xi32>, vector<16xi32>, vector<16xi32>], vector<16xf32>,
    %add3A_1117 = arith.constant 16 : i32
    %add3A_1118 = vector.broadcast %add3A_1117 : i32 to vector<16xi32>
    %add3A_1119 = arith.addi %iota3A, %add3A_1118 : vector<16xi32>
    %add3A_1120 = arith.constant 64 : i32
    %add3A_1121 = vector.broadcast %add3A_1120 : i32 to vector<16xi32>
    %add3A_1122 = arith.addi %broadcast_in_dim3A_1099, %add3A_1121 : vector<16xi32>
    tpu.vector_store_idx %arg16[%add3A_1119, %add3A_1122], %gather3A_1116 : memref<32x128xf32, #tpu.memory_space<vmem>>[vector<16xi32>, vector<16xi32>], vector<16xf32>,
    %broadcast_in_dim3A_1123 = arith.constant 41 : i32
    %broadcast_in_dim3A_1124 = vector.broadcast %broadcast_in_dim3A_1123 : i32 to vector<16xi32>
    %shift_right_arithmetic3A_1125 = arith.constant 3 : i32
    %shift_right_arithmetic3A_1126 = vector.broadcast %shift_right_arithmetic3A_1125 : i32 to vector<16xi32>
    %shift_right_arithmetic3A_1127 = arith.shrsi %broadcast_in_dim3A_1124, %shift_right_arithmetic3A_1126 : vector<16xi32>
    %and3A_1128 = arith.constant 7 : i32
    %and3A_1129 = vector.broadcast %and3A_1128 : i32 to vector<16xi32>
    %and3A_1130 = arith.andi %broadcast_in_dim3A_1124, %and3A_1129 : vector<16xi32>
    %gather3A_1131 = tpu.vector_load_idx %arg12[%shift_right_arithmetic3A_1127, %and3A_1130, %add3A_90] : memref<8x8x512xf32, #tpu.memory_space<vmem>>[vector<16xi32>, vector<16xi32>, vector<16xi32>], vector<16xf32>,
    %add3A_1132 = arith.constant 16 : i32
    %add3A_1133 = vector.broadcast %add3A_1132 : i32 to vector<16xi32>
    %add3A_1134 = arith.addi %iota3A, %add3A_1133 : vector<16xi32>
    tpu.vector_store_idx %arg16[%add3A_1134, %broadcast_in_dim3A_1124], %gather3A_1131 : memref<32x128xf32, #tpu.memory_space<vmem>>[vector<16xi32>, vector<16xi32>], vector<16xf32>,
    %shift_right_arithmetic3A_1135 = arith.constant 3 : i32
    %shift_right_arithmetic3A_1136 = vector.broadcast %shift_right_arithmetic3A_1135 : i32 to vector<16xi32>
    %shift_right_arithmetic3A_1137 = arith.shrsi %broadcast_in_dim3A_1124, %shift_right_arithmetic3A_1136 : vector<16xi32>
    %and3A_1138 = arith.constant 7 : i32
    %and3A_1139 = vector.broadcast %and3A_1138 : i32 to vector<16xi32>
    %and3A_1140 = arith.andi %broadcast_in_dim3A_1124, %and3A_1139 : vector<16xi32>
    %gather3A_1141 = tpu.vector_load_idx %arg13[%shift_right_arithmetic3A_1137, %and3A_1140, %add3A_100] : memref<8x8x512xf32, #tpu.memory_space<vmem>>[vector<16xi32>, vector<16xi32>, vector<16xi32>], vector<16xf32>,
    %add3A_1142 = arith.constant 16 : i32
    %add3A_1143 = vector.broadcast %add3A_1142 : i32 to vector<16xi32>
    %add3A_1144 = arith.addi %iota3A, %add3A_1143 : vector<16xi32>
    %add3A_1145 = arith.constant 64 : i32
    %add3A_1146 = vector.broadcast %add3A_1145 : i32 to vector<16xi32>
    %add3A_1147 = arith.addi %broadcast_in_dim3A_1124, %add3A_1146 : vector<16xi32>
    tpu.vector_store_idx %arg16[%add3A_1144, %add3A_1147], %gather3A_1141 : memref<32x128xf32, #tpu.memory_space<vmem>>[vector<16xi32>, vector<16xi32>], vector<16xf32>,
    %broadcast_in_dim3A_1148 = arith.constant 42 : i32
    %broadcast_in_dim3A_1149 = vector.broadcast %broadcast_in_dim3A_1148 : i32 to vector<16xi32>
    %shift_right_arithmetic3A_1150 = arith.constant 3 : i32
    %shift_right_arithmetic3A_1151 = vector.broadcast %shift_right_arithmetic3A_1150 : i32 to vector<16xi32>
    %shift_right_arithmetic3A_1152 = arith.shrsi %broadcast_in_dim3A_1149, %shift_right_arithmetic3A_1151 : vector<16xi32>
    %and3A_1153 = arith.constant 7 : i32
    %and3A_1154 = vector.broadcast %and3A_1153 : i32 to vector<16xi32>
    %and3A_1155 = arith.andi %broadcast_in_dim3A_1149, %and3A_1154 : vector<16xi32>
    %gather3A_1156 = tpu.vector_load_idx %arg12[%shift_right_arithmetic3A_1152, %and3A_1155, %add3A_90] : memref<8x8x512xf32, #tpu.memory_space<vmem>>[vector<16xi32>, vector<16xi32>, vector<16xi32>], vector<16xf32>,
    %add3A_1157 = arith.constant 16 : i32
    %add3A_1158 = vector.broadcast %add3A_1157 : i32 to vector<16xi32>
    %add3A_1159 = arith.addi %iota3A, %add3A_1158 : vector<16xi32>
    tpu.vector_store_idx %arg16[%add3A_1159, %broadcast_in_dim3A_1149], %gather3A_1156 : memref<32x128xf32, #tpu.memory_space<vmem>>[vector<16xi32>, vector<16xi32>], vector<16xf32>,
    %shift_right_arithmetic3A_1160 = arith.constant 3 : i32
    %shift_right_arithmetic3A_1161 = vector.broadcast %shift_right_arithmetic3A_1160 : i32 to vector<16xi32>
    %shift_right_arithmetic3A_1162 = arith.shrsi %broadcast_in_dim3A_1149, %shift_right_arithmetic3A_1161 : vector<16xi32>
    %and3A_1163 = arith.constant 7 : i32
    %and3A_1164 = vector.broadcast %and3A_1163 : i32 to vector<16xi32>
    %and3A_1165 = arith.andi %broadcast_in_dim3A_1149, %and3A_1164 : vector<16xi32>
    %gather3A_1166 = tpu.vector_load_idx %arg13[%shift_right_arithmetic3A_1162, %and3A_1165, %add3A_100] : memref<8x8x512xf32, #tpu.memory_space<vmem>>[vector<16xi32>, vector<16xi32>, vector<16xi32>], vector<16xf32>,
    %add3A_1167 = arith.constant 16 : i32
    %add3A_1168 = vector.broadcast %add3A_1167 : i32 to vector<16xi32>
    %add3A_1169 = arith.addi %iota3A, %add3A_1168 : vector<16xi32>
    %add3A_1170 = arith.constant 64 : i32
    %add3A_1171 = vector.broadcast %add3A_1170 : i32 to vector<16xi32>
    %add3A_1172 = arith.addi %broadcast_in_dim3A_1149, %add3A_1171 : vector<16xi32>
    tpu.vector_store_idx %arg16[%add3A_1169, %add3A_1172], %gather3A_1166 : memref<32x128xf32, #tpu.memory_space<vmem>>[vector<16xi32>, vector<16xi32>], vector<16xf32>,
    %broadcast_in_dim3A_1173 = arith.constant 43 : i32
    %broadcast_in_dim3A_1174 = vector.broadcast %broadcast_in_dim3A_1173 : i32 to vector<16xi32>
    %shift_right_arithmetic3A_1175 = arith.constant 3 : i32
    %shift_right_arithmetic3A_1176 = vector.broadcast %shift_right_arithmetic3A_1175 : i32 to vector<16xi32>
    %shift_right_arithmetic3A_1177 = arith.shrsi %broadcast_in_dim3A_1174, %shift_right_arithmetic3A_1176 : vector<16xi32>
    %and3A_1178 = arith.constant 7 : i32
    %and3A_1179 = vector.broadcast %and3A_1178 : i32 to vector<16xi32>
    %and3A_1180 = arith.andi %broadcast_in_dim3A_1174, %and3A_1179 : vector<16xi32>
    %gather3A_1181 = tpu.vector_load_idx %arg12[%shift_right_arithmetic3A_1177, %and3A_1180, %add3A_90] : memref<8x8x512xf32, #tpu.memory_space<vmem>>[vector<16xi32>, vector<16xi32>, vector<16xi32>], vector<16xf32>,
    %add3A_1182 = arith.constant 16 : i32
    %add3A_1183 = vector.broadcast %add3A_1182 : i32 to vector<16xi32>
    %add3A_1184 = arith.addi %iota3A, %add3A_1183 : vector<16xi32>
    tpu.vector_store_idx %arg16[%add3A_1184, %broadcast_in_dim3A_1174], %gather3A_1181 : memref<32x128xf32, #tpu.memory_space<vmem>>[vector<16xi32>, vector<16xi32>], vector<16xf32>,
    %shift_right_arithmetic3A_1185 = arith.constant 3 : i32
    %shift_right_arithmetic3A_1186 = vector.broadcast %shift_right_arithmetic3A_1185 : i32 to vector<16xi32>
    %shift_right_arithmetic3A_1187 = arith.shrsi %broadcast_in_dim3A_1174, %shift_right_arithmetic3A_1186 : vector<16xi32>
    %and3A_1188 = arith.constant 7 : i32
    %and3A_1189 = vector.broadcast %and3A_1188 : i32 to vector<16xi32>
    %and3A_1190 = arith.andi %broadcast_in_dim3A_1174, %and3A_1189 : vector<16xi32>
    %gather3A_1191 = tpu.vector_load_idx %arg13[%shift_right_arithmetic3A_1187, %and3A_1190, %add3A_100] : memref<8x8x512xf32, #tpu.memory_space<vmem>>[vector<16xi32>, vector<16xi32>, vector<16xi32>], vector<16xf32>,
    %add3A_1192 = arith.constant 16 : i32
    %add3A_1193 = vector.broadcast %add3A_1192 : i32 to vector<16xi32>
    %add3A_1194 = arith.addi %iota3A, %add3A_1193 : vector<16xi32>
    %add3A_1195 = arith.constant 64 : i32
    %add3A_1196 = vector.broadcast %add3A_1195 : i32 to vector<16xi32>
    %add3A_1197 = arith.addi %broadcast_in_dim3A_1174, %add3A_1196 : vector<16xi32>
    tpu.vector_store_idx %arg16[%add3A_1194, %add3A_1197], %gather3A_1191 : memref<32x128xf32, #tpu.memory_space<vmem>>[vector<16xi32>, vector<16xi32>], vector<16xf32>,
    %broadcast_in_dim3A_1198 = arith.constant 44 : i32
    %broadcast_in_dim3A_1199 = vector.broadcast %broadcast_in_dim3A_1198 : i32 to vector<16xi32>
    %shift_right_arithmetic3A_1200 = arith.constant 3 : i32
    %shift_right_arithmetic3A_1201 = vector.broadcast %shift_right_arithmetic3A_1200 : i32 to vector<16xi32>
    %shift_right_arithmetic3A_1202 = arith.shrsi %broadcast_in_dim3A_1199, %shift_right_arithmetic3A_1201 : vector<16xi32>
    %and3A_1203 = arith.constant 7 : i32
    %and3A_1204 = vector.broadcast %and3A_1203 : i32 to vector<16xi32>
    %and3A_1205 = arith.andi %broadcast_in_dim3A_1199, %and3A_1204 : vector<16xi32>
    %gather3A_1206 = tpu.vector_load_idx %arg12[%shift_right_arithmetic3A_1202, %and3A_1205, %add3A_90] : memref<8x8x512xf32, #tpu.memory_space<vmem>>[vector<16xi32>, vector<16xi32>, vector<16xi32>], vector<16xf32>,
    %add3A_1207 = arith.constant 16 : i32
    %add3A_1208 = vector.broadcast %add3A_1207 : i32 to vector<16xi32>
    %add3A_1209 = arith.addi %iota3A, %add3A_1208 : vector<16xi32>
    tpu.vector_store_idx %arg16[%add3A_1209, %broadcast_in_dim3A_1199], %gather3A_1206 : memref<32x128xf32, #tpu.memory_space<vmem>>[vector<16xi32>, vector<16xi32>], vector<16xf32>,
    %shift_right_arithmetic3A_1210 = arith.constant 3 : i32
    %shift_right_arithmetic3A_1211 = vector.broadcast %shift_right_arithmetic3A_1210 : i32 to vector<16xi32>
    %shift_right_arithmetic3A_1212 = arith.shrsi %broadcast_in_dim3A_1199, %shift_right_arithmetic3A_1211 : vector<16xi32>
    %and3A_1213 = arith.constant 7 : i32
    %and3A_1214 = vector.broadcast %and3A_1213 : i32 to vector<16xi32>
    %and3A_1215 = arith.andi %broadcast_in_dim3A_1199, %and3A_1214 : vector<16xi32>
    %gather3A_1216 = tpu.vector_load_idx %arg13[%shift_right_arithmetic3A_1212, %and3A_1215, %add3A_100] : memref<8x8x512xf32, #tpu.memory_space<vmem>>[vector<16xi32>, vector<16xi32>, vector<16xi32>], vector<16xf32>,
    %add3A_1217 = arith.constant 16 : i32
    %add3A_1218 = vector.broadcast %add3A_1217 : i32 to vector<16xi32>
    %add3A_1219 = arith.addi %iota3A, %add3A_1218 : vector<16xi32>
    %add3A_1220 = arith.constant 64 : i32
    %add3A_1221 = vector.broadcast %add3A_1220 : i32 to vector<16xi32>
    %add3A_1222 = arith.addi %broadcast_in_dim3A_1199, %add3A_1221 : vector<16xi32>
    tpu.vector_store_idx %arg16[%add3A_1219, %add3A_1222], %gather3A_1216 : memref<32x128xf32, #tpu.memory_space<vmem>>[vector<16xi32>, vector<16xi32>], vector<16xf32>,
    %broadcast_in_dim3A_1223 = arith.constant 45 : i32
    %broadcast_in_dim3A_1224 = vector.broadcast %broadcast_in_dim3A_1223 : i32 to vector<16xi32>
    %shift_right_arithmetic3A_1225 = arith.constant 3 : i32
    %shift_right_arithmetic3A_1226 = vector.broadcast %shift_right_arithmetic3A_1225 : i32 to vector<16xi32>
    %shift_right_arithmetic3A_1227 = arith.shrsi %broadcast_in_dim3A_1224, %shift_right_arithmetic3A_1226 : vector<16xi32>
    %and3A_1228 = arith.constant 7 : i32
    %and3A_1229 = vector.broadcast %and3A_1228 : i32 to vector<16xi32>
    %and3A_1230 = arith.andi %broadcast_in_dim3A_1224, %and3A_1229 : vector<16xi32>
    %gather3A_1231 = tpu.vector_load_idx %arg12[%shift_right_arithmetic3A_1227, %and3A_1230, %add3A_90] : memref<8x8x512xf32, #tpu.memory_space<vmem>>[vector<16xi32>, vector<16xi32>, vector<16xi32>], vector<16xf32>,
    %add3A_1232 = arith.constant 16 : i32
    %add3A_1233 = vector.broadcast %add3A_1232 : i32 to vector<16xi32>
    %add3A_1234 = arith.addi %iota3A, %add3A_1233 : vector<16xi32>
    tpu.vector_store_idx %arg16[%add3A_1234, %broadcast_in_dim3A_1224], %gather3A_1231 : memref<32x128xf32, #tpu.memory_space<vmem>>[vector<16xi32>, vector<16xi32>], vector<16xf32>,
    %shift_right_arithmetic3A_1235 = arith.constant 3 : i32
    %shift_right_arithmetic3A_1236 = vector.broadcast %shift_right_arithmetic3A_1235 : i32 to vector<16xi32>
    %shift_right_arithmetic3A_1237 = arith.shrsi %broadcast_in_dim3A_1224, %shift_right_arithmetic3A_1236 : vector<16xi32>
    %and3A_1238 = arith.constant 7 : i32
    %and3A_1239 = vector.broadcast %and3A_1238 : i32 to vector<16xi32>
    %and3A_1240 = arith.andi %broadcast_in_dim3A_1224, %and3A_1239 : vector<16xi32>
    %gather3A_1241 = tpu.vector_load_idx %arg13[%shift_right_arithmetic3A_1237, %and3A_1240, %add3A_100] : memref<8x8x512xf32, #tpu.memory_space<vmem>>[vector<16xi32>, vector<16xi32>, vector<16xi32>], vector<16xf32>,
    %add3A_1242 = arith.constant 16 : i32
    %add3A_1243 = vector.broadcast %add3A_1242 : i32 to vector<16xi32>
    %add3A_1244 = arith.addi %iota3A, %add3A_1243 : vector<16xi32>
    %add3A_1245 = arith.constant 64 : i32
    %add3A_1246 = vector.broadcast %add3A_1245 : i32 to vector<16xi32>
    %add3A_1247 = arith.addi %broadcast_in_dim3A_1224, %add3A_1246 : vector<16xi32>
    tpu.vector_store_idx %arg16[%add3A_1244, %add3A_1247], %gather3A_1241 : memref<32x128xf32, #tpu.memory_space<vmem>>[vector<16xi32>, vector<16xi32>], vector<16xf32>,
    %broadcast_in_dim3A_1248 = arith.constant 46 : i32
    %broadcast_in_dim3A_1249 = vector.broadcast %broadcast_in_dim3A_1248 : i32 to vector<16xi32>
    %shift_right_arithmetic3A_1250 = arith.constant 3 : i32
    %shift_right_arithmetic3A_1251 = vector.broadcast %shift_right_arithmetic3A_1250 : i32 to vector<16xi32>
    %shift_right_arithmetic3A_1252 = arith.shrsi %broadcast_in_dim3A_1249, %shift_right_arithmetic3A_1251 : vector<16xi32>
    %and3A_1253 = arith.constant 7 : i32
    %and3A_1254 = vector.broadcast %and3A_1253 : i32 to vector<16xi32>
    %and3A_1255 = arith.andi %broadcast_in_dim3A_1249, %and3A_1254 : vector<16xi32>
    %gather3A_1256 = tpu.vector_load_idx %arg12[%shift_right_arithmetic3A_1252, %and3A_1255, %add3A_90] : memref<8x8x512xf32, #tpu.memory_space<vmem>>[vector<16xi32>, vector<16xi32>, vector<16xi32>], vector<16xf32>,
    %add3A_1257 = arith.constant 16 : i32
    %add3A_1258 = vector.broadcast %add3A_1257 : i32 to vector<16xi32>
    %add3A_1259 = arith.addi %iota3A, %add3A_1258 : vector<16xi32>
    tpu.vector_store_idx %arg16[%add3A_1259, %broadcast_in_dim3A_1249], %gather3A_1256 : memref<32x128xf32, #tpu.memory_space<vmem>>[vector<16xi32>, vector<16xi32>], vector<16xf32>,
    %shift_right_arithmetic3A_1260 = arith.constant 3 : i32
    %shift_right_arithmetic3A_1261 = vector.broadcast %shift_right_arithmetic3A_1260 : i32 to vector<16xi32>
    %shift_right_arithmetic3A_1262 = arith.shrsi %broadcast_in_dim3A_1249, %shift_right_arithmetic3A_1261 : vector<16xi32>
    %and3A_1263 = arith.constant 7 : i32
    %and3A_1264 = vector.broadcast %and3A_1263 : i32 to vector<16xi32>
    %and3A_1265 = arith.andi %broadcast_in_dim3A_1249, %and3A_1264 : vector<16xi32>
    %gather3A_1266 = tpu.vector_load_idx %arg13[%shift_right_arithmetic3A_1262, %and3A_1265, %add3A_100] : memref<8x8x512xf32, #tpu.memory_space<vmem>>[vector<16xi32>, vector<16xi32>, vector<16xi32>], vector<16xf32>,
    %add3A_1267 = arith.constant 16 : i32
    %add3A_1268 = vector.broadcast %add3A_1267 : i32 to vector<16xi32>
    %add3A_1269 = arith.addi %iota3A, %add3A_1268 : vector<16xi32>
    %add3A_1270 = arith.constant 64 : i32
    %add3A_1271 = vector.broadcast %add3A_1270 : i32 to vector<16xi32>
    %add3A_1272 = arith.addi %broadcast_in_dim3A_1249, %add3A_1271 : vector<16xi32>
    tpu.vector_store_idx %arg16[%add3A_1269, %add3A_1272], %gather3A_1266 : memref<32x128xf32, #tpu.memory_space<vmem>>[vector<16xi32>, vector<16xi32>], vector<16xf32>,
    %broadcast_in_dim3A_1273 = arith.constant 47 : i32
    %broadcast_in_dim3A_1274 = vector.broadcast %broadcast_in_dim3A_1273 : i32 to vector<16xi32>
    %shift_right_arithmetic3A_1275 = arith.constant 3 : i32
    %shift_right_arithmetic3A_1276 = vector.broadcast %shift_right_arithmetic3A_1275 : i32 to vector<16xi32>
    %shift_right_arithmetic3A_1277 = arith.shrsi %broadcast_in_dim3A_1274, %shift_right_arithmetic3A_1276 : vector<16xi32>
    %and3A_1278 = arith.constant 7 : i32
    %and3A_1279 = vector.broadcast %and3A_1278 : i32 to vector<16xi32>
    %and3A_1280 = arith.andi %broadcast_in_dim3A_1274, %and3A_1279 : vector<16xi32>
    %gather3A_1281 = tpu.vector_load_idx %arg12[%shift_right_arithmetic3A_1277, %and3A_1280, %add3A_90] : memref<8x8x512xf32, #tpu.memory_space<vmem>>[vector<16xi32>, vector<16xi32>, vector<16xi32>], vector<16xf32>,
    %add3A_1282 = arith.constant 16 : i32
    %add3A_1283 = vector.broadcast %add3A_1282 : i32 to vector<16xi32>
    %add3A_1284 = arith.addi %iota3A, %add3A_1283 : vector<16xi32>
    tpu.vector_store_idx %arg16[%add3A_1284, %broadcast_in_dim3A_1274], %gather3A_1281 : memref<32x128xf32, #tpu.memory_space<vmem>>[vector<16xi32>, vector<16xi32>], vector<16xf32>,
    %shift_right_arithmetic3A_1285 = arith.constant 3 : i32
    %shift_right_arithmetic3A_1286 = vector.broadcast %shift_right_arithmetic3A_1285 : i32 to vector<16xi32>
    %shift_right_arithmetic3A_1287 = arith.shrsi %broadcast_in_dim3A_1274, %shift_right_arithmetic3A_1286 : vector<16xi32>
    %and3A_1288 = arith.constant 7 : i32
    %and3A_1289 = vector.broadcast %and3A_1288 : i32 to vector<16xi32>
    %and3A_1290 = arith.andi %broadcast_in_dim3A_1274, %and3A_1289 : vector<16xi32>
    %gather3A_1291 = tpu.vector_load_idx %arg13[%shift_right_arithmetic3A_1287, %and3A_1290, %add3A_100] : memref<8x8x512xf32, #tpu.memory_space<vmem>>[vector<16xi32>, vector<16xi32>, vector<16xi32>], vector<16xf32>,
    %add3A_1292 = arith.constant 16 : i32
    %add3A_1293 = vector.broadcast %add3A_1292 : i32 to vector<16xi32>
    %add3A_1294 = arith.addi %iota3A, %add3A_1293 : vector<16xi32>
    %add3A_1295 = arith.constant 64 : i32
    %add3A_1296 = vector.broadcast %add3A_1295 : i32 to vector<16xi32>
    %add3A_1297 = arith.addi %broadcast_in_dim3A_1274, %add3A_1296 : vector<16xi32>
    tpu.vector_store_idx %arg16[%add3A_1294, %add3A_1297], %gather3A_1291 : memref<32x128xf32, #tpu.memory_space<vmem>>[vector<16xi32>, vector<16xi32>], vector<16xf32>,
    %broadcast_in_dim3A_1298 = arith.constant 48 : i32
    %broadcast_in_dim3A_1299 = vector.broadcast %broadcast_in_dim3A_1298 : i32 to vector<16xi32>
    %shift_right_arithmetic3A_1300 = arith.constant 3 : i32
    %shift_right_arithmetic3A_1301 = vector.broadcast %shift_right_arithmetic3A_1300 : i32 to vector<16xi32>
    %shift_right_arithmetic3A_1302 = arith.shrsi %broadcast_in_dim3A_1299, %shift_right_arithmetic3A_1301 : vector<16xi32>
    %and3A_1303 = arith.constant 7 : i32
    %and3A_1304 = vector.broadcast %and3A_1303 : i32 to vector<16xi32>
    %and3A_1305 = arith.andi %broadcast_in_dim3A_1299, %and3A_1304 : vector<16xi32>
    %gather3A_1306 = tpu.vector_load_idx %arg12[%shift_right_arithmetic3A_1302, %and3A_1305, %add3A_90] : memref<8x8x512xf32, #tpu.memory_space<vmem>>[vector<16xi32>, vector<16xi32>, vector<16xi32>], vector<16xf32>,
    %add3A_1307 = arith.constant 16 : i32
    %add3A_1308 = vector.broadcast %add3A_1307 : i32 to vector<16xi32>
    %add3A_1309 = arith.addi %iota3A, %add3A_1308 : vector<16xi32>
    tpu.vector_store_idx %arg16[%add3A_1309, %broadcast_in_dim3A_1299], %gather3A_1306 : memref<32x128xf32, #tpu.memory_space<vmem>>[vector<16xi32>, vector<16xi32>], vector<16xf32>,
    %shift_right_arithmetic3A_1310 = arith.constant 3 : i32
    %shift_right_arithmetic3A_1311 = vector.broadcast %shift_right_arithmetic3A_1310 : i32 to vector<16xi32>
    %shift_right_arithmetic3A_1312 = arith.shrsi %broadcast_in_dim3A_1299, %shift_right_arithmetic3A_1311 : vector<16xi32>
    %and3A_1313 = arith.constant 7 : i32
    %and3A_1314 = vector.broadcast %and3A_1313 : i32 to vector<16xi32>
    %and3A_1315 = arith.andi %broadcast_in_dim3A_1299, %and3A_1314 : vector<16xi32>
    %gather3A_1316 = tpu.vector_load_idx %arg13[%shift_right_arithmetic3A_1312, %and3A_1315, %add3A_100] : memref<8x8x512xf32, #tpu.memory_space<vmem>>[vector<16xi32>, vector<16xi32>, vector<16xi32>], vector<16xf32>,
    %add3A_1317 = arith.constant 16 : i32
    %add3A_1318 = vector.broadcast %add3A_1317 : i32 to vector<16xi32>
    %add3A_1319 = arith.addi %iota3A, %add3A_1318 : vector<16xi32>
    %add3A_1320 = arith.constant 64 : i32
    %add3A_1321 = vector.broadcast %add3A_1320 : i32 to vector<16xi32>
    %add3A_1322 = arith.addi %broadcast_in_dim3A_1299, %add3A_1321 : vector<16xi32>
    tpu.vector_store_idx %arg16[%add3A_1319, %add3A_1322], %gather3A_1316 : memref<32x128xf32, #tpu.memory_space<vmem>>[vector<16xi32>, vector<16xi32>], vector<16xf32>,
    %broadcast_in_dim3A_1323 = arith.constant 49 : i32
    %broadcast_in_dim3A_1324 = vector.broadcast %broadcast_in_dim3A_1323 : i32 to vector<16xi32>
    %shift_right_arithmetic3A_1325 = arith.constant 3 : i32
    %shift_right_arithmetic3A_1326 = vector.broadcast %shift_right_arithmetic3A_1325 : i32 to vector<16xi32>
    %shift_right_arithmetic3A_1327 = arith.shrsi %broadcast_in_dim3A_1324, %shift_right_arithmetic3A_1326 : vector<16xi32>
    %and3A_1328 = arith.constant 7 : i32
    %and3A_1329 = vector.broadcast %and3A_1328 : i32 to vector<16xi32>
    %and3A_1330 = arith.andi %broadcast_in_dim3A_1324, %and3A_1329 : vector<16xi32>
    %gather3A_1331 = tpu.vector_load_idx %arg12[%shift_right_arithmetic3A_1327, %and3A_1330, %add3A_90] : memref<8x8x512xf32, #tpu.memory_space<vmem>>[vector<16xi32>, vector<16xi32>, vector<16xi32>], vector<16xf32>,
    %add3A_1332 = arith.constant 16 : i32
    %add3A_1333 = vector.broadcast %add3A_1332 : i32 to vector<16xi32>
    %add3A_1334 = arith.addi %iota3A, %add3A_1333 : vector<16xi32>
    tpu.vector_store_idx %arg16[%add3A_1334, %broadcast_in_dim3A_1324], %gather3A_1331 : memref<32x128xf32, #tpu.memory_space<vmem>>[vector<16xi32>, vector<16xi32>], vector<16xf32>,
    %shift_right_arithmetic3A_1335 = arith.constant 3 : i32
    %shift_right_arithmetic3A_1336 = vector.broadcast %shift_right_arithmetic3A_1335 : i32 to vector<16xi32>
    %shift_right_arithmetic3A_1337 = arith.shrsi %broadcast_in_dim3A_1324, %shift_right_arithmetic3A_1336 : vector<16xi32>
    %and3A_1338 = arith.constant 7 : i32
    %and3A_1339 = vector.broadcast %and3A_1338 : i32 to vector<16xi32>
    %and3A_1340 = arith.andi %broadcast_in_dim3A_1324, %and3A_1339 : vector<16xi32>
    %gather3A_1341 = tpu.vector_load_idx %arg13[%shift_right_arithmetic3A_1337, %and3A_1340, %add3A_100] : memref<8x8x512xf32, #tpu.memory_space<vmem>>[vector<16xi32>, vector<16xi32>, vector<16xi32>], vector<16xf32>,
    %add3A_1342 = arith.constant 16 : i32
    %add3A_1343 = vector.broadcast %add3A_1342 : i32 to vector<16xi32>
    %add3A_1344 = arith.addi %iota3A, %add3A_1343 : vector<16xi32>
    %add3A_1345 = arith.constant 64 : i32
    %add3A_1346 = vector.broadcast %add3A_1345 : i32 to vector<16xi32>
    %add3A_1347 = arith.addi %broadcast_in_dim3A_1324, %add3A_1346 : vector<16xi32>
    tpu.vector_store_idx %arg16[%add3A_1344, %add3A_1347], %gather3A_1341 : memref<32x128xf32, #tpu.memory_space<vmem>>[vector<16xi32>, vector<16xi32>], vector<16xf32>,
    %broadcast_in_dim3A_1348 = arith.constant 50 : i32
    %broadcast_in_dim3A_1349 = vector.broadcast %broadcast_in_dim3A_1348 : i32 to vector<16xi32>
    %shift_right_arithmetic3A_1350 = arith.constant 3 : i32
    %shift_right_arithmetic3A_1351 = vector.broadcast %shift_right_arithmetic3A_1350 : i32 to vector<16xi32>
    %shift_right_arithmetic3A_1352 = arith.shrsi %broadcast_in_dim3A_1349, %shift_right_arithmetic3A_1351 : vector<16xi32>
    %and3A_1353 = arith.constant 7 : i32
    %and3A_1354 = vector.broadcast %and3A_1353 : i32 to vector<16xi32>
    %and3A_1355 = arith.andi %broadcast_in_dim3A_1349, %and3A_1354 : vector<16xi32>
    %gather3A_1356 = tpu.vector_load_idx %arg12[%shift_right_arithmetic3A_1352, %and3A_1355, %add3A_90] : memref<8x8x512xf32, #tpu.memory_space<vmem>>[vector<16xi32>, vector<16xi32>, vector<16xi32>], vector<16xf32>,
    %add3A_1357 = arith.constant 16 : i32
    %add3A_1358 = vector.broadcast %add3A_1357 : i32 to vector<16xi32>
    %add3A_1359 = arith.addi %iota3A, %add3A_1358 : vector<16xi32>
    tpu.vector_store_idx %arg16[%add3A_1359, %broadcast_in_dim3A_1349], %gather3A_1356 : memref<32x128xf32, #tpu.memory_space<vmem>>[vector<16xi32>, vector<16xi32>], vector<16xf32>,
    %shift_right_arithmetic3A_1360 = arith.constant 3 : i32
    %shift_right_arithmetic3A_1361 = vector.broadcast %shift_right_arithmetic3A_1360 : i32 to vector<16xi32>
    %shift_right_arithmetic3A_1362 = arith.shrsi %broadcast_in_dim3A_1349, %shift_right_arithmetic3A_1361 : vector<16xi32>
    %and3A_1363 = arith.constant 7 : i32
    %and3A_1364 = vector.broadcast %and3A_1363 : i32 to vector<16xi32>
    %and3A_1365 = arith.andi %broadcast_in_dim3A_1349, %and3A_1364 : vector<16xi32>
    %gather3A_1366 = tpu.vector_load_idx %arg13[%shift_right_arithmetic3A_1362, %and3A_1365, %add3A_100] : memref<8x8x512xf32, #tpu.memory_space<vmem>>[vector<16xi32>, vector<16xi32>, vector<16xi32>], vector<16xf32>,
    %add3A_1367 = arith.constant 16 : i32
    %add3A_1368 = vector.broadcast %add3A_1367 : i32 to vector<16xi32>
    %add3A_1369 = arith.addi %iota3A, %add3A_1368 : vector<16xi32>
    %add3A_1370 = arith.constant 64 : i32
    %add3A_1371 = vector.broadcast %add3A_1370 : i32 to vector<16xi32>
    %add3A_1372 = arith.addi %broadcast_in_dim3A_1349, %add3A_1371 : vector<16xi32>
    tpu.vector_store_idx %arg16[%add3A_1369, %add3A_1372], %gather3A_1366 : memref<32x128xf32, #tpu.memory_space<vmem>>[vector<16xi32>, vector<16xi32>], vector<16xf32>,
    %broadcast_in_dim3A_1373 = arith.constant 51 : i32
    %broadcast_in_dim3A_1374 = vector.broadcast %broadcast_in_dim3A_1373 : i32 to vector<16xi32>
    %shift_right_arithmetic3A_1375 = arith.constant 3 : i32
    %shift_right_arithmetic3A_1376 = vector.broadcast %shift_right_arithmetic3A_1375 : i32 to vector<16xi32>
    %shift_right_arithmetic3A_1377 = arith.shrsi %broadcast_in_dim3A_1374, %shift_right_arithmetic3A_1376 : vector<16xi32>
    %and3A_1378 = arith.constant 7 : i32
    %and3A_1379 = vector.broadcast %and3A_1378 : i32 to vector<16xi32>
    %and3A_1380 = arith.andi %broadcast_in_dim3A_1374, %and3A_1379 : vector<16xi32>
    %gather3A_1381 = tpu.vector_load_idx %arg12[%shift_right_arithmetic3A_1377, %and3A_1380, %add3A_90] : memref<8x8x512xf32, #tpu.memory_space<vmem>>[vector<16xi32>, vector<16xi32>, vector<16xi32>], vector<16xf32>,
    %add3A_1382 = arith.constant 16 : i32
    %add3A_1383 = vector.broadcast %add3A_1382 : i32 to vector<16xi32>
    %add3A_1384 = arith.addi %iota3A, %add3A_1383 : vector<16xi32>
    tpu.vector_store_idx %arg16[%add3A_1384, %broadcast_in_dim3A_1374], %gather3A_1381 : memref<32x128xf32, #tpu.memory_space<vmem>>[vector<16xi32>, vector<16xi32>], vector<16xf32>,
    %shift_right_arithmetic3A_1385 = arith.constant 3 : i32
    %shift_right_arithmetic3A_1386 = vector.broadcast %shift_right_arithmetic3A_1385 : i32 to vector<16xi32>
    %shift_right_arithmetic3A_1387 = arith.shrsi %broadcast_in_dim3A_1374, %shift_right_arithmetic3A_1386 : vector<16xi32>
    %and3A_1388 = arith.constant 7 : i32
    %and3A_1389 = vector.broadcast %and3A_1388 : i32 to vector<16xi32>
    %and3A_1390 = arith.andi %broadcast_in_dim3A_1374, %and3A_1389 : vector<16xi32>
    %gather3A_1391 = tpu.vector_load_idx %arg13[%shift_right_arithmetic3A_1387, %and3A_1390, %add3A_100] : memref<8x8x512xf32, #tpu.memory_space<vmem>>[vector<16xi32>, vector<16xi32>, vector<16xi32>], vector<16xf32>,
    %add3A_1392 = arith.constant 16 : i32
    %add3A_1393 = vector.broadcast %add3A_1392 : i32 to vector<16xi32>
    %add3A_1394 = arith.addi %iota3A, %add3A_1393 : vector<16xi32>
    %add3A_1395 = arith.constant 64 : i32
    %add3A_1396 = vector.broadcast %add3A_1395 : i32 to vector<16xi32>
    %add3A_1397 = arith.addi %broadcast_in_dim3A_1374, %add3A_1396 : vector<16xi32>
    tpu.vector_store_idx %arg16[%add3A_1394, %add3A_1397], %gather3A_1391 : memref<32x128xf32, #tpu.memory_space<vmem>>[vector<16xi32>, vector<16xi32>], vector<16xf32>,
    %broadcast_in_dim3A_1398 = arith.constant 52 : i32
    %broadcast_in_dim3A_1399 = vector.broadcast %broadcast_in_dim3A_1398 : i32 to vector<16xi32>
    %shift_right_arithmetic3A_1400 = arith.constant 3 : i32
    %shift_right_arithmetic3A_1401 = vector.broadcast %shift_right_arithmetic3A_1400 : i32 to vector<16xi32>
    %shift_right_arithmetic3A_1402 = arith.shrsi %broadcast_in_dim3A_1399, %shift_right_arithmetic3A_1401 : vector<16xi32>
    %and3A_1403 = arith.constant 7 : i32
    %and3A_1404 = vector.broadcast %and3A_1403 : i32 to vector<16xi32>
    %and3A_1405 = arith.andi %broadcast_in_dim3A_1399, %and3A_1404 : vector<16xi32>
    %gather3A_1406 = tpu.vector_load_idx %arg12[%shift_right_arithmetic3A_1402, %and3A_1405, %add3A_90] : memref<8x8x512xf32, #tpu.memory_space<vmem>>[vector<16xi32>, vector<16xi32>, vector<16xi32>], vector<16xf32>,
    %add3A_1407 = arith.constant 16 : i32
    %add3A_1408 = vector.broadcast %add3A_1407 : i32 to vector<16xi32>
    %add3A_1409 = arith.addi %iota3A, %add3A_1408 : vector<16xi32>
    tpu.vector_store_idx %arg16[%add3A_1409, %broadcast_in_dim3A_1399], %gather3A_1406 : memref<32x128xf32, #tpu.memory_space<vmem>>[vector<16xi32>, vector<16xi32>], vector<16xf32>,
    %shift_right_arithmetic3A_1410 = arith.constant 3 : i32
    %shift_right_arithmetic3A_1411 = vector.broadcast %shift_right_arithmetic3A_1410 : i32 to vector<16xi32>
    %shift_right_arithmetic3A_1412 = arith.shrsi %broadcast_in_dim3A_1399, %shift_right_arithmetic3A_1411 : vector<16xi32>
    %and3A_1413 = arith.constant 7 : i32
    %and3A_1414 = vector.broadcast %and3A_1413 : i32 to vector<16xi32>
    %and3A_1415 = arith.andi %broadcast_in_dim3A_1399, %and3A_1414 : vector<16xi32>
    %gather3A_1416 = tpu.vector_load_idx %arg13[%shift_right_arithmetic3A_1412, %and3A_1415, %add3A_100] : memref<8x8x512xf32, #tpu.memory_space<vmem>>[vector<16xi32>, vector<16xi32>, vector<16xi32>], vector<16xf32>,
    %add3A_1417 = arith.constant 16 : i32
    %add3A_1418 = vector.broadcast %add3A_1417 : i32 to vector<16xi32>
    %add3A_1419 = arith.addi %iota3A, %add3A_1418 : vector<16xi32>
    %add3A_1420 = arith.constant 64 : i32
    %add3A_1421 = vector.broadcast %add3A_1420 : i32 to vector<16xi32>
    %add3A_1422 = arith.addi %broadcast_in_dim3A_1399, %add3A_1421 : vector<16xi32>
    tpu.vector_store_idx %arg16[%add3A_1419, %add3A_1422], %gather3A_1416 : memref<32x128xf32, #tpu.memory_space<vmem>>[vector<16xi32>, vector<16xi32>], vector<16xf32>,
    %broadcast_in_dim3A_1423 = arith.constant 53 : i32
    %broadcast_in_dim3A_1424 = vector.broadcast %broadcast_in_dim3A_1423 : i32 to vector<16xi32>
    %shift_right_arithmetic3A_1425 = arith.constant 3 : i32
    %shift_right_arithmetic3A_1426 = vector.broadcast %shift_right_arithmetic3A_1425 : i32 to vector<16xi32>
    %shift_right_arithmetic3A_1427 = arith.shrsi %broadcast_in_dim3A_1424, %shift_right_arithmetic3A_1426 : vector<16xi32>
    %and3A_1428 = arith.constant 7 : i32
    %and3A_1429 = vector.broadcast %and3A_1428 : i32 to vector<16xi32>
    %and3A_1430 = arith.andi %broadcast_in_dim3A_1424, %and3A_1429 : vector<16xi32>
    %gather3A_1431 = tpu.vector_load_idx %arg12[%shift_right_arithmetic3A_1427, %and3A_1430, %add3A_90] : memref<8x8x512xf32, #tpu.memory_space<vmem>>[vector<16xi32>, vector<16xi32>, vector<16xi32>], vector<16xf32>,
    %add3A_1432 = arith.constant 16 : i32
    %add3A_1433 = vector.broadcast %add3A_1432 : i32 to vector<16xi32>
    %add3A_1434 = arith.addi %iota3A, %add3A_1433 : vector<16xi32>
    tpu.vector_store_idx %arg16[%add3A_1434, %broadcast_in_dim3A_1424], %gather3A_1431 : memref<32x128xf32, #tpu.memory_space<vmem>>[vector<16xi32>, vector<16xi32>], vector<16xf32>,
    %shift_right_arithmetic3A_1435 = arith.constant 3 : i32
    %shift_right_arithmetic3A_1436 = vector.broadcast %shift_right_arithmetic3A_1435 : i32 to vector<16xi32>
    %shift_right_arithmetic3A_1437 = arith.shrsi %broadcast_in_dim3A_1424, %shift_right_arithmetic3A_1436 : vector<16xi32>
    %and3A_1438 = arith.constant 7 : i32
    %and3A_1439 = vector.broadcast %and3A_1438 : i32 to vector<16xi32>
    %and3A_1440 = arith.andi %broadcast_in_dim3A_1424, %and3A_1439 : vector<16xi32>
    %gather3A_1441 = tpu.vector_load_idx %arg13[%shift_right_arithmetic3A_1437, %and3A_1440, %add3A_100] : memref<8x8x512xf32, #tpu.memory_space<vmem>>[vector<16xi32>, vector<16xi32>, vector<16xi32>], vector<16xf32>,
    %add3A_1442 = arith.constant 16 : i32
    %add3A_1443 = vector.broadcast %add3A_1442 : i32 to vector<16xi32>
    %add3A_1444 = arith.addi %iota3A, %add3A_1443 : vector<16xi32>
    %add3A_1445 = arith.constant 64 : i32
    %add3A_1446 = vector.broadcast %add3A_1445 : i32 to vector<16xi32>
    %add3A_1447 = arith.addi %broadcast_in_dim3A_1424, %add3A_1446 : vector<16xi32>
    tpu.vector_store_idx %arg16[%add3A_1444, %add3A_1447], %gather3A_1441 : memref<32x128xf32, #tpu.memory_space<vmem>>[vector<16xi32>, vector<16xi32>], vector<16xf32>,
    %broadcast_in_dim3A_1448 = arith.constant 54 : i32
    %broadcast_in_dim3A_1449 = vector.broadcast %broadcast_in_dim3A_1448 : i32 to vector<16xi32>
    %shift_right_arithmetic3A_1450 = arith.constant 3 : i32
    %shift_right_arithmetic3A_1451 = vector.broadcast %shift_right_arithmetic3A_1450 : i32 to vector<16xi32>
    %shift_right_arithmetic3A_1452 = arith.shrsi %broadcast_in_dim3A_1449, %shift_right_arithmetic3A_1451 : vector<16xi32>
    %and3A_1453 = arith.constant 7 : i32
    %and3A_1454 = vector.broadcast %and3A_1453 : i32 to vector<16xi32>
    %and3A_1455 = arith.andi %broadcast_in_dim3A_1449, %and3A_1454 : vector<16xi32>
    %gather3A_1456 = tpu.vector_load_idx %arg12[%shift_right_arithmetic3A_1452, %and3A_1455, %add3A_90] : memref<8x8x512xf32, #tpu.memory_space<vmem>>[vector<16xi32>, vector<16xi32>, vector<16xi32>], vector<16xf32>,
    %add3A_1457 = arith.constant 16 : i32
    %add3A_1458 = vector.broadcast %add3A_1457 : i32 to vector<16xi32>
    %add3A_1459 = arith.addi %iota3A, %add3A_1458 : vector<16xi32>
    tpu.vector_store_idx %arg16[%add3A_1459, %broadcast_in_dim3A_1449], %gather3A_1456 : memref<32x128xf32, #tpu.memory_space<vmem>>[vector<16xi32>, vector<16xi32>], vector<16xf32>,
    %shift_right_arithmetic3A_1460 = arith.constant 3 : i32
    %shift_right_arithmetic3A_1461 = vector.broadcast %shift_right_arithmetic3A_1460 : i32 to vector<16xi32>
    %shift_right_arithmetic3A_1462 = arith.shrsi %broadcast_in_dim3A_1449, %shift_right_arithmetic3A_1461 : vector<16xi32>
    %and3A_1463 = arith.constant 7 : i32
    %and3A_1464 = vector.broadcast %and3A_1463 : i32 to vector<16xi32>
    %and3A_1465 = arith.andi %broadcast_in_dim3A_1449, %and3A_1464 : vector<16xi32>
    %gather3A_1466 = tpu.vector_load_idx %arg13[%shift_right_arithmetic3A_1462, %and3A_1465, %add3A_100] : memref<8x8x512xf32, #tpu.memory_space<vmem>>[vector<16xi32>, vector<16xi32>, vector<16xi32>], vector<16xf32>,
    %add3A_1467 = arith.constant 16 : i32
    %add3A_1468 = vector.broadcast %add3A_1467 : i32 to vector<16xi32>
    %add3A_1469 = arith.addi %iota3A, %add3A_1468 : vector<16xi32>
    %add3A_1470 = arith.constant 64 : i32
    %add3A_1471 = vector.broadcast %add3A_1470 : i32 to vector<16xi32>
    %add3A_1472 = arith.addi %broadcast_in_dim3A_1449, %add3A_1471 : vector<16xi32>
    tpu.vector_store_idx %arg16[%add3A_1469, %add3A_1472], %gather3A_1466 : memref<32x128xf32, #tpu.memory_space<vmem>>[vector<16xi32>, vector<16xi32>], vector<16xf32>,
    %broadcast_in_dim3A_1473 = arith.constant 55 : i32
    %broadcast_in_dim3A_1474 = vector.broadcast %broadcast_in_dim3A_1473 : i32 to vector<16xi32>
    %shift_right_arithmetic3A_1475 = arith.constant 3 : i32
    %shift_right_arithmetic3A_1476 = vector.broadcast %shift_right_arithmetic3A_1475 : i32 to vector<16xi32>
    %shift_right_arithmetic3A_1477 = arith.shrsi %broadcast_in_dim3A_1474, %shift_right_arithmetic3A_1476 : vector<16xi32>
    %and3A_1478 = arith.constant 7 : i32
    %and3A_1479 = vector.broadcast %and3A_1478 : i32 to vector<16xi32>
    %and3A_1480 = arith.andi %broadcast_in_dim3A_1474, %and3A_1479 : vector<16xi32>
    %gather3A_1481 = tpu.vector_load_idx %arg12[%shift_right_arithmetic3A_1477, %and3A_1480, %add3A_90] : memref<8x8x512xf32, #tpu.memory_space<vmem>>[vector<16xi32>, vector<16xi32>, vector<16xi32>], vector<16xf32>,
    %add3A_1482 = arith.constant 16 : i32
    %add3A_1483 = vector.broadcast %add3A_1482 : i32 to vector<16xi32>
    %add3A_1484 = arith.addi %iota3A, %add3A_1483 : vector<16xi32>
    tpu.vector_store_idx %arg16[%add3A_1484, %broadcast_in_dim3A_1474], %gather3A_1481 : memref<32x128xf32, #tpu.memory_space<vmem>>[vector<16xi32>, vector<16xi32>], vector<16xf32>,
    %shift_right_arithmetic3A_1485 = arith.constant 3 : i32
    %shift_right_arithmetic3A_1486 = vector.broadcast %shift_right_arithmetic3A_1485 : i32 to vector<16xi32>
    %shift_right_arithmetic3A_1487 = arith.shrsi %broadcast_in_dim3A_1474, %shift_right_arithmetic3A_1486 : vector<16xi32>
    %and3A_1488 = arith.constant 7 : i32
    %and3A_1489 = vector.broadcast %and3A_1488 : i32 to vector<16xi32>
    %and3A_1490 = arith.andi %broadcast_in_dim3A_1474, %and3A_1489 : vector<16xi32>
    %gather3A_1491 = tpu.vector_load_idx %arg13[%shift_right_arithmetic3A_1487, %and3A_1490, %add3A_100] : memref<8x8x512xf32, #tpu.memory_space<vmem>>[vector<16xi32>, vector<16xi32>, vector<16xi32>], vector<16xf32>,
    %add3A_1492 = arith.constant 16 : i32
    %add3A_1493 = vector.broadcast %add3A_1492 : i32 to vector<16xi32>
    %add3A_1494 = arith.addi %iota3A, %add3A_1493 : vector<16xi32>
    %add3A_1495 = arith.constant 64 : i32
    %add3A_1496 = vector.broadcast %add3A_1495 : i32 to vector<16xi32>
    %add3A_1497 = arith.addi %broadcast_in_dim3A_1474, %add3A_1496 : vector<16xi32>
    tpu.vector_store_idx %arg16[%add3A_1494, %add3A_1497], %gather3A_1491 : memref<32x128xf32, #tpu.memory_space<vmem>>[vector<16xi32>, vector<16xi32>], vector<16xf32>,
    %broadcast_in_dim3A_1498 = arith.constant 56 : i32
    %broadcast_in_dim3A_1499 = vector.broadcast %broadcast_in_dim3A_1498 : i32 to vector<16xi32>
    %shift_right_arithmetic3A_1500 = arith.constant 3 : i32
    %shift_right_arithmetic3A_1501 = vector.broadcast %shift_right_arithmetic3A_1500 : i32 to vector<16xi32>
    %shift_right_arithmetic3A_1502 = arith.shrsi %broadcast_in_dim3A_1499, %shift_right_arithmetic3A_1501 : vector<16xi32>
    %and3A_1503 = arith.constant 7 : i32
    %and3A_1504 = vector.broadcast %and3A_1503 : i32 to vector<16xi32>
    %and3A_1505 = arith.andi %broadcast_in_dim3A_1499, %and3A_1504 : vector<16xi32>
    %gather3A_1506 = tpu.vector_load_idx %arg12[%shift_right_arithmetic3A_1502, %and3A_1505, %add3A_90] : memref<8x8x512xf32, #tpu.memory_space<vmem>>[vector<16xi32>, vector<16xi32>, vector<16xi32>], vector<16xf32>,
    %add3A_1507 = arith.constant 16 : i32
    %add3A_1508 = vector.broadcast %add3A_1507 : i32 to vector<16xi32>
    %add3A_1509 = arith.addi %iota3A, %add3A_1508 : vector<16xi32>
    tpu.vector_store_idx %arg16[%add3A_1509, %broadcast_in_dim3A_1499], %gather3A_1506 : memref<32x128xf32, #tpu.memory_space<vmem>>[vector<16xi32>, vector<16xi32>], vector<16xf32>,
    %shift_right_arithmetic3A_1510 = arith.constant 3 : i32
    %shift_right_arithmetic3A_1511 = vector.broadcast %shift_right_arithmetic3A_1510 : i32 to vector<16xi32>
    %shift_right_arithmetic3A_1512 = arith.shrsi %broadcast_in_dim3A_1499, %shift_right_arithmetic3A_1511 : vector<16xi32>
    %and3A_1513 = arith.constant 7 : i32
    %and3A_1514 = vector.broadcast %and3A_1513 : i32 to vector<16xi32>
    %and3A_1515 = arith.andi %broadcast_in_dim3A_1499, %and3A_1514 : vector<16xi32>
    %gather3A_1516 = tpu.vector_load_idx %arg13[%shift_right_arithmetic3A_1512, %and3A_1515, %add3A_100] : memref<8x8x512xf32, #tpu.memory_space<vmem>>[vector<16xi32>, vector<16xi32>, vector<16xi32>], vector<16xf32>,
    %add3A_1517 = arith.constant 16 : i32
    %add3A_1518 = vector.broadcast %add3A_1517 : i32 to vector<16xi32>
    %add3A_1519 = arith.addi %iota3A, %add3A_1518 : vector<16xi32>
    %add3A_1520 = arith.constant 64 : i32
    %add3A_1521 = vector.broadcast %add3A_1520 : i32 to vector<16xi32>
    %add3A_1522 = arith.addi %broadcast_in_dim3A_1499, %add3A_1521 : vector<16xi32>
    tpu.vector_store_idx %arg16[%add3A_1519, %add3A_1522], %gather3A_1516 : memref<32x128xf32, #tpu.memory_space<vmem>>[vector<16xi32>, vector<16xi32>], vector<16xf32>,
    %broadcast_in_dim3A_1523 = arith.constant 57 : i32
    %broadcast_in_dim3A_1524 = vector.broadcast %broadcast_in_dim3A_1523 : i32 to vector<16xi32>
    %shift_right_arithmetic3A_1525 = arith.constant 3 : i32
    %shift_right_arithmetic3A_1526 = vector.broadcast %shift_right_arithmetic3A_1525 : i32 to vector<16xi32>
    %shift_right_arithmetic3A_1527 = arith.shrsi %broadcast_in_dim3A_1524, %shift_right_arithmetic3A_1526 : vector<16xi32>
    %and3A_1528 = arith.constant 7 : i32
    %and3A_1529 = vector.broadcast %and3A_1528 : i32 to vector<16xi32>
    %and3A_1530 = arith.andi %broadcast_in_dim3A_1524, %and3A_1529 : vector<16xi32>
    %gather3A_1531 = tpu.vector_load_idx %arg12[%shift_right_arithmetic3A_1527, %and3A_1530, %add3A_90] : memref<8x8x512xf32, #tpu.memory_space<vmem>>[vector<16xi32>, vector<16xi32>, vector<16xi32>], vector<16xf32>,
    %add3A_1532 = arith.constant 16 : i32
    %add3A_1533 = vector.broadcast %add3A_1532 : i32 to vector<16xi32>
    %add3A_1534 = arith.addi %iota3A, %add3A_1533 : vector<16xi32>
    tpu.vector_store_idx %arg16[%add3A_1534, %broadcast_in_dim3A_1524], %gather3A_1531 : memref<32x128xf32, #tpu.memory_space<vmem>>[vector<16xi32>, vector<16xi32>], vector<16xf32>,
    %shift_right_arithmetic3A_1535 = arith.constant 3 : i32
    %shift_right_arithmetic3A_1536 = vector.broadcast %shift_right_arithmetic3A_1535 : i32 to vector<16xi32>
    %shift_right_arithmetic3A_1537 = arith.shrsi %broadcast_in_dim3A_1524, %shift_right_arithmetic3A_1536 : vector<16xi32>
    %and3A_1538 = arith.constant 7 : i32
    %and3A_1539 = vector.broadcast %and3A_1538 : i32 to vector<16xi32>
    %and3A_1540 = arith.andi %broadcast_in_dim3A_1524, %and3A_1539 : vector<16xi32>
    %gather3A_1541 = tpu.vector_load_idx %arg13[%shift_right_arithmetic3A_1537, %and3A_1540, %add3A_100] : memref<8x8x512xf32, #tpu.memory_space<vmem>>[vector<16xi32>, vector<16xi32>, vector<16xi32>], vector<16xf32>,
    %add3A_1542 = arith.constant 16 : i32
    %add3A_1543 = vector.broadcast %add3A_1542 : i32 to vector<16xi32>
    %add3A_1544 = arith.addi %iota3A, %add3A_1543 : vector<16xi32>
    %add3A_1545 = arith.constant 64 : i32
    %add3A_1546 = vector.broadcast %add3A_1545 : i32 to vector<16xi32>
    %add3A_1547 = arith.addi %broadcast_in_dim3A_1524, %add3A_1546 : vector<16xi32>
    tpu.vector_store_idx %arg16[%add3A_1544, %add3A_1547], %gather3A_1541 : memref<32x128xf32, #tpu.memory_space<vmem>>[vector<16xi32>, vector<16xi32>], vector<16xf32>,
    %broadcast_in_dim3A_1548 = arith.constant 58 : i32
    %broadcast_in_dim3A_1549 = vector.broadcast %broadcast_in_dim3A_1548 : i32 to vector<16xi32>
    %shift_right_arithmetic3A_1550 = arith.constant 3 : i32
    %shift_right_arithmetic3A_1551 = vector.broadcast %shift_right_arithmetic3A_1550 : i32 to vector<16xi32>
    %shift_right_arithmetic3A_1552 = arith.shrsi %broadcast_in_dim3A_1549, %shift_right_arithmetic3A_1551 : vector<16xi32>
    %and3A_1553 = arith.constant 7 : i32
    %and3A_1554 = vector.broadcast %and3A_1553 : i32 to vector<16xi32>
    %and3A_1555 = arith.andi %broadcast_in_dim3A_1549, %and3A_1554 : vector<16xi32>
    %gather3A_1556 = tpu.vector_load_idx %arg12[%shift_right_arithmetic3A_1552, %and3A_1555, %add3A_90] : memref<8x8x512xf32, #tpu.memory_space<vmem>>[vector<16xi32>, vector<16xi32>, vector<16xi32>], vector<16xf32>,
    %add3A_1557 = arith.constant 16 : i32
    %add3A_1558 = vector.broadcast %add3A_1557 : i32 to vector<16xi32>
    %add3A_1559 = arith.addi %iota3A, %add3A_1558 : vector<16xi32>
    tpu.vector_store_idx %arg16[%add3A_1559, %broadcast_in_dim3A_1549], %gather3A_1556 : memref<32x128xf32, #tpu.memory_space<vmem>>[vector<16xi32>, vector<16xi32>], vector<16xf32>,
    %shift_right_arithmetic3A_1560 = arith.constant 3 : i32
    %shift_right_arithmetic3A_1561 = vector.broadcast %shift_right_arithmetic3A_1560 : i32 to vector<16xi32>
    %shift_right_arithmetic3A_1562 = arith.shrsi %broadcast_in_dim3A_1549, %shift_right_arithmetic3A_1561 : vector<16xi32>
    %and3A_1563 = arith.constant 7 : i32
    %and3A_1564 = vector.broadcast %and3A_1563 : i32 to vector<16xi32>
    %and3A_1565 = arith.andi %broadcast_in_dim3A_1549, %and3A_1564 : vector<16xi32>
    %gather3A_1566 = tpu.vector_load_idx %arg13[%shift_right_arithmetic3A_1562, %and3A_1565, %add3A_100] : memref<8x8x512xf32, #tpu.memory_space<vmem>>[vector<16xi32>, vector<16xi32>, vector<16xi32>], vector<16xf32>,
    %add3A_1567 = arith.constant 16 : i32
    %add3A_1568 = vector.broadcast %add3A_1567 : i32 to vector<16xi32>
    %add3A_1569 = arith.addi %iota3A, %add3A_1568 : vector<16xi32>
    %add3A_1570 = arith.constant 64 : i32
    %add3A_1571 = vector.broadcast %add3A_1570 : i32 to vector<16xi32>
    %add3A_1572 = arith.addi %broadcast_in_dim3A_1549, %add3A_1571 : vector<16xi32>
    tpu.vector_store_idx %arg16[%add3A_1569, %add3A_1572], %gather3A_1566 : memref<32x128xf32, #tpu.memory_space<vmem>>[vector<16xi32>, vector<16xi32>], vector<16xf32>,
    %broadcast_in_dim3A_1573 = arith.constant 59 : i32
    %broadcast_in_dim3A_1574 = vector.broadcast %broadcast_in_dim3A_1573 : i32 to vector<16xi32>
    %shift_right_arithmetic3A_1575 = arith.constant 3 : i32
    %shift_right_arithmetic3A_1576 = vector.broadcast %shift_right_arithmetic3A_1575 : i32 to vector<16xi32>
    %shift_right_arithmetic3A_1577 = arith.shrsi %broadcast_in_dim3A_1574, %shift_right_arithmetic3A_1576 : vector<16xi32>
    %and3A_1578 = arith.constant 7 : i32
    %and3A_1579 = vector.broadcast %and3A_1578 : i32 to vector<16xi32>
    %and3A_1580 = arith.andi %broadcast_in_dim3A_1574, %and3A_1579 : vector<16xi32>
    %gather3A_1581 = tpu.vector_load_idx %arg12[%shift_right_arithmetic3A_1577, %and3A_1580, %add3A_90] : memref<8x8x512xf32, #tpu.memory_space<vmem>>[vector<16xi32>, vector<16xi32>, vector<16xi32>], vector<16xf32>,
    %add3A_1582 = arith.constant 16 : i32
    %add3A_1583 = vector.broadcast %add3A_1582 : i32 to vector<16xi32>
    %add3A_1584 = arith.addi %iota3A, %add3A_1583 : vector<16xi32>
    tpu.vector_store_idx %arg16[%add3A_1584, %broadcast_in_dim3A_1574], %gather3A_1581 : memref<32x128xf32, #tpu.memory_space<vmem>>[vector<16xi32>, vector<16xi32>], vector<16xf32>,
    %shift_right_arithmetic3A_1585 = arith.constant 3 : i32
    %shift_right_arithmetic3A_1586 = vector.broadcast %shift_right_arithmetic3A_1585 : i32 to vector<16xi32>
    %shift_right_arithmetic3A_1587 = arith.shrsi %broadcast_in_dim3A_1574, %shift_right_arithmetic3A_1586 : vector<16xi32>
    %and3A_1588 = arith.constant 7 : i32
    %and3A_1589 = vector.broadcast %and3A_1588 : i32 to vector<16xi32>
    %and3A_1590 = arith.andi %broadcast_in_dim3A_1574, %and3A_1589 : vector<16xi32>
    %gather3A_1591 = tpu.vector_load_idx %arg13[%shift_right_arithmetic3A_1587, %and3A_1590, %add3A_100] : memref<8x8x512xf32, #tpu.memory_space<vmem>>[vector<16xi32>, vector<16xi32>, vector<16xi32>], vector<16xf32>,
    %add3A_1592 = arith.constant 16 : i32
    %add3A_1593 = vector.broadcast %add3A_1592 : i32 to vector<16xi32>
    %add3A_1594 = arith.addi %iota3A, %add3A_1593 : vector<16xi32>
    %add3A_1595 = arith.constant 64 : i32
    %add3A_1596 = vector.broadcast %add3A_1595 : i32 to vector<16xi32>
    %add3A_1597 = arith.addi %broadcast_in_dim3A_1574, %add3A_1596 : vector<16xi32>
    tpu.vector_store_idx %arg16[%add3A_1594, %add3A_1597], %gather3A_1591 : memref<32x128xf32, #tpu.memory_space<vmem>>[vector<16xi32>, vector<16xi32>], vector<16xf32>,
    %broadcast_in_dim3A_1598 = arith.constant 60 : i32
    %broadcast_in_dim3A_1599 = vector.broadcast %broadcast_in_dim3A_1598 : i32 to vector<16xi32>
    %shift_right_arithmetic3A_1600 = arith.constant 3 : i32
    %shift_right_arithmetic3A_1601 = vector.broadcast %shift_right_arithmetic3A_1600 : i32 to vector<16xi32>
    %shift_right_arithmetic3A_1602 = arith.shrsi %broadcast_in_dim3A_1599, %shift_right_arithmetic3A_1601 : vector<16xi32>
    %and3A_1603 = arith.constant 7 : i32
    %and3A_1604 = vector.broadcast %and3A_1603 : i32 to vector<16xi32>
    %and3A_1605 = arith.andi %broadcast_in_dim3A_1599, %and3A_1604 : vector<16xi32>
    %gather3A_1606 = tpu.vector_load_idx %arg12[%shift_right_arithmetic3A_1602, %and3A_1605, %add3A_90] : memref<8x8x512xf32, #tpu.memory_space<vmem>>[vector<16xi32>, vector<16xi32>, vector<16xi32>], vector<16xf32>,
    %add3A_1607 = arith.constant 16 : i32
    %add3A_1608 = vector.broadcast %add3A_1607 : i32 to vector<16xi32>
    %add3A_1609 = arith.addi %iota3A, %add3A_1608 : vector<16xi32>
    tpu.vector_store_idx %arg16[%add3A_1609, %broadcast_in_dim3A_1599], %gather3A_1606 : memref<32x128xf32, #tpu.memory_space<vmem>>[vector<16xi32>, vector<16xi32>], vector<16xf32>,
    %shift_right_arithmetic3A_1610 = arith.constant 3 : i32
    %shift_right_arithmetic3A_1611 = vector.broadcast %shift_right_arithmetic3A_1610 : i32 to vector<16xi32>
    %shift_right_arithmetic3A_1612 = arith.shrsi %broadcast_in_dim3A_1599, %shift_right_arithmetic3A_1611 : vector<16xi32>
    %and3A_1613 = arith.constant 7 : i32
    %and3A_1614 = vector.broadcast %and3A_1613 : i32 to vector<16xi32>
    %and3A_1615 = arith.andi %broadcast_in_dim3A_1599, %and3A_1614 : vector<16xi32>
    %gather3A_1616 = tpu.vector_load_idx %arg13[%shift_right_arithmetic3A_1612, %and3A_1615, %add3A_100] : memref<8x8x512xf32, #tpu.memory_space<vmem>>[vector<16xi32>, vector<16xi32>, vector<16xi32>], vector<16xf32>,
    %add3A_1617 = arith.constant 16 : i32
    %add3A_1618 = vector.broadcast %add3A_1617 : i32 to vector<16xi32>
    %add3A_1619 = arith.addi %iota3A, %add3A_1618 : vector<16xi32>
    %add3A_1620 = arith.constant 64 : i32
    %add3A_1621 = vector.broadcast %add3A_1620 : i32 to vector<16xi32>
    %add3A_1622 = arith.addi %broadcast_in_dim3A_1599, %add3A_1621 : vector<16xi32>
    tpu.vector_store_idx %arg16[%add3A_1619, %add3A_1622], %gather3A_1616 : memref<32x128xf32, #tpu.memory_space<vmem>>[vector<16xi32>, vector<16xi32>], vector<16xf32>,
    %broadcast_in_dim3A_1623 = arith.constant 61 : i32
    %broadcast_in_dim3A_1624 = vector.broadcast %broadcast_in_dim3A_1623 : i32 to vector<16xi32>
    %shift_right_arithmetic3A_1625 = arith.constant 3 : i32
    %shift_right_arithmetic3A_1626 = vector.broadcast %shift_right_arithmetic3A_1625 : i32 to vector<16xi32>
    %shift_right_arithmetic3A_1627 = arith.shrsi %broadcast_in_dim3A_1624, %shift_right_arithmetic3A_1626 : vector<16xi32>
    %and3A_1628 = arith.constant 7 : i32
    %and3A_1629 = vector.broadcast %and3A_1628 : i32 to vector<16xi32>
    %and3A_1630 = arith.andi %broadcast_in_dim3A_1624, %and3A_1629 : vector<16xi32>
    %gather3A_1631 = tpu.vector_load_idx %arg12[%shift_right_arithmetic3A_1627, %and3A_1630, %add3A_90] : memref<8x8x512xf32, #tpu.memory_space<vmem>>[vector<16xi32>, vector<16xi32>, vector<16xi32>], vector<16xf32>,
    %add3A_1632 = arith.constant 16 : i32
    %add3A_1633 = vector.broadcast %add3A_1632 : i32 to vector<16xi32>
    %add3A_1634 = arith.addi %iota3A, %add3A_1633 : vector<16xi32>
    tpu.vector_store_idx %arg16[%add3A_1634, %broadcast_in_dim3A_1624], %gather3A_1631 : memref<32x128xf32, #tpu.memory_space<vmem>>[vector<16xi32>, vector<16xi32>], vector<16xf32>,
    %shift_right_arithmetic3A_1635 = arith.constant 3 : i32
    %shift_right_arithmetic3A_1636 = vector.broadcast %shift_right_arithmetic3A_1635 : i32 to vector<16xi32>
    %shift_right_arithmetic3A_1637 = arith.shrsi %broadcast_in_dim3A_1624, %shift_right_arithmetic3A_1636 : vector<16xi32>
    %and3A_1638 = arith.constant 7 : i32
    %and3A_1639 = vector.broadcast %and3A_1638 : i32 to vector<16xi32>
    %and3A_1640 = arith.andi %broadcast_in_dim3A_1624, %and3A_1639 : vector<16xi32>
    %gather3A_1641 = tpu.vector_load_idx %arg13[%shift_right_arithmetic3A_1637, %and3A_1640, %add3A_100] : memref<8x8x512xf32, #tpu.memory_space<vmem>>[vector<16xi32>, vector<16xi32>, vector<16xi32>], vector<16xf32>,
    %add3A_1642 = arith.constant 16 : i32
    %add3A_1643 = vector.broadcast %add3A_1642 : i32 to vector<16xi32>
    %add3A_1644 = arith.addi %iota3A, %add3A_1643 : vector<16xi32>
    %add3A_1645 = arith.constant 64 : i32
    %add3A_1646 = vector.broadcast %add3A_1645 : i32 to vector<16xi32>
    %add3A_1647 = arith.addi %broadcast_in_dim3A_1624, %add3A_1646 : vector<16xi32>
    tpu.vector_store_idx %arg16[%add3A_1644, %add3A_1647], %gather3A_1641 : memref<32x128xf32, #tpu.memory_space<vmem>>[vector<16xi32>, vector<16xi32>], vector<16xf32>,
    %broadcast_in_dim3A_1648 = arith.constant 62 : i32
    %broadcast_in_dim3A_1649 = vector.broadcast %broadcast_in_dim3A_1648 : i32 to vector<16xi32>
    %shift_right_arithmetic3A_1650 = arith.constant 3 : i32
    %shift_right_arithmetic3A_1651 = vector.broadcast %shift_right_arithmetic3A_1650 : i32 to vector<16xi32>
    %shift_right_arithmetic3A_1652 = arith.shrsi %broadcast_in_dim3A_1649, %shift_right_arithmetic3A_1651 : vector<16xi32>
    %and3A_1653 = arith.constant 7 : i32
    %and3A_1654 = vector.broadcast %and3A_1653 : i32 to vector<16xi32>
    %and3A_1655 = arith.andi %broadcast_in_dim3A_1649, %and3A_1654 : vector<16xi32>
    %gather3A_1656 = tpu.vector_load_idx %arg12[%shift_right_arithmetic3A_1652, %and3A_1655, %add3A_90] : memref<8x8x512xf32, #tpu.memory_space<vmem>>[vector<16xi32>, vector<16xi32>, vector<16xi32>], vector<16xf32>,
    %add3A_1657 = arith.constant 16 : i32
    %add3A_1658 = vector.broadcast %add3A_1657 : i32 to vector<16xi32>
    %add3A_1659 = arith.addi %iota3A, %add3A_1658 : vector<16xi32>
    tpu.vector_store_idx %arg16[%add3A_1659, %broadcast_in_dim3A_1649], %gather3A_1656 : memref<32x128xf32, #tpu.memory_space<vmem>>[vector<16xi32>, vector<16xi32>], vector<16xf32>,
    %shift_right_arithmetic3A_1660 = arith.constant 3 : i32
    %shift_right_arithmetic3A_1661 = vector.broadcast %shift_right_arithmetic3A_1660 : i32 to vector<16xi32>
    %shift_right_arithmetic3A_1662 = arith.shrsi %broadcast_in_dim3A_1649, %shift_right_arithmetic3A_1661 : vector<16xi32>
    %and3A_1663 = arith.constant 7 : i32
    %and3A_1664 = vector.broadcast %and3A_1663 : i32 to vector<16xi32>
    %and3A_1665 = arith.andi %broadcast_in_dim3A_1649, %and3A_1664 : vector<16xi32>
    %gather3A_1666 = tpu.vector_load_idx %arg13[%shift_right_arithmetic3A_1662, %and3A_1665, %add3A_100] : memref<8x8x512xf32, #tpu.memory_space<vmem>>[vector<16xi32>, vector<16xi32>, vector<16xi32>], vector<16xf32>,
    %add3A_1667 = arith.constant 16 : i32
    %add3A_1668 = vector.broadcast %add3A_1667 : i32 to vector<16xi32>
    %add3A_1669 = arith.addi %iota3A, %add3A_1668 : vector<16xi32>
    %add3A_1670 = arith.constant 64 : i32
    %add3A_1671 = vector.broadcast %add3A_1670 : i32 to vector<16xi32>
    %add3A_1672 = arith.addi %broadcast_in_dim3A_1649, %add3A_1671 : vector<16xi32>
    tpu.vector_store_idx %arg16[%add3A_1669, %add3A_1672], %gather3A_1666 : memref<32x128xf32, #tpu.memory_space<vmem>>[vector<16xi32>, vector<16xi32>], vector<16xf32>,
    %broadcast_in_dim3A_1673 = arith.constant 63 : i32
    %broadcast_in_dim3A_1674 = vector.broadcast %broadcast_in_dim3A_1673 : i32 to vector<16xi32>
    %shift_right_arithmetic3A_1675 = arith.constant 3 : i32
    %shift_right_arithmetic3A_1676 = vector.broadcast %shift_right_arithmetic3A_1675 : i32 to vector<16xi32>
    %shift_right_arithmetic3A_1677 = arith.shrsi %broadcast_in_dim3A_1674, %shift_right_arithmetic3A_1676 : vector<16xi32>
    %and3A_1678 = arith.constant 7 : i32
    %and3A_1679 = vector.broadcast %and3A_1678 : i32 to vector<16xi32>
    %and3A_1680 = arith.andi %broadcast_in_dim3A_1674, %and3A_1679 : vector<16xi32>
    %gather3A_1681 = tpu.vector_load_idx %arg12[%shift_right_arithmetic3A_1677, %and3A_1680, %add3A_90] : memref<8x8x512xf32, #tpu.memory_space<vmem>>[vector<16xi32>, vector<16xi32>, vector<16xi32>], vector<16xf32>,
    %add3A_1682 = arith.constant 16 : i32
    %add3A_1683 = vector.broadcast %add3A_1682 : i32 to vector<16xi32>
    %add3A_1684 = arith.addi %iota3A, %add3A_1683 : vector<16xi32>
    tpu.vector_store_idx %arg16[%add3A_1684, %broadcast_in_dim3A_1674], %gather3A_1681 : memref<32x128xf32, #tpu.memory_space<vmem>>[vector<16xi32>, vector<16xi32>], vector<16xf32>,
    %shift_right_arithmetic3A_1685 = arith.constant 3 : i32
    %shift_right_arithmetic3A_1686 = vector.broadcast %shift_right_arithmetic3A_1685 : i32 to vector<16xi32>
    %shift_right_arithmetic3A_1687 = arith.shrsi %broadcast_in_dim3A_1674, %shift_right_arithmetic3A_1686 : vector<16xi32>
    %and3A_1688 = arith.constant 7 : i32
    %and3A_1689 = vector.broadcast %and3A_1688 : i32 to vector<16xi32>
    %and3A_1690 = arith.andi %broadcast_in_dim3A_1674, %and3A_1689 : vector<16xi32>
    %gather3A_1691 = tpu.vector_load_idx %arg13[%shift_right_arithmetic3A_1687, %and3A_1690, %add3A_100] : memref<8x8x512xf32, #tpu.memory_space<vmem>>[vector<16xi32>, vector<16xi32>, vector<16xi32>], vector<16xf32>,
    %add3A_1692 = arith.constant 16 : i32
    %add3A_1693 = vector.broadcast %add3A_1692 : i32 to vector<16xi32>
    %add3A_1694 = arith.addi %iota3A, %add3A_1693 : vector<16xi32>
    %add3A_1695 = arith.constant 64 : i32
    %add3A_1696 = vector.broadcast %add3A_1695 : i32 to vector<16xi32>
    %add3A_1697 = arith.addi %broadcast_in_dim3A_1674, %add3A_1696 : vector<16xi32>
    tpu.vector_store_idx %arg16[%add3A_1694, %add3A_1697], %gather3A_1691 : memref<32x128xf32, #tpu.memory_space<vmem>>[vector<16xi32>, vector<16xi32>], vector<16xf32>,
    %gather3A_1698 = tpu.vector_load_idx %arg14[%add3A_90] : memref<512xf32, #tpu.memory_space<vmem>>[vector<16xi32>], vector<16xf32>,
    %gather3A_1699 = tpu.vector_load_idx %arg15[%add3A_100] : memref<512xf32, #tpu.memory_space<vmem>>[vector<16xi32>], vector<16xf32>,
    %add3A_1700 = arith.addf %gather3A_1698, %gather3A_1699 : vector<16xf32>
    %swap3A = arith.constant 16 : index
    %swap3A_1701 = tpu.vector_load %arg17[%swap3A] {strides = array<i32>} : memref<32xf32, #tpu.memory_space<vmem>>, vector<16xf32>,
    tpu.vector_store %arg17[%swap3A], %add3A_1700 {strides = array<i32>} : memref<32xf32, #tpu.memory_space<vmem>>, vector<16xf32>,
    %add3A_1702 = arith.constant 496 : i32
    %add3A_1703 = arith.addi %mul3A_2, %add3A_1702 : i32
    %dma_start3A = arith.constant 16 : i32
    %dma_start3A_1704 = arith.constant 0 : i32
    %dma_start3A_1705 = tpu.memref_slice %arg16[%dma_start3A, %dma_start3A_1704] : memref<32x128xf32, #tpu.memory_space<vmem>> -> memref<16x128xf32, #tpu.memory_space<vmem>>
    %dma_start3A_1706 = arith.constant 0 : i32
    %dma_start3A_1707 = tpu.memref_slice %arg8[%add3A_1703, %dma_start3A_1706] : memref<16384x128xf32, #tpu.memory_space<hbm>> -> memref<16x128xf32, #tpu.memory_space<hbm>>
    %dma_start3A_1708 = arith.constant 0 : i32
    %dma_start3A_1709 = tpu.memref_slice %arg8[%add3A_1703, %dma_start3A_1708] : memref<16384x128xf32, #tpu.memory_space<hbm>> -> memref<16x128xf32, #tpu.memory_space<hbm>>
    %dma_start3A_1710 = arith.constant 16 : i32
    %dma_start3A_1711 = arith.constant 0 : i32
    %dma_start3A_1712 = tpu.memref_slice %arg16[%dma_start3A_1710, %dma_start3A_1711] : memref<32x128xf32, #tpu.memory_space<vmem>> -> memref<16x128xf32, #tpu.memory_space<vmem>>
    tpu.enqueue_dma source(%dma_start3A_1712 : memref<16x128xf32, #tpu.memory_space<vmem>>) target(%dma_start3A_1709 : memref<16x128xf32, #tpu.memory_space<hbm>>) target_semaphore(%arg22 : memref<!tpu.dma_semaphore, #tpu.memory_space<semaphore_mem>>)
    %dma_start3A_1713 = arith.constant 16 : i32
    %dma_start3A_1714 = tpu.memref_slice %arg17[%dma_start3A_1713] : memref<32xf32, #tpu.memory_space<vmem>> -> memref<16xf32, #tpu.memory_space<vmem>>
    %dma_start3A_1715 = tpu.memref_slice %arg9[%add3A_1703] : memref<16384xf32, #tpu.memory_space<hbm>> -> memref<16xf32, #tpu.memory_space<hbm>>
    %dma_start3A_1716 = tpu.memref_slice %arg9[%add3A_1703] : memref<16384xf32, #tpu.memory_space<hbm>> -> memref<16xf32, #tpu.memory_space<hbm>>
    %dma_start3A_1717 = arith.constant 16 : i32
    %dma_start3A_1718 = tpu.memref_slice %arg17[%dma_start3A_1717] : memref<32xf32, #tpu.memory_space<vmem>> -> memref<16xf32, #tpu.memory_space<vmem>>
    tpu.enqueue_dma source(%dma_start3A_1718 : memref<16xf32, #tpu.memory_space<vmem>>) target(%dma_start3A_1716 : memref<16xf32, #tpu.memory_space<hbm>>) target_semaphore(%arg23 : memref<!tpu.dma_semaphore, #tpu.memory_space<semaphore_mem>>)
    %scan3A_1719 = arith.constant 0 : i32
    %scan3A_1720 = arith.constant 0 : i32
    %scan3A_1721 = arith.constant 2 : i32
    %scan3A_1722 = arith.addi %scan3A_1720, %scan3A_1721 : i32
    %scan3A_1723 = arith.constant 1 : i32
    scf.for %scan3A_1725 = %scan3A_1720 to %scan3A_1722 step %scan3A_1723  : i32 {
      %dma_wait3A_1726 = arith.constant 0 : i32
      %dma_wait3A_1727 = arith.constant 0 : i32
      %dma_wait3A_1728 = tpu.memref_slice %arg16[%dma_wait3A_1726, %dma_wait3A_1727] : memref<32x128xf32, #tpu.memory_space<vmem>> -> memref<16x128xf32, #tpu.memory_space<vmem>>
      %dma_wait3A_1729 = arith.constant 0 : i32
      %dma_wait3A_1730 = tpu.memref_slice %arg8[%mul3A_2, %dma_wait3A_1729] : memref<16384x128xf32, #tpu.memory_space<hbm>> -> memref<16x128xf32, #tpu.memory_space<hbm>>
      %dma_wait3A_1731 = arith.constant 0 : i32
      %dma_wait3A_1732 = tpu.memref_slice %arg8[%mul3A_2, %dma_wait3A_1731] : memref<16384x128xf32, #tpu.memory_space<hbm>> -> memref<16x128xf32, #tpu.memory_space<hbm>>
      %dma_wait3A_1733 = arith.constant 0 : i32
      %dma_wait3A_1734 = arith.constant 0 : i32
      %dma_wait3A_1735 = tpu.memref_slice %arg16[%dma_wait3A_1733, %dma_wait3A_1734] : memref<32x128xf32, #tpu.memory_space<vmem>> -> memref<16x128xf32, #tpu.memory_space<vmem>>
      tpu.wait_dma2 semaphore(%arg22 : memref<!tpu.dma_semaphore, #tpu.memory_space<semaphore_mem>>) src(%dma_wait3A_1735 : memref<16x128xf32, #tpu.memory_space<vmem>>) dst(%dma_wait3A_1732 : memref<16x128xf32, #tpu.memory_space<hbm>>)
      %dma_wait3A_1736 = arith.constant 0 : i32
      %dma_wait3A_1737 = tpu.memref_slice %arg17[%dma_wait3A_1736] : memref<32xf32, #tpu.memory_space<vmem>> -> memref<16xf32, #tpu.memory_space<vmem>>
      %dma_wait3A_1738 = tpu.memref_slice %arg9[%mul3A_2] : memref<16384xf32, #tpu.memory_space<hbm>> -> memref<16xf32, #tpu.memory_space<hbm>>
      %dma_wait3A_1739 = tpu.memref_slice %arg9[%mul3A_2] : memref<16384xf32, #tpu.memory_space<hbm>> -> memref<16xf32, #tpu.memory_space<hbm>>
      %dma_wait3A_1740 = arith.constant 0 : i32
      %dma_wait3A_1741 = tpu.memref_slice %arg17[%dma_wait3A_1740] : memref<32xf32, #tpu.memory_space<vmem>> -> memref<16xf32, #tpu.memory_space<vmem>>
      tpu.wait_dma2 semaphore(%arg23 : memref<!tpu.dma_semaphore, #tpu.memory_space<semaphore_mem>>) src(%dma_wait3A_1741 : memref<16xf32, #tpu.memory_space<vmem>>) dst(%dma_wait3A_1739 : memref<16xf32, #tpu.memory_space<hbm>>)
    }
    %scan3A_1724 = arith.constant 2 : i32
    return
  }
}

module attributes {stable_mosaic.version = 14 : i64} {
  func.func @_mlp_body(%arg0: i32, %arg1: memref<2048x128xf32, #tpu.memory_space<vmem>>, %arg2: memref<2048xf32, #tpu.memory_space<vmem>>, %arg3: memref<128x128xf32, #tpu.memory_space<vmem>>, %arg4: memref<128xf32, #tpu.memory_space<vmem>>, %arg5: memref<64x128xf32, #tpu.memory_space<vmem>>, %arg6: memref<64xf32, #tpu.memory_space<vmem>>, %arg7: memref<1x64xf32, #tpu.memory_space<vmem>>, %arg8: memref<1xf32, #tpu.memory_space<vmem>>, %arg9: memref<2048xf32, #tpu.memory_space<vmem>>) attributes {dimension_semantics = [#tpu.dimension_semantics<arbitrary>], iteration_bounds = array<i64: 8>, scalar_prefetch = 0 : i64, scratch_operands = 0 : i64, tpu.core_type = #tpu.core_type<tc>, window_params = [{transform_indices = @transform_0, window_bounds = array<i64: 2048, 128>}, {transform_indices = @transform_1, window_bounds = array<i64: 2048>}, {pipeline_mode = #tpu.pipeline_mode<synchronous>, transform_indices = @transform_2, window_bounds = array<i64: 128, 128>}, {pipeline_mode = #tpu.pipeline_mode<synchronous>, transform_indices = @transform_3, window_bounds = array<i64: 128>}, {pipeline_mode = #tpu.pipeline_mode<synchronous>, transform_indices = @transform_4, window_bounds = array<i64: 64, 128>}, {pipeline_mode = #tpu.pipeline_mode<synchronous>, transform_indices = @transform_5, window_bounds = array<i64: 64>}, {pipeline_mode = #tpu.pipeline_mode<synchronous>, transform_indices = @transform_6, window_bounds = array<i64: 1, 64>}, {pipeline_mode = #tpu.pipeline_mode<synchronous>, transform_indices = @transform_7, window_bounds = array<i64: 1>}, {transform_indices = @transform_8, window_bounds = array<i64: 2048>}]} {
    %get3A = arith.constant 0 : index
    %get3A_0 = arith.constant 0 : index
    %get3A_1 = vector.load %arg1[%get3A, %get3A_0] : memref<2048x128xf32, #tpu.memory_space<vmem>>, vector<2048x128xf32>
    %get3A_2 = arith.constant 0 : index
    %get3A_3 = arith.constant 0 : index
    %get3A_4 = vector.load %arg3[%get3A_2, %get3A_3] : memref<128x128xf32, #tpu.memory_space<vmem>>, vector<128x128xf32>
    %dot_general3A = arith.constant dense<0.000000e+00> : vector<2048x128xf32>
    %dot_general3A_5 = tpu.matmul %get3A_1, %get3A_4, %dot_general3A {dimension_numbers = #tpu.dot_dimension_numbers<[1], [0], [0], [1], [0, 0, 1, 1], [], []>, transpose_lhs_hint = false} : vector<2048x128xf32>, vector<128x128xf32>, vector<2048x128xf32> -> vector<2048x128xf32>
    %get3A_6 = arith.constant 0 : index
    %get3A_7 = vector.load %arg4[%get3A_6] : memref<128xf32, #tpu.memory_space<vmem>>, vector<128xf32>
    %broadcast_in_dim3A = vector.shape_cast %get3A_7 : vector<128xf32> to vector<1x128xf32>
    %add3A = vector.broadcast %broadcast_in_dim3A : vector<1x128xf32> to vector<2048x128xf32>
    %add3A_8 = arith.addf %dot_general3A_5, %add3A : vector<2048x128xf32>
    %max3A = arith.constant 0.000000e+00 : f32
    %max3A_9 = vector.broadcast %max3A : f32 to vector<2048x128xf32>
    %max3A_10 = arith.maximumf %add3A_8, %max3A_9 : vector<2048x128xf32>
    %get3A_11 = arith.constant 0 : index
    %get3A_12 = arith.constant 0 : index
    %get3A_13 = vector.load %arg5[%get3A_11, %get3A_12] : memref<64x128xf32, #tpu.memory_space<vmem>>, vector<64x128xf32>
    %dot_general3A_14 = arith.constant dense<0.000000e+00> : vector<2048x64xf32>
    %dot_general3A_15 = tpu.matmul %max3A_10, %get3A_13, %dot_general3A_14 {dimension_numbers = #tpu.dot_dimension_numbers<[1], [1], [0], [0], [0, 0, 1, 0], [], []>, transpose_lhs_hint = false} : vector<2048x128xf32>, vector<64x128xf32>, vector<2048x64xf32> -> vector<2048x64xf32>
    %get3A_16 = arith.constant 0 : index
    %get3A_17 = vector.load %arg6[%get3A_16] : memref<64xf32, #tpu.memory_space<vmem>>, vector<64xf32>
    %broadcast_in_dim3A_18 = vector.shape_cast %get3A_17 : vector<64xf32> to vector<1x64xf32>
    %add3A_19 = vector.broadcast %broadcast_in_dim3A_18 : vector<1x64xf32> to vector<2048x64xf32>
    %add3A_20 = arith.addf %dot_general3A_15, %add3A_19 : vector<2048x64xf32>
    %max3A_21 = arith.constant 0.000000e+00 : f32
    %max3A_22 = vector.broadcast %max3A_21 : f32 to vector<2048x64xf32>
    %max3A_23 = arith.maximumf %add3A_20, %max3A_22 : vector<2048x64xf32>
    %get3A_24 = arith.constant 0 : index
    %get3A_25 = arith.constant 0 : index
    %get3A_26 = vector.load %arg7[%get3A_24, %get3A_25] : memref<1x64xf32, #tpu.memory_space<vmem>>, vector<1x64xf32>
    %mul3A = vector.broadcast %get3A_26 : vector<1x64xf32> to vector<2048x64xf32>
    %mul3A_27 = arith.mulf %max3A_23, %mul3A : vector<2048x64xf32>
    %reduce_sum3A = arith.constant dense<0.000000e+00> : vector<2048xf32>
    %reduce_sum3A_28 = vector.multi_reduction <add>, %mul3A_27, %reduce_sum3A [1] : vector<2048x64xf32> to vector<2048xf32>
    %get3A_29 = arith.constant 0 : index
    %get3A_30 = vector.load %arg2[%get3A_29] : memref<2048xf32, #tpu.memory_space<vmem>>, vector<2048xf32>
    %add3A_31 = arith.addf %reduce_sum3A_28, %get3A_30 : vector<2048xf32>
    %get3A_32 = arith.constant 0 : index
    %get3A_33 = vector.load %arg8[%get3A_32] : memref<1xf32, #tpu.memory_space<vmem>>, vector<1xf32>
    %add3A_34 = vector.broadcast %get3A_33 : vector<1xf32> to vector<2048xf32>
    %add3A_35 = arith.addf %add3A_31, %add3A_34 : vector<2048xf32>
    %swap3A = arith.constant 0 : index
    %swap3A_36 = vector.load %arg9[%swap3A] : memref<2048xf32, #tpu.memory_space<vmem>>, vector<2048xf32>
    tpu.vector_store %arg9[%swap3A], %add3A_35 {strides = array<i32>} : memref<2048xf32, #tpu.memory_space<vmem>>, vector<2048xf32>,
    return
  }
  func.func @transform_0(%arg0: i32) -> (i32, i32) {
    %c0_i32 = arith.constant 0 : i32
    %c0_i32_0 = arith.constant 0 : i32
    return %arg0, %c0_i32 : i32, i32
  }
  func.func @transform_1(%arg0: i32) -> i32 {
    %c0_i32 = arith.constant 0 : i32
    return %arg0 : i32
  }
  func.func @transform_2(%arg0: i32) -> (i32, i32) {
    %c0_i32 = arith.constant 0 : i32
    %c0_i32_0 = arith.constant 0 : i32
    %c0_i32_1 = arith.constant 0 : i32
    return %c0_i32, %c0_i32_0 : i32, i32
  }
  func.func @transform_3(%arg0: i32) -> i32 {
    %c0_i32 = arith.constant 0 : i32
    %c0_i32_0 = arith.constant 0 : i32
    return %c0_i32 : i32
  }
  func.func @transform_4(%arg0: i32) -> (i32, i32) {
    %c0_i32 = arith.constant 0 : i32
    %c0_i32_0 = arith.constant 0 : i32
    %c0_i32_1 = arith.constant 0 : i32
    return %c0_i32, %c0_i32_0 : i32, i32
  }
  func.func @transform_5(%arg0: i32) -> i32 {
    %c0_i32 = arith.constant 0 : i32
    %c0_i32_0 = arith.constant 0 : i32
    return %c0_i32 : i32
  }
  func.func @transform_6(%arg0: i32) -> (i32, i32) {
    %c0_i32 = arith.constant 0 : i32
    %c0_i32_0 = arith.constant 0 : i32
    %c0_i32_1 = arith.constant 0 : i32
    return %c0_i32, %c0_i32_0 : i32, i32
  }
  func.func @transform_7(%arg0: i32) -> i32 {
    %c0_i32 = arith.constant 0 : i32
    %c0_i32_0 = arith.constant 0 : i32
    return %c0_i32 : i32
  }
  func.func @transform_8(%arg0: i32) -> i32 {
    %c0_i32 = arith.constant 0 : i32
    return %arg0 : i32
  }
}

</mosaic_0001>

<sc_bundles>
// kernel: kernel.4.cloned.1.call-start
scs
__scs_entry_jumppad:
0x0: {  	(pc) =	sbr.rel $0x88, $3  }
0x1: {  	(tag) =	ssettag $0x0;
	lr =	simm.s32 $0x1  }
0x2: {  	[smem:$0x3F94] =	sst lr;
	_ =	strace $0xD0000000  }
0x3: {  	_ = 	snop  }
0x4: {  	_ = 	snop  }
0x5: {  	_ = 	snop  }
0x6: {  	_ = 	snop  }
0x7: {  	_ = 	snop  }
__scs_overlays_trampoline_lowered:
0x8: {  	[smem:$0x3FA3] =	sst s0  }
0x9: {  	[smem:$0x3FA4] =	sst s1  }
0xa: {  	[smem:$0x3FA5] =	sst s2  }
0xb: {  	[smem:$0x3FA6] =	sst s3  }
0xc: {  	[smem:$0x3FA7] =	sst s4  }
0xd: {  	[smem:$0x3FA8] =	sst s5  }
0xe: {  	[smem:$0x3FA9] =	sst s6  }
0xf: {  	[smem:$0x3FAA] =	sst s7  }
0x10: {  	[smem:$0x3FAB] =	sst s8  }
0x11: {  	[smem:$0x3FAC] =	sst s9;
	s0 =	simm.s32 @!p0 $0x0  }
0x12: {  	s1 =	sld [smem:$0x3F92];
	s0 =	simm.s32 @p0 $0x1  }
0x13: {  	[smem:$0x3FAD] =	sst s0;
	s0 =	simm.s32 @!p1 $0x0  }
0x14: {  	s2 =	sld [smem:$0x3F91];
	s0 =	simm.s32 @p1 $0x1  }
0x15: {  	[smem:$0x3FAE] =	sst s0;
	s0 =	simm.s32 @!p2 $0x0  }
0x16: {  	s3 =	sld [smem:$0x3FDB];
	s0 =	simm.s32 @p2 $0x1  }
0x17: {  	s4 =	simm.s32 $0x1BF5;
	[smem:$0x3FB0] =	sst s0  }
0x18: {  	s0 =	sld [smem:$0x3F93];
	_ =	swait.ge [sflag:s4], $0x0  }
0x19: {  	s7 =	sld [smem:$0x3F94]  }
0x1a: {  	s8 =	sadd.s32 $0xFFFFE003, lr  }
0x1b: {  	s9 =	sadd.s32 $0xFFFFFEF7, lr;
	s5 =	simm.s32 $0xFFFFFFFF;
	p2 =	slt.u32 s8, $0xFFFFF086  }
0x1c: {  	p1 =	slt.u32 s9, $0xF7A;
	s5 =	simm.s32 @!p2 $0x0  }
0x1d: {  	s5 =	simm.s32 @p1 $0x1;
	p0 =	seq.s32 s7, s2  }
0x1e: {  	s7 =	smul.u32 @!p0 $0xF7A, s2;
	p2 =	seq.s32 @!p0 s5, $0x0  }
0x1f: {  	s9 =	smul.u32 $0xF7A, s1;
	s8 =	simm.s32 @!p0 $0x1BF5;
	p2 =	por !p2, p0  }
0x20: {  	[sflag:s8] =	ssyncset.s32 @!p0 $0xFFFFF086;
	s6 =	sadd.s32 @!p0 s3, s7;
	s7 =	simm.s32 @!p0 $0x108  }
0x21: {  	s3 =	sadd.s32 s3, s9;
	s6 =	sadd.s32 @!p0 $0x88, s6;
	s7 =	simm.s32 @p2 $0x1082  }
0x22: {  	[simem:s7], [sflag:s8] =	dma.local @!p0 [hbm:s6], $0xF7A  }
0x23: {  	s9 =	sor.u32 $0xD0000000, s2;
	s6 =	simm.s32 $0x108;
	_ =	swait.ge @!p0 [sflag:s8], $0x0  }
0x24: {  	s3 =	sadd.s32 $0x88, s3;
	s6 =	simm.s32 @!p1 $0x1082;
	[sflag:s4] =	ssyncset.s32 $0xFFFFF086  }
0x25: {  	[simem:s6], [sflag:s4] =	dma.local [hbm:s3], $0xF7A  }
0x26: {  	[smem:$0x3F94] =	sst s1;
	(tag) =	ssettag s2;
	_ =	strace s9  }
0x27: {  	s1 =	sld [smem:$0x3FA4]  }
0x28: {  	s2 =	sld [smem:$0x3FA5]  }
0x29: {  	s4 =	sld [smem:$0x3FA7]  }
0x2a: {  	p0 =	seq.s32 s5, $0x0;
	s5 =	sld [smem:$0x3FA8]  }
0x2b: {  	s6 =	sld [smem:$0x3FA9]  }
0x2c: {  	s7 =	sld [smem:$0x3FAA]  }
0x2d: {  	s3 =	simm.s32 $0x108;
	s8 =	sld [smem:$0x3FAB]  }
0x2e: {  	s3 =	simm.s32 @!p0 $0x1082;
	s9 =	sld [smem:$0x3FAC]  }
0x2f: {  	lr =	sadd.s32 s0, s3;
	s0 =	sld [smem:$0x3FA3]  }
0x30: {  	s3 =	sld [smem:$0x3FA6]  }
0x31: {  	[smem:$0x3FAF] =	sst s10  }
0x32: {  	s10 =	sld [smem:$0x3FAD];
	_ =	sdelay $0x3  }
0x33: {  	p0 =	seq.s32 s10, $0x1;
	s10 =	sld [smem:$0x3FAF];
	_ =	sdelay $0x3  }
0x34: {  	[smem:$0x3FAF] =	sst s10  }
0x35: {  	s10 =	sld [smem:$0x3FAE];
	_ =	sdelay $0x3  }
0x36: {  	p1 =	seq.s32 s10, $0x1;
	s10 =	sld [smem:$0x3FAF];
	_ =	sdelay $0x3  }
0x37: {  	[smem:$0x3FAF] =	sst s10  }
0x38: {  	s10 =	sld [smem:$0x3FB0]  }
0x39: {  	_ = 	snop;
	(pc) =	sbr.ind lr, $3  }
0x3a: {  	_ = 	snop  }
0x3b: {  	_ = 	snop  }
0x3c: {  	p2 =	seq.s32 s10, $0x1;
	s10 =	sld [smem:$0x3FAF]  }
0x3d: {  	_ =	shalt  }
0x3e: {  	_ =	shalt  }
0x3f: {  	_ =	shalt  }
0x40: {  	_ =	shalt  }
0x41: {  	_ =	shalt  }
0x42: {  	_ =	shalt  }
0x43: {  	_ =	shalt  }
0x44: {  	_ =	shalt  }
0x45: {  	_ =	shalt  }
0x46: {  	_ =	shalt  }
0x47: {  	_ =	shalt  }
0x48: {  	_ =	shalt  }
0x49: {  	_ =	shalt  }
0x4a: {  	_ =	shalt  }
0x4b: {  	_ =	shalt  }
0x4c: {  	_ =	shalt  }
0x4d: {  	_ =	shalt  }
0x4e: {  	_ =	shalt  }
0x4f: {  	_ =	shalt  }
0x50: {  	_ =	shalt  }
0x51: {  	_ =	shalt  }
0x52: {  	_ =	shalt  }
0x53: {  	_ =	shalt  }
0x54: {  	_ =	shalt  }
0x55: {  	_ =	shalt  }
0x56: {  	_ =	shalt  }
0x57: {  	_ =	shalt  }
0x58: {  	_ =	shalt  }
0x59: {  	_ =	shalt  }
0x5a: {  	_ =	shalt  }
0x5b: {  	_ =	shalt  }
0x5c: {  	_ =	shalt  }
0x5d: {  	_ =	shalt  }
0x5e: {  	_ =	shalt  }
0x5f: {  	_ =	shalt  }
0x60: {  	_ =	shalt  }
0x61: {  	_ =	shalt  }
0x62: {  	_ =	shalt  }
0x63: {  	_ =	shalt  }
0x64: {  	_ =	shalt  }
0x65: {  	_ =	shalt  }
0x66: {  	_ =	shalt  }
0x67: {  	_ =	shalt  }
0x68: {  	_ =	shalt  }
0x69: {  	_ =	shalt  }
0x6a: {  	_ =	shalt  }
0x6b: {  	_ =	shalt  }
0x6c: {  	_ =	shalt  }
0x6d: {  	_ =	shalt  }
0x6e: {  	_ =	shalt  }
0x6f: {  	_ =	shalt  }
0x70: {  	_ =	shalt  }
0x71: {  	_ =	shalt  }
0x72: {  	_ =	shalt  }
0x73: {  	_ =	shalt  }
0x74: {  	_ =	shalt  }
0x75: {  	_ =	shalt  }
0x76: {  	_ =	shalt  }
0x77: {  	_ =	shalt  }
0x78: {  	_ =	shalt  }
0x79: {  	_ =	shalt  }
0x7a: {  	_ =	shalt  }
0x7b: {  	_ =	shalt  }
0x7c: {  	_ =	shalt  }
0x7d: {  	_ =	shalt  }
0x7e: {  	_ =	shalt  }
0x7f: {  	_ =	shalt  }
0x80: {  	_ =	shalt  }
0x81: {  	_ =	shalt  }
0x82: {  	_ =	shalt  }
0x83: {  	_ =	shalt  }
0x84: {  	_ =	shalt  }
0x85: {  	_ =	shalt  }
0x86: {  	_ =	shalt  }
0x87: {  	_ =	shalt  }
.Lfunc_end0:
.L_simem_size_0:
called_computation_lowered:
.L_overlay_start_0:
0x88: {  	s2 =	sld [smem:$0x3FD9]  }
0x89: {  	s3 =	sld [smem:$0x3FFE];
	_ =	sdelay $0x1  }
0x8a: {  	s1 =	srdreg.scid  }
0x8b: {  	s0 =	sand.u32 $0x1, s1  }
0x8c: {  	s17 =	sshll.u32 s0, $0xA;
	s2 =	sadd.s32 s3, s2  }
0x8d: {  	s2 =	sadd.s32 s2, s17  }
0x8e: {  	[smem:$0x3FBB] =	sst s2  }
0x8f: {  	_ = 	snop  }
0x90: {  	s2 =	sld [smem:$0x3FC9]  }
0x91: {  	s18 =	sld [smem:$0x3FC8]  }
0x92: {  	s4 =	sld [smem:$0x3FC7]  }
0x93: {  	s5 =	sld [smem:$0x3FC6]  }
0x94: {  	s6 =	sld [smem:$0x3FD0];
	(tm) =	ssettm $0x1  }
0x95: {  	s7 =	sld [smem:$0x3FFB];
	_ =	sdelay $0x3  }
0x96: {  	_ =	strace s7  }
0x97: {  	s7 =	sld [smem:$0x3FFC];
	_ =	sdelay $0x3  }
0x98: {  	_ =	strace s7  }
0x99: {  	s7 =	sld [smem:$0x3FFD];
	_ =	sdelay $0x3  }
0x9a: {  	_ =	strace s7  }
0x9b: {  	_ =	strace $0x8FFFFFFF  }
0x9c: {  	s19 =	sld [smem:$0x3FDB];
	_ =	sdelay $0x1  }
0x9d: {  	s8 =	simm.s32 $_scs_section_size  }
0x9e: {  	s9 =	simm.s32 $_size__tile_overlayer_lowered;
	s10 =	simm.s32 $_tile_overlayer_lowered  }
0x9f: {  	s22 =	simm.s32 $0x1BFF;
	s21 =	sshll.u32 s10, $0x1;
	s7 =	sadd.s32 s8, s19  }
0xa0: {  	s11 =	simm.s32 $0x0;
	s20 =	sshll.u32 s9, $0x1;
	s9 =	sadd.s32 s21, s7  }
0xa1: {  	[timem:s11], [sflag:s22] =	dma.local [hbm:s9], s20  }
0xa2: {  	_ =	swait.ge [sflag:s22], s20  }
0xa3: {  	s8 =	ssub.s32 $0x0, s20;
	[sflag:s22] =	ssyncset.done $0x0  }
0xa4: {  	[sflag:s22] =	ssyncadd.s32 s8;
	_ =	sdelay $0x1  }
0xa5: {  	s23 =	simm.s32 $0x1B8B  }
0xa6: {  	_ =	swait.ge [sflag:s23], $0x1  }
0xa7: {  	[sflag:s23] =	ssyncset.done $0x0  }
0xa8: {  	s25 =	simm.s32 $0x1B8E;
	s24 =	sld [smem:$0x3FFE];
	[sflag:s23] =	ssyncadd.s32 $0xFFFFFFFF  }
0xa9: {  	s26 =	simm.s32 $execute0_lowered;
	[smem:$0x3FD2] =	sst s25  }
0xaa: {  	s9 =	sshll.u32 s26, $0x1;
	_ =	strace $0x80000046;
	[dreg:$0x1] =	wrdreg $0xFFFFFFFF  }
0xab: {  	s28 =	simm.s32 $_size_execute0_lowered;
	s7 =	sadd.s32 s7, s9;
	[dreg:$0x0] =	wrdreg $0x0  }
0xac: {  	s9 =	sshll.u32 s28, $0x1;
	[dreg:$0x2] =	wrdreg s7  }
0xad: {  	[dreg:$0x3] =	wrdreg s9  }
0xae: {  	[dreg:$0x4] =	wrdreg $0xC0  }
0xaf: {  	_ =	task [dreg:s11], $0x5FFFF  }
0xb0: {  	[dreg:$0x1] =	wrdreg $0xFFFFFFFF  }
0xb1: {  	[dreg:$0x0] =	wrdreg $0x60  }
0xb2: {  	[dreg:$0x2] =	wrdreg s2  }
0xb3: {  	[dreg:$0x3] =	wrdreg s18  }
0xb4: {  	[dreg:$0x4] =	wrdreg s4  }
0xb5: {  	[dreg:$0x5] =	wrdreg s5  }
0xb6: {  	[dreg:$0x6] =	wrdreg s24  }
0xb7: {  	[dreg:$0x7] =	wrdreg s6  }
0xb8: {  	[dreg:$0x8] =	wrdreg $0x9  }
0xb9: {  	_ =	task.clear_ibuf [dreg:s11], $0x9FFFF;
	_ =	strace $0x90000046  }
0xba: {  	s29 =	simm.s32 $0x9;
	_ =	strace $0x80000048  }
0xbb: {  	_ =	swait.ge [sflag:s29], $0x1  }
0xbc: {  	[sflag:s29] =	ssyncadd.s32 $0xFFFFFFFF  }
0xbd: {  	_ =	strace $0x90000048  }
0xbe: {  	_ =	sfence  }
0xbf: {  	s30 =	sld [smem:$0x0];
	_ =	sdelay $0x2  }
0xc0: {  	s31 =	sshll.u32 s1, $0xD;
	s1 =	sshrl.u32 s1, $0x2  }
0xc1: {  	s3 =	sand.u32 $0x4000, s31;
	s1 =	sadd.s32 s1, s30  }
0xc2: {  	s0 =	sor.u32 s3, s0;
	s1 =	sshll.u32 s1, $0x11  }
0xc3: {  	s0 =	sor.u32 s1, s0  }
0xc4: {  	s0 =	sadd.s32 $0x8F2B, s0  }
0xc5: {  	[sflag:s0] =	ssyncadd.remote.s32 $0x1  }
0xc6: {  	_ =	sfence.sel $0xFFFF  }
0xc7: {  	[dreg:$0x0] =	wrdreg $0xFFFFFFFF;
	(pc) =	sbr.abs _section_cstart, $3  }
0xc8: {  	[dreg:$0x1] =	wrdreg $0xFFFFFFFF  }
0xc9: {  	_ =	task.clear_ibuf [dreg:s11], $0x2FFFF;
	_ =	strace $0x9FFFFFFF  }
0xca: {  	(tm) =	ssettm $0x7FFFFFFF  }
0xcb: {  	_ =	shalt  }
tec
execute0_lowered:
.L_overlay_start_1:
0x0: {  	(tag) =	ssettag $0x1  }
0x1: {  	v0 =	vimm.s32 $0xC70;
	vm14 =	vcmask $0x300  }
0x2: {  	vm13 =	vcmask $0x704;
	v0 =	vsel vm14, $0x800, v0  }
0x3: {  	vm12 =	vcmask $0xB08;
	v0 =	vsel vm13, $0x810, v0  }
0x4: {  	vm11 =	vcmask $0xF0C;
	v0 =	vsel vm12, $0x820, v0  }
0x5: {  	vm10 =	vcmask $0x1310;
	v0 =	vsel vm11, $0x830, v0  }
0x6: {  	vm9 =	vcmask $0x1714;
	v0 =	vsel vm10, $0x840, v0  }
0x7: {  	vm8 =	vcmask $0x1B18;
	v0 =	vsel vm9, $0x850, v0  }
0x8: {  	vm7 =	vcmask $0x1F1C;
	v0 =	vsel vm8, $0x860, v0  }
0x9: {  	vm6 =	vcmask $0x2320;
	v0 =	vsel vm7, $0x870, v0  }
0xa: {  	vm5 =	vcmask $0x2724;
	v0 =	vsel vm6, $0xC00, v0  }
0xb: {  	vm4 =	vcmask $0x2B28;
	v0 =	vsel vm5, $0xC10, v0  }
0xc: {  	vm3 =	vcmask $0x2F2C;
	v0 =	vsel vm4, $0xC20, v0  }
0xd: {  	vm2 =	vcmask $0x3330;
	v0 =	vsel vm3, $0xC30, v0  }
0xe: {  	vm1 =	vcmask $0x3734;
	v0 =	vsel vm2, $0xC40, v0  }
0xf: {  	v1 =	vimm.s32 $0xCF0;
	vm0 =	vcmask $0x3B38;
	v0 =	vsel vm1, $0xC50, v0  }
0x10: {  	v1 =	vsel vm14, $0x880, v1;
	v0 =	vsel vm0, $0xC60, v0  }
0x11: {  	[tilespmem:$0x1FCD0] =	vst v0;
	v0 =	vsel vm13, $0x890, v1  }
0x12: {  	v0 =	vsel vm12, $0x8A0, v0  }
0x13: {  	v1 =	vimm.s32 $0xD70;
	v0 =	vsel vm11, $0x8B0, v0  }
0x14: {  	v2 =	vimm.s32 $0xDF0;
	v1 =	vsel vm14, $0x900, v1;
	v0 =	vsel vm10, $0x8C0, v0  }
0x15: {  	v2 =	vsel vm14, $0x980, v2;
	v1 =	vsel vm13, $0x910, v1;
	v0 =	vsel vm9, $0x8D0, v0  }
0x16: {  	v2 =	vsel vm13, $0x990, v2;
	v1 =	vsel vm12, $0x920, v1;
	v0 =	vsel vm8, $0x8E0, v0  }
0x17: {  	v2 =	vsel vm12, $0x9A0, v2;
	v1 =	vsel vm11, $0x930, v1;
	v0 =	vsel vm7, $0x8F0, v0  }
0x18: {  	v2 =	vsel vm11, $0x9B0, v2;
	v1 =	vsel vm10, $0x940, v1;
	v0 =	vsel vm6, $0xC80, v0  }
0x19: {  	v2 =	vsel vm10, $0x9C0, v2;
	v1 =	vsel vm9, $0x950, v1;
	v0 =	vsel vm5, $0xC90, v0  }
0x1a: {  	v2 =	vsel vm9, $0x9D0, v2;
	v1 =	vsel vm8, $0x960, v1;
	v0 =	vsel vm4, $0xCA0, v0  }
0x1b: {  	v2 =	vsel vm8, $0x9E0, v2;
	v1 =	vsel vm7, $0x970, v1;
	v0 =	vsel vm3, $0xCB0, v0  }
0x1c: {  	v2 =	vsel vm7, $0x9F0, v2;
	v1 =	vsel vm6, $0xD00, v1;
	v0 =	vsel vm2, $0xCC0, v0  }
0x1d: {  	v2 =	vsel vm6, $0xD80, v2;
	v1 =	vsel vm5, $0xD10, v1;
	v0 =	vsel vm1, $0xCD0, v0  }
0x1e: {  	v2 =	vsel vm5, $0xD90, v2;
	v1 =	vsel vm4, $0xD20, v1;
	v0 =	vsel vm0, $0xCE0, v0  }
0x1f: {  	v2 =	vsel vm4, $0xDA0, v2;
	[tilespmem:$0x1FCE0] =	vst v0;
	v0 =	vsel vm3, $0xD30, v1  }
0x20: {  	v1 =	vsel vm3, $0xDB0, v2;
	v0 =	vsel vm2, $0xD40, v0  }
0x21: {  	v1 =	vsel vm2, $0xDC0, v1;
	v0 =	vsel vm1, $0xD50, v0  }
0x22: {  	v2 =	vimm.s32 $0xE70;
	v1 =	vsel vm1, $0xDD0, v1;
	v0 =	vsel vm0, $0xD60, v0  }
0x23: {  	v2 =	vsel vm14, $0xA00, v2;
	[tilespmem:$0x1FCF0] =	vst v0;
	v0 =	vsel vm0, $0xDE0, v1  }
0x24: {  	[tilespmem:$0x1FD00] =	vst v0;
	v0 =	vsel vm13, $0xA10, v2  }
0x25: {  	v0 =	vsel vm12, $0xA20, v0  }
0x26: {  	v1 =	vimm.s32 $0xEF0;
	v0 =	vsel vm11, $0xA30, v0  }
0x27: {  	v2 =	vimm.s32 $0xF70;
	v1 =	vsel vm14, $0xA80, v1;
	v0 =	vsel vm10, $0xA40, v0  }
0x28: {  	v2 =	vsel vm14, $0xB00, v2;
	v1 =	vsel vm13, $0xA90, v1;
	v0 =	vsel vm9, $0xA50, v0  }
0x29: {  	v2 =	vsel vm13, $0xB10, v2;
	v1 =	vsel vm12, $0xAA0, v1;
	v0 =	vsel vm8, $0xA60, v0  }
0x2a: {  	v2 =	vsel vm12, $0xB20, v2;
	v1 =	vsel vm11, $0xAB0, v1;
	v0 =	vsel vm7, $0xA70, v0  }
0x2b: {  	v2 =	vsel vm11, $0xB30, v2;
	v1 =	vsel vm10, $0xAC0, v1;
	v0 =	vsel vm6, $0xE00, v0  }
0x2c: {  	v2 =	vsel vm10, $0xB40, v2;
	v1 =	vsel vm9, $0xAD0, v1;
	v0 =	vsel vm5, $0xE10, v0  }
0x2d: {  	v2 =	vsel vm9, $0xB50, v2;
	v1 =	vsel vm8, $0xAE0, v1;
	v0 =	vsel vm4, $0xE20, v0  }
0x2e: {  	v2 =	vsel vm8, $0xB60, v2;
	v1 =	vsel vm7, $0xAF0, v1;
	v0 =	vsel vm3, $0xE30, v0  }
0x2f: {  	v2 =	vsel vm7, $0xB70, v2;
	v1 =	vsel vm6, $0xE80, v1;
	v0 =	vsel vm2, $0xE40, v0  }
0x30: {  	v2 =	vsel vm6, $0xF00, v2;
	v1 =	vsel vm5, $0xE90, v1;
	v0 =	vsel vm1, $0xE50, v0  }
0x31: {  	v2 =	vsel vm5, $0xF10, v2;
	v1 =	vsel vm4, $0xEA0, v1;
	v0 =	vsel vm0, $0xE60, v0  }
0x32: {  	v2 =	vsel vm4, $0xF20, v2;
	[tilespmem:$0x1FD10] =	vst v0;
	v0 =	vsel vm3, $0xEB0, v1  }
0x33: {  	v1 =	vsel vm3, $0xF30, v2;
	v0 =	vsel vm2, $0xEC0, v0  }
0x34: {  	v1 =	vsel vm2, $0xF40, v1;
	v0 =	vsel vm1, $0xED0, v0  }
0x35: {  	v2 =	vimm.s32 $0xFF0;
	v1 =	vsel vm1, $0xF50, v1;
	v0 =	vsel vm0, $0xEE0, v0  }
0x36: {  	v2 =	vsel vm14, $0xB80, v2;
	[tilespmem:$0x1FD20] =	vst v0;
	v0 =	vsel vm0, $0xF60, v1  }
0x37: {  	[tilespmem:$0x1FD30] =	vst v0;
	v0 =	vsel vm13, $0xB90, v2  }
0x38: {  	v0 =	vsel vm12, $0xBA0, v0  }
0x39: {  	v1 =	vimm.s32 $0x1C70;
	v0 =	vsel vm11, $0xBB0, v0  }
0x3a: {  	v2 =	vimm.s32 $0x1CF0;
	v1 =	vsel vm14, $0x1800, v1;
	v0 =	vsel vm10, $0xBC0, v0  }
0x3b: {  	v2 =	vsel vm14, $0x1880, v2;
	v1 =	vsel vm13, $0x1810, v1;
	v0 =	vsel vm9, $0xBD0, v0  }
0x3c: {  	v2 =	vsel vm13, $0x1890, v2;
	v1 =	vsel vm12, $0x1820, v1;
	v0 =	vsel vm8, $0xBE0, v0  }
0x3d: {  	v2 =	vsel vm12, $0x18A0, v2;
	v1 =	vsel vm11, $0x1830, v1;
	v0 =	vsel vm7, $0xBF0, v0  }
0x3e: {  	v2 =	vsel vm11, $0x18B0, v2;
	v1 =	vsel vm10, $0x1840, v1;
	v0 =	vsel vm6, $0xF80, v0  }
0x3f: {  	v2 =	vsel vm10, $0x18C0, v2;
	v1 =	vsel vm9, $0x1850, v1;
	v0 =	vsel vm5, $0xF90, v0  }
0x40: {  	v2 =	vsel vm9, $0x18D0, v2;
	v1 =	vsel vm8, $0x1860, v1;
	v0 =	vsel vm4, $0xFA0, v0  }
0x41: {  	v2 =	vsel vm8, $0x18E0, v2;
	v1 =	vsel vm7, $0x1870, v1;
	v0 =	vsel vm3, $0xFB0, v0  }
0x42: {  	v2 =	vsel vm7, $0x18F0, v2;
	v1 =	vsel vm6, $0x1C00, v1;
	v0 =	vsel vm2, $0xFC0, v0  }
0x43: {  	v2 =	vsel vm6, $0x1C80, v2;
	v1 =	vsel vm5, $0x1C10, v1;
	v0 =	vsel vm1, $0xFD0, v0  }
0x44: {  	v2 =	vsel vm5, $0x1C90, v2;
	v1 =	vsel vm4, $0x1C20, v1;
	v0 =	vsel vm0, $0xFE0, v0  }
0x45: {  	v2 =	vsel vm4, $0x1CA0, v2;
	[tilespmem:$0x1FD40] =	vst v0;
	v0 =	vsel vm3, $0x1C30, v1  }
0x46: {  	v1 =	vsel vm3, $0x1CB0, v2;
	v0 =	vsel vm2, $0x1C40, v0  }
0x47: {  	v1 =	vsel vm2, $0x1CC0, v1;
	v0 =	vsel vm1, $0x1C50, v0  }
0x48: {  	v2 =	vimm.s32 $0x1D70;
	v1 =	vsel vm1, $0x1CD0, v1;
	v0 =	vsel vm0, $0x1C60, v0  }
0x49: {  	v2 =	vsel vm14, $0x1900, v2;
	[tilespmem:$0x1FD50] =	vst v0;
	v0 =	vsel vm0, $0x1CE0, v1  }
0x4a: {  	[tilespmem:$0x1FD60] =	vst v0;
	v0 =	vsel vm13, $0x1910, v2  }
0x4b: {  	v0 =	vsel vm12, $0x1920, v0  }
0x4c: {  	v1 =	vimm.s32 $0x1DF0;
	v2 =	vimm.s32 $0x1E70;
	v0 =	vsel vm11, $0x1930, v0  }
0x4d: {  	v1 =	vsel vm14, $0x1980, v1;
	v2 =	vsel vm14, $0x1A00, v2;
	v0 =	vsel vm10, $0x1940, v0  }
0x4e: {  	v1 =	vsel vm13, $0x1990, v1;
	v2 =	vsel vm13, $0x1A10, v2;
	v0 =	vsel vm9, $0x1950, v0  }
0x4f: {  	v1 =	vsel vm12, $0x19A0, v1;
	v2 =	vsel vm12, $0x1A20, v2;
	v0 =	vsel vm8, $0x1960, v0  }
0x50: {  	v1 =	vsel vm11, $0x19B0, v1;
	v2 =	vsel vm11, $0x1A30, v2;
	v0 =	vsel vm7, $0x1970, v0  }
0x51: {  	v1 =	vsel vm10, $0x19C0, v1;
	v2 =	vsel vm10, $0x1A40, v2;
	v0 =	vsel vm6, $0x1D00, v0  }
0x52: {  	v1 =	vsel vm9, $0x19D0, v1;
	v2 =	vsel vm9, $0x1A50, v2;
	v0 =	vsel vm5, $0x1D10, v0  }
0x53: {  	v1 =	vsel vm8, $0x19E0, v1;
	v2 =	vsel vm8, $0x1A60, v2;
	v0 =	vsel vm4, $0x1D20, v0  }
0x54: {  	v1 =	vsel vm7, $0x19F0, v1;
	v2 =	vsel vm7, $0x1A70, v2;
	v0 =	vsel vm3, $0x1D30, v0  }
0x55: {  	v1 =	vsel vm6, $0x1D80, v1;
	v2 =	vsel vm6, $0x1E00, v2;
	v0 =	vsel vm2, $0x1D40, v0  }
0x56: {  	v1 =	vsel vm5, $0x1D90, v1;
	v2 =	vsel vm5, $0x1E10, v2;
	v0 =	vsel vm1, $0x1D50, v0  }
0x57: {  	v1 =	vsel vm4, $0x1DA0, v1;
	v2 =	vsel vm4, $0x1E20, v2;
	v0 =	vsel vm0, $0x1D60, v0  }
0x58: {  	v61 =	vlaneseq.u32;
	[tilespmem:$0x1FD70] =	vst v0;
	v0 =	vsel vm3, $0x1DB0, v1;
	v1 =	vsel vm3, $0x1E30, v2  }
0x59: {  	v2 =	vimm.s32 $0x1EF0;
	v0 =	vsel vm2, $0x1DC0, v0;
	v1 =	vsel vm2, $0x1E40, v1  }
0x5a: {  	v2 =	vsel vm14, $0x1A80, v2;
	v0 =	vsel vm1, $0x1DD0, v0;
	v1 =	vsel vm1, $0x1E50, v1  }
0x5b: {  	v11 =	vsel vm0, $0x1DE0, v0;
	v12 =	vsel vm0, $0x1E60, v1;
	v0 =	vsel vm13, $0x1A90, v2  }
0x5c: {  	v1 =	vimm.s32 $0x1F70;
	v2 =	vimm.s32 $0x1FF0;
	v0 =	vsel vm12, $0x1AA0, v0  }
0x5d: {  	v1 =	vsel vm14, $0x1B00, v1;
	v2 =	vsel vm14, $0x1B80, v2;
	v0 =	vsel vm11, $0x1AB0, v0  }
0x5e: {  	v1 =	vsel vm13, $0x1B10, v1;
	v2 =	vsel vm13, $0x1B90, v2;
	v0 =	vsel vm10, $0x1AC0, v0  }
0x5f: {  	v1 =	vsel vm12, $0x1B20, v1;
	v2 =	vsel vm12, $0x1BA0, v2;
	v0 =	vsel vm9, $0x1AD0, v0  }
0x60: {  	v1 =	vsel vm11, $0x1B30, v1;
	v2 =	vsel vm11, $0x1BB0, v2;
	v0 =	vsel vm8, $0x1AE0, v0  }
0x61: {  	v1 =	vsel vm10, $0x1B40, v1;
	v2 =	vsel vm10, $0x1BC0, v2;
	v0 =	vsel vm7, $0x1AF0, v0  }
0x62: {  	v1 =	vsel vm9, $0x1B50, v1;
	v2 =	vsel vm9, $0x1BD0, v2;
	v0 =	vsel vm6, $0x1E80, v0  }
0x63: {  	v1 =	vsel vm8, $0x1B60, v1;
	v2 =	vsel vm8, $0x1BE0, v2;
	v0 =	vsel vm5, $0x1E90, v0  }
0x64: {  	v1 =	vsel vm7, $0x1B70, v1;
	v2 =	vsel vm7, $0x1BF0, v2;
	v0 =	vsel vm4, $0x1EA0, v0  }
0x65: {  	v1 =	vsel vm6, $0x1F00, v1;
	v2 =	vsel vm6, $0x1F80, v2;
	v0 =	vsel vm3, $0x1EB0, v0  }
0x66: {  	v1 =	vsel vm5, $0x1F10, v1;
	v2 =	vsel vm5, $0x1F90, v2;
	v0 =	vsel vm2, $0x1EC0, v0  }
0x67: {  	v1 =	vsel vm4, $0x1F20, v1;
	v2 =	vsel vm4, $0x1FA0, v2;
	v0 =	vsel vm1, $0x1ED0, v0  }
0x68: {  	v13 =	vsel vm0, $0x1EE0, v0;
	v0 =	vsel vm3, $0x1F30, v1;
	v1 =	vsel vm3, $0x1FB0, v2  }
0x69: {  	v2 =	vimm.s32 $0x2C70;
	v0 =	vsel vm2, $0x1F40, v0;
	v1 =	vsel vm2, $0x1FC0, v1  }
0x6a: {  	v2 =	vsel vm14, $0x2800, v2;
	v0 =	vsel vm1, $0x1F50, v0;
	v1 =	vsel vm1, $0x1FD0, v1  }
0x6b: {  	v14 =	vsel vm0, $0x1F60, v0;
	v15 =	vsel vm0, $0x1FE0, v1;
	v0 =	vsel vm13, $0x2810, v2  }
0x6c: {  	v1 =	vimm.s32 $0x2CF0;
	v2 =	vimm.s32 $0x2D70;
	v0 =	vsel vm12, $0x2820, v0  }
0x6d: {  	v1 =	vsel vm14, $0x2880, v1;
	v2 =	vsel vm14, $0x2900, v2;
	v0 =	vsel vm11, $0x2830, v0  }
0x6e: {  	v1 =	vsel vm13, $0x2890, v1;
	v2 =	vsel vm13, $0x2910, v2;
	v0 =	vsel vm10, $0x2840, v0  }
0x6f: {  	v1 =	vsel vm12, $0x28A0, v1;
	v2 =	vsel vm12, $0x2920, v2;
	v0 =	vsel vm9, $0x2850, v0  }
0x70: {  	v1 =	vsel vm11, $0x28B0, v1;
	v2 =	vsel vm11, $0x2930, v2;
	v0 =	vsel vm8, $0x2860, v0  }
0x71: {  	v1 =	vsel vm10, $0x28C0, v1;
	v2 =	vsel vm10, $0x2940, v2;
	v0 =	vsel vm7, $0x2870, v0  }
0x72: {  	v1 =	vsel vm9, $0x28D0, v1;
	v2 =	vsel vm9, $0x2950, v2;
	v0 =	vsel vm6, $0x2C00, v0  }
0x73: {  	v1 =	vsel vm8, $0x28E0, v1;
	v2 =	vsel vm8, $0x2960, v2;
	v0 =	vsel vm5, $0x2C10, v0  }
0x74: {  	v1 =	vsel vm7, $0x28F0, v1;
	v2 =	vsel vm7, $0x2970, v2;
	v0 =	vsel vm4, $0x2C20, v0  }
0x75: {  	v1 =	vsel vm6, $0x2C80, v1;
	v2 =	vsel vm6, $0x2D00, v2;
	v0 =	vsel vm3, $0x2C30, v0  }
0x76: {  	v1 =	vsel vm5, $0x2C90, v1;
	v2 =	vsel vm5, $0x2D10, v2;
	v0 =	vsel vm2, $0x2C40, v0  }
0x77: {  	v1 =	vsel vm4, $0x2CA0, v1;
	v2 =	vsel vm4, $0x2D20, v2;
	v0 =	vsel vm1, $0x2C50, v0  }
0x78: {  	v16 =	vsel vm0, $0x2C60, v0;
	v0 =	vsel vm3, $0x2CB0, v1;
	v1 =	vsel vm3, $0x2D30, v2  }
0x79: {  	v2 =	vimm.s32 $0x2DF0;
	v0 =	vsel vm2, $0x2CC0, v0;
	v1 =	vsel vm2, $0x2D40, v1  }
0x7a: {  	v2 =	vsel vm14, $0x2980, v2;
	v0 =	vsel vm1, $0x2CD0, v0;
	v1 =	vsel vm1, $0x2D50, v1  }
0x7b: {  	v17 =	vsel vm0, $0x2CE0, v0;
	v18 =	vsel vm0, $0x2D60, v1;
	v0 =	vsel vm13, $0x2990, v2  }
0x7c: {  	v1 =	vimm.s32 $0x2E70;
	v2 =	vimm.s32 $0x2EF0;
	v0 =	vsel vm12, $0x29A0, v0  }
0x7d: {  	v1 =	vsel vm14, $0x2A00, v1;
	v2 =	vsel vm14, $0x2A80, v2;
	v0 =	vsel vm11, $0x29B0, v0  }
0x7e: {  	v1 =	vsel vm13, $0x2A10, v1;
	v2 =	vsel vm13, $0x2A90, v2;
	v0 =	vsel vm10, $0x29C0, v0  }
0x7f: {  	v1 =	vsel vm12, $0x2A20, v1;
	v2 =	vsel vm12, $0x2AA0, v2;
	v0 =	vsel vm9, $0x29D0, v0  }
0x80: {  	v1 =	vsel vm11, $0x2A30, v1;
	v2 =	vsel vm11, $0x2AB0, v2;
	v0 =	vsel vm8, $0x29E0, v0  }
0x81: {  	v1 =	vsel vm10, $0x2A40, v1;
	v2 =	vsel vm10, $0x2AC0, v2;
	v0 =	vsel vm7, $0x29F0, v0  }
0x82: {  	v1 =	vsel vm9, $0x2A50, v1;
	v2 =	vsel vm9, $0x2AD0, v2;
	v0 =	vsel vm6, $0x2D80, v0  }
0x83: {  	v1 =	vsel vm8, $0x2A60, v1;
	v2 =	vsel vm8, $0x2AE0, v2;
	v0 =	vsel vm5, $0x2D90, v0  }
0x84: {  	v1 =	vsel vm7, $0x2A70, v1;
	v2 =	vsel vm7, $0x2AF0, v2;
	v0 =	vsel vm4, $0x2DA0, v0  }
0x85: {  	v1 =	vsel vm6, $0x2E00, v1;
	v2 =	vsel vm6, $0x2E80, v2;
	v0 =	vsel vm3, $0x2DB0, v0  }
0x86: {  	v1 =	vsel vm5, $0x2E10, v1;
	v2 =	vsel vm5, $0x2E90, v2;
	v0 =	vsel vm2, $0x2DC0, v0  }
0x87: {  	v1 =	vsel vm4, $0x2E20, v1;
	v2 =	vsel vm4, $0x2EA0, v2;
	v0 =	vsel vm1, $0x2DD0, v0  }
0x88: {  	v19 =	vsel vm0, $0x2DE0, v0;
	v0 =	vsel vm3, $0x2E30, v1;
	v1 =	vsel vm3, $0x2EB0, v2  }
0x89: {  	v2 =	vimm.s32 $0x2F70;
	v0 =	vsel vm2, $0x2E40, v0;
	v1 =	vsel vm2, $0x2EC0, v1  }
0x8a: {  	v2 =	vsel vm14, $0x2B00, v2;
	v0 =	vsel vm1, $0x2E50, v0;
	v1 =	vsel vm1, $0x2ED0, v1  }
0x8b: {  	v20 =	vsel vm0, $0x2E60, v0;
	v21 =	vsel vm0, $0x2EE0, v1;
	v0 =	vsel vm13, $0x2B10, v2  }
0x8c: {  	v1 =	vimm.s32 $0x2FF0;
	v2 =	vimm.s32 $0x3C70;
	v0 =	vsel vm12, $0x2B20, v0  }
0x8d: {  	v1 =	vsel vm14, $0x2B80, v1;
	v2 =	vsel vm14, $0x3800, v2;
	v0 =	vsel vm11, $0x2B30, v0  }
0x8e: {  	v1 =	vsel vm13, $0x2B90, v1;
	v2 =	vsel vm13, $0x3810, v2;
	v0 =	vsel vm10, $0x2B40, v0  }
0x8f: {  	v1 =	vsel vm12, $0x2BA0, v1;
	v2 =	vsel vm12, $0x3820, v2;
	v0 =	vsel vm9, $0x2B50, v0  }
0x90: {  	v1 =	vsel vm11, $0x2BB0, v1;
	v2 =	vsel vm11, $0x3830, v2;
	v0 =	vsel vm8, $0x2B60, v0  }
0x91: {  	v1 =	vsel vm10, $0x2BC0, v1;
	v2 =	vsel vm10, $0x3840, v2;
	v0 =	vsel vm7, $0x2B70, v0  }
0x92: {  	v1 =	vsel vm9, $0x2BD0, v1;
	v2 =	vsel vm9, $0x3850, v2;
	v0 =	vsel vm6, $0x2F00, v0  }
0x93: {  	v1 =	vsel vm8, $0x2BE0, v1;
	v2 =	vsel vm8, $0x3860, v2;
	v0 =	vsel vm5, $0x2F10, v0  }
0x94: {  	v1 =	vsel vm7, $0x2BF0, v1;
	v2 =	vsel vm7, $0x3870, v2;
	v0 =	vsel vm4, $0x2F20, v0  }
0x95: {  	v1 =	vsel vm6, $0x2F80, v1;
	v2 =	vsel vm6, $0x3C00, v2;
	v0 =	vsel vm3, $0x2F30, v0  }
0x96: {  	v1 =	vsel vm5, $0x2F90, v1;
	v2 =	vsel vm5, $0x3C10, v2;
	v0 =	vsel vm2, $0x2F40, v0  }
0x97: {  	v1 =	vsel vm4, $0x2FA0, v1;
	v2 =	vsel vm4, $0x3C20, v2;
	v0 =	vsel vm1, $0x2F50, v0  }
0x98: {  	v22 =	vsel vm0, $0x2F60, v0;
	v0 =	vsel vm3, $0x2FB0, v1;
	v1 =	vsel vm3, $0x3C30, v2  }
0x99: {  	v2 =	vimm.s32 $0x3CF0;
	v0 =	vsel vm2, $0x2FC0, v0;
	v1 =	vsel vm2, $0x3C40, v1  }
0x9a: {  	v2 =	vsel vm14, $0x3880, v2;
	v0 =	vsel vm1, $0x2FD0, v0;
	v1 =	vsel vm1, $0x3C50, v1  }
0x9b: {  	v23 =	vsel vm0, $0x2FE0, v0;
	v24 =	vsel vm0, $0x3C60, v1;
	v0 =	vsel vm13, $0x3890, v2  }
0x9c: {  	v1 =	vimm.s32 $0x3D70;
	v2 =	vimm.s32 $0x3DF0;
	v0 =	vsel vm12, $0x38A0, v0  }
0x9d: {  	v1 =	vsel vm14, $0x3900, v1;
	v2 =	vsel vm14, $0x3980, v2;
	v0 =	vsel vm11, $0x38B0, v0  }
0x9e: {  	v1 =	vsel vm13, $0x3910, v1;
	v2 =	vsel vm13, $0x3990, v2;
	v0 =	vsel vm10, $0x38C0, v0  }
0x9f: {  	v1 =	vsel vm12, $0x3920, v1;
	v2 =	vsel vm12, $0x39A0, v2;
	v0 =	vsel vm9, $0x38D0, v0  }
0xa0: {  	v1 =	vsel vm11, $0x3930, v1;
	v2 =	vsel vm11, $0x39B0, v2;
	v0 =	vsel vm8, $0x38E0, v0  }
0xa1: {  	v1 =	vsel vm10, $0x3940, v1;
	v2 =	vsel vm10, $0x39C0, v2;
	v0 =	vsel vm7, $0x38F0, v0  }
0xa2: {  	v1 =	vsel vm9, $0x3950, v1;
	v2 =	vsel vm9, $0x39D0, v2;
	v0 =	vsel vm6, $0x3C80, v0  }
0xa3: {  	v1 =	vsel vm8, $0x3960, v1;
	v2 =	vsel vm8, $0x39E0, v2;
	v0 =	vsel vm5, $0x3C90, v0  }
0xa4: {  	v1 =	vsel vm7, $0x3970, v1;
	v2 =	vsel vm7, $0x39F0, v2;
	v0 =	vsel vm4, $0x3CA0, v0  }
0xa5: {  	v1 =	vsel vm6, $0x3D00, v1;
	v2 =	vsel vm6, $0x3D80, v2;
	v0 =	vsel vm3, $0x3CB0, v0  }
0xa6: {  	v1 =	vsel vm5, $0x3D10, v1;
	v2 =	vsel vm5, $0x3D90, v2;
	v0 =	vsel vm2, $0x3CC0, v0  }
0xa7: {  	v1 =	vsel vm4, $0x3D20, v1;
	v2 =	vsel vm4, $0x3DA0, v2;
	v0 =	vsel vm1, $0x3CD0, v0  }
0xa8: {  	v25 =	vsel vm0, $0x3CE0, v0;
	v0 =	vsel vm3, $0x3D30, v1;
	v1 =	vsel vm3, $0x3DB0, v2  }
0xa9: {  	v2 =	vimm.s32 $0x3E70;
	v0 =	vsel vm2, $0x3D40, v0;
	v1 =	vsel vm2, $0x3DC0, v1  }
0xaa: {  	v2 =	vsel vm14, $0x3A00, v2;
	v0 =	vsel vm1, $0x3D50, v0;
	v1 =	vsel vm1, $0x3DD0, v1  }
0xab: {  	v26 =	vsel vm0, $0x3D60, v0;
	v27 =	vsel vm0, $0x3DE0, v1;
	v0 =	vsel vm13, $0x3A10, v2  }
0xac: {  	v1 =	vimm.s32 $0x3EF0;
	v2 =	vimm.s32 $0x3F70;
	v0 =	vsel vm12, $0x3A20, v0  }
0xad: {  	v1 =	vsel vm14, $0x3A80, v1;
	v2 =	vsel vm14, $0x3B00, v2;
	v0 =	vsel vm11, $0x3A30, v0  }
0xae: {  	v1 =	vsel vm13, $0x3A90, v1;
	v2 =	vsel vm13, $0x3B10, v2;
	v0 =	vsel vm10, $0x3A40, v0  }
0xaf: {  	v1 =	vsel vm12, $0x3AA0, v1;
	v2 =	vsel vm12, $0x3B20, v2;
	v0 =	vsel vm9, $0x3A50, v0  }
0xb0: {  	v1 =	vsel vm11, $0x3AB0, v1;
	v2 =	vsel vm11, $0x3B30, v2;
	v0 =	vsel vm8, $0x3A60, v0  }
0xb1: {  	v1 =	vsel vm10, $0x3AC0, v1;
	v2 =	vsel vm10, $0x3B40, v2;
	v0 =	vsel vm7, $0x3A70, v0  }
0xb2: {  	v1 =	vsel vm9, $0x3AD0, v1;
	v2 =	vsel vm9, $0x3B50, v2;
	v0 =	vsel vm6, $0x3E00, v0  }
0xb3: {  	v1 =	vsel vm8, $0x3AE0, v1;
	v2 =	vsel vm8, $0x3B60, v2;
	v0 =	vsel vm5, $0x3E10, v0  }
0xb4: {  	v1 =	vsel vm7, $0x3AF0, v1;
	v2 =	vsel vm7, $0x3B70, v2;
	v0 =	vsel vm4, $0x3E20, v0  }
0xb5: {  	v1 =	vsel vm6, $0x3E80, v1;
	v2 =	vsel vm6, $0x3F00, v2;
	v0 =	vsel vm3, $0x3E30, v0  }
0xb6: {  	v1 =	vsel vm5, $0x3E90, v1;
	v2 =	vsel vm5, $0x3F10, v2;
	v0 =	vsel vm2, $0x3E40, v0  }
0xb7: {  	v1 =	vsel vm4, $0x3EA0, v1;
	v2 =	vsel vm4, $0x3F20, v2;
	v0 =	vsel vm1, $0x3E50, v0  }
0xb8: {  	v28 =	vsel vm0, $0x3E60, v0;
	v0 =	vsel vm3, $0x3EB0, v1;
	v1 =	vsel vm3, $0x3F30, v2  }
0xb9: {  	v2 =	vimm.s32 $0x3FF0;
	v0 =	vsel vm2, $0x3EC0, v0;
	v1 =	vsel vm2, $0x3F40, v1  }
0xba: {  	v2 =	vsel vm14, $0x3B80, v2;
	v0 =	vsel vm1, $0x3ED0, v0;
	v1 =	vsel vm1, $0x3F50, v1  }
0xbb: {  	v29 =	vsel vm0, $0x3EE0, v0;
	v30 =	vsel vm0, $0x3F60, v1;
	v0 =	vsel vm13, $0x3B90, v2  }
0xbc: {  	v1 =	vimm.s32 $0x4C70;
	v2 =	vimm.s32 $0x4CF0;
	v0 =	vsel vm12, $0x3BA0, v0  }
0xbd: {  	v1 =	vsel vm14, $0x4800, v1;
	v2 =	vsel vm14, $0x4880, v2;
	v0 =	vsel vm11, $0x3BB0, v0  }
0xbe: {  	v1 =	vsel vm13, $0x4810, v1;
	v2 =	vsel vm13, $0x4890, v2;
	v0 =	vsel vm10, $0x3BC0, v0  }
0xbf: {  	v1 =	vsel vm12, $0x4820, v1;
	v2 =	vsel vm12, $0x48A0, v2;
	v0 =	vsel vm9, $0x3BD0, v0  }
0xc0: {  	v1 =	vsel vm11, $0x4830, v1;
	v2 =	vsel vm11, $0x48B0, v2;
	v0 =	vsel vm8, $0x3BE0, v0  }
0xc1: {  	v1 =	vsel vm10, $0x4840, v1;
	v2 =	vsel vm10, $0x48C0, v2;
	v0 =	vsel vm7, $0x3BF0, v0  }
0xc2: {  	v1 =	vsel vm9, $0x4850, v1;
	v2 =	vsel vm9, $0x48D0, v2;
	v0 =	vsel vm6, $0x3F80, v0  }
0xc3: {  	v1 =	vsel vm8, $0x4860, v1;
	v2 =	vsel vm8, $0x48E0, v2;
	v0 =	vsel vm5, $0x3F90, v0  }
0xc4: {  	v1 =	vsel vm7, $0x4870, v1;
	v2 =	vsel vm7, $0x48F0, v2;
	v0 =	vsel vm4, $0x3FA0, v0  }
0xc5: {  	v1 =	vsel vm6, $0x4C00, v1;
	v2 =	vsel vm6, $0x4C80, v2;
	v0 =	vsel vm3, $0x3FB0, v0  }
0xc6: {  	v1 =	vsel vm5, $0x4C10, v1;
	v2 =	vsel vm5, $0x4C90, v2;
	v0 =	vsel vm2, $0x3FC0, v0  }
0xc7: {  	v1 =	vsel vm4, $0x4C20, v1;
	v2 =	vsel vm4, $0x4CA0, v2;
	v0 =	vsel vm1, $0x3FD0, v0  }
0xc8: {  	v31 =	vsel vm0, $0x3FE0, v0;
	v0 =	vsel vm3, $0x4C30, v1;
	v1 =	vsel vm3, $0x4CB0, v2  }
0xc9: {  	v2 =	vimm.s32 $0x4D70;
	v0 =	vsel vm2, $0x4C40, v0;
	v1 =	vsel vm2, $0x4CC0, v1  }
0xca: {  	v2 =	vsel vm14, $0x4900, v2;
	v0 =	vsel vm1, $0x4C50, v0;
	v1 =	vsel vm1, $0x4CD0, v1  }
0xcb: {  	v32 =	vsel vm0, $0x4C60, v0;
	v33 =	vsel vm0, $0x4CE0, v1;
	v0 =	vsel vm13, $0x4910, v2  }
0xcc: {  	v1 =	vimm.s32 $0x4DF0;
	v2 =	vimm.s32 $0x4E70;
	v0 =	vsel vm12, $0x4920, v0  }
0xcd: {  	v1 =	vsel vm14, $0x4980, v1;
	v2 =	vsel vm14, $0x4A00, v2;
	v0 =	vsel vm11, $0x4930, v0  }
0xce: {  	v1 =	vsel vm13, $0x4990, v1;
	v2 =	vsel vm13, $0x4A10, v2;
	v0 =	vsel vm10, $0x4940, v0  }
0xcf: {  	v1 =	vsel vm12, $0x49A0, v1;
	v2 =	vsel vm12, $0x4A20, v2;
	v0 =	vsel vm9, $0x4950, v0  }
0xd0: {  	v1 =	vsel vm11, $0x49B0, v1;
	v2 =	vsel vm11, $0x4A30, v2;
	v0 =	vsel vm8, $0x4960, v0  }
0xd1: {  	v1 =	vsel vm10, $0x49C0, v1;
	v2 =	vsel vm10, $0x4A40, v2;
	v0 =	vsel vm7, $0x4970, v0  }
0xd2: {  	v1 =	vsel vm9, $0x49D0, v1;
	v2 =	vsel vm9, $0x4A50, v2;
	v0 =	vsel vm6, $0x4D00, v0  }
0xd3: {  	v1 =	vsel vm8, $0x49E0, v1;
	v2 =	vsel vm8, $0x4A60, v2;
	v0 =	vsel vm5, $0x4D10, v0  }
0xd4: {  	v1 =	vsel vm7, $0x49F0, v1;
	v2 =	vsel vm7, $0x4A70, v2;
	v0 =	vsel vm4, $0x4D20, v0  }
0xd5: {  	v1 =	vsel vm6, $0x4D80, v1;
	v2 =	vsel vm6, $0x4E00, v2;
	v0 =	vsel vm3, $0x4D30, v0  }
0xd6: {  	v1 =	vsel vm5, $0x4D90, v1;
	v2 =	vsel vm5, $0x4E10, v2;
	v0 =	vsel vm2, $0x4D40, v0  }
0xd7: {  	v1 =	vsel vm4, $0x4DA0, v1;
	v2 =	vsel vm4, $0x4E20, v2;
	v0 =	vsel vm1, $0x4D50, v0  }
0xd8: {  	v34 =	vsel vm0, $0x4D60, v0;
	v0 =	vsel vm3, $0x4DB0, v1;
	v1 =	vsel vm3, $0x4E30, v2  }
0xd9: {  	v2 =	vimm.s32 $0x4EF0;
	v0 =	vsel vm2, $0x4DC0, v0;
	v1 =	vsel vm2, $0x4E40, v1  }
0xda: {  	v2 =	vsel vm14, $0x4A80, v2;
	v0 =	vsel vm1, $0x4DD0, v0;
	v1 =	vsel vm1, $0x4E50, v1  }
0xdb: {  	v35 =	vsel vm0, $0x4DE0, v0;
	v36 =	vsel vm0, $0x4E60, v1;
	v0 =	vsel vm13, $0x4A90, v2  }
0xdc: {  	v1 =	vimm.s32 $0x4F70;
	v2 =	vimm.s32 $0x4FF0;
	v0 =	vsel vm12, $0x4AA0, v0  }
0xdd: {  	v1 =	vsel vm14, $0x4B00, v1;
	v2 =	vsel vm14, $0x4B80, v2;
	v0 =	vsel vm11, $0x4AB0, v0  }
0xde: {  	v1 =	vsel vm13, $0x4B10, v1;
	v2 =	vsel vm13, $0x4B90, v2;
	v0 =	vsel vm10, $0x4AC0, v0  }
0xdf: {  	v1 =	vsel vm12, $0x4B20, v1;
	v2 =	vsel vm12, $0x4BA0, v2;
	v0 =	vsel vm9, $0x4AD0, v0  }
0xe0: {  	v1 =	vsel vm11, $0x4B30, v1;
	v2 =	vsel vm11, $0x4BB0, v2;
	v0 =	vsel vm8, $0x4AE0, v0  }
0xe1: {  	v1 =	vsel vm10, $0x4B40, v1;
	v2 =	vsel vm10, $0x4BC0, v2;
	v0 =	vsel vm7, $0x4AF0, v0  }
0xe2: {  	v1 =	vsel vm9, $0x4B50, v1;
	v2 =	vsel vm9, $0x4BD0, v2;
	v0 =	vsel vm6, $0x4E80, v0  }
0xe3: {  	v1 =	vsel vm8, $0x4B60, v1;
	v2 =	vsel vm8, $0x4BE0, v2;
	v0 =	vsel vm5, $0x4E90, v0  }
0xe4: {  	v1 =	vsel vm7, $0x4B70, v1;
	v2 =	vsel vm7, $0x4BF0, v2;
	v0 =	vsel vm4, $0x4EA0, v0  }
0xe5: {  	v1 =	vsel vm6, $0x4F00, v1;
	v2 =	vsel vm6, $0x4F80, v2;
	v0 =	vsel vm3, $0x4EB0, v0  }
0xe6: {  	v1 =	vsel vm5, $0x4F10, v1;
	v2 =	vsel vm5, $0x4F90, v2;
	v0 =	vsel vm2, $0x4EC0, v0  }
0xe7: {  	v1 =	vsel vm4, $0x4F20, v1;
	v2 =	vsel vm4, $0x4FA0, v2;
	v0 =	vsel vm1, $0x4ED0, v0  }
0xe8: {  	v37 =	vsel vm0, $0x4EE0, v0;
	v0 =	vsel vm3, $0x4F30, v1;
	v1 =	vsel vm3, $0x4FB0, v2  }
0xe9: {  	v2 =	vimm.s32 $0x5C70;
	v0 =	vsel vm2, $0x4F40, v0;
	v1 =	vsel vm2, $0x4FC0, v1  }
0xea: {  	v2 =	vsel vm14, $0x5800, v2;
	v0 =	vsel vm1, $0x4F50, v0;
	v1 =	vsel vm1, $0x4FD0, v1  }
0xeb: {  	v38 =	vsel vm0, $0x4F60, v0;
	v39 =	vsel vm0, $0x4FE0, v1;
	v0 =	vsel vm13, $0x5810, v2  }
0xec: {  	v1 =	vimm.s32 $0x5CF0;
	v2 =	vimm.s32 $0x5D70;
	v0 =	vsel vm12, $0x5820, v0  }
0xed: {  	v1 =	vsel vm14, $0x5880, v1;
	v2 =	vsel vm14, $0x5900, v2;
	v0 =	vsel vm11, $0x5830, v0  }
0xee: {  	v1 =	vsel vm13, $0x5890, v1;
	v2 =	vsel vm13, $0x5910, v2;
	v0 =	vsel vm10, $0x5840, v0  }
0xef: {  	v1 =	vsel vm12, $0x58A0, v1;
	v2 =	vsel vm12, $0x5920, v2;
	v0 =	vsel vm9, $0x5850, v0  }
0xf0: {  	v1 =	vsel vm11, $0x58B0, v1;
	v2 =	vsel vm11, $0x5930, v2;
	v0 =	vsel vm8, $0x5860, v0  }
0xf1: {  	v1 =	vsel vm10, $0x58C0, v1;
	v2 =	vsel vm10, $0x5940, v2;
	v0 =	vsel vm7, $0x5870, v0  }
0xf2: {  	v1 =	vsel vm9, $0x58D0, v1;
	v2 =	vsel vm9, $0x5950, v2;
	v0 =	vsel vm6, $0x5C00, v0  }
0xf3: {  	v1 =	vsel vm8, $0x58E0, v1;
	v2 =	vsel vm8, $0x5960, v2;
	v0 =	vsel vm5, $0x5C10, v0  }
0xf4: {  	v1 =	vsel vm7, $0x58F0, v1;
	v2 =	vsel vm7, $0x5970, v2;
	v0 =	vsel vm4, $0x5C20, v0  }
0xf5: {  	v1 =	vsel vm6, $0x5C80, v1;
	v2 =	vsel vm6, $0x5D00, v2;
	v0 =	vsel vm3, $0x5C30, v0  }
0xf6: {  	v1 =	vsel vm5, $0x5C90, v1;
	v2 =	vsel vm5, $0x5D10, v2;
	v0 =	vsel vm2, $0x5C40, v0  }
0xf7: {  	v1 =	vsel vm4, $0x5CA0, v1;
	v2 =	vsel vm4, $0x5D20, v2;
	v0 =	vsel vm1, $0x5C50, v0  }
0xf8: {  	v40 =	vsel vm0, $0x5C60, v0;
	v0 =	vsel vm3, $0x5CB0, v1;
	v1 =	vsel vm3, $0x5D30, v2  }
0xf9: {  	v2 =	vimm.s32 $0x5DF0;
	v0 =	vsel vm2, $0x5CC0, v0;
	v1 =	vsel vm2, $0x5D40, v1  }
0xfa: {  	v2 =	vsel vm14, $0x5980, v2;
	v0 =	vsel vm1, $0x5CD0, v0;
	v1 =	vsel vm1, $0x5D50, v1  }
0xfb: {  	v41 =	vsel vm0, $0x5CE0, v0;
	v42 =	vsel vm0, $0x5D60, v1;
	v0 =	vsel vm13, $0x5990, v2  }
0xfc: {  	v1 =	vimm.s32 $0x5E70;
	v2 =	vimm.s32 $0x5EF0;
	v0 =	vsel vm12, $0x59A0, v0  }
0xfd: {  	v1 =	vsel vm14, $0x5A00, v1;
	v2 =	vsel vm14, $0x5A80, v2;
	v0 =	vsel vm11, $0x59B0, v0  }
0xfe: {  	v1 =	vsel vm13, $0x5A10, v1;
	v2 =	vsel vm13, $0x5A90, v2;
	v0 =	vsel vm10, $0x59C0, v0  }
0xff: {  	v1 =	vsel vm12, $0x5A20, v1;
	v2 =	vsel vm12, $0x5AA0, v2;
	v0 =	vsel vm9, $0x59D0, v0  }
0x100: {  	v1 =	vsel vm11, $0x5A30, v1;
	v2 =	vsel vm11, $0x5AB0, v2;
	v0 =	vsel vm8, $0x59E0, v0  }
0x101: {  	v1 =	vsel vm10, $0x5A40, v1;
	v2 =	vsel vm10, $0x5AC0, v2;
	v0 =	vsel vm7, $0x59F0, v0  }
0x102: {  	v1 =	vsel vm9, $0x5A50, v1;
	v2 =	vsel vm9, $0x5AD0, v2;
	v0 =	vsel vm6, $0x5D80, v0  }
0x103: {  	v1 =	vsel vm8, $0x5A60, v1;
	v2 =	vsel vm8, $0x5AE0, v2;
	v0 =	vsel vm5, $0x5D90, v0  }
0x104: {  	v1 =	vsel vm7, $0x5A70, v1;
	v2 =	vsel vm7, $0x5AF0, v2;
	v0 =	vsel vm4, $0x5DA0, v0  }
0x105: {  	v1 =	vsel vm6, $0x5E00, v1;
	v2 =	vsel vm6, $0x5E80, v2;
	v0 =	vsel vm3, $0x5DB0, v0  }
0x106: {  	v1 =	vsel vm5, $0x5E10, v1;
	v2 =	vsel vm5, $0x5E90, v2;
	v0 =	vsel vm2, $0x5DC0, v0  }
0x107: {  	v1 =	vsel vm4, $0x5E20, v1;
	v2 =	vsel vm4, $0x5EA0, v2;
	v0 =	vsel vm1, $0x5DD0, v0  }
0x108: {  	v43 =	vsel vm0, $0x5DE0, v0;
	v0 =	vsel vm3, $0x5E30, v1;
	v1 =	vsel vm3, $0x5EB0, v2  }
0x109: {  	v2 =	vimm.s32 $0x5F70;
	v0 =	vsel vm2, $0x5E40, v0;
	v1 =	vsel vm2, $0x5EC0, v1  }
0x10a: {  	v2 =	vsel vm14, $0x5B00, v2;
	v0 =	vsel vm1, $0x5E50, v0;
	v1 =	vsel vm1, $0x5ED0, v1  }
0x10b: {  	v44 =	vsel vm0, $0x5E60, v0;
	v45 =	vsel vm0, $0x5EE0, v1;
	v0 =	vsel vm13, $0x5B10, v2  }
0x10c: {  	v1 =	vimm.s32 $0x5FF0;
	v2 =	vimm.s32 $0x6C70;
	v0 =	vsel vm12, $0x5B20, v0  }
0x10d: {  	v1 =	vsel vm14, $0x5B80, v1;
	v2 =	vsel vm14, $0x6800, v2;
	v0 =	vsel vm11, $0x5B30, v0  }
0x10e: {  	v1 =	vsel vm13, $0x5B90, v1;
	v2 =	vsel vm13, $0x6810, v2;
	v0 =	vsel vm10, $0x5B40, v0  }
0x10f: {  	v1 =	vsel vm12, $0x5BA0, v1;
	v2 =	vsel vm12, $0x6820, v2;
	v0 =	vsel vm9, $0x5B50, v0  }
0x110: {  	v1 =	vsel vm11, $0x5BB0, v1;
	v2 =	vsel vm11, $0x6830, v2;
	v0 =	vsel vm8, $0x5B60, v0  }
0x111: {  	v1 =	vsel vm10, $0x5BC0, v1;
	v2 =	vsel vm10, $0x6840, v2;
	v0 =	vsel vm7, $0x5B70, v0  }
0x112: {  	v1 =	vsel vm9, $0x5BD0, v1;
	v2 =	vsel vm9, $0x6850, v2;
	v0 =	vsel vm6, $0x5F00, v0  }
0x113: {  	v1 =	vsel vm8, $0x5BE0, v1;
	v2 =	vsel vm8, $0x6860, v2;
	v0 =	vsel vm5, $0x5F10, v0  }
0x114: {  	v1 =	vsel vm7, $0x5BF0, v1;
	v2 =	vsel vm7, $0x6870, v2;
	v0 =	vsel vm4, $0x5F20, v0  }
0x115: {  	v1 =	vsel vm6, $0x5F80, v1;
	v2 =	vsel vm6, $0x6C00, v2;
	v0 =	vsel vm3, $0x5F30, v0  }
0x116: {  	v1 =	vsel vm5, $0x5F90, v1;
	v2 =	vsel vm5, $0x6C10, v2;
	v0 =	vsel vm2, $0x5F40, v0  }
0x117: {  	v1 =	vsel vm4, $0x5FA0, v1;
	v2 =	vsel vm4, $0x6C20, v2;
	v0 =	vsel vm1, $0x5F50, v0  }
0x118: {  	v46 =	vsel vm0, $0x5F60, v0;
	v0 =	vsel vm3, $0x5FB0, v1;
	v1 =	vsel vm3, $0x6C30, v2  }
0x119: {  	v2 =	vimm.s32 $0x6CF0;
	v0 =	vsel vm2, $0x5FC0, v0;
	v1 =	vsel vm2, $0x6C40, v1  }
0x11a: {  	v2 =	vsel vm14, $0x6880, v2;
	v0 =	vsel vm1, $0x5FD0, v0;
	v1 =	vsel vm1, $0x6C50, v1  }
0x11b: {  	v47 =	vsel vm0, $0x5FE0, v0;
	v48 =	vsel vm0, $0x6C60, v1;
	v0 =	vsel vm13, $0x6890, v2  }
0x11c: {  	v1 =	vimm.s32 $0x6D70;
	v2 =	vimm.s32 $0x6DF0;
	v0 =	vsel vm12, $0x68A0, v0  }
0x11d: {  	v1 =	vsel vm14, $0x6900, v1;
	v2 =	vsel vm14, $0x6980, v2;
	v0 =	vsel vm11, $0x68B0, v0  }
0x11e: {  	v1 =	vsel vm13, $0x6910, v1;
	v2 =	vsel vm13, $0x6990, v2;
	v0 =	vsel vm10, $0x68C0, v0  }
0x11f: {  	v1 =	vsel vm12, $0x6920, v1;
	v2 =	vsel vm12, $0x69A0, v2;
	v0 =	vsel vm9, $0x68D0, v0  }
0x120: {  	v1 =	vsel vm11, $0x6930, v1;
	v2 =	vsel vm11, $0x69B0, v2;
	v0 =	vsel vm8, $0x68E0, v0  }
0x121: {  	v1 =	vsel vm10, $0x6940, v1;
	v2 =	vsel vm10, $0x69C0, v2;
	v0 =	vsel vm7, $0x68F0, v0  }
0x122: {  	v1 =	vsel vm9, $0x6950, v1;
	v2 =	vsel vm9, $0x69D0, v2;
	v0 =	vsel vm6, $0x6C80, v0  }
0x123: {  	v1 =	vsel vm8, $0x6960, v1;
	v2 =	vsel vm8, $0x69E0, v2;
	v0 =	vsel vm5, $0x6C90, v0  }
0x124: {  	v1 =	vsel vm7, $0x6970, v1;
	v2 =	vsel vm7, $0x69F0, v2;
	v0 =	vsel vm4, $0x6CA0, v0  }
0x125: {  	v1 =	vsel vm6, $0x6D00, v1;
	v2 =	vsel vm6, $0x6D80, v2;
	v0 =	vsel vm3, $0x6CB0, v0  }
0x126: {  	v1 =	vsel vm5, $0x6D10, v1;
	v2 =	vsel vm5, $0x6D90, v2;
	v0 =	vsel vm2, $0x6CC0, v0  }
0x127: {  	v1 =	vsel vm4, $0x6D20, v1;
	v2 =	vsel vm4, $0x6DA0, v2;
	v0 =	vsel vm1, $0x6CD0, v0  }
0x128: {  	v49 =	vsel vm0, $0x6CE0, v0;
	v0 =	vsel vm3, $0x6D30, v1;
	v1 =	vsel vm3, $0x6DB0, v2  }
0x129: {  	v2 =	vimm.s32 $0x6E70;
	v0 =	vsel vm2, $0x6D40, v0;
	v1 =	vsel vm2, $0x6DC0, v1  }
0x12a: {  	v2 =	vsel vm14, $0x6A00, v2;
	v0 =	vsel vm1, $0x6D50, v0;
	v1 =	vsel vm1, $0x6DD0, v1  }
0x12b: {  	v50 =	vsel vm0, $0x6D60, v0;
	v51 =	vsel vm0, $0x6DE0, v1;
	v0 =	vsel vm13, $0x6A10, v2  }
0x12c: {  	v1 =	vimm.s32 $0x6EF0;
	v2 =	vimm.s32 $0x6F70;
	v0 =	vsel vm12, $0x6A20, v0  }
0x12d: {  	v1 =	vsel vm14, $0x6A80, v1;
	v2 =	vsel vm14, $0x6B00, v2;
	v0 =	vsel vm11, $0x6A30, v0  }
0x12e: {  	v1 =	vsel vm13, $0x6A90, v1;
	v2 =	vsel vm13, $0x6B10, v2;
	v0 =	vsel vm10, $0x6A40, v0  }
0x12f: {  	v1 =	vsel vm12, $0x6AA0, v1;
	v2 =	vsel vm12, $0x6B20, v2;
	v0 =	vsel vm9, $0x6A50, v0  }
0x130: {  	v1 =	vsel vm11, $0x6AB0, v1;
	v2 =	vsel vm11, $0x6B30, v2;
	v0 =	vsel vm8, $0x6A60, v0  }
0x131: {  	v1 =	vsel vm10, $0x6AC0, v1;
	v2 =	vsel vm10, $0x6B40, v2;
	v0 =	vsel vm7, $0x6A70, v0  }
0x132: {  	v1 =	vsel vm9, $0x6AD0, v1;
	v2 =	vsel vm9, $0x6B50, v2;
	v0 =	vsel vm6, $0x6E00, v0  }
0x133: {  	v1 =	vsel vm8, $0x6AE0, v1;
	v2 =	vsel vm8, $0x6B60, v2;
	v0 =	vsel vm5, $0x6E10, v0  }
0x134: {  	v1 =	vsel vm7, $0x6AF0, v1;
	v2 =	vsel vm7, $0x6B70, v2;
	v0 =	vsel vm4, $0x6E20, v0  }
0x135: {  	v1 =	vsel vm6, $0x6E80, v1;
	v2 =	vsel vm6, $0x6F00, v2;
	v0 =	vsel vm3, $0x6E30, v0  }
0x136: {  	v1 =	vsel vm5, $0x6E90, v1;
	v2 =	vsel vm5, $0x6F10, v2;
	v0 =	vsel vm2, $0x6E40, v0  }
0x137: {  	v1 =	vsel vm4, $0x6EA0, v1;
	v2 =	vsel vm4, $0x6F20, v2;
	v0 =	vsel vm1, $0x6E50, v0  }
0x138: {  	v52 =	vsel vm0, $0x6E60, v0;
	v0 =	vsel vm3, $0x6EB0, v1;
	v1 =	vsel vm3, $0x6F30, v2  }
0x139: {  	v2 =	vimm.s32 $0x6FF0;
	v0 =	vsel vm2, $0x6EC0, v0;
	v1 =	vsel vm2, $0x6F40, v1  }
0x13a: {  	v2 =	vsel vm14, $0x6B80, v2;
	v0 =	vsel vm1, $0x6ED0, v0;
	v1 =	vsel vm1, $0x6F50, v1  }
0x13b: {  	v53 =	vsel vm0, $0x6EE0, v0;
	v54 =	vsel vm0, $0x6F60, v1;
	v0 =	vsel vm13, $0x6B90, v2  }
0x13c: {  	v1 =	vimm.s32 $0x7C70;
	v2 =	vimm.s32 $0x7CF0;
	v0 =	vsel vm12, $0x6BA0, v0  }
0x13d: {  	v1 =	vsel vm14, $0x7800, v1;
	v2 =	vsel vm14, $0x7880, v2;
	v0 =	vsel vm11, $0x6BB0, v0  }
0x13e: {  	v1 =	vsel vm13, $0x7810, v1;
	v2 =	vsel vm13, $0x7890, v2;
	v0 =	vsel vm10, $0x6BC0, v0  }
0x13f: {  	v1 =	vsel vm12, $0x7820, v1;
	v2 =	vsel vm12, $0x78A0, v2;
	v0 =	vsel vm9, $0x6BD0, v0  }
0x140: {  	v1 =	vsel vm11, $0x7830, v1;
	v2 =	vsel vm11, $0x78B0, v2;
	v0 =	vsel vm8, $0x6BE0, v0  }
0x141: {  	v1 =	vsel vm10, $0x7840, v1;
	v2 =	vsel vm10, $0x78C0, v2;
	v0 =	vsel vm7, $0x6BF0, v0  }
0x142: {  	v1 =	vsel vm9, $0x7850, v1;
	v2 =	vsel vm9, $0x78D0, v2;
	v0 =	vsel vm6, $0x6F80, v0  }
0x143: {  	v1 =	vsel vm8, $0x7860, v1;
	v2 =	vsel vm8, $0x78E0, v2;
	v0 =	vsel vm5, $0x6F90, v0  }
0x144: {  	v1 =	vsel vm7, $0x7870, v1;
	v2 =	vsel vm7, $0x78F0, v2;
	v0 =	vsel vm4, $0x6FA0, v0  }
0x145: {  	v1 =	vsel vm6, $0x7C00, v1;
	v2 =	vsel vm6, $0x7C80, v2;
	v0 =	vsel vm3, $0x6FB0, v0  }
0x146: {  	v1 =	vsel vm5, $0x7C10, v1;
	v2 =	vsel vm5, $0x7C90, v2;
	v0 =	vsel vm2, $0x6FC0, v0  }
0x147: {  	v1 =	vsel vm4, $0x7C20, v1;
	v2 =	vsel vm4, $0x7CA0, v2;
	v0 =	vsel vm1, $0x6FD0, v0  }
0x148: {  	v55 =	vsel vm0, $0x6FE0, v0;
	v0 =	vsel vm3, $0x7C30, v1;
	v1 =	vsel vm3, $0x7CB0, v2  }
0x149: {  	v2 =	vimm.s32 $0x7D70;
	v0 =	vsel vm2, $0x7C40, v0;
	v1 =	vsel vm2, $0x7CC0, v1  }
0x14a: {  	v2 =	vsel vm14, $0x7900, v2;
	v0 =	vsel vm1, $0x7C50, v0;
	v1 =	vsel vm1, $0x7CD0, v1  }
0x14b: {  	v56 =	vsel vm0, $0x7C60, v0;
	v57 =	vsel vm0, $0x7CE0, v1;
	v0 =	vsel vm13, $0x7910, v2  }
0x14c: {  	v1 =	vimm.s32 $0x7DF0;
	v2 =	vimm.s32 $0x7E70;
	v0 =	vsel vm12, $0x7920, v0  }
0x14d: {  	v1 =	vsel vm14, $0x7980, v1;
	v2 =	vsel vm14, $0x7A00, v2;
	v0 =	vsel vm11, $0x7930, v0  }
0x14e: {  	v1 =	vsel vm13, $0x7990, v1;
	v2 =	vsel vm13, $0x7A10, v2;
	v0 =	vsel vm10, $0x7940, v0  }
0x14f: {  	v1 =	vsel vm12, $0x79A0, v1;
	v2 =	vsel vm12, $0x7A20, v2;
	v0 =	vsel vm9, $0x7950, v0  }
0x150: {  	v1 =	vsel vm11, $0x79B0, v1;
	v2 =	vsel vm11, $0x7A30, v2;
	v0 =	vsel vm8, $0x7960, v0  }
0x151: {  	v1 =	vsel vm10, $0x79C0, v1;
	v2 =	vsel vm10, $0x7A40, v2;
	v0 =	vsel vm7, $0x7970, v0  }
0x152: {  	v1 =	vsel vm9, $0x79D0, v1;
	v2 =	vsel vm9, $0x7A50, v2;
	v0 =	vsel vm6, $0x7D00, v0  }
0x153: {  	v1 =	vsel vm8, $0x79E0, v1;
	v2 =	vsel vm8, $0x7A60, v2;
	v0 =	vsel vm5, $0x7D10, v0  }
0x154: {  	v1 =	vsel vm7, $0x79F0, v1;
	v2 =	vsel vm7, $0x7A70, v2;
	v0 =	vsel vm4, $0x7D20, v0  }
0x155: {  	v1 =	vsel vm6, $0x7D80, v1;
	v2 =	vsel vm6, $0x7E00, v2;
	v0 =	vsel vm3, $0x7D30, v0  }
0x156: {  	v1 =	vsel vm5, $0x7D90, v1;
	v2 =	vsel vm5, $0x7E10, v2;
	v0 =	vsel vm2, $0x7D40, v0  }
0x157: {  	v1 =	vsel vm4, $0x7DA0, v1;
	v2 =	vsel vm4, $0x7E20, v2;
	v0 =	vsel vm1, $0x7D50, v0  }
0x158: {  	v58 =	vsel vm0, $0x7D60, v0;
	v0 =	vsel vm3, $0x7DB0, v1;
	v1 =	vsel vm3, $0x7E30, v2  }
0x159: {  	v62 =	vmul.u32 $0x80, v61;
	v0 =	vsel vm2, $0x7DC0, v0;
	v1 =	vsel vm2, $0x7E40, v1  }
0x15a: {  	v2 =	vimm.s32 $0x7EF0;
	v0 =	vsel vm1, $0x7DD0, v0;
	v1 =	vsel vm1, $0x7E50, v1  }
0x15b: {  	v2 =	vsel vm14, $0x7A80, v2;
	v59 =	vsel vm0, $0x7DE0, v0;
	v60 =	vsel vm0, $0x7E60, v1  }
0x15c: {  	v0 =	vsel vm13, $0x7A90, v2;
	v1 =	vimm.s32 $0x7F70;
	v2 =	vimm.s32 $0x7FF0  }
0x15d: {  	v0 =	vsel vm12, $0x7AA0, v0;
	v1 =	vsel vm14, $0x7B00, v1;
	v2 =	vsel vm14, $0x7B80, v2  }
0x15e: {  	v0 =	vsel vm11, $0x7AB0, v0;
	v1 =	vsel vm13, $0x7B10, v1;
	v2 =	vsel vm13, $0x7B90, v2  }
0x15f: {  	v0 =	vsel vm10, $0x7AC0, v0;
	v1 =	vsel vm12, $0x7B20, v1;
	v2 =	vsel vm12, $0x7BA0, v2  }
0x160: {  	v0 =	vsel vm9, $0x7AD0, v0;
	v1 =	vsel vm11, $0x7B30, v1;
	v2 =	vsel vm11, $0x7BB0, v2  }
0x161: {  	v0 =	vsel vm8, $0x7AE0, v0;
	v1 =	vsel vm10, $0x7B40, v1;
	v2 =	vsel vm10, $0x7BC0, v2  }
0x162: {  	v0 =	vsel vm7, $0x7AF0, v0;
	v1 =	vsel vm9, $0x7B50, v1;
	v2 =	vsel vm9, $0x7BD0, v2  }
0x163: {  	v0 =	vsel vm6, $0x7E80, v0;
	v1 =	vsel vm8, $0x7B60, v1;
	v2 =	vsel vm8, $0x7BE0, v2  }
0x164: {  	v0 =	vsel vm5, $0x7E90, v0;
	v1 =	vsel vm7, $0x7B70, v1;
	v2 =	vsel vm7, $0x7BF0, v2  }
0x165: {  	s5 =	rddreg [dreg:$0x0];
	v0 =	vsel vm4, $0x7EA0, v0;
	v1 =	vsel vm6, $0x7F00, v1;
	v2 =	vsel vm6, $0x7F80, v2  }
0x166: {  	s2 =	rddreg [dreg:$0x1];
	v0 =	vsel vm3, $0x7EB0, v0;
	v1 =	vsel vm5, $0x7F10, v1;
	v2 =	vsel vm5, $0x7F90, v2  }
0x167: {  	s0 =	rddreg [dreg:$0x2];
	v0 =	vsel vm2, $0x7EC0, v0;
	v1 =	vsel vm4, $0x7F20, v1;
	v2 =	vsel vm4, $0x7FA0, v2  }
0x168: {  	s1 =	rddreg [dreg:$0x3];
	v0 =	vsel vm1, $0x7ED0, v0;
	v1 =	vsel vm3, $0x7F30, v1;
	v2 =	vsel vm3, $0x7FB0, v2  }
0x169: {  	s3 =	rddreg [dreg:$0x4];
	s4 =	simm.s32 $0x0;
	v1 =	vsel vm2, $0x7F40, v1;
	v2 =	vsel vm2, $0x7FC0, v2;
	v63 =	vsel vm0, $0x7EE0, v0  }
0x16a: {  	[smem:$0x7FF] =	sst s4;
	v0 =	vsel vm1, $0x7F50, v1;
	v1 =	vsel vm1, $0x7FD0, v2;
	v2 =	vor.u32 $0x800, v62  }
0x16b: {  	s13 =	rddreg [dreg:$0x5];
	_ =	strace $0x80000047;
	[tilespmem:$0x1FD80] =	vst v2;
	v2 =	vor.u32 $0x840, v62  }
0x16c: {  	[tilespmem:$0x1FD90] =	vst v2;
	v2 =	vor.u32 $0x801, v62  }
0x16d: {  	[tilespmem:$0x1FDA0] =	vst v2;
	v2 =	vor.u32 $0x841, v62  }
0x16e: {  	[tilespmem:$0x1FDB0] =	vst v2;
	v2 =	vor.u32 $0x802, v62  }
0x16f: {  	[tilespmem:$0x1FDC0] =	vst v2;
	v2 =	vor.u32 $0x842, v62  }
0x170: {  	[tilespmem:$0x1FDD0] =	vst v2;
	v2 =	vor.u32 $0x803, v62  }
0x171: {  	[tilespmem:$0x1FDE0] =	vst v2;
	v2 =	vor.u32 $0x843, v62  }
0x172: {  	[tilespmem:$0x1FDF0] =	vst v2;
	v2 =	vor.u32 $0x804, v62  }
0x173: {  	[tilespmem:$0x1FE00] =	vst v2;
	v2 =	vor.u32 $0x844, v62  }
0x174: {  	[tilespmem:$0x1FE10] =	vst v2;
	v2 =	vor.u32 $0x805, v62  }
0x175: {  	[tilespmem:$0x1FE20] =	vst v2;
	v2 =	vor.u32 $0x845, v62  }
0x176: {  	[tilespmem:$0x1FE30] =	vst v2;
	v2 =	vor.u32 $0x806, v62  }
0x177: {  	[tilespmem:$0x1FE40] =	vst v2;
	v2 =	vor.u32 $0x846, v62  }
0x178: {  	[tilespmem:$0x1FE50] =	vst v2;
	v2 =	vor.u32 $0x807, v62  }
0x179: {  	[tilespmem:$0x1FE60] =	vst v2;
	v2 =	vor.u32 $0x847, v62  }
0x17a: {  	[tilespmem:$0x1FE70] =	vst v2;
	v2 =	vor.u32 $0x808, v62  }
0x17b: {  	[tilespmem:$0x1FE80] =	vst v2;
	v2 =	vor.u32 $0x848, v62  }
0x17c: {  	[tilespmem:$0x1FE90] =	vst v2;
	v2 =	vor.u32 $0x809, v62  }
0x17d: {  	[tilespmem:$0x1FEA0] =	vst v2;
	v2 =	vor.u32 $0x849, v62  }
0x17e: {  	[tilespmem:$0x1FEB0] =	vst v2;
	v2 =	vor.u32 $0x80A, v62  }
0x17f: {  	[tilespmem:$0x1FEC0] =	vst v2;
	v2 =	vor.u32 $0x84A, v62  }
0x180: {  	[tilespmem:$0x1FED0] =	vst v2;
	v2 =	vor.u32 $0x80B, v62  }
0x181: {  	[tilespmem:$0x1FEE0] =	vst v2;
	v2 =	vor.u32 $0x84B, v62  }
0x182: {  	s7 =	srdreg.scid;
	s8 =	stileid.u32;
	s30 =	simm.s32 $0x1;
	[tilespmem:$0x1FEF0] =	vst v2;
	v2 =	vor.u32 $0x80C, v62  }
0x183: {  	s31 =	simm.s32 $0x2;
	s6 =	sadd.s32 $0xE00, s3;
	s7 =	sand.u32 $0x1, s7;
	[tilespmem:$0x1FF00] =	vst v2;
	v2 =	vor.u32 $0x84C, v62  }
0x184: {  	s8 =	sshll.u32 s8, $0xA;
	s10 =	ssub.s32 $0x2, s7;
	s9 =	sshll.u32 s7, $0x9;
	[tilespmem:$0x1FF10] =	vst v2;
	v2 =	vor.u32 $0x80D, v62  }
0x185: {  	s7 =	sadd.s32 $0x1F800, s3;
	s11 =	sshrl.u32 s10, $0x1;
	s8 =	sor.u32 s9, s8;
	[tilespmem:$0x1FF20] =	vst v2;
	v2 =	vor.u32 $0x84D, v62  }
0x186: {  	s9 =	sadd.s32 $0x3E200, s3;
	s17 =	ssub.s32 s10, s11;
	s18 =	sshrl.u32 s8, $0x3;
	[tilespmem:$0x1FF30] =	vst v2;
	v2 =	vor.u32 $0x80E, v62  }
0x187: {  	s24 =	sor.u32 $0x1F0, s8;
	s19 =	sadd.s32 s5, s18;
	s20 =	sadd.s32 s2, s18;
	[tilespmem:$0x1FF40] =	vst v2;
	v2 =	vor.u32 $0x84E, v62  }
0x188: {  	s21 =	sor.u32 $0x10, s18;
	s22 =	sor.u32 $0x20, s18;
	[dreg:$0x7] =	wrdreg s19;
	[tilespmem:$0x1FF50] =	vst v2;
	v2 =	vor.u32 $0x80F, v62  }
0x189: {  	s10 =	sor.u32 $0x30, s18;
	s12 =	sadd.s32 s5, s21;
	[dreg:$0x8] =	wrdreg s20;
	[tilespmem:$0x1FF60] =	vst v2;
	v2 =	vor.u32 $0x84F, v62  }
0x18a: {  	s25 =	sshll.u32 s24, $0x4;
	s11 =	sadd.s32 s2, s21;
	[dreg:$0x9] =	wrdreg s12;
	[tilespmem:$0x1FF70] =	vst v2;
	v2 =	vor.u32 $0x810, v62  }
0x18b: {  	s28 =	sshrl.u32 s24, $0x3;
	s23 =	sadd.s32 s5, s22;
	[dreg:$0xa] =	wrdreg s11;
	[tilespmem:$0x1FF80] =	vst v2;
	v2 =	vor.u32 $0x850, v62  }
0x18c: {  	s29 =	smax.u32 s17, $0x1;
	s5 =	sadd.s32 s5, s10;
	[dreg:$0xb] =	wrdreg s23;
	[tilespmem:$0x1FF90] =	vst v2;
	v2 =	vor.u32 $0x811, v62  }
0x18d: {  	s24 =	simm.s32 $0x400;
	s26 =	sadd.s32 s9, s25;
	[dreg:$0xd] =	wrdreg s5;
	[tilespmem:$0x1FFA0] =	vst v2;
	v2 =	vor.u32 $0x851, v62  }
.Ltmp0:
0x18e: {  	s21 =	simm.s32 $0x7;
	[dreg:$0xf] =	wrdreg s26;
	[tilespmem:$0x1FFB0] =	vst v2;
	v2 =	vor.u32 $0x812, v62;
	(pc) =	sbr.rel .LBB2_1-.Ltmp0, $4  }
0x18f: {  	s25 =	simm.s32 $0x10800;
	s11 =	sadd.s32 s2, s22;
	[dreg:$0x11] =	wrdreg s29;
	[tilespmem:$0x1FFC0] =	vst v2;
	v2 =	vor.u32 $0x852, v62  }
0x190: {  	s2 =	sadd.s32 s2, s10;
	s5 =	simm.s32 $0x4;
	[dreg:$0xc] =	wrdreg s11;
	[tilespmem:$0x1FFD0] =	vst v2;
	v2 =	vor.u32 $0x813, v62  }
0x191: {  	s26 =	simm.s32 $0x8400;
	[dreg:$0xe] =	wrdreg s2;
	s2 =	sadd.s32 s13, s28;
	[tilespmem:$0x1FFE0] =	vst v2;
	v2 =	vor.u32 $0x853, v62  }
0x192: {  	s10 =	simm.s32 $0x0;
	[dreg:$0x10] =	wrdreg s2;
	s2 =	simm.s32 $0x3;
	v0 =	vsel vm0, $0x7F60, v0;
	v1 =	vsel vm0, $0x7FE0, v1;
	[tilespmem:$0x1FFF0] =	vst v2  }
.LBB2_11:
0x193: {  	_ =	swait.ge [sflag:s30], $0x4000  }
0x194: {  	[sflag:s30] =	ssyncset.done $0x0  }
0x195: {  	[sflag:s30] =	ssyncadd.s32 $0xFFFFC000  }
0x196: {  	_ =	swait.ge [sflag:s31], $0x4000  }
0x197: {  	[sflag:s31] =	ssyncset.done $0x0  }
0x198: {  	[sflag:s31] =	ssyncadd.s32 $0xFFFFC000  }
0x199: {  	_ =	swait.ge [sflag:s2], $0x100  }
0x19a: {  	[sflag:s2] =	ssyncset.done $0x0  }
0x19b: {  	[sflag:s2] =	ssyncadd.s32 $0xFFFFFF00  }
0x19c: {  	_ =	swait.ge [sflag:s5], $0x100  }
0x19d: {  	[sflag:s5] =	ssyncset.done $0x0  }
0x19e: {  	s10 =	simm.s32 $0x5;
	[sflag:s5] =	ssyncadd.s32 $0xFFFFFF00  }
0x19f: {  	_ =	swait.ge [sflag:s10], $0x800  }
0x1a0: {  	[sflag:s10] =	ssyncset.done $0x0  }
0x1a1: {  	s11 =	simm.s32 $0x6;
	[sflag:s10] =	ssyncadd.s32 $0xFFFFF800  }
0x1a2: {  	_ =	swait.ge [sflag:s11], $0x10  }
0x1a3: {  	[sflag:s11] =	ssyncset.done $0x0  }
0x1a4: {  	[sflag:s11] =	ssyncadd.s32 $0xFFFFFFF0  }
0x1a5: {  	v2 =	vld [tilespmem:$0x1F0]  }
0x1a6: {  	v5 =	vld [tilespmem:$0x1FCD0];
	_ =	sdelay $0x3  }
0x1a7: {  	v2 =	vand.u32 $0xF, v2  }
0x1a8: {  	v4 =	vor.u32 v5, v2;
	_ =	sdelay $0x1  }
0x1a9: {  	v6 =	vld [tilespmem:$0x1FD80]  }
0x1aa: {  	v3 =	vld [tilespmem:$0x3F0];
	_ =	sdelay $0x1  }
0x1ab: {  	v4 =	vld.idx.msk [tilespmem:v4+s24+$0x0], $0xffff;
	_ =	sdelay $0x2  }
0x1ac: {  	v3 =	vand.u32 $0xF, v3  }
0x1ad: {  	v5 =	vor.u32 v5, v3  }
0x1ae: {  	[tilespmem:v6+s25+$0x0] =	vst.idx.msk $0xffff, v4;
	v6 =	vld [tilespmem:$0x1FCE0]  }
0x1af: {  	v7 =	vld [tilespmem:$0x1FD90];
	_ =	sdelay $0x2  }
0x1b0: {  	v4 =	vld.idx.msk [tilespmem:v5+s26+$0x0], $0xffff  }
0x1b1: {  	v5 =	vor.u32 v6, v2;
	_ =	sdelay $0x3  }
0x1b2: {  	[tilespmem:v7+s25+$0x0] =	vst.idx.msk $0xffff, v4  }
0x1b3: {  	v4 =	vld.idx.msk [tilespmem:v5+s24+$0x0], $0xffff  }
0x1b4: {  	v5 =	vor.u32 v6, v3;
	v6 =	vld [tilespmem:$0x1FDA0];
	_ =	sdelay $0x7  }
0x1b5: {  	[tilespmem:v6+s25+$0x0] =	vst.idx.msk $0xffff, v4;
	v6 =	vld [tilespmem:$0x1FCF0]  }
0x1b6: {  	v7 =	vld [tilespmem:$0x1FDB0];
	_ =	sdelay $0x2  }
0x1b7: {  	v4 =	vld.idx.msk [tilespmem:v5+s26+$0x0], $0xffff  }
0x1b8: {  	v5 =	vor.u32 v6, v2;
	_ =	sdelay $0x3  }
0x1b9: {  	[tilespmem:v7+s25+$0x0] =	vst.idx.msk $0xffff, v4  }
0x1ba: {  	v4 =	vld.idx.msk [tilespmem:v5+s24+$0x0], $0xffff  }
0x1bb: {  	v5 =	vor.u32 v6, v3;
	v6 =	vld [tilespmem:$0x1FDC0];
	_ =	sdelay $0x7  }
0x1bc: {  	[tilespmem:v6+s25+$0x0] =	vst.idx.msk $0xffff, v4;
	v6 =	vld [tilespmem:$0x1FD00]  }
0x1bd: {  	v7 =	vld [tilespmem:$0x1FDD0];
	_ =	sdelay $0x2  }
0x1be: {  	v4 =	vld.idx.msk [tilespmem:v5+s26+$0x0], $0xffff  }
0x1bf: {  	v5 =	vor.u32 v6, v2;
	_ =	sdelay $0x3  }
0x1c0: {  	[tilespmem:v7+s25+$0x0] =	vst.idx.msk $0xffff, v4  }
0x1c1: {  	v4 =	vld.idx.msk [tilespmem:v5+s24+$0x0], $0xffff  }
0x1c2: {  	v5 =	vor.u32 v6, v3;
	v6 =	vld [tilespmem:$0x1FDE0];
	_ =	sdelay $0x7  }
0x1c3: {  	[tilespmem:v6+s25+$0x0] =	vst.idx.msk $0xffff, v4;
	v6 =	vld [tilespmem:$0x1FD10]  }
0x1c4: {  	v7 =	vld [tilespmem:$0x1FDF0];
	_ =	sdelay $0x2  }
0x1c5: {  	v4 =	vld.idx.msk [tilespmem:v5+s26+$0x0], $0xffff  }
0x1c6: {  	v5 =	vor.u32 v6, v2;
	_ =	sdelay $0x3  }
0x1c7: {  	[tilespmem:v7+s25+$0x0] =	vst.idx.msk $0xffff, v4  }
0x1c8: {  	v4 =	vld.idx.msk [tilespmem:v5+s24+$0x0], $0xffff  }
0x1c9: {  	v5 =	vor.u32 v6, v3;
	v6 =	vld [tilespmem:$0x1FE00];
	_ =	sdelay $0x7  }
0x1ca: {  	[tilespmem:v6+s25+$0x0] =	vst.idx.msk $0xffff, v4;
	v6 =	vld [tilespmem:$0x1FD20]  }
0x1cb: {  	v7 =	vld [tilespmem:$0x1FE10];
	_ =	sdelay $0x2  }
0x1cc: {  	v4 =	vld.idx.msk [tilespmem:v5+s26+$0x0], $0xffff  }
0x1cd: {  	v5 =	vor.u32 v6, v2;
	_ =	sdelay $0x3  }
0x1ce: {  	[tilespmem:v7+s25+$0x0] =	vst.idx.msk $0xffff, v4  }
0x1cf: {  	v4 =	vld.idx.msk [tilespmem:v5+s24+$0x0], $0xffff  }
0x1d0: {  	v5 =	vor.u32 v6, v3;
	v6 =	vld [tilespmem:$0x1FE20];
	_ =	sdelay $0x7  }
0x1d1: {  	[tilespmem:v6+s25+$0x0] =	vst.idx.msk $0xffff, v4;
	v6 =	vld [tilespmem:$0x1FD30]  }
0x1d2: {  	v7 =	vld [tilespmem:$0x1FE30];
	_ =	sdelay $0x2  }
0x1d3: {  	v4 =	vld.idx.msk [tilespmem:v5+s26+$0x0], $0xffff  }
0x1d4: {  	v5 =	vor.u32 v6, v2;
	_ =	sdelay $0x3  }
0x1d5: {  	[tilespmem:v7+s25+$0x0] =	vst.idx.msk $0xffff, v4  }
0x1d6: {  	v4 =	vld.idx.msk [tilespmem:v5+s24+$0x0], $0xffff  }
0x1d7: {  	v5 =	vor.u32 v6, v3;
	v6 =	vld [tilespmem:$0x1FE40];
	_ =	sdelay $0x7  }
0x1d8: {  	[tilespmem:v6+s25+$0x0] =	vst.idx.msk $0xffff, v4;
	v6 =	vld [tilespmem:$0x1FD40]  }
0x1d9: {  	v7 =	vld [tilespmem:$0x1FE50];
	_ =	sdelay $0x2  }
0x1da: {  	v4 =	vld.idx.msk [tilespmem:v5+s26+$0x0], $0xffff  }
0x1db: {  	v5 =	vor.u32 v6, v2;
	_ =	sdelay $0x3  }
0x1dc: {  	[tilespmem:v7+s25+$0x0] =	vst.idx.msk $0xffff, v4  }
0x1dd: {  	v4 =	vld.idx.msk [tilespmem:v5+s24+$0x0], $0xffff  }
0x1de: {  	v5 =	vor.u32 v6, v3;
	v6 =	vld [tilespmem:$0x1FE60];
	_ =	sdelay $0x7  }
0x1df: {  	[tilespmem:v6+s25+$0x0] =	vst.idx.msk $0xffff, v4;
	v6 =	vld [tilespmem:$0x1FD50]  }
0x1e0: {  	v7 =	vld [tilespmem:$0x1FE70];
	_ =	sdelay $0x2  }
0x1e1: {  	v4 =	vld.idx.msk [tilespmem:v5+s26+$0x0], $0xffff  }
0x1e2: {  	v5 =	vor.u32 v6, v2;
	_ =	sdelay $0x3  }
0x1e3: {  	[tilespmem:v7+s25+$0x0] =	vst.idx.msk $0xffff, v4  }
0x1e4: {  	v4 =	vld.idx.msk [tilespmem:v5+s24+$0x0], $0xffff  }
0x1e5: {  	v5 =	vor.u32 v6, v3;
	v6 =	vld [tilespmem:$0x1FE80];
	_ =	sdelay $0x7  }
0x1e6: {  	[tilespmem:v6+s25+$0x0] =	vst.idx.msk $0xffff, v4;
	v6 =	vld [tilespmem:$0x1FD60]  }
0x1e7: {  	v7 =	vld [tilespmem:$0x1FE90];
	_ =	sdelay $0x2  }
0x1e8: {  	v4 =	vld.idx.msk [tilespmem:v5+s26+$0x0], $0xffff  }
0x1e9: {  	v5 =	vor.u32 v6, v2;
	_ =	sdelay $0x3  }
0x1ea: {  	[tilespmem:v7+s25+$0x0] =	vst.idx.msk $0xffff, v4  }
0x1eb: {  	v4 =	vld.idx.msk [tilespmem:v5+s24+$0x0], $0xffff  }
0x1ec: {  	v5 =	vor.u32 v6, v3;
	v6 =	vld [tilespmem:$0x1FEA0];
	_ =	sdelay $0x7  }
0x1ed: {  	[tilespmem:v6+s25+$0x0] =	vst.idx.msk $0xffff, v4;
	v6 =	vld [tilespmem:$0x1FD70]  }
0x1ee: {  	v7 =	vld [tilespmem:$0x1FEB0];
	_ =	sdelay $0x2  }
0x1ef: {  	v4 =	vld.idx.msk [tilespmem:v5+s26+$0x0], $0xffff  }
0x1f0: {  	v5 =	vor.u32 v6, v2;
	_ =	sdelay $0x3  }
0x1f1: {  	[tilespmem:v7+s25+$0x0] =	vst.idx.msk $0xffff, v4  }
0x1f2: {  	v4 =	vld.idx.msk [tilespmem:v5+s24+$0x0], $0xffff  }
0x1f3: {  	v5 =	vor.u32 v6, v3;
	v6 =	vld [tilespmem:$0x1FEC0];
	_ =	sdelay $0x7  }
0x1f4: {  	[tilespmem:v6+s25+$0x0] =	vst.idx.msk $0xffff, v4;
	v6 =	vld [tilespmem:$0x1FED0];
	_ =	sdelay $0x2  }
0x1f5: {  	v4 =	vld.idx.msk [tilespmem:v5+s26+$0x0], $0xffff;
	_ =	sdelay $0x2  }
0x1f6: {  	v5 =	vor.u32 v11, v2;
	_ =	sdelay $0x1  }
0x1f7: {  	[tilespmem:v6+s25+$0x0] =	vst.idx.msk $0xffff, v4;
	v6 =	vld [tilespmem:$0x1FEE0];
	_ =	sdelay $0x2  }
0x1f8: {  	v4 =	vld.idx.msk [tilespmem:v5+s24+$0x0], $0xffff;
	_ =	sdelay $0x2  }
0x1f9: {  	v5 =	vor.u32 v11, v3;
	_ =	sdelay $0x1  }
0x1fa: {  	[tilespmem:v6+s25+$0x0] =	vst.idx.msk $0xffff, v4;
	v6 =	vld [tilespmem:$0x1FEF0];
	_ =	sdelay $0x2  }
0x1fb: {  	v4 =	vld.idx.msk [tilespmem:v5+s26+$0x0], $0xffff;
	_ =	sdelay $0x2  }
0x1fc: {  	v5 =	vor.u32 v12, v2;
	_ =	sdelay $0x1  }
0x1fd: {  	[tilespmem:v6+s25+$0x0] =	vst.idx.msk $0xffff, v4;
	v6 =	vld [tilespmem:$0x1FF00];
	_ =	sdelay $0x2  }
0x1fe: {  	v4 =	vld.idx.msk [tilespmem:v5+s24+$0x0], $0xffff;
	_ =	sdelay $0x2  }
0x1ff: {  	v5 =	vor.u32 v12, v3;
	_ =	sdelay $0x1  }
0x200: {  	[tilespmem:v6+s25+$0x0] =	vst.idx.msk $0xffff, v4;
	v6 =	vld [tilespmem:$0x1FF10];
	_ =	sdelay $0x2  }
0x201: {  	v4 =	vld.idx.msk [tilespmem:v5+s26+$0x0], $0xffff;
	_ =	sdelay $0x2  }
0x202: {  	v5 =	vor.u32 v13, v2;
	_ =	sdelay $0x1  }
0x203: {  	[tilespmem:v6+s25+$0x0] =	vst.idx.msk $0xffff, v4;
	v6 =	vld [tilespmem:$0x1FF20];
	_ =	sdelay $0x2  }
0x204: {  	v4 =	vld.idx.msk [tilespmem:v5+s24+$0x0], $0xffff;
	_ =	sdelay $0x2  }
0x205: {  	v5 =	vor.u32 v13, v3;
	_ =	sdelay $0x1  }
0x206: {  	[tilespmem:v6+s25+$0x0] =	vst.idx.msk $0xffff, v4;
	v6 =	vld [tilespmem:$0x1FF30];
	_ =	sdelay $0x2  }
0x207: {  	v4 =	vld.idx.msk [tilespmem:v5+s26+$0x0], $0xffff;
	_ =	sdelay $0x2  }
0x208: {  	v5 =	vor.u32 v14, v2;
	_ =	sdelay $0x1  }
0x209: {  	[tilespmem:v6+s25+$0x0] =	vst.idx.msk $0xffff, v4;
	v6 =	vld [tilespmem:$0x1FF40];
	_ =	sdelay $0x2  }
0x20a: {  	v4 =	vld.idx.msk [tilespmem:v5+s24+$0x0], $0xffff;
	_ =	sdelay $0x2  }
0x20b: {  	v5 =	vor.u32 v14, v3;
	_ =	sdelay $0x1  }
0x20c: {  	[tilespmem:v6+s25+$0x0] =	vst.idx.msk $0xffff, v4;
	v6 =	vld [tilespmem:$0x1FF50];
	_ =	sdelay $0x2  }
0x20d: {  	v4 =	vld.idx.msk [tilespmem:v5+s26+$0x0], $0xffff;
	_ =	sdelay $0x2  }
0x20e: {  	v5 =	vor.u32 v15, v2;
	_ =	sdelay $0x1  }
0x20f: {  	[tilespmem:v6+s25+$0x0] =	vst.idx.msk $0xffff, v4;
	v6 =	vld [tilespmem:$0x1FF60];
	_ =	sdelay $0x2  }
0x210: {  	v4 =	vld.idx.msk [tilespmem:v5+s24+$0x0], $0xffff;
	_ =	sdelay $0x2  }
0x211: {  	v5 =	vor.u32 v15, v3;
	_ =	sdelay $0x1  }
0x212: {  	[tilespmem:v6+s25+$0x0] =	vst.idx.msk $0xffff, v4;
	v6 =	vld [tilespmem:$0x1FF70];
	_ =	sdelay $0x2  }
0x213: {  	v4 =	vld.idx.msk [tilespmem:v5+s26+$0x0], $0xffff;
	_ =	sdelay $0x2  }
0x214: {  	v5 =	vor.u32 v16, v2;
	_ =	sdelay $0x1  }
0x215: {  	[tilespmem:v6+s25+$0x0] =	vst.idx.msk $0xffff, v4;
	v6 =	vld [tilespmem:$0x1FF80];
	_ =	sdelay $0x2  }
0x216: {  	v4 =	vld.idx.msk [tilespmem:v5+s24+$0x0], $0xffff;
	_ =	sdelay $0x2  }
0x217: {  	v5 =	vor.u32 v16, v3;
	_ =	sdelay $0x1  }
0x218: {  	[tilespmem:v6+s25+$0x0] =	vst.idx.msk $0xffff, v4;
	v6 =	vld [tilespmem:$0x1FF90];
	_ =	sdelay $0x2  }
0x219: {  	v4 =	vld.idx.msk [tilespmem:v5+s26+$0x0], $0xffff;
	_ =	sdelay $0x2  }
0x21a: {  	v5 =	vor.u32 v17, v2;
	_ =	sdelay $0x1  }
0x21b: {  	[tilespmem:v6+s25+$0x0] =	vst.idx.msk $0xffff, v4;
	v6 =	vld [tilespmem:$0x1FFA0];
	_ =	sdelay $0x2  }
0x21c: {  	v4 =	vld.idx.msk [tilespmem:v5+s24+$0x0], $0xffff;
	_ =	sdelay $0x2  }
0x21d: {  	v5 =	vor.u32 v17, v3;
	_ =	sdelay $0x1  }
0x21e: {  	[tilespmem:v6+s25+$0x0] =	vst.idx.msk $0xffff, v4;
	v6 =	vld [tilespmem:$0x1FFB0];
	_ =	sdelay $0x2  }
0x21f: {  	v4 =	vld.idx.msk [tilespmem:v5+s26+$0x0], $0xffff;
	_ =	sdelay $0x2  }
0x220: {  	v5 =	vor.u32 v18, v2;
	_ =	sdelay $0x1  }
0x221: {  	[tilespmem:v6+s25+$0x0] =	vst.idx.msk $0xffff, v4;
	v6 =	vld [tilespmem:$0x1FFC0];
	_ =	sdelay $0x2  }
0x222: {  	v4 =	vld.idx.msk [tilespmem:v5+s24+$0x0], $0xffff;
	_ =	sdelay $0x2  }
0x223: {  	v5 =	vor.u32 v18, v3;
	_ =	sdelay $0x1  }
0x224: {  	[tilespmem:v6+s25+$0x0] =	vst.idx.msk $0xffff, v4;
	v6 =	vld [tilespmem:$0x1FFD0];
	_ =	sdelay $0x2  }
0x225: {  	v4 =	vld.idx.msk [tilespmem:v5+s26+$0x0], $0xffff;
	_ =	sdelay $0x2  }
0x226: {  	v5 =	vor.u32 v19, v2;
	_ =	sdelay $0x1  }
0x227: {  	[tilespmem:v6+s25+$0x0] =	vst.idx.msk $0xffff, v4;
	v6 =	vld [tilespmem:$0x1FFE0];
	_ =	sdelay $0x2  }
0x228: {  	v4 =	vld.idx.msk [tilespmem:v5+s24+$0x0], $0xffff;
	_ =	sdelay $0x2  }
0x229: {  	v5 =	vor.u32 v19, v3;
	_ =	sdelay $0x1  }
0x22a: {  	[tilespmem:v6+s25+$0x0] =	vst.idx.msk $0xffff, v4;
	v6 =	vld [tilespmem:$0x1FFF0];
	_ =	sdelay $0x2  }
0x22b: {  	v4 =	vld.idx.msk [tilespmem:v5+s26+$0x0], $0xffff  }
0x22c: {  	v5 =	vor.u32 v20, v2;
	_ =	sdelay $0x3  }
0x22d: {  	[tilespmem:v6+s25+$0x0] =	vst.idx.msk $0xffff, v4  }
0x22e: {  	v4 =	vld.idx.msk [tilespmem:v5+s24+$0x0], $0xffff;
	v5 =	vor.u32 $0x814, v62  }
0x22f: {  	v6 =	vor.u32 v20, v3;
	_ =	sdelay $0x3  }
0x230: {  	[tilespmem:v5+s25+$0x0] =	vst.idx.msk $0xffff, v4  }
0x231: {  	v5 =	vor.u32 $0x854, v62;
	v4 =	vld.idx.msk [tilespmem:v6+s26+$0x0], $0xffff  }
0x232: {  	v6 =	vor.u32 v21, v2;
	_ =	sdelay $0x3  }
0x233: {  	[tilespmem:v5+s25+$0x0] =	vst.idx.msk $0xffff, v4  }
0x234: {  	v5 =	vor.u32 $0x815, v62;
	v4 =	vld.idx.msk [tilespmem:v6+s24+$0x0], $0xffff  }
0x235: {  	v6 =	vor.u32 v21, v3;
	_ =	sdelay $0x3  }
0x236: {  	[tilespmem:v5+s25+$0x0] =	vst.idx.msk $0xffff, v4  }
0x237: {  	v5 =	vor.u32 $0x855, v62;
	v4 =	vld.idx.msk [tilespmem:v6+s26+$0x0], $0xffff  }
0x238: {  	v6 =	vor.u32 v22, v2;
	_ =	sdelay $0x3  }
0x239: {  	[tilespmem:v5+s25+$0x0] =	vst.idx.msk $0xffff, v4  }
0x23a: {  	v5 =	vor.u32 $0x816, v62;
	v4 =	vld.idx.msk [tilespmem:v6+s24+$0x0], $0xffff  }
0x23b: {  	v6 =	vor.u32 v22, v3;
	_ =	sdelay $0x3  }
0x23c: {  	[tilespmem:v5+s25+$0x0] =	vst.idx.msk $0xffff, v4  }
0x23d: {  	v5 =	vor.u32 $0x856, v62;
	v4 =	vld.idx.msk [tilespmem:v6+s26+$0x0], $0xffff  }
0x23e: {  	v6 =	vor.u32 v23, v2;
	_ =	sdelay $0x3  }
0x23f: {  	[tilespmem:v5+s25+$0x0] =	vst.idx.msk $0xffff, v4  }
0x240: {  	v5 =	vor.u32 $0x817, v62;
	v4 =	vld.idx.msk [tilespmem:v6+s24+$0x0], $0xffff  }
0x241: {  	v6 =	vor.u32 v23, v3;
	_ =	sdelay $0x3  }
0x242: {  	[tilespmem:v5+s25+$0x0] =	vst.idx.msk $0xffff, v4  }
0x243: {  	v5 =	vor.u32 $0x857, v62;
	v4 =	vld.idx.msk [tilespmem:v6+s26+$0x0], $0xffff  }
0x244: {  	v6 =	vor.u32 v24, v2;
	_ =	sdelay $0x3  }
0x245: {  	[tilespmem:v5+s25+$0x0] =	vst.idx.msk $0xffff, v4  }
0x246: {  	v5 =	vor.u32 $0x818, v62;
	v4 =	vld.idx.msk [tilespmem:v6+s24+$0x0], $0xffff  }
0x247: {  	v6 =	vor.u32 v24, v3;
	_ =	sdelay $0x3  }
0x248: {  	[tilespmem:v5+s25+$0x0] =	vst.idx.msk $0xffff, v4  }
0x249: {  	v5 =	vor.u32 $0x858, v62;
	v4 =	vld.idx.msk [tilespmem:v6+s26+$0x0], $0xffff  }
0x24a: {  	v6 =	vor.u32 v25, v2;
	_ =	sdelay $0x3  }
0x24b: {  	[tilespmem:v5+s25+$0x0] =	vst.idx.msk $0xffff, v4  }
0x24c: {  	v5 =	vor.u32 $0x819, v62;
	v4 =	vld.idx.msk [tilespmem:v6+s24+$0x0], $0xffff  }
0x24d: {  	v6 =	vor.u32 v25, v3;
	_ =	sdelay $0x3  }
0x24e: {  	[tilespmem:v5+s25+$0x0] =	vst.idx.msk $0xffff, v4  }
0x24f: {  	v5 =	vor.u32 $0x859, v62;
	v4 =	vld.idx.msk [tilespmem:v6+s26+$0x0], $0xffff  }
0x250: {  	v6 =	vor.u32 v26, v2;
	_ =	sdelay $0x3  }
0x251: {  	[tilespmem:v5+s25+$0x0] =	vst.idx.msk $0xffff, v4  }
0x252: {  	v5 =	vor.u32 $0x81A, v62;
	v4 =	vld.idx.msk [tilespmem:v6+s24+$0x0], $0xffff  }
0x253: {  	v6 =	vor.u32 v26, v3;
	_ =	sdelay $0x3  }
0x254: {  	[tilespmem:v5+s25+$0x0] =	vst.idx.msk $0xffff, v4  }
0x255: {  	v5 =	vor.u32 $0x85A, v62;
	v4 =	vld.idx.msk [tilespmem:v6+s26+$0x0], $0xffff  }
0x256: {  	v6 =	vor.u32 v27, v2;
	_ =	sdelay $0x3  }
0x257: {  	[tilespmem:v5+s25+$0x0] =	vst.idx.msk $0xffff, v4  }
0x258: {  	v5 =	vor.u32 $0x81B, v62;
	v4 =	vld.idx.msk [tilespmem:v6+s24+$0x0], $0xffff  }
0x259: {  	v6 =	vor.u32 v27, v3;
	_ =	sdelay $0x3  }
0x25a: {  	[tilespmem:v5+s25+$0x0] =	vst.idx.msk $0xffff, v4  }
0x25b: {  	v5 =	vor.u32 $0x85B, v62;
	v4 =	vld.idx.msk [tilespmem:v6+s26+$0x0], $0xffff  }
0x25c: {  	v6 =	vor.u32 v28, v2;
	_ =	sdelay $0x3  }
0x25d: {  	[tilespmem:v5+s25+$0x0] =	vst.idx.msk $0xffff, v4  }
0x25e: {  	v5 =	vor.u32 $0x81C, v62;
	v4 =	vld.idx.msk [tilespmem:v6+s24+$0x0], $0xffff  }
0x25f: {  	v6 =	vor.u32 v28, v3;
	_ =	sdelay $0x3  }
0x260: {  	[tilespmem:v5+s25+$0x0] =	vst.idx.msk $0xffff, v4  }
0x261: {  	v5 =	vor.u32 $0x85C, v62;
	v4 =	vld.idx.msk [tilespmem:v6+s26+$0x0], $0xffff  }
0x262: {  	v6 =	vor.u32 v29, v2;
	_ =	sdelay $0x3  }
0x263: {  	[tilespmem:v5+s25+$0x0] =	vst.idx.msk $0xffff, v4  }
0x264: {  	v5 =	vor.u32 $0x81D, v62;
	v4 =	vld.idx.msk [tilespmem:v6+s24+$0x0], $0xffff  }
0x265: {  	v6 =	vor.u32 v29, v3;
	_ =	sdelay $0x3  }
0x266: {  	[tilespmem:v5+s25+$0x0] =	vst.idx.msk $0xffff, v4  }
0x267: {  	v5 =	vor.u32 $0x85D, v62;
	v4 =	vld.idx.msk [tilespmem:v6+s26+$0x0], $0xffff  }
0x268: {  	v6 =	vor.u32 v30, v2;
	_ =	sdelay $0x3  }
0x269: {  	[tilespmem:v5+s25+$0x0] =	vst.idx.msk $0xffff, v4  }
0x26a: {  	v5 =	vor.u32 $0x81E, v62;
	v4 =	vld.idx.msk [tilespmem:v6+s24+$0x0], $0xffff  }
0x26b: {  	v6 =	vor.u32 v30, v3;
	_ =	sdelay $0x3  }
0x26c: {  	[tilespmem:v5+s25+$0x0] =	vst.idx.msk $0xffff, v4  }
0x26d: {  	v5 =	vor.u32 $0x85E, v62;
	v4 =	vld.idx.msk [tilespmem:v6+s26+$0x0], $0xffff  }
0x26e: {  	v6 =	vor.u32 v31, v2;
	_ =	sdelay $0x3  }
0x26f: {  	[tilespmem:v5+s25+$0x0] =	vst.idx.msk $0xffff, v4  }
0x270: {  	v5 =	vor.u32 $0x81F, v62;
	v4 =	vld.idx.msk [tilespmem:v6+s24+$0x0], $0xffff  }
0x271: {  	v6 =	vor.u32 v31, v3;
	_ =	sdelay $0x3  }
0x272: {  	[tilespmem:v5+s25+$0x0] =	vst.idx.msk $0xffff, v4  }
0x273: {  	v5 =	vor.u32 $0x85F, v62;
	v4 =	vld.idx.msk [tilespmem:v6+s26+$0x0], $0xffff  }
0x274: {  	v6 =	vor.u32 v32, v2;
	_ =	sdelay $0x3  }
0x275: {  	[tilespmem:v5+s25+$0x0] =	vst.idx.msk $0xffff, v4  }
0x276: {  	v5 =	vor.u32 $0x820, v62;
	v4 =	vld.idx.msk [tilespmem:v6+s24+$0x0], $0xffff  }
0x277: {  	v6 =	vor.u32 v32, v3;
	_ =	sdelay $0x3  }
0x278: {  	[tilespmem:v5+s25+$0x0] =	vst.idx.msk $0xffff, v4  }
0x279: {  	v5 =	vor.u32 $0x860, v62;
	v4 =	vld.idx.msk [tilespmem:v6+s26+$0x0], $0xffff  }
0x27a: {  	v6 =	vor.u32 v33, v2;
	_ =	sdelay $0x3  }
0x27b: {  	[tilespmem:v5+s25+$0x0] =	vst.idx.msk $0xffff, v4  }
0x27c: {  	v5 =	vor.u32 $0x821, v62;
	v4 =	vld.idx.msk [tilespmem:v6+s24+$0x0], $0xffff  }
0x27d: {  	v6 =	vor.u32 v33, v3;
	_ =	sdelay $0x3  }
0x27e: {  	[tilespmem:v5+s25+$0x0] =	vst.idx.msk $0xffff, v4  }
0x27f: {  	v5 =	vor.u32 $0x861, v62;
	v4 =	vld.idx.msk [tilespmem:v6+s26+$0x0], $0xffff  }
0x280: {  	v6 =	vor.u32 v34, v2;
	_ =	sdelay $0x3  }
0x281: {  	[tilespmem:v5+s25+$0x0] =	vst.idx.msk $0xffff, v4  }
0x282: {  	v5 =	vor.u32 $0x822, v62;
	v4 =	vld.idx.msk [tilespmem:v6+s24+$0x0], $0xffff  }
0x283: {  	v6 =	vor.u32 v34, v3;
	_ =	sdelay $0x3  }
0x284: {  	[tilespmem:v5+s25+$0x0] =	vst.idx.msk $0xffff, v4  }
0x285: {  	v5 =	vor.u32 $0x862, v62;
	v4 =	vld.idx.msk [tilespmem:v6+s26+$0x0], $0xffff  }
0x286: {  	v6 =	vor.u32 v35, v2;
	_ =	sdelay $0x3  }
0x287: {  	[tilespmem:v5+s25+$0x0] =	vst.idx.msk $0xffff, v4  }
0x288: {  	v5 =	vor.u32 $0x823, v62;
	v4 =	vld.idx.msk [tilespmem:v6+s24+$0x0], $0xffff  }
0x289: {  	v6 =	vor.u32 v35, v3;
	_ =	sdelay $0x3  }
0x28a: {  	[tilespmem:v5+s25+$0x0] =	vst.idx.msk $0xffff, v4  }
0x28b: {  	v5 =	vor.u32 $0x863, v62;
	v4 =	vld.idx.msk [tilespmem:v6+s26+$0x0], $0xffff  }
0x28c: {  	v6 =	vor.u32 v36, v2;
	_ =	sdelay $0x3  }
0x28d: {  	[tilespmem:v5+s25+$0x0] =	vst.idx.msk $0xffff, v4  }
0x28e: {  	v5 =	vor.u32 $0x824, v62;
	v4 =	vld.idx.msk [tilespmem:v6+s24+$0x0], $0xffff  }
0x28f: {  	v6 =	vor.u32 v36, v3;
	_ =	sdelay $0x3  }
0x290: {  	[tilespmem:v5+s25+$0x0] =	vst.idx.msk $0xffff, v4  }
0x291: {  	v5 =	vor.u32 $0x864, v62;
	v4 =	vld.idx.msk [tilespmem:v6+s26+$0x0], $0xffff  }
0x292: {  	v6 =	vor.u32 v37, v2;
	_ =	sdelay $0x3  }
0x293: {  	[tilespmem:v5+s25+$0x0] =	vst.idx.msk $0xffff, v4  }
0x294: {  	v5 =	vor.u32 $0x825, v62;
	v4 =	vld.idx.msk [tilespmem:v6+s24+$0x0], $0xffff  }
0x295: {  	v6 =	vor.u32 v37, v3;
	_ =	sdelay $0x3  }
0x296: {  	[tilespmem:v5+s25+$0x0] =	vst.idx.msk $0xffff, v4  }
0x297: {  	v5 =	vor.u32 $0x865, v62;
	v4 =	vld.idx.msk [tilespmem:v6+s26+$0x0], $0xffff  }
0x298: {  	v6 =	vor.u32 v38, v2;
	_ =	sdelay $0x3  }
0x299: {  	[tilespmem:v5+s25+$0x0] =	vst.idx.msk $0xffff, v4  }
0x29a: {  	v5 =	vor.u32 $0x826, v62;
	v4 =	vld.idx.msk [tilespmem:v6+s24+$0x0], $0xffff  }
0x29b: {  	v6 =	vor.u32 v38, v3;
	_ =	sdelay $0x3  }
0x29c: {  	[tilespmem:v5+s25+$0x0] =	vst.idx.msk $0xffff, v4  }
0x29d: {  	v5 =	vor.u32 $0x866, v62;
	v4 =	vld.idx.msk [tilespmem:v6+s26+$0x0], $0xffff  }
0x29e: {  	v6 =	vor.u32 v39, v2;
	_ =	sdelay $0x3  }
0x29f: {  	[tilespmem:v5+s25+$0x0] =	vst.idx.msk $0xffff, v4  }
0x2a0: {  	v5 =	vor.u32 $0x827, v62;
	v4 =	vld.idx.msk [tilespmem:v6+s24+$0x0], $0xffff  }
0x2a1: {  	v6 =	vor.u32 v39, v3;
	_ =	sdelay $0x3  }
0x2a2: {  	[tilespmem:v5+s25+$0x0] =	vst.idx.msk $0xffff, v4  }
0x2a3: {  	v5 =	vor.u32 $0x867, v62;
	v4 =	vld.idx.msk [tilespmem:v6+s26+$0x0], $0xffff  }
0x2a4: {  	v6 =	vor.u32 v40, v2;
	_ =	sdelay $0x3  }
0x2a5: {  	[tilespmem:v5+s25+$0x0] =	vst.idx.msk $0xffff, v4  }
0x2a6: {  	v5 =	vor.u32 $0x828, v62;
	v4 =	vld.idx.msk [tilespmem:v6+s24+$0x0], $0xffff  }
0x2a7: {  	v6 =	vor.u32 v40, v3;
	_ =	sdelay $0x3  }
0x2a8: {  	[tilespmem:v5+s25+$0x0] =	vst.idx.msk $0xffff, v4  }
0x2a9: {  	v5 =	vor.u32 $0x868, v62;
	v4 =	vld.idx.msk [tilespmem:v6+s26+$0x0], $0xffff  }
0x2aa: {  	v6 =	vor.u32 v41, v2;
	_ =	sdelay $0x3  }
0x2ab: {  	[tilespmem:v5+s25+$0x0] =	vst.idx.msk $0xffff, v4  }
0x2ac: {  	v5 =	vor.u32 $0x829, v62;
	v4 =	vld.idx.msk [tilespmem:v6+s24+$0x0], $0xffff  }
0x2ad: {  	v6 =	vor.u32 v41, v3;
	_ =	sdelay $0x3  }
0x2ae: {  	[tilespmem:v5+s25+$0x0] =	vst.idx.msk $0xffff, v4  }
0x2af: {  	v5 =	vor.u32 $0x869, v62;
	v4 =	vld.idx.msk [tilespmem:v6+s26+$0x0], $0xffff  }
0x2b0: {  	v6 =	vor.u32 v42, v2;
	_ =	sdelay $0x3  }
0x2b1: {  	[tilespmem:v5+s25+$0x0] =	vst.idx.msk $0xffff, v4  }
0x2b2: {  	v5 =	vor.u32 $0x82A, v62;
	v4 =	vld.idx.msk [tilespmem:v6+s24+$0x0], $0xffff  }
0x2b3: {  	v6 =	vor.u32 v42, v3;
	_ =	sdelay $0x3  }
0x2b4: {  	[tilespmem:v5+s25+$0x0] =	vst.idx.msk $0xffff, v4  }
0x2b5: {  	v5 =	vor.u32 $0x86A, v62;
	v4 =	vld.idx.msk [tilespmem:v6+s26+$0x0], $0xffff  }
0x2b6: {  	v6 =	vor.u32 v43, v2;
	_ =	sdelay $0x3  }
0x2b7: {  	[tilespmem:v5+s25+$0x0] =	vst.idx.msk $0xffff, v4  }
0x2b8: {  	v5 =	vor.u32 $0x82B, v62;
	v4 =	vld.idx.msk [tilespmem:v6+s24+$0x0], $0xffff  }
0x2b9: {  	v6 =	vor.u32 v43, v3;
	_ =	sdelay $0x3  }
0x2ba: {  	[tilespmem:v5+s25+$0x0] =	vst.idx.msk $0xffff, v4  }
0x2bb: {  	v5 =	vor.u32 $0x86B, v62;
	v4 =	vld.idx.msk [tilespmem:v6+s26+$0x0], $0xffff  }
0x2bc: {  	v6 =	vor.u32 v44, v2;
	_ =	sdelay $0x3  }
0x2bd: {  	[tilespmem:v5+s25+$0x0] =	vst.idx.msk $0xffff, v4  }
0x2be: {  	v5 =	vor.u32 $0x82C, v62;
	v4 =	vld.idx.msk [tilespmem:v6+s24+$0x0], $0xffff  }
0x2bf: {  	v6 =	vor.u32 v44, v3;
	_ =	sdelay $0x3  }
0x2c0: {  	[tilespmem:v5+s25+$0x0] =	vst.idx.msk $0xffff, v4  }
0x2c1: {  	v5 =	vor.u32 $0x86C, v62;
	v4 =	vld.idx.msk [tilespmem:v6+s26+$0x0], $0xffff  }
0x2c2: {  	v6 =	vor.u32 v45, v2;
	_ =	sdelay $0x3  }
0x2c3: {  	[tilespmem:v5+s25+$0x0] =	vst.idx.msk $0xffff, v4  }
0x2c4: {  	v5 =	vor.u32 $0x82D, v62;
	v4 =	vld.idx.msk [tilespmem:v6+s24+$0x0], $0xffff  }
0x2c5: {  	v6 =	vor.u32 v45, v3;
	_ =	sdelay $0x3  }
0x2c6: {  	[tilespmem:v5+s25+$0x0] =	vst.idx.msk $0xffff, v4  }
0x2c7: {  	v5 =	vor.u32 $0x86D, v62;
	v4 =	vld.idx.msk [tilespmem:v6+s26+$0x0], $0xffff  }
0x2c8: {  	v6 =	vor.u32 v46, v2;
	_ =	sdelay $0x3  }
0x2c9: {  	[tilespmem:v5+s25+$0x0] =	vst.idx.msk $0xffff, v4  }
0x2ca: {  	v5 =	vor.u32 $0x82E, v62;
	v4 =	vld.idx.msk [tilespmem:v6+s24+$0x0], $0xffff  }
0x2cb: {  	v6 =	vor.u32 v46, v3;
	_ =	sdelay $0x3  }
0x2cc: {  	[tilespmem:v5+s25+$0x0] =	vst.idx.msk $0xffff, v4  }
0x2cd: {  	v5 =	vor.u32 $0x86E, v62;
	v4 =	vld.idx.msk [tilespmem:v6+s26+$0x0], $0xffff  }
0x2ce: {  	v6 =	vor.u32 v47, v2;
	_ =	sdelay $0x3  }
0x2cf: {  	[tilespmem:v5+s25+$0x0] =	vst.idx.msk $0xffff, v4  }
0x2d0: {  	v5 =	vor.u32 $0x82F, v62;
	v4 =	vld.idx.msk [tilespmem:v6+s24+$0x0], $0xffff  }
0x2d1: {  	v6 =	vor.u32 v47, v3;
	_ =	sdelay $0x3  }
0x2d2: {  	[tilespmem:v5+s25+$0x0] =	vst.idx.msk $0xffff, v4  }
0x2d3: {  	v5 =	vor.u32 $0x86F, v62;
	v4 =	vld.idx.msk [tilespmem:v6+s26+$0x0], $0xffff  }
0x2d4: {  	v6 =	vor.u32 v48, v2;
	_ =	sdelay $0x3  }
0x2d5: {  	[tilespmem:v5+s25+$0x0] =	vst.idx.msk $0xffff, v4  }
0x2d6: {  	v5 =	vor.u32 $0x830, v62;
	v4 =	vld.idx.msk [tilespmem:v6+s24+$0x0], $0xffff  }
0x2d7: {  	v6 =	vor.u32 v48, v3;
	_ =	sdelay $0x3  }
0x2d8: {  	[tilespmem:v5+s25+$0x0] =	vst.idx.msk $0xffff, v4  }
0x2d9: {  	v5 =	vor.u32 $0x870, v62;
	v4 =	vld.idx.msk [tilespmem:v6+s26+$0x0], $0xffff  }
0x2da: {  	v6 =	vor.u32 v49, v2;
	_ =	sdelay $0x3  }
0x2db: {  	[tilespmem:v5+s25+$0x0] =	vst.idx.msk $0xffff, v4  }
0x2dc: {  	v5 =	vor.u32 $0x831, v62;
	v4 =	vld.idx.msk [tilespmem:v6+s24+$0x0], $0xffff  }
0x2dd: {  	v6 =	vor.u32 v49, v3;
	_ =	sdelay $0x3  }
0x2de: {  	[tilespmem:v5+s25+$0x0] =	vst.idx.msk $0xffff, v4  }
0x2df: {  	v5 =	vor.u32 $0x871, v62;
	v4 =	vld.idx.msk [tilespmem:v6+s26+$0x0], $0xffff  }
0x2e0: {  	v6 =	vor.u32 v50, v2;
	_ =	sdelay $0x3  }
0x2e1: {  	[tilespmem:v5+s25+$0x0] =	vst.idx.msk $0xffff, v4  }
0x2e2: {  	v5 =	vor.u32 $0x832, v62;
	v4 =	vld.idx.msk [tilespmem:v6+s24+$0x0], $0xffff  }
0x2e3: {  	v6 =	vor.u32 v50, v3;
	_ =	sdelay $0x3  }
0x2e4: {  	[tilespmem:v5+s25+$0x0] =	vst.idx.msk $0xffff, v4  }
0x2e5: {  	v5 =	vor.u32 $0x872, v62;
	v4 =	vld.idx.msk [tilespmem:v6+s26+$0x0], $0xffff  }
0x2e6: {  	v6 =	vor.u32 v51, v2;
	_ =	sdelay $0x3  }
0x2e7: {  	[tilespmem:v5+s25+$0x0] =	vst.idx.msk $0xffff, v4  }
0x2e8: {  	v5 =	vor.u32 $0x833, v62;
	v4 =	vld.idx.msk [tilespmem:v6+s24+$0x0], $0xffff  }
0x2e9: {  	v6 =	vor.u32 v51, v3;
	_ =	sdelay $0x3  }
0x2ea: {  	[tilespmem:v5+s25+$0x0] =	vst.idx.msk $0xffff, v4  }
0x2eb: {  	v5 =	vor.u32 $0x873, v62;
	v4 =	vld.idx.msk [tilespmem:v6+s26+$0x0], $0xffff  }
0x2ec: {  	v6 =	vor.u32 v52, v2;
	_ =	sdelay $0x3  }
0x2ed: {  	[tilespmem:v5+s25+$0x0] =	vst.idx.msk $0xffff, v4  }
0x2ee: {  	v5 =	vor.u32 $0x834, v62;
	v4 =	vld.idx.msk [tilespmem:v6+s24+$0x0], $0xffff  }
0x2ef: {  	v6 =	vor.u32 v52, v3;
	_ =	sdelay $0x3  }
0x2f0: {  	[tilespmem:v5+s25+$0x0] =	vst.idx.msk $0xffff, v4  }
0x2f1: {  	v5 =	vor.u32 $0x874, v62;
	v4 =	vld.idx.msk [tilespmem:v6+s26+$0x0], $0xffff  }
0x2f2: {  	v6 =	vor.u32 v53, v2;
	_ =	sdelay $0x3  }
0x2f3: {  	[tilespmem:v5+s25+$0x0] =	vst.idx.msk $0xffff, v4  }
0x2f4: {  	v5 =	vor.u32 $0x835, v62;
	v4 =	vld.idx.msk [tilespmem:v6+s24+$0x0], $0xffff  }
0x2f5: {  	v6 =	vor.u32 v53, v3;
	_ =	sdelay $0x3  }
0x2f6: {  	[tilespmem:v5+s25+$0x0] =	vst.idx.msk $0xffff, v4  }
0x2f7: {  	v5 =	vor.u32 $0x875, v62;
	v4 =	vld.idx.msk [tilespmem:v6+s26+$0x0], $0xffff  }
0x2f8: {  	v6 =	vor.u32 v54, v2;
	_ =	sdelay $0x3  }
0x2f9: {  	[tilespmem:v5+s25+$0x0] =	vst.idx.msk $0xffff, v4  }
0x2fa: {  	v5 =	vor.u32 $0x836, v62;
	v4 =	vld.idx.msk [tilespmem:v6+s24+$0x0], $0xffff  }
0x2fb: {  	v6 =	vor.u32 v54, v3;
	_ =	sdelay $0x3  }
0x2fc: {  	[tilespmem:v5+s25+$0x0] =	vst.idx.msk $0xffff, v4  }
0x2fd: {  	v5 =	vor.u32 $0x876, v62;
	v4 =	vld.idx.msk [tilespmem:v6+s26+$0x0], $0xffff  }
0x2fe: {  	v6 =	vor.u32 v55, v2;
	_ =	sdelay $0x3  }
0x2ff: {  	[tilespmem:v5+s25+$0x0] =	vst.idx.msk $0xffff, v4  }
0x300: {  	v5 =	vor.u32 $0x837, v62;
	v4 =	vld.idx.msk [tilespmem:v6+s24+$0x0], $0xffff  }
0x301: {  	v6 =	vor.u32 v55, v3;
	_ =	sdelay $0x3  }
0x302: {  	[tilespmem:v5+s25+$0x0] =	vst.idx.msk $0xffff, v4  }
0x303: {  	v5 =	vor.u32 $0x877, v62;
	v4 =	vld.idx.msk [tilespmem:v6+s26+$0x0], $0xffff  }
0x304: {  	v6 =	vor.u32 v56, v2;
	_ =	sdelay $0x3  }
0x305: {  	[tilespmem:v5+s25+$0x0] =	vst.idx.msk $0xffff, v4  }
0x306: {  	v5 =	vor.u32 $0x838, v62;
	v4 =	vld.idx.msk [tilespmem:v6+s24+$0x0], $0xffff  }
0x307: {  	v6 =	vor.u32 v56, v3;
	_ =	sdelay $0x3  }
0x308: {  	[tilespmem:v5+s25+$0x0] =	vst.idx.msk $0xffff, v4  }
0x309: {  	v5 =	vor.u32 $0x878, v62;
	v4 =	vld.idx.msk [tilespmem:v6+s26+$0x0], $0xffff  }
0x30a: {  	v6 =	vor.u32 v57, v2;
	_ =	sdelay $0x3  }
0x30b: {  	[tilespmem:v5+s25+$0x0] =	vst.idx.msk $0xffff, v4  }
0x30c: {  	v5 =	vor.u32 $0x839, v62;
	v4 =	vld.idx.msk [tilespmem:v6+s24+$0x0], $0xffff  }
0x30d: {  	v6 =	vor.u32 v57, v3;
	_ =	sdelay $0x3  }
0x30e: {  	[tilespmem:v5+s25+$0x0] =	vst.idx.msk $0xffff, v4  }
0x30f: {  	v5 =	vor.u32 $0x879, v62;
	v4 =	vld.idx.msk [tilespmem:v6+s26+$0x0], $0xffff  }
0x310: {  	v6 =	vor.u32 v58, v2;
	_ =	sdelay $0x3  }
0x311: {  	[tilespmem:v5+s25+$0x0] =	vst.idx.msk $0xffff, v4  }
0x312: {  	v5 =	vor.u32 $0x83A, v62;
	v4 =	vld.idx.msk [tilespmem:v6+s24+$0x0], $0xffff  }
0x313: {  	v6 =	vor.u32 v58, v3;
	_ =	sdelay $0x3  }
0x314: {  	[tilespmem:v5+s25+$0x0] =	vst.idx.msk $0xffff, v4  }
0x315: {  	v5 =	vor.u32 $0x87A, v62;
	v4 =	vld.idx.msk [tilespmem:v6+s26+$0x0], $0xffff  }
0x316: {  	v6 =	vor.u32 v59, v2;
	_ =	sdelay $0x3  }
0x317: {  	[tilespmem:v5+s25+$0x0] =	vst.idx.msk $0xffff, v4  }
0x318: {  	v5 =	vor.u32 $0x83B, v62;
	v4 =	vld.idx.msk [tilespmem:v6+s24+$0x0], $0xffff  }
0x319: {  	v6 =	vor.u32 v59, v3;
	_ =	sdelay $0x3  }
0x31a: {  	[tilespmem:v5+s25+$0x0] =	vst.idx.msk $0xffff, v4  }
0x31b: {  	v5 =	vor.u32 $0x87B, v62;
	v4 =	vld.idx.msk [tilespmem:v6+s26+$0x0], $0xffff  }
0x31c: {  	v6 =	vor.u32 v60, v2;
	_ =	sdelay $0x3  }
0x31d: {  	[tilespmem:v5+s25+$0x0] =	vst.idx.msk $0xffff, v4  }
0x31e: {  	v5 =	vor.u32 $0x83C, v62;
	v4 =	vld.idx.msk [tilespmem:v6+s24+$0x0], $0xffff  }
0x31f: {  	v6 =	vor.u32 v60, v3;
	_ =	sdelay $0x3  }
0x320: {  	[tilespmem:v5+s25+$0x0] =	vst.idx.msk $0xffff, v4  }
0x321: {  	v5 =	vor.u32 $0x87C, v62;
	v4 =	vld.idx.msk [tilespmem:v6+s26+$0x0], $0xffff  }
0x322: {  	v6 =	vor.u32 v63, v2;
	_ =	sdelay $0x3  }
0x323: {  	[tilespmem:v5+s25+$0x0] =	vst.idx.msk $0xffff, v4  }
0x324: {  	v5 =	vor.u32 $0x83D, v62;
	v4 =	vld.idx.msk [tilespmem:v6+s24+$0x0], $0xffff  }
0x325: {  	v6 =	vor.u32 v63, v3;
	_ =	sdelay $0x3  }
0x326: {  	[tilespmem:v5+s25+$0x0] =	vst.idx.msk $0xffff, v4  }
0x327: {  	v5 =	vor.u32 $0x87D, v62;
	v4 =	vld.idx.msk [tilespmem:v6+s26+$0x0], $0xffff  }
0x328: {  	v6 =	vor.u32 v0, v2;
	_ =	sdelay $0x3  }
0x329: {  	[tilespmem:v5+s25+$0x0] =	vst.idx.msk $0xffff, v4  }
0x32a: {  	v5 =	vor.u32 $0x83E, v62;
	v4 =	vld.idx.msk [tilespmem:v6+s24+$0x0], $0xffff  }
0x32b: {  	v6 =	vor.u32 v0, v3;
	_ =	sdelay $0x3  }
0x32c: {  	[tilespmem:v5+s25+$0x0] =	vst.idx.msk $0xffff, v4  }
0x32d: {  	v5 =	vor.u32 $0x87E, v62;
	v4 =	vld.idx.msk [tilespmem:v6+s26+$0x0], $0xffff  }
0x32e: {  	v6 =	vor.u32 v1, v2;
	_ =	sdelay $0x3  }
0x32f: {  	[tilespmem:v5+s25+$0x0] =	vst.idx.msk $0xffff, v4  }
0x330: {  	v5 =	vor.u32 $0x83F, v62;
	v4 =	vld.idx.msk [tilespmem:v6+s24+$0x0], $0xffff  }
0x331: {  	v6 =	vor.u32 v1, v3;
	_ =	sdelay $0x2  }
0x332: {  	v7 =	vmul.u32 $0x10, v61  }
0x333: {  	[tilespmem:v5+s25+$0x0] =	vst.idx.msk $0xffff, v4  }
0x334: {  	v5 =	vor.u32 $0x87F, v62;
	v4 =	vld.idx.msk [tilespmem:v6+s26+$0x0], $0xffff;
	v6 =	vor.u32 $0x100, v7  }
0x335: {  	v2 =	vor.u32 v6, v2  }
0x336: {  	v3 =	vor.u32 v6, v3;
	_ =	sdelay $0x2  }
0x337: {  	s3 =	simm.s32 $0x10400;
	[tilespmem:v5+s25+$0x0] =	vst.idx.msk $0xffff, v4  }
0x338: {  	s19 =	simm.s32 $0x10600;
	v2 =	vld.idx.msk [tilespmem:v2+s3+$0x0], $0xffff  }
0x339: {  	v3 =	vld.idx.msk [tilespmem:v3+s19+$0x0], $0xffff;
	_ =	sdelay $0x4  }
0x33a: {  	v2 =	vadd.f32 v3, v2;
	_ =	sdelay $0x1  }
0x33b: {  	s12 =	simm.s32 $0x11000;
	s20 =	rddreg [dreg:$0xf];
	[tilespmem:$0x11810] =	vst v2  }
0x33c: {  	[hbm4b:s20+s4] =	stream.linear.scatter [tilespmem:s12], [sflag:$0x5], $0x800, $0x38;
	[tilespmem:$0x11880] =	vst v63  }
0x33d: {  	s23 =	simm.s32 $0x11810;
	s22 =	rddreg [dreg:$0x10]  }
0x33e: {  	[hbm4b:s22+s4] =	stream.linear.scatter [tilespmem:s23], [sflag:$0x6], $0x10, $0x38;
	[tilespmem:$0x11880] =	vst v63  }
0x33f: {  	_ =	swait.ge [sflag:s10], $0x800  }
0x340: {  	[sflag:s10] =	ssyncset.done $0x0  }
0x341: {  	[sflag:s10] =	ssyncadd.s32 $0xFFFFF800  }
0x342: {  	_ =	swait.ge [sflag:s11], $0x10  }
0x343: {  	[sflag:s11] =	ssyncset.done $0x0  }
0x344: {  	[sflag:s11] =	ssyncadd.s32 $0xFFFFFFF0  }
0x345: {  	_ =	swait.ge [sflag:s10], $0x800  }
0x346: {  	[sflag:s10] =	ssyncset.done $0x0  }
0x347: {  	[sflag:s10] =	ssyncadd.s32 $0xFFFFF800  }
0x348: {  	_ =	swait.ge [sflag:s11], $0x10  }
0x349: {  	s28 =	rddreg [dreg:$0x12]  }
0x34a: {  	s29 =	rddreg [dreg:$0x11];
	s10 =	sadd.s32 $0x1, s28  }
0x34b: {  	p0 =	sne.s32 s10, s29  }
.Ltmp1:
0x34c: {  	_ = 	snop;
	(pc) =	sbr.rel @!p0 .LBB2_12-.Ltmp1, $3  }
0x34d: {  	_ =	sdelay $0x1  }
0x34e: {  	[sflag:s11] =	ssyncset.done $0x0  }
0x34f: {  	[sflag:s11] =	ssyncadd.s32 $0xFFFFFFF0  }
.LBB2_1:
0x350: {  	[dreg:$0x12] =	wrdreg s10  }
0x351: {  	s3 =	rddreg [dreg:$0x7]  }
0x352: {  	[tilespmem:s4], [sflag:$0x7] =	stream.linear.gather [hbm4b:s3+s4], $0x80, $0x38;
	[tilespmem:$0x11880] =	vst v63  }
0x353: {  	_ =	swait.ge [sflag:s21], $0x80  }
0x354: {  	[sflag:s21] =	ssyncset.done $0x0  }
0x355: {  	s12 =	simm.s32 $0x200;
	s11 =	rddreg [dreg:$0x8];
	[sflag:s21] =	ssyncadd.s32 $0xFFFFFF80  }
0x356: {  	[tilespmem:s12], [sflag:$0x7] =	stream.linear.gather [hbm4b:s11+s4], $0x80, $0x38;
	[tilespmem:$0x11880] =	vst v63  }
0x357: {  	_ =	swait.ge [sflag:s21], $0x80  }
0x358: {  	[sflag:s21] =	ssyncset.done $0x0  }
0x359: {  	s14 =	simm.s32 $0x80;
	s13 =	rddreg [dreg:$0x9];
	[sflag:s21] =	ssyncadd.s32 $0xFFFFFF80  }
0x35a: {  	[tilespmem:s14], [sflag:$0x7] =	stream.linear.gather [hbm4b:s13+s4], $0x80, $0x38;
	[tilespmem:$0x11880] =	vst v63  }
0x35b: {  	_ =	swait.ge [sflag:s21], $0x80  }
0x35c: {  	[sflag:s21] =	ssyncset.done $0x0  }
0x35d: {  	s16 =	simm.s32 $0x280;
	s15 =	rddreg [dreg:$0xa];
	[sflag:s21] =	ssyncadd.s32 $0xFFFFFF80  }
0x35e: {  	[tilespmem:s16], [sflag:$0x7] =	stream.linear.gather [hbm4b:s15+s4], $0x80, $0x38;
	[tilespmem:$0x11880] =	vst v63  }
0x35f: {  	_ =	swait.ge [sflag:s21], $0x80  }
0x360: {  	[sflag:s21] =	ssyncset.done $0x0  }
0x361: {  	s18 =	simm.s32 $0x100;
	s17 =	rddreg [dreg:$0xb];
	[sflag:s21] =	ssyncadd.s32 $0xFFFFFF80  }
0x362: {  	[tilespmem:s18], [sflag:$0x7] =	stream.linear.gather [hbm4b:s17+s4], $0x80, $0x38;
	[tilespmem:$0x11880] =	vst v63  }
0x363: {  	_ =	swait.ge [sflag:s21], $0x80  }
0x364: {  	[sflag:s21] =	ssyncset.done $0x0  }
0x365: {  	s20 =	simm.s32 $0x300;
	s19 =	rddreg [dreg:$0xc];
	[sflag:s21] =	ssyncadd.s32 $0xFFFFFF80  }
0x366: {  	[tilespmem:s20], [sflag:$0x7] =	stream.linear.gather [hbm4b:s19+s4], $0x80, $0x38;
	[tilespmem:$0x11880] =	vst v63  }
0x367: {  	_ =	swait.ge [sflag:s21], $0x80  }
0x368: {  	[sflag:s21] =	ssyncset.done $0x0  }
0x369: {  	s23 =	simm.s32 $0x180;
	s22 =	rddreg [dreg:$0xd];
	[sflag:s21] =	ssyncadd.s32 $0xFFFFFF80  }
0x36a: {  	[tilespmem:s23], [sflag:$0x7] =	stream.linear.gather [hbm4b:s22+s4], $0x80, $0x38;
	[tilespmem:$0x11880] =	vst v63  }
0x36b: {  	_ =	swait.ge [sflag:s21], $0x80  }
0x36c: {  	s29 =	simm.s32 $0x380;
	[sflag:s21] =	ssyncset.done $0x0  }
.Ltmp2:
0x36d: {  	s28 =	rddreg [dreg:$0xe];
	[sflag:s21] =	ssyncadd.s32 $0xFFFFFF80;
	(pc) =	sbr.rel .LBB2_2-.Ltmp2, $4  }
0x36e: {  	[tilespmem:s29], [sflag:$0x7] =	stream.linear.gather [hbm4b:s28+s4], $0x80, $0x38;
	[tilespmem:$0x11880] =	vst v63  }
0x36f: {  	_ =	swait.ge [sflag:s21], $0x80  }
0x370: {  	[sflag:s21] =	ssyncset.done $0x0  }
0x371: {  	p0 =	por $0x0, $0x0;
	s11 =	simm.s32 $0x0;
	[sflag:s21] =	ssyncadd.s32 $0xFFFFFF80  }
.LBB2_10:
0x372: {  	s11 =	sadd.s32 $0x1, s11  }
0x373: {  	p1 =	sne.s32 s11, $0x20  }
.Ltmp3:
0x374: {  	_ = 	snop;
	(pc) =	sbr.rel @!p1 .LBB2_11-.Ltmp3, $2  }
0x375: {  	_ =	sdelay $0x2  }
0x376: {  	p0 =	por !p0, !p0  }
.LBB2_2:
0x377: {  	s3 =	simm.s32 $0x1;
	s10 =	sshll.u32 s11, $0x4  }
0x378: {  	s29 =	sshll.u32 s11, $0x8;
	s14 =	simm.s32 $0x0;
	s3 =	simm.s32 @!p0 $0x0;
	v2 =	vld [tilespmem:s10+$0x0]  }
0x379: {  	s15 =	simm.s32 $0x0;
	s13 =	sand.u32 $0x100, s29;
	v3 =	vld [tilespmem:s10+$0x200];
	s12 =	sshll.u32 s3, $0xB  }
.LBB2_3:
0x37a: {  	_ = 	snop  }
0x37b: {  	v4 =	vmov s15  }
0x37c: {  	vm0 =	veq.s32 v4, v61  }
0x37d: {  	v4 =	vnsel vm0, $0x0, v2  }
0x37e: {  	(xrf0) =	vadd.scan.msk.s32 $0xffff, v4;
	_ =	sdelay $0x5  }
0x37f: {  	v4, _, _ =	vpop (xrf0)  }
0x380: {  	(v2sf) =	vpush v4, $0xF;
	_ =	sdelay $0xe  }
0x381: {  	s3 =	sshll.u32 s12, $0x2;
	s10 =	sand.u32 $0x7, s14;
	s16 =	spop (v2sf)  }
0x382: {  	s3 =	sand.u32 $0xFFFFF000, s3;
	s10 =	sshll.u32 s10, $0x6;
	s17 =	sshll.u32 s16, $0x3  }
0x383: {  	s3 =	sor.u32 s10, s3;
	s20 =	sand.u32 $0x70, s16;
	s19 =	sand.u32 $0xFFFFFC00, s17  }
0x384: {  	s3 =	sshrl.u32 s3, $0x2;
	s10 =	sor.u32 s20, s19  }
0x385: {  	s19 =	sadd.s32 $0x400, s3;
	s10 =	sshrl.u32 s10, $0x3  }
0x386: {  	s28 =	sadd.s32 $0x0, s19;
	s20 =	sadd.s32 s0, s10  }
0x387: {  	[tilespmem:s28], [sflag:$0x1] =	stream.linear.gather [hbm4b:s20+s4], $0x10, $0x38;
	[tilespmem:$0x11880] =	vst v63  }
0x388: {  	s22 =	sadd.s32 $0x80, s28;
	s10 =	sadd.s32 $0x10, s20  }
0x389: {  	[tilespmem:s22], [sflag:$0x1] =	stream.linear.gather [hbm4b:s10+s4], $0x10, $0x38;
	[tilespmem:$0x11880] =	vst v63  }
0x38a: {  	s29 =	sadd.s32 $0x100, s28;
	s17 =	sadd.s32 $0x280, s28;
	s23 =	sadd.s32 $0x20, s20  }
0x38b: {  	[tilespmem:s29], [sflag:$0x1] =	stream.linear.gather [hbm4b:s23+s4], $0x10, $0x38;
	[tilespmem:$0x11880] =	vst v63  }
0x38c: {  	s18 =	sadd.s32 $0x30, s20;
	s22 =	sadd.s32 $0x180, s28;
	s10 =	sadd.s32 $0x50, s20  }
0x38d: {  	[tilespmem:s22], [sflag:$0x1] =	stream.linear.gather [hbm4b:s18+s4], $0x10, $0x38;
	[tilespmem:$0x11880] =	vst v63  }
0x38e: {  	s23 =	sadd.s32 $0x40, s20;
	s29 =	sadd.s32 $0x200, s28;
	s18 =	sadd.s32 $0x8400, s3  }
0x38f: {  	[tilespmem:s29], [sflag:$0x1] =	stream.linear.gather [hbm4b:s23+s4], $0x10, $0x38;
	[tilespmem:$0x11880] =	vst v63  }
0x390: {  	s22 =	sshll.u32 s15, $0x4;
	s3 =	sadd.s32 $0x380, s28;
	s23 =	sadd.s32 $0x60, s20  }
0x391: {  	[tilespmem:s17], [sflag:$0x1] =	stream.linear.gather [hbm4b:s10+s4], $0x10, $0x38;
	[tilespmem:$0x11880] =	vst v63  }
0x392: {  	s29 =	sadd.s32 $0x300, s28;
	s17 =	sor.u32 s13, s22;
	s22 =	simm.s32 $0x1000  }
0x393: {  	[tilespmem:s29], [sflag:$0x1] =	stream.linear.gather [hbm4b:s23+s4], $0x10, $0x38;
	[tilespmem:$0x11880] =	vst v63  }
0x394: {  	s10 =	sadd.s32 $0x70, s20;
	s20 =	sadd.s32 $0xF4280, s20;
	s23 =	simm.s32 $0x8000  }
.LBB2_4:
0x395: {  	[tilespmem:s3], [sflag:$0x1] =	stream.linear.gather [hbm4b:s10+s4], $0x10, $0x38;
	[tilespmem:$0x11880] =	vst v63  }
0x396: {  	s3 =	smov.u32 s23  }
0x397: {  	s28 =	sadd.s32 $0x4000, s23;
	s29 =	sadd.s32 s22, s19;
	s22 =	sshra.s32 s3, $0x2  }
0x398: {  	[tilespmem:s29], [sflag:$0x1] =	stream.linear.gather [hbm4b:s20+s4], $0x10, $0x38;
	[tilespmem:$0x11880] =	vst v63  }
0x399: {  	p1 =	sne.s32 s23, $0x1C000;
	s3 =	sadd.s32 $0x10, s20;
	s10 =	sadd.s32 $0x80, s29  }
0x39a: {  	[tilespmem:s10], [sflag:$0x1] =	stream.linear.gather [hbm4b:s3+s4], $0x10, $0x38;
	[tilespmem:$0x11880] =	vst v63  }
0x39b: {  	s3 =	sadd.s32 $0x20, s20;
	s10 =	sadd.s32 $0x100, s29  }
0x39c: {  	[tilespmem:s10], [sflag:$0x1] =	stream.linear.gather [hbm4b:s3+s4], $0x10, $0x38;
	[tilespmem:$0x11880] =	vst v63  }
0x39d: {  	s3 =	sadd.s32 $0x30, s20;
	s10 =	sadd.s32 $0x180, s29  }
0x39e: {  	[tilespmem:s10], [sflag:$0x1] =	stream.linear.gather [hbm4b:s3+s4], $0x10, $0x38;
	[tilespmem:$0x11880] =	vst v63  }
0x39f: {  	s3 =	sadd.s32 $0x40, s20;
	s10 =	sadd.s32 $0x200, s29  }
0x3a0: {  	[tilespmem:s10], [sflag:$0x1] =	stream.linear.gather [hbm4b:s3+s4], $0x10, $0x38;
	[tilespmem:$0x11880] =	vst v63  }
.Ltmp4:
0x3a1: {  	s3 =	sadd.s32 $0x50, s20;
	s10 =	sadd.s32 $0x280, s29;
	(pc) =	sbr.rel @p1 .LBB2_4-.Ltmp4, $4  }
0x3a2: {  	[tilespmem:s10], [sflag:$0x1] =	stream.linear.gather [hbm4b:s3+s4], $0x10, $0x38;
	[tilespmem:$0x11880] =	vst v63  }
0x3a3: {  	s23 =	smov.u32 s28;
	s3 =	sadd.s32 $0x60, s20;
	s10 =	sadd.s32 $0x300, s29  }
0x3a4: {  	[tilespmem:s10], [sflag:$0x1] =	stream.linear.gather [hbm4b:s3+s4], $0x10, $0x38;
	[tilespmem:$0x11880] =	vst v63  }
0x3a5: {  	s10 =	sadd.s32 $0x70, s20;
	s3 =	sadd.s32 $0x380, s29;
	s20 =	sadd.s32 $0xF4280, s20  }
0x3a6: {  	v4 =	vnsel vm0, $0x0, v3  }
0x3a7: {  	(xrf0) =	vadd.scan.msk.s32 $0xffff, v4;
	_ =	sdelay $0x4  }
0x3a8: {  	[tilespmem:s3], [sflag:$0x1] =	stream.linear.gather [hbm4b:s10+s4], $0x10, $0x38;
	[tilespmem:$0x11880] =	vst v63  }
0x3a9: {  	s3 =	sadd.s32 s22, s19;
	v4, _, _ =	vpop (xrf0)  }
0x3aa: {  	[tilespmem:s3], [sflag:$0x1] =	stream.linear.gather [hbm4b:s20+s4], $0x10, $0x38;
	(v2sf) =	vpush v4, $0xF;
	[tilespmem:$0x11880] =	vst v63  }
0x3ab: {  	s23 =	sadd.s32 $0x10, s20;
	s19 =	sadd.s32 $0x80, s3  }
0x3ac: {  	[tilespmem:s19], [sflag:$0x1] =	stream.linear.gather [hbm4b:s23+s4], $0x10, $0x38;
	[tilespmem:$0x11880] =	vst v63  }
0x3ad: {  	s28 =	sadd.s32 $0x20, s20;
	s29 =	sadd.s32 $0x100, s3  }
0x3ae: {  	[tilespmem:s29], [sflag:$0x1] =	stream.linear.gather [hbm4b:s28+s4], $0x10, $0x38;
	[tilespmem:$0x11880] =	vst v63  }
0x3af: {  	s22 =	sadd.s32 $0x30, s20;
	s23 =	sadd.s32 $0x180, s3  }
0x3b0: {  	[tilespmem:s23], [sflag:$0x1] =	stream.linear.gather [hbm4b:s22+s4], $0x10, $0x38;
	[tilespmem:$0x11880] =	vst v63  }
0x3b1: {  	s28 =	sadd.s32 $0x40, s20;
	s29 =	sadd.s32 $0x200, s3  }
0x3b2: {  	[tilespmem:s29], [sflag:$0x1] =	stream.linear.gather [hbm4b:s28+s4], $0x10, $0x38;
	[tilespmem:$0x11880] =	vst v63  }
0x3b3: {  	s22 =	sadd.s32 $0x50, s20;
	s23 =	sadd.s32 $0x280, s3  }
0x3b4: {  	[tilespmem:s23], [sflag:$0x1] =	stream.linear.gather [hbm4b:s22+s4], $0x10, $0x38;
	[tilespmem:$0x11880] =	vst v63  }
0x3b5: {  	s28 =	sadd.s32 $0x60, s20;
	s29 =	sadd.s32 $0x300, s3  }
0x3b6: {  	[tilespmem:s29], [sflag:$0x1] =	stream.linear.gather [hbm4b:s28+s4], $0x10, $0x38;
	[tilespmem:$0x11880] =	vst v63  }
0x3b7: {  	s19 =	sadd.s32 $0x70, s20;
	s3 =	sadd.s32 $0x380, s3  }
0x3b8: {  	[tilespmem:s3], [sflag:$0x1] =	stream.linear.gather [hbm4b:s19+s4], $0x10, $0x38;
	[tilespmem:$0x11880] =	vst v63  }
0x3b9: {  	s19 =	spop (v2sf)  }
0x3ba: {  	s20 =	sshll.u32 s19, $0x3  }
0x3bb: {  	s22 =	sand.u32 $0x70, s19;
	s3 =	sand.u32 $0xFFFFFC00, s20  }
0x3bc: {  	s3 =	sor.u32 s22, s3  }
0x3bd: {  	s3 =	sshrl.u32 s3, $0x3  }
0x3be: {  	s10 =	sadd.s32 $0x0, s18;
	s20 =	sadd.s32 s1, s3  }
0x3bf: {  	[tilespmem:s10], [sflag:$0x2] =	stream.linear.gather [hbm4b:s20+s4], $0x10, $0x38;
	[tilespmem:$0x11880] =	vst v63  }
0x3c0: {  	s23 =	sadd.s32 $0x80, s10;
	s3 =	sadd.s32 $0x10, s20  }
0x3c1: {  	[tilespmem:s23], [sflag:$0x2] =	stream.linear.gather [hbm4b:s3+s4], $0x10, $0x38;
	[tilespmem:$0x11880] =	vst v63  }
0x3c2: {  	s29 =	sadd.s32 $0x100, s10;
	s28 =	sadd.s32 $0x20, s20;
	s22 =	sadd.s32 $0x30, s20  }
0x3c3: {  	[tilespmem:s29], [sflag:$0x2] =	stream.linear.gather [hbm4b:s28+s4], $0x10, $0x38;
	[tilespmem:$0x11880] =	vst v63  }
0x3c4: {  	s23 =	sadd.s32 $0x180, s10;
	s3 =	sadd.s32 $0x70, s20;
	s28 =	sadd.s32 $0x40, s20  }
0x3c5: {  	[tilespmem:s23], [sflag:$0x2] =	stream.linear.gather [hbm4b:s22+s4], $0x10, $0x38;
	[tilespmem:$0x11880] =	vst v63  }
0x3c6: {  	s29 =	sadd.s32 $0x200, s10;
	s22 =	sadd.s32 $0x50, s20;
	s23 =	sadd.s32 $0x280, s10  }
0x3c7: {  	[tilespmem:s29], [sflag:$0x2] =	stream.linear.gather [hbm4b:s28+s4], $0x10, $0x38;
	[tilespmem:$0x11880] =	vst v63  }
0x3c8: {  	s28 =	sadd.s32 $0x60, s20;
	s29 =	sadd.s32 $0x300, s10;
	s10 =	sadd.s32 $0x380, s10  }
0x3c9: {  	[tilespmem:s23], [sflag:$0x2] =	stream.linear.gather [hbm4b:s22+s4], $0x10, $0x38;
	[tilespmem:$0x11880] =	vst v63  }
0x3ca: {  	s20 =	sadd.s32 $0xF4280, s20;
	s22 =	simm.s32 $0x1000;
	s23 =	simm.s32 $0x8000  }
0x3cb: {  	[tilespmem:s29], [sflag:$0x2] =	stream.linear.gather [hbm4b:s28+s4], $0x10, $0x38;
	[tilespmem:$0x11880] =	vst v63  }
.LBB2_6:
0x3cc: {  	[tilespmem:s10], [sflag:$0x2] =	stream.linear.gather [hbm4b:s3+s4], $0x10, $0x38;
	[tilespmem:$0x11880] =	vst v63  }
0x3cd: {  	s3 =	smov.u32 s23  }
0x3ce: {  	s28 =	sadd.s32 $0x4000, s23;
	s10 =	sadd.s32 s22, s18;
	s22 =	sshra.s32 s3, $0x2  }
0x3cf: {  	[tilespmem:s10], [sflag:$0x2] =	stream.linear.gather [hbm4b:s20+s4], $0x10, $0x38;
	[tilespmem:$0x11880] =	vst v63  }
0x3d0: {  	p1 =	sne.s32 s23, $0x1C000;
	s3 =	sadd.s32 $0x10, s20;
	s23 =	sadd.s32 $0x80, s10  }
0x3d1: {  	[tilespmem:s23], [sflag:$0x2] =	stream.linear.gather [hbm4b:s3+s4], $0x10, $0x38;
	[tilespmem:$0x11880] =	vst v63  }
0x3d2: {  	s3 =	sadd.s32 $0x20, s20;
	s23 =	sadd.s32 $0x100, s10  }
0x3d3: {  	[tilespmem:s23], [sflag:$0x2] =	stream.linear.gather [hbm4b:s3+s4], $0x10, $0x38;
	[tilespmem:$0x11880] =	vst v63  }
0x3d4: {  	s3 =	sadd.s32 $0x30, s20;
	s23 =	sadd.s32 $0x180, s10  }
0x3d5: {  	[tilespmem:s23], [sflag:$0x2] =	stream.linear.gather [hbm4b:s3+s4], $0x10, $0x38;
	[tilespmem:$0x11880] =	vst v63  }
0x3d6: {  	s3 =	sadd.s32 $0x40, s20;
	s23 =	sadd.s32 $0x200, s10  }
0x3d7: {  	[tilespmem:s23], [sflag:$0x2] =	stream.linear.gather [hbm4b:s3+s4], $0x10, $0x38;
	[tilespmem:$0x11880] =	vst v63  }
.Ltmp5:
0x3d8: {  	s3 =	sadd.s32 $0x50, s20;
	s23 =	sadd.s32 $0x280, s10;
	(pc) =	sbr.rel @p1 .LBB2_6-.Ltmp5, $4  }
0x3d9: {  	[tilespmem:s23], [sflag:$0x2] =	stream.linear.gather [hbm4b:s3+s4], $0x10, $0x38;
	[tilespmem:$0x11880] =	vst v63  }
0x3da: {  	s3 =	sadd.s32 $0x60, s20;
	s23 =	sadd.s32 $0x300, s10;
	s10 =	sadd.s32 $0x380, s10  }
0x3db: {  	[tilespmem:s23], [sflag:$0x2] =	stream.linear.gather [hbm4b:s3+s4], $0x10, $0x38;
	[tilespmem:$0x11880] =	vst v63  }
0x3dc: {  	s3 =	sadd.s32 $0x70, s20;
	s20 =	sadd.s32 $0xF4280, s20;
	s23 =	smov.u32 s28  }
0x3dd: {  	[tilespmem:s10], [sflag:$0x2] =	stream.linear.gather [hbm4b:s3+s4], $0x10, $0x38;
	[tilespmem:$0x11880] =	vst v63  }
0x3de: {  	s3 =	sadd.s32 s22, s18  }
0x3df: {  	[tilespmem:s3], [sflag:$0x2] =	stream.linear.gather [hbm4b:s20+s4], $0x10, $0x38;
	[tilespmem:$0x11880] =	vst v63  }
0x3e0: {  	s23 =	sadd.s32 $0x10, s20;
	s18 =	sadd.s32 $0x80, s3  }
0x3e1: {  	[tilespmem:s18], [sflag:$0x2] =	stream.linear.gather [hbm4b:s23+s4], $0x10, $0x38;
	[tilespmem:$0x11880] =	vst v63  }
0x3e2: {  	s28 =	sadd.s32 $0x20, s20;
	s29 =	sadd.s32 $0x100, s3  }
0x3e3: {  	[tilespmem:s29], [sflag:$0x2] =	stream.linear.gather [hbm4b:s28+s4], $0x10, $0x38;
	[tilespmem:$0x11880] =	vst v63  }
0x3e4: {  	s22 =	sadd.s32 $0x30, s20;
	s23 =	sadd.s32 $0x180, s3  }
0x3e5: {  	[tilespmem:s23], [sflag:$0x2] =	stream.linear.gather [hbm4b:s22+s4], $0x10, $0x38;
	[tilespmem:$0x11880] =	vst v63  }
0x3e6: {  	s28 =	sadd.s32 $0x40, s20;
	s29 =	sadd.s32 $0x200, s3  }
0x3e7: {  	[tilespmem:s29], [sflag:$0x2] =	stream.linear.gather [hbm4b:s28+s4], $0x10, $0x38;
	[tilespmem:$0x11880] =	vst v63  }
0x3e8: {  	s22 =	sadd.s32 $0x50, s20;
	s23 =	sadd.s32 $0x280, s3  }
0x3e9: {  	[tilespmem:s23], [sflag:$0x2] =	stream.linear.gather [hbm4b:s22+s4], $0x10, $0x38;
	[tilespmem:$0x11880] =	vst v63  }
0x3ea: {  	s15 =	sadd.s32 $0x1, s15;
	s28 =	sadd.s32 $0x60, s20;
	s29 =	sadd.s32 $0x300, s3  }
0x3eb: {  	[tilespmem:s29], [sflag:$0x2] =	stream.linear.gather [hbm4b:s28+s4], $0x10, $0x38;
	[tilespmem:$0x11880] =	vst v63  }
0x3ec: {  	s20 =	sadd.s32 $0x70, s20;
	s3 =	sadd.s32 $0x380, s3;
	s22 =	sshrl.u32 s16, $0x3  }
0x3ed: {  	[tilespmem:s3], [sflag:$0x2] =	stream.linear.gather [hbm4b:s20+s4], $0x10, $0x38;
	[tilespmem:$0x11880] =	vst v63  }
0x3ee: {  	p1 =	sne.s32 s15, $0x10;
	s23 =	sadd.s32 $0x10400, s17;
	s3 =	sand.u32 $0x1FFFFFFE, s22  }
.Ltmp6:
0x3ef: {  	s28 =	sshrl.u32 s19, $0x3;
	s3 =	sadd.s32 s6, s3;
	(pc) =	sbr.rel @p1 .LBB2_3-.Ltmp6, $4  }
0x3f0: {  	[tilespmem:s23], [sflag:$0x3] =	stream.linear.gather [hbm4b:s3+s4], $0x10, $0x38;
	[tilespmem:$0x11880] =	vst v63  }
0x3f1: {  	s12 =	sadd.s32 $0x80, s12;
	s3 =	sand.u32 $0x1FFFFFFE, s28  }
0x3f2: {  	s14 =	sadd.s32 $0x1, s14;
	s29 =	sadd.s32 $0x10600, s17;
	s3 =	sadd.s32 s7, s3  }
0x3f3: {  	[tilespmem:s29], [sflag:$0x4] =	stream.linear.gather [hbm4b:s3+s4], $0x10, $0x38;
	[tilespmem:$0x11880] =	vst v63  }
0x3f4: {  	p1 =	seq.s32 s11, $0x0  }
.Ltmp7:
0x3f5: {  	_ = 	snop;
	(pc) =	sbr.rel @p1 .LBB2_10-.Ltmp7, $1  }
0x3f6: {  	_ =	sdelay $0x3  }
0x3f7: {  	p1 =	slt.u32 s11, $0x3  }
0x3f8: {  	s3 =	simm.s32 @!p1 $0x5  }
0x3f9: {  	_ =	swait.ge @!p1 [sflag:s3], $0x800  }
0x3fa: {  	[sflag:s3] =	ssyncset.done @!p1 $0x0  }
0x3fb: {  	[sflag:s3] =	ssyncadd.s32 @!p1 $0xFFFFF800;
	s3 =	simm.s32 @!p1 $0x6  }
0x3fc: {  	_ =	swait.ge @!p1 [sflag:s3], $0x10  }
0x3fd: {  	[sflag:s3] =	ssyncset.done @!p1 $0x0  }
0x3fe: {  	[sflag:s3] =	ssyncadd.s32 @!p1 $0xFFFFFFF0  }
0x3ff: {  	_ =	swait.ge [sflag:s30], $0x4000  }
0x400: {  	[sflag:s30] =	ssyncset.done $0x0  }
0x401: {  	[sflag:s30] =	ssyncadd.s32 $0xFFFFC000  }
0x402: {  	_ =	swait.ge [sflag:s31], $0x4000  }
0x403: {  	[sflag:s31] =	ssyncset.done $0x0  }
0x404: {  	[sflag:s31] =	ssyncadd.s32 $0xFFFFC000  }
0x405: {  	_ =	swait.ge [sflag:s2], $0x100  }
0x406: {  	[sflag:s2] =	ssyncset.done $0x0  }
0x407: {  	[sflag:s2] =	ssyncadd.s32 $0xFFFFFF00  }
0x408: {  	_ =	swait.ge [sflag:s5], $0x100  }
0x409: {  	s19 =	sadd.s32 $0xFFFFFFFF, s11;
	[sflag:s5] =	ssyncset.done $0x0  }
0x40a: {  	s12 =	sshll.u32 s19, $0x4;
	[sflag:s5] =	ssyncadd.s32 $0xFFFFFF00  }
0x40b: {  	v3 =	vld [tilespmem:s12+$0x0];
	_ =	sdelay $0x1  }
0x40c: {  	v2 =	vmul.u32 $0x10, v61;
	s13 =	sand.u32 $0x1, s19  }
0x40d: {  	v4 =	vand.u32 $0x7, v61;
	s3 =	sshll.u32 s13, $0x8  }
0x40e: {  	v4 =	vmul.u32 $0x10, v4;
	v2 =	vor.u32 s3, v2  }
0x40f: {  	v5 =	vshll.u32 v2, $0x3;
	v3 =	vand.u32 $0xF, v3  }
0x410: {  	v6 =	vand.u32 $0xC00, v5;
	v7 =	vld [tilespmem:s12+$0x200];
	v3 =	vor.u32 v4, v3  }
0x411: {  	v5 =	vor.u32 v6, v3;
	_ =	sdelay $0x1  }
0x412: {  	s14 =	sshll.u32 s13, $0x4  }
0x413: {  	v8 =	vmov s14  }
0x414: {  	v8 =	vshll.u32 v8, $0x7;
	v7 =	vand.u32 $0xF, v7  }
0x415: {  	v4 =	vor.u32 v4, v7;
	v9 =	vld.idx.msk [tilespmem:v5+s24+$0x0], $0xffff;
	v5 =	vor.u32 v62, v8  }
0x416: {  	v7 =	vor.u32 v6, v4;
	_ =	sdelay $0x3  }
0x417: {  	[tilespmem:v5+s25+$0x0] =	vst.idx.msk $0xffff, v9  }
0x418: {  	v8 =	vor.u32 $0x40, v5;
	v9 =	vor.u32 $0x80, v6;
	v7 =	vld.idx.msk [tilespmem:v7+s26+$0x0], $0xffff  }
0x419: {  	v10 =	vor.u32 v9, v3;
	_ =	sdelay $0x3  }
0x41a: {  	[tilespmem:v8+s25+$0x0] =	vst.idx.msk $0xffff, v7  }
0x41b: {  	v8 =	vor.u32 $0x1, v5;
	v7 =	vld.idx.msk [tilespmem:v10+s24+$0x0], $0xffff  }
0x41c: {  	v9 =	vor.u32 v9, v4;
	_ =	sdelay $0x3  }
0x41d: {  	[tilespmem:v8+s25+$0x0] =	vst.idx.msk $0xffff, v7  }
0x41e: {  	v8 =	vor.u32 $0x41, v5;
	v7 =	vld.idx.msk [tilespmem:v9+s26+$0x0], $0xffff;
	v9 =	vor.u32 $0x100, v6  }
0x41f: {  	v10 =	vor.u32 v9, v3;
	_ =	sdelay $0x3  }
0x420: {  	[tilespmem:v8+s25+$0x0] =	vst.idx.msk $0xffff, v7  }
0x421: {  	v8 =	vor.u32 $0x2, v5;
	v7 =	vld.idx.msk [tilespmem:v10+s24+$0x0], $0xffff  }
0x422: {  	v9 =	vor.u32 v9, v4;
	_ =	sdelay $0x3  }
0x423: {  	[tilespmem:v8+s25+$0x0] =	vst.idx.msk $0xffff, v7  }
0x424: {  	v8 =	vor.u32 $0x42, v5;
	v7 =	vld.idx.msk [tilespmem:v9+s26+$0x0], $0xffff;
	v9 =	vor.u32 $0x180, v6  }
0x425: {  	v10 =	vor.u32 v9, v3;
	_ =	sdelay $0x3  }
0x426: {  	[tilespmem:v8+s25+$0x0] =	vst.idx.msk $0xffff, v7  }
0x427: {  	v8 =	vor.u32 $0x3, v5;
	v7 =	vld.idx.msk [tilespmem:v10+s24+$0x0], $0xffff  }
0x428: {  	v9 =	vor.u32 v9, v4;
	_ =	sdelay $0x3  }
0x429: {  	[tilespmem:v8+s25+$0x0] =	vst.idx.msk $0xffff, v7  }
0x42a: {  	v8 =	vor.u32 $0x43, v5;
	v7 =	vld.idx.msk [tilespmem:v9+s26+$0x0], $0xffff;
	v9 =	vor.u32 $0x200, v6  }
0x42b: {  	v10 =	vor.u32 v9, v3;
	_ =	sdelay $0x3  }
0x42c: {  	[tilespmem:v8+s25+$0x0] =	vst.idx.msk $0xffff, v7  }
0x42d: {  	v8 =	vor.u32 $0x4, v5;
	v7 =	vld.idx.msk [tilespmem:v10+s24+$0x0], $0xffff  }
0x42e: {  	v9 =	vor.u32 v9, v4;
	_ =	sdelay $0x3  }
0x42f: {  	[tilespmem:v8+s25+$0x0] =	vst.idx.msk $0xffff, v7  }
0x430: {  	v8 =	vor.u32 $0x44, v5;
	v7 =	vld.idx.msk [tilespmem:v9+s26+$0x0], $0xffff;
	v9 =	vor.u32 $0x280, v6  }
0x431: {  	v10 =	vor.u32 v9, v3;
	_ =	sdelay $0x3  }
0x432: {  	[tilespmem:v8+s25+$0x0] =	vst.idx.msk $0xffff, v7  }
0x433: {  	v8 =	vor.u32 $0x5, v5;
	v7 =	vld.idx.msk [tilespmem:v10+s24+$0x0], $0xffff  }
0x434: {  	v9 =	vor.u32 v9, v4;
	_ =	sdelay $0x3  }
0x435: {  	[tilespmem:v8+s25+$0x0] =	vst.idx.msk $0xffff, v7  }
0x436: {  	v8 =	vor.u32 $0x45, v5;
	v7 =	vld.idx.msk [tilespmem:v9+s26+$0x0], $0xffff;
	v9 =	vor.u32 $0x300, v6  }
0x437: {  	v10 =	vor.u32 v9, v3;
	_ =	sdelay $0x3  }
0x438: {  	[tilespmem:v8+s25+$0x0] =	vst.idx.msk $0xffff, v7  }
0x439: {  	v8 =	vor.u32 $0x6, v5;
	v7 =	vld.idx.msk [tilespmem:v10+s24+$0x0], $0xffff  }
0x43a: {  	v9 =	vor.u32 v9, v4;
	_ =	sdelay $0x3  }
0x43b: {  	[tilespmem:v8+s25+$0x0] =	vst.idx.msk $0xffff, v7  }
0x43c: {  	v8 =	vor.u32 $0x46, v5;
	v7 =	vld.idx.msk [tilespmem:v9+s26+$0x0], $0xffff;
	v9 =	vor.u32 $0x380, v6  }
0x43d: {  	v10 =	vor.u32 v9, v3;
	_ =	sdelay $0x3  }
0x43e: {  	[tilespmem:v8+s25+$0x0] =	vst.idx.msk $0xffff, v7  }
0x43f: {  	v8 =	vor.u32 $0x7, v5;
	v7 =	vld.idx.msk [tilespmem:v10+s24+$0x0], $0xffff  }
0x440: {  	v9 =	vor.u32 v9, v4;
	_ =	sdelay $0x3  }
0x441: {  	[tilespmem:v8+s25+$0x0] =	vst.idx.msk $0xffff, v7  }
0x442: {  	v8 =	vor.u32 $0x47, v5;
	v7 =	vld.idx.msk [tilespmem:v9+s26+$0x0], $0xffff;
	v9 =	vor.u32 $0x1000, v6  }
0x443: {  	v10 =	vor.u32 v9, v3;
	_ =	sdelay $0x3  }
0x444: {  	[tilespmem:v8+s25+$0x0] =	vst.idx.msk $0xffff, v7  }
0x445: {  	v8 =	vor.u32 $0x8, v5;
	v7 =	vld.idx.msk [tilespmem:v10+s24+$0x0], $0xffff  }
0x446: {  	v9 =	vor.u32 v9, v4;
	_ =	sdelay $0x3  }
0x447: {  	[tilespmem:v8+s25+$0x0] =	vst.idx.msk $0xffff, v7  }
0x448: {  	v8 =	vor.u32 $0x48, v5;
	v7 =	vld.idx.msk [tilespmem:v9+s26+$0x0], $0xffff;
	v9 =	vor.u32 $0x1080, v6  }
0x449: {  	v10 =	vor.u32 v9, v3;
	_ =	sdelay $0x3  }
0x44a: {  	[tilespmem:v8+s25+$0x0] =	vst.idx.msk $0xffff, v7  }
0x44b: {  	v8 =	vor.u32 $0x9, v5;
	v7 =	vld.idx.msk [tilespmem:v10+s24+$0x0], $0xffff  }
0x44c: {  	v9 =	vor.u32 v9, v4;
	_ =	sdelay $0x3  }
0x44d: {  	[tilespmem:v8+s25+$0x0] =	vst.idx.msk $0xffff, v7  }
0x44e: {  	v8 =	vor.u32 $0x49, v5;
	v7 =	vld.idx.msk [tilespmem:v9+s26+$0x0], $0xffff;
	v9 =	vor.u32 $0x1100, v6  }
0x44f: {  	v10 =	vor.u32 v9, v3;
	_ =	sdelay $0x3  }
0x450: {  	[tilespmem:v8+s25+$0x0] =	vst.idx.msk $0xffff, v7  }
0x451: {  	v8 =	vor.u32 $0xA, v5;
	v7 =	vld.idx.msk [tilespmem:v10+s24+$0x0], $0xffff  }
0x452: {  	v9 =	vor.u32 v9, v4;
	_ =	sdelay $0x3  }
0x453: {  	[tilespmem:v8+s25+$0x0] =	vst.idx.msk $0xffff, v7  }
0x454: {  	v8 =	vor.u32 $0x4A, v5;
	v7 =	vld.idx.msk [tilespmem:v9+s26+$0x0], $0xffff;
	v9 =	vor.u32 $0x1180, v6  }
0x455: {  	v10 =	vor.u32 v9, v3;
	_ =	sdelay $0x3  }
0x456: {  	[tilespmem:v8+s25+$0x0] =	vst.idx.msk $0xffff, v7  }
0x457: {  	v8 =	vor.u32 $0xB, v5;
	v7 =	vld.idx.msk [tilespmem:v10+s24+$0x0], $0xffff  }
0x458: {  	v9 =	vor.u32 v9, v4;
	_ =	sdelay $0x3  }
0x459: {  	[tilespmem:v8+s25+$0x0] =	vst.idx.msk $0xffff, v7  }
0x45a: {  	v8 =	vor.u32 $0x4B, v5;
	v7 =	vld.idx.msk [tilespmem:v9+s26+$0x0], $0xffff;
	v9 =	vor.u32 $0x1200, v6  }
0x45b: {  	v10 =	vor.u32 v9, v3;
	_ =	sdelay $0x3  }
0x45c: {  	[tilespmem:v8+s25+$0x0] =	vst.idx.msk $0xffff, v7  }
0x45d: {  	v8 =	vor.u32 $0xC, v5;
	v7 =	vld.idx.msk [tilespmem:v10+s24+$0x0], $0xffff  }
0x45e: {  	v9 =	vor.u32 v9, v4;
	_ =	sdelay $0x3  }
0x45f: {  	[tilespmem:v8+s25+$0x0] =	vst.idx.msk $0xffff, v7  }
0x460: {  	v8 =	vor.u32 $0x4C, v5;
	v7 =	vld.idx.msk [tilespmem:v9+s26+$0x0], $0xffff;
	v9 =	vor.u32 $0x1280, v6  }
0x461: {  	v10 =	vor.u32 v9, v3;
	_ =	sdelay $0x3  }
0x462: {  	[tilespmem:v8+s25+$0x0] =	vst.idx.msk $0xffff, v7  }
0x463: {  	v8 =	vor.u32 $0xD, v5;
	v7 =	vld.idx.msk [tilespmem:v10+s24+$0x0], $0xffff  }
0x464: {  	v9 =	vor.u32 v9, v4;
	_ =	sdelay $0x3  }
0x465: {  	[tilespmem:v8+s25+$0x0] =	vst.idx.msk $0xffff, v7  }
0x466: {  	v8 =	vor.u32 $0x4D, v5;
	v7 =	vld.idx.msk [tilespmem:v9+s26+$0x0], $0xffff;
	v9 =	vor.u32 $0x1300, v6  }
0x467: {  	v10 =	vor.u32 v9, v3;
	_ =	sdelay $0x3  }
0x468: {  	[tilespmem:v8+s25+$0x0] =	vst.idx.msk $0xffff, v7  }
0x469: {  	v8 =	vor.u32 $0xE, v5;
	v7 =	vld.idx.msk [tilespmem:v10+s24+$0x0], $0xffff  }
0x46a: {  	v9 =	vor.u32 v9, v4;
	_ =	sdelay $0x3  }
0x46b: {  	[tilespmem:v8+s25+$0x0] =	vst.idx.msk $0xffff, v7  }
0x46c: {  	v8 =	vor.u32 $0x4E, v5;
	v7 =	vld.idx.msk [tilespmem:v9+s26+$0x0], $0xffff;
	v9 =	vor.u32 $0x1380, v6  }
0x46d: {  	v10 =	vor.u32 v9, v3;
	_ =	sdelay $0x3  }
0x46e: {  	[tilespmem:v8+s25+$0x0] =	vst.idx.msk $0xffff, v7  }
0x46f: {  	v8 =	vor.u32 $0xF, v5;
	v7 =	vld.idx.msk [tilespmem:v10+s24+$0x0], $0xffff  }
0x470: {  	v9 =	vor.u32 v9, v4;
	_ =	sdelay $0x3  }
0x471: {  	[tilespmem:v8+s25+$0x0] =	vst.idx.msk $0xffff, v7  }
0x472: {  	v8 =	vor.u32 $0x4F, v5;
	v7 =	vld.idx.msk [tilespmem:v9+s26+$0x0], $0xffff;
	v9 =	vor.u32 $0x2000, v6  }
0x473: {  	v10 =	vor.u32 v9, v3;
	_ =	sdelay $0x3  }
0x474: {  	[tilespmem:v8+s25+$0x0] =	vst.idx.msk $0xffff, v7  }
0x475: {  	v8 =	vor.u32 $0x10, v5;
	v7 =	vld.idx.msk [tilespmem:v10+s24+$0x0], $0xffff  }
0x476: {  	v9 =	vor.u32 v9, v4;
	_ =	sdelay $0x3  }
0x477: {  	[tilespmem:v8+s25+$0x0] =	vst.idx.msk $0xffff, v7  }
0x478: {  	v8 =	vor.u32 $0x50, v5;
	v7 =	vld.idx.msk [tilespmem:v9+s26+$0x0], $0xffff;
	v9 =	vor.u32 $0x2080, v6  }
0x479: {  	v10 =	vor.u32 v9, v3;
	_ =	sdelay $0x3  }
0x47a: {  	[tilespmem:v8+s25+$0x0] =	vst.idx.msk $0xffff, v7  }
0x47b: {  	v8 =	vor.u32 $0x11, v5;
	v7 =	vld.idx.msk [tilespmem:v10+s24+$0x0], $0xffff  }
0x47c: {  	v9 =	vor.u32 v9, v4;
	_ =	sdelay $0x3  }
0x47d: {  	[tilespmem:v8+s25+$0x0] =	vst.idx.msk $0xffff, v7  }
0x47e: {  	v8 =	vor.u32 $0x51, v5;
	v7 =	vld.idx.msk [tilespmem:v9+s26+$0x0], $0xffff;
	v9 =	vor.u32 $0x2100, v6  }
0x47f: {  	v10 =	vor.u32 v9, v3;
	_ =	sdelay $0x3  }
0x480: {  	[tilespmem:v8+s25+$0x0] =	vst.idx.msk $0xffff, v7  }
0x481: {  	v8 =	vor.u32 $0x12, v5;
	v7 =	vld.idx.msk [tilespmem:v10+s24+$0x0], $0xffff  }
0x482: {  	v9 =	vor.u32 v9, v4;
	_ =	sdelay $0x3  }
0x483: {  	[tilespmem:v8+s25+$0x0] =	vst.idx.msk $0xffff, v7  }
0x484: {  	v8 =	vor.u32 $0x52, v5;
	v7 =	vld.idx.msk [tilespmem:v9+s26+$0x0], $0xffff;
	v9 =	vor.u32 $0x2180, v6  }
0x485: {  	v10 =	vor.u32 v9, v3;
	_ =	sdelay $0x3  }
0x486: {  	[tilespmem:v8+s25+$0x0] =	vst.idx.msk $0xffff, v7  }
0x487: {  	v8 =	vor.u32 $0x13, v5;
	v7 =	vld.idx.msk [tilespmem:v10+s24+$0x0], $0xffff  }
0x488: {  	v9 =	vor.u32 v9, v4;
	_ =	sdelay $0x3  }
0x489: {  	[tilespmem:v8+s25+$0x0] =	vst.idx.msk $0xffff, v7  }
0x48a: {  	v8 =	vor.u32 $0x53, v5;
	v7 =	vld.idx.msk [tilespmem:v9+s26+$0x0], $0xffff;
	v9 =	vor.u32 $0x2200, v6  }
0x48b: {  	v10 =	vor.u32 v9, v3;
	_ =	sdelay $0x3  }
0x48c: {  	[tilespmem:v8+s25+$0x0] =	vst.idx.msk $0xffff, v7  }
0x48d: {  	v8 =	vor.u32 $0x14, v5;
	v7 =	vld.idx.msk [tilespmem:v10+s24+$0x0], $0xffff  }
0x48e: {  	v9 =	vor.u32 v9, v4;
	_ =	sdelay $0x3  }
0x48f: {  	[tilespmem:v8+s25+$0x0] =	vst.idx.msk $0xffff, v7  }
0x490: {  	v8 =	vor.u32 $0x54, v5;
	v7 =	vld.idx.msk [tilespmem:v9+s26+$0x0], $0xffff;
	v9 =	vor.u32 $0x2280, v6  }
0x491: {  	v10 =	vor.u32 v9, v3;
	_ =	sdelay $0x3  }
0x492: {  	[tilespmem:v8+s25+$0x0] =	vst.idx.msk $0xffff, v7  }
0x493: {  	v8 =	vor.u32 $0x15, v5;
	v7 =	vld.idx.msk [tilespmem:v10+s24+$0x0], $0xffff  }
0x494: {  	v9 =	vor.u32 v9, v4;
	_ =	sdelay $0x3  }
0x495: {  	[tilespmem:v8+s25+$0x0] =	vst.idx.msk $0xffff, v7  }
0x496: {  	v8 =	vor.u32 $0x55, v5;
	v7 =	vld.idx.msk [tilespmem:v9+s26+$0x0], $0xffff;
	v9 =	vor.u32 $0x2300, v6  }
0x497: {  	v10 =	vor.u32 v9, v3;
	_ =	sdelay $0x3  }
0x498: {  	[tilespmem:v8+s25+$0x0] =	vst.idx.msk $0xffff, v7  }
0x499: {  	v8 =	vor.u32 $0x16, v5;
	v7 =	vld.idx.msk [tilespmem:v10+s24+$0x0], $0xffff  }
0x49a: {  	v9 =	vor.u32 v9, v4;
	_ =	sdelay $0x3  }
0x49b: {  	[tilespmem:v8+s25+$0x0] =	vst.idx.msk $0xffff, v7  }
0x49c: {  	v8 =	vor.u32 $0x56, v5;
	v7 =	vld.idx.msk [tilespmem:v9+s26+$0x0], $0xffff;
	v9 =	vor.u32 $0x2380, v6  }
0x49d: {  	v10 =	vor.u32 v9, v3;
	_ =	sdelay $0x3  }
0x49e: {  	[tilespmem:v8+s25+$0x0] =	vst.idx.msk $0xffff, v7  }
0x49f: {  	v8 =	vor.u32 $0x17, v5;
	v7 =	vld.idx.msk [tilespmem:v10+s24+$0x0], $0xffff  }
0x4a0: {  	v9 =	vor.u32 v9, v4;
	_ =	sdelay $0x3  }
0x4a1: {  	[tilespmem:v8+s25+$0x0] =	vst.idx.msk $0xffff, v7  }
0x4a2: {  	v8 =	vor.u32 $0x57, v5;
	v7 =	vld.idx.msk [tilespmem:v9+s26+$0x0], $0xffff;
	v9 =	vor.u32 $0x3000, v6  }
0x4a3: {  	v10 =	vor.u32 v9, v3;
	_ =	sdelay $0x3  }
0x4a4: {  	[tilespmem:v8+s25+$0x0] =	vst.idx.msk $0xffff, v7  }
0x4a5: {  	v8 =	vor.u32 $0x18, v5;
	v7 =	vld.idx.msk [tilespmem:v10+s24+$0x0], $0xffff  }
0x4a6: {  	v9 =	vor.u32 v9, v4;
	_ =	sdelay $0x3  }
0x4a7: {  	[tilespmem:v8+s25+$0x0] =	vst.idx.msk $0xffff, v7  }
0x4a8: {  	v8 =	vor.u32 $0x58, v5;
	v7 =	vld.idx.msk [tilespmem:v9+s26+$0x0], $0xffff;
	v9 =	vor.u32 $0x3080, v6  }
0x4a9: {  	v10 =	vor.u32 v9, v3;
	_ =	sdelay $0x3  }
0x4aa: {  	[tilespmem:v8+s25+$0x0] =	vst.idx.msk $0xffff, v7  }
0x4ab: {  	v8 =	vor.u32 $0x19, v5;
	v7 =	vld.idx.msk [tilespmem:v10+s24+$0x0], $0xffff  }
0x4ac: {  	v9 =	vor.u32 v9, v4;
	_ =	sdelay $0x3  }
0x4ad: {  	[tilespmem:v8+s25+$0x0] =	vst.idx.msk $0xffff, v7  }
0x4ae: {  	v8 =	vor.u32 $0x59, v5;
	v7 =	vld.idx.msk [tilespmem:v9+s26+$0x0], $0xffff;
	v9 =	vor.u32 $0x3100, v6  }
0x4af: {  	v10 =	vor.u32 v9, v3;
	_ =	sdelay $0x3  }
0x4b0: {  	[tilespmem:v8+s25+$0x0] =	vst.idx.msk $0xffff, v7  }
0x4b1: {  	v8 =	vor.u32 $0x1A, v5;
	v7 =	vld.idx.msk [tilespmem:v10+s24+$0x0], $0xffff  }
0x4b2: {  	v9 =	vor.u32 v9, v4;
	_ =	sdelay $0x3  }
0x4b3: {  	[tilespmem:v8+s25+$0x0] =	vst.idx.msk $0xffff, v7  }
0x4b4: {  	v8 =	vor.u32 $0x5A, v5;
	v7 =	vld.idx.msk [tilespmem:v9+s26+$0x0], $0xffff;
	v9 =	vor.u32 $0x3180, v6  }
0x4b5: {  	v10 =	vor.u32 v9, v3;
	_ =	sdelay $0x3  }
0x4b6: {  	[tilespmem:v8+s25+$0x0] =	vst.idx.msk $0xffff, v7  }
0x4b7: {  	v8 =	vor.u32 $0x1B, v5;
	v7 =	vld.idx.msk [tilespmem:v10+s24+$0x0], $0xffff  }
0x4b8: {  	v9 =	vor.u32 v9, v4;
	_ =	sdelay $0x3  }
0x4b9: {  	[tilespmem:v8+s25+$0x0] =	vst.idx.msk $0xffff, v7  }
0x4ba: {  	v8 =	vor.u32 $0x5B, v5;
	v7 =	vld.idx.msk [tilespmem:v9+s26+$0x0], $0xffff;
	v9 =	vor.u32 $0x3200, v6  }
0x4bb: {  	v10 =	vor.u32 v9, v3;
	_ =	sdelay $0x3  }
0x4bc: {  	[tilespmem:v8+s25+$0x0] =	vst.idx.msk $0xffff, v7  }
0x4bd: {  	v8 =	vor.u32 $0x1C, v5;
	v7 =	vld.idx.msk [tilespmem:v10+s24+$0x0], $0xffff  }
0x4be: {  	v9 =	vor.u32 v9, v4;
	_ =	sdelay $0x3  }
0x4bf: {  	[tilespmem:v8+s25+$0x0] =	vst.idx.msk $0xffff, v7  }
0x4c0: {  	v8 =	vor.u32 $0x5C, v5;
	v7 =	vld.idx.msk [tilespmem:v9+s26+$0x0], $0xffff;
	v9 =	vor.u32 $0x3280, v6  }
0x4c1: {  	v10 =	vor.u32 v9, v3;
	_ =	sdelay $0x3  }
0x4c2: {  	[tilespmem:v8+s25+$0x0] =	vst.idx.msk $0xffff, v7  }
0x4c3: {  	v8 =	vor.u32 $0x1D, v5;
	v7 =	vld.idx.msk [tilespmem:v10+s24+$0x0], $0xffff  }
0x4c4: {  	v9 =	vor.u32 v9, v4;
	_ =	sdelay $0x3  }
0x4c5: {  	[tilespmem:v8+s25+$0x0] =	vst.idx.msk $0xffff, v7  }
0x4c6: {  	v8 =	vor.u32 $0x5D, v5;
	v7 =	vld.idx.msk [tilespmem:v9+s26+$0x0], $0xffff;
	v9 =	vor.u32 $0x3300, v6  }
0x4c7: {  	v10 =	vor.u32 v9, v3;
	_ =	sdelay $0x3  }
0x4c8: {  	[tilespmem:v8+s25+$0x0] =	vst.idx.msk $0xffff, v7  }
0x4c9: {  	v8 =	vor.u32 $0x1E, v5;
	v7 =	vld.idx.msk [tilespmem:v10+s24+$0x0], $0xffff  }
0x4ca: {  	v9 =	vor.u32 v9, v4;
	_ =	sdelay $0x3  }
0x4cb: {  	[tilespmem:v8+s25+$0x0] =	vst.idx.msk $0xffff, v7  }
0x4cc: {  	v8 =	vor.u32 $0x5E, v5;
	v7 =	vld.idx.msk [tilespmem:v9+s26+$0x0], $0xffff;
	v9 =	vor.u32 $0x3380, v6  }
0x4cd: {  	v10 =	vor.u32 v9, v3;
	_ =	sdelay $0x3  }
0x4ce: {  	[tilespmem:v8+s25+$0x0] =	vst.idx.msk $0xffff, v7  }
0x4cf: {  	v8 =	vor.u32 $0x1F, v5;
	v7 =	vld.idx.msk [tilespmem:v10+s24+$0x0], $0xffff  }
0x4d0: {  	v9 =	vor.u32 v9, v4;
	_ =	sdelay $0x3  }
0x4d1: {  	[tilespmem:v8+s25+$0x0] =	vst.idx.msk $0xffff, v7  }
0x4d2: {  	v8 =	vor.u32 $0x5F, v5;
	v7 =	vld.idx.msk [tilespmem:v9+s26+$0x0], $0xffff;
	v9 =	vor.u32 $0x4000, v6  }
0x4d3: {  	v10 =	vor.u32 v9, v3;
	_ =	sdelay $0x3  }
0x4d4: {  	[tilespmem:v8+s25+$0x0] =	vst.idx.msk $0xffff, v7  }
0x4d5: {  	v8 =	vor.u32 $0x20, v5;
	v7 =	vld.idx.msk [tilespmem:v10+s24+$0x0], $0xffff  }
0x4d6: {  	v9 =	vor.u32 v9, v4;
	_ =	sdelay $0x3  }
0x4d7: {  	[tilespmem:v8+s25+$0x0] =	vst.idx.msk $0xffff, v7  }
0x4d8: {  	v8 =	vor.u32 $0x60, v5;
	v7 =	vld.idx.msk [tilespmem:v9+s26+$0x0], $0xffff;
	v9 =	vor.u32 $0x4080, v6  }
0x4d9: {  	v10 =	vor.u32 v9, v3;
	_ =	sdelay $0x3  }
0x4da: {  	[tilespmem:v8+s25+$0x0] =	vst.idx.msk $0xffff, v7  }
0x4db: {  	v8 =	vor.u32 $0x21, v5;
	v7 =	vld.idx.msk [tilespmem:v10+s24+$0x0], $0xffff  }
0x4dc: {  	v9 =	vor.u32 v9, v4;
	_ =	sdelay $0x3  }
0x4dd: {  	[tilespmem:v8+s25+$0x0] =	vst.idx.msk $0xffff, v7  }
0x4de: {  	v8 =	vor.u32 $0x61, v5;
	v7 =	vld.idx.msk [tilespmem:v9+s26+$0x0], $0xffff;
	v9 =	vor.u32 $0x4100, v6  }
0x4df: {  	v10 =	vor.u32 v9, v3;
	_ =	sdelay $0x3  }
0x4e0: {  	[tilespmem:v8+s25+$0x0] =	vst.idx.msk $0xffff, v7  }
0x4e1: {  	v8 =	vor.u32 $0x22, v5;
	v7 =	vld.idx.msk [tilespmem:v10+s24+$0x0], $0xffff  }
0x4e2: {  	v9 =	vor.u32 v9, v4;
	_ =	sdelay $0x3  }
0x4e3: {  	[tilespmem:v8+s25+$0x0] =	vst.idx.msk $0xffff, v7  }
0x4e4: {  	v8 =	vor.u32 $0x62, v5;
	v7 =	vld.idx.msk [tilespmem:v9+s26+$0x0], $0xffff;
	v9 =	vor.u32 $0x4180, v6  }
0x4e5: {  	v10 =	vor.u32 v9, v3;
	_ =	sdelay $0x3  }
0x4e6: {  	[tilespmem:v8+s25+$0x0] =	vst.idx.msk $0xffff, v7  }
0x4e7: {  	v8 =	vor.u32 $0x23, v5;
	v7 =	vld.idx.msk [tilespmem:v10+s24+$0x0], $0xffff  }
0x4e8: {  	v9 =	vor.u32 v9, v4;
	_ =	sdelay $0x3  }
0x4e9: {  	[tilespmem:v8+s25+$0x0] =	vst.idx.msk $0xffff, v7  }
0x4ea: {  	v8 =	vor.u32 $0x63, v5;
	v7 =	vld.idx.msk [tilespmem:v9+s26+$0x0], $0xffff;
	v9 =	vor.u32 $0x4200, v6  }
0x4eb: {  	v10 =	vor.u32 v9, v3;
	_ =	sdelay $0x3  }
0x4ec: {  	[tilespmem:v8+s25+$0x0] =	vst.idx.msk $0xffff, v7  }
0x4ed: {  	v8 =	vor.u32 $0x24, v5;
	v7 =	vld.idx.msk [tilespmem:v10+s24+$0x0], $0xffff  }
0x4ee: {  	v9 =	vor.u32 v9, v4;
	_ =	sdelay $0x3  }
0x4ef: {  	[tilespmem:v8+s25+$0x0] =	vst.idx.msk $0xffff, v7  }
0x4f0: {  	v8 =	vor.u32 $0x64, v5;
	v7 =	vld.idx.msk [tilespmem:v9+s26+$0x0], $0xffff;
	v9 =	vor.u32 $0x4280, v6  }
0x4f1: {  	v10 =	vor.u32 v9, v3;
	_ =	sdelay $0x3  }
0x4f2: {  	[tilespmem:v8+s25+$0x0] =	vst.idx.msk $0xffff, v7  }
0x4f3: {  	v8 =	vor.u32 $0x25, v5;
	v7 =	vld.idx.msk [tilespmem:v10+s24+$0x0], $0xffff  }
0x4f4: {  	v9 =	vor.u32 v9, v4;
	_ =	sdelay $0x3  }
0x4f5: {  	[tilespmem:v8+s25+$0x0] =	vst.idx.msk $0xffff, v7  }
0x4f6: {  	v8 =	vor.u32 $0x65, v5;
	v7 =	vld.idx.msk [tilespmem:v9+s26+$0x0], $0xffff;
	v9 =	vor.u32 $0x4300, v6  }
0x4f7: {  	v10 =	vor.u32 v9, v3;
	_ =	sdelay $0x3  }
0x4f8: {  	[tilespmem:v8+s25+$0x0] =	vst.idx.msk $0xffff, v7  }
0x4f9: {  	v8 =	vor.u32 $0x26, v5;
	v7 =	vld.idx.msk [tilespmem:v10+s24+$0x0], $0xffff  }
0x4fa: {  	v9 =	vor.u32 v9, v4;
	_ =	sdelay $0x3  }
0x4fb: {  	[tilespmem:v8+s25+$0x0] =	vst.idx.msk $0xffff, v7  }
0x4fc: {  	v8 =	vor.u32 $0x66, v5;
	v7 =	vld.idx.msk [tilespmem:v9+s26+$0x0], $0xffff;
	v9 =	vor.u32 $0x4380, v6  }
0x4fd: {  	v10 =	vor.u32 v9, v3;
	_ =	sdelay $0x3  }
0x4fe: {  	[tilespmem:v8+s25+$0x0] =	vst.idx.msk $0xffff, v7  }
0x4ff: {  	v8 =	vor.u32 $0x27, v5;
	v7 =	vld.idx.msk [tilespmem:v10+s24+$0x0], $0xffff  }
0x500: {  	v9 =	vor.u32 v9, v4;
	_ =	sdelay $0x3  }
0x501: {  	[tilespmem:v8+s25+$0x0] =	vst.idx.msk $0xffff, v7  }
0x502: {  	v8 =	vor.u32 $0x67, v5;
	v7 =	vld.idx.msk [tilespmem:v9+s26+$0x0], $0xffff;
	v9 =	vor.u32 $0x5000, v6  }
0x503: {  	v10 =	vor.u32 v9, v3;
	_ =	sdelay $0x3  }
0x504: {  	[tilespmem:v8+s25+$0x0] =	vst.idx.msk $0xffff, v7  }
0x505: {  	v8 =	vor.u32 $0x28, v5;
	v7 =	vld.idx.msk [tilespmem:v10+s24+$0x0], $0xffff  }
0x506: {  	v9 =	vor.u32 v9, v4;
	_ =	sdelay $0x3  }
0x507: {  	[tilespmem:v8+s25+$0x0] =	vst.idx.msk $0xffff, v7  }
0x508: {  	v8 =	vor.u32 $0x68, v5;
	v7 =	vld.idx.msk [tilespmem:v9+s26+$0x0], $0xffff;
	v9 =	vor.u32 $0x5080, v6  }
0x509: {  	v10 =	vor.u32 v9, v3;
	_ =	sdelay $0x3  }
0x50a: {  	[tilespmem:v8+s25+$0x0] =	vst.idx.msk $0xffff, v7  }
0x50b: {  	v8 =	vor.u32 $0x29, v5;
	v7 =	vld.idx.msk [tilespmem:v10+s24+$0x0], $0xffff  }
0x50c: {  	v9 =	vor.u32 v9, v4;
	_ =	sdelay $0x3  }
0x50d: {  	[tilespmem:v8+s25+$0x0] =	vst.idx.msk $0xffff, v7  }
0x50e: {  	v8 =	vor.u32 $0x69, v5;
	v7 =	vld.idx.msk [tilespmem:v9+s26+$0x0], $0xffff;
	v9 =	vor.u32 $0x5100, v6  }
0x50f: {  	v10 =	vor.u32 v9, v3;
	_ =	sdelay $0x3  }
0x510: {  	[tilespmem:v8+s25+$0x0] =	vst.idx.msk $0xffff, v7  }
0x511: {  	v8 =	vor.u32 $0x2A, v5;
	v7 =	vld.idx.msk [tilespmem:v10+s24+$0x0], $0xffff  }
0x512: {  	v9 =	vor.u32 v9, v4;
	_ =	sdelay $0x3  }
0x513: {  	[tilespmem:v8+s25+$0x0] =	vst.idx.msk $0xffff, v7  }
0x514: {  	v8 =	vor.u32 $0x6A, v5;
	v7 =	vld.idx.msk [tilespmem:v9+s26+$0x0], $0xffff;
	v9 =	vor.u32 $0x5180, v6  }
0x515: {  	v10 =	vor.u32 v9, v3;
	_ =	sdelay $0x3  }
0x516: {  	[tilespmem:v8+s25+$0x0] =	vst.idx.msk $0xffff, v7  }
0x517: {  	v8 =	vor.u32 $0x2B, v5;
	v7 =	vld.idx.msk [tilespmem:v10+s24+$0x0], $0xffff  }
0x518: {  	v9 =	vor.u32 v9, v4;
	_ =	sdelay $0x3  }
0x519: {  	[tilespmem:v8+s25+$0x0] =	vst.idx.msk $0xffff, v7  }
0x51a: {  	v8 =	vor.u32 $0x6B, v5;
	v7 =	vld.idx.msk [tilespmem:v9+s26+$0x0], $0xffff;
	v9 =	vor.u32 $0x5200, v6  }
0x51b: {  	v10 =	vor.u32 v9, v3;
	_ =	sdelay $0x3  }
0x51c: {  	[tilespmem:v8+s25+$0x0] =	vst.idx.msk $0xffff, v7  }
0x51d: {  	v8 =	vor.u32 $0x2C, v5;
	v7 =	vld.idx.msk [tilespmem:v10+s24+$0x0], $0xffff  }
0x51e: {  	v9 =	vor.u32 v9, v4;
	_ =	sdelay $0x3  }
0x51f: {  	[tilespmem:v8+s25+$0x0] =	vst.idx.msk $0xffff, v7  }
0x520: {  	v8 =	vor.u32 $0x6C, v5;
	v7 =	vld.idx.msk [tilespmem:v9+s26+$0x0], $0xffff;
	v9 =	vor.u32 $0x5280, v6  }
0x521: {  	v10 =	vor.u32 v9, v3;
	_ =	sdelay $0x3  }
0x522: {  	[tilespmem:v8+s25+$0x0] =	vst.idx.msk $0xffff, v7  }
0x523: {  	v8 =	vor.u32 $0x2D, v5;
	v7 =	vld.idx.msk [tilespmem:v10+s24+$0x0], $0xffff  }
0x524: {  	v9 =	vor.u32 v9, v4;
	_ =	sdelay $0x3  }
0x525: {  	[tilespmem:v8+s25+$0x0] =	vst.idx.msk $0xffff, v7  }
0x526: {  	v8 =	vor.u32 $0x6D, v5;
	v7 =	vld.idx.msk [tilespmem:v9+s26+$0x0], $0xffff;
	v9 =	vor.u32 $0x5300, v6  }
0x527: {  	v10 =	vor.u32 v9, v3;
	_ =	sdelay $0x3  }
0x528: {  	[tilespmem:v8+s25+$0x0] =	vst.idx.msk $0xffff, v7  }
0x529: {  	v8 =	vor.u32 $0x2E, v5;
	v7 =	vld.idx.msk [tilespmem:v10+s24+$0x0], $0xffff  }
0x52a: {  	v9 =	vor.u32 v9, v4;
	_ =	sdelay $0x3  }
0x52b: {  	[tilespmem:v8+s25+$0x0] =	vst.idx.msk $0xffff, v7  }
0x52c: {  	v8 =	vor.u32 $0x6E, v5;
	v7 =	vld.idx.msk [tilespmem:v9+s26+$0x0], $0xffff;
	v9 =	vor.u32 $0x5380, v6  }
0x52d: {  	v10 =	vor.u32 v9, v3;
	_ =	sdelay $0x3  }
0x52e: {  	[tilespmem:v8+s25+$0x0] =	vst.idx.msk $0xffff, v7  }
0x52f: {  	v8 =	vor.u32 $0x2F, v5;
	v7 =	vld.idx.msk [tilespmem:v10+s24+$0x0], $0xffff  }
0x530: {  	v9 =	vor.u32 v9, v4;
	_ =	sdelay $0x3  }
0x531: {  	[tilespmem:v8+s25+$0x0] =	vst.idx.msk $0xffff, v7  }
0x532: {  	v8 =	vor.u32 $0x6F, v5;
	v7 =	vld.idx.msk [tilespmem:v9+s26+$0x0], $0xffff;
	v9 =	vor.u32 $0x6000, v6  }
0x533: {  	v10 =	vor.u32 v9, v3;
	_ =	sdelay $0x3  }
0x534: {  	[tilespmem:v8+s25+$0x0] =	vst.idx.msk $0xffff, v7  }
0x535: {  	v8 =	vor.u32 $0x30, v5;
	v7 =	vld.idx.msk [tilespmem:v10+s24+$0x0], $0xffff  }
0x536: {  	v9 =	vor.u32 v9, v4;
	_ =	sdelay $0x3  }
0x537: {  	[tilespmem:v8+s25+$0x0] =	vst.idx.msk $0xffff, v7  }
0x538: {  	v8 =	vor.u32 $0x70, v5;
	v7 =	vld.idx.msk [tilespmem:v9+s26+$0x0], $0xffff;
	v9 =	vor.u32 $0x6080, v6  }
0x539: {  	v10 =	vor.u32 v9, v3;
	_ =	sdelay $0x3  }
0x53a: {  	[tilespmem:v8+s25+$0x0] =	vst.idx.msk $0xffff, v7  }
0x53b: {  	v8 =	vor.u32 $0x31, v5;
	v7 =	vld.idx.msk [tilespmem:v10+s24+$0x0], $0xffff  }
0x53c: {  	v9 =	vor.u32 v9, v4;
	_ =	sdelay $0x3  }
0x53d: {  	[tilespmem:v8+s25+$0x0] =	vst.idx.msk $0xffff, v7  }
0x53e: {  	v8 =	vor.u32 $0x71, v5;
	v7 =	vld.idx.msk [tilespmem:v9+s26+$0x0], $0xffff;
	v9 =	vor.u32 $0x6100, v6  }
0x53f: {  	v10 =	vor.u32 v9, v3;
	_ =	sdelay $0x3  }
0x540: {  	[tilespmem:v8+s25+$0x0] =	vst.idx.msk $0xffff, v7  }
0x541: {  	v8 =	vor.u32 $0x32, v5;
	v7 =	vld.idx.msk [tilespmem:v10+s24+$0x0], $0xffff  }
0x542: {  	v9 =	vor.u32 v9, v4;
	_ =	sdelay $0x3  }
0x543: {  	[tilespmem:v8+s25+$0x0] =	vst.idx.msk $0xffff, v7  }
0x544: {  	v8 =	vor.u32 $0x72, v5;
	v7 =	vld.idx.msk [tilespmem:v9+s26+$0x0], $0xffff;
	v9 =	vor.u32 $0x6180, v6  }
0x545: {  	v10 =	vor.u32 v9, v3;
	_ =	sdelay $0x3  }
0x546: {  	[tilespmem:v8+s25+$0x0] =	vst.idx.msk $0xffff, v7  }
0x547: {  	v8 =	vor.u32 $0x33, v5;
	v7 =	vld.idx.msk [tilespmem:v10+s24+$0x0], $0xffff  }
0x548: {  	v9 =	vor.u32 v9, v4;
	_ =	sdelay $0x3  }
0x549: {  	[tilespmem:v8+s25+$0x0] =	vst.idx.msk $0xffff, v7  }
0x54a: {  	v8 =	vor.u32 $0x73, v5;
	v7 =	vld.idx.msk [tilespmem:v9+s26+$0x0], $0xffff;
	v9 =	vor.u32 $0x6200, v6  }
0x54b: {  	v10 =	vor.u32 v9, v3;
	_ =	sdelay $0x3  }
0x54c: {  	[tilespmem:v8+s25+$0x0] =	vst.idx.msk $0xffff, v7  }
0x54d: {  	v8 =	vor.u32 $0x34, v5;
	v7 =	vld.idx.msk [tilespmem:v10+s24+$0x0], $0xffff  }
0x54e: {  	v9 =	vor.u32 v9, v4;
	_ =	sdelay $0x3  }
0x54f: {  	[tilespmem:v8+s25+$0x0] =	vst.idx.msk $0xffff, v7  }
0x550: {  	v8 =	vor.u32 $0x74, v5;
	v7 =	vld.idx.msk [tilespmem:v9+s26+$0x0], $0xffff;
	v9 =	vor.u32 $0x6280, v6  }
0x551: {  	v10 =	vor.u32 v9, v3;
	_ =	sdelay $0x3  }
0x552: {  	[tilespmem:v8+s25+$0x0] =	vst.idx.msk $0xffff, v7  }
0x553: {  	v8 =	vor.u32 $0x35, v5;
	v7 =	vld.idx.msk [tilespmem:v10+s24+$0x0], $0xffff  }
0x554: {  	v9 =	vor.u32 v9, v4;
	_ =	sdelay $0x3  }
0x555: {  	[tilespmem:v8+s25+$0x0] =	vst.idx.msk $0xffff, v7  }
0x556: {  	v8 =	vor.u32 $0x75, v5;
	v7 =	vld.idx.msk [tilespmem:v9+s26+$0x0], $0xffff;
	v9 =	vor.u32 $0x6300, v6  }
0x557: {  	v10 =	vor.u32 v9, v3;
	_ =	sdelay $0x3  }
0x558: {  	[tilespmem:v8+s25+$0x0] =	vst.idx.msk $0xffff, v7  }
0x559: {  	v8 =	vor.u32 $0x36, v5;
	v7 =	vld.idx.msk [tilespmem:v10+s24+$0x0], $0xffff  }
0x55a: {  	v9 =	vor.u32 v9, v4;
	_ =	sdelay $0x3  }
0x55b: {  	[tilespmem:v8+s25+$0x0] =	vst.idx.msk $0xffff, v7  }
0x55c: {  	v8 =	vor.u32 $0x76, v5;
	v7 =	vld.idx.msk [tilespmem:v9+s26+$0x0], $0xffff;
	v9 =	vor.u32 $0x6380, v6  }
0x55d: {  	v10 =	vor.u32 v9, v3;
	_ =	sdelay $0x3  }
0x55e: {  	[tilespmem:v8+s25+$0x0] =	vst.idx.msk $0xffff, v7  }
0x55f: {  	v8 =	vor.u32 $0x37, v5;
	v7 =	vld.idx.msk [tilespmem:v10+s24+$0x0], $0xffff  }
0x560: {  	v9 =	vor.u32 v9, v4;
	_ =	sdelay $0x3  }
0x561: {  	[tilespmem:v8+s25+$0x0] =	vst.idx.msk $0xffff, v7  }
0x562: {  	v8 =	vor.u32 $0x77, v5;
	v7 =	vld.idx.msk [tilespmem:v9+s26+$0x0], $0xffff;
	v9 =	vor.u32 $0x7000, v6  }
0x563: {  	v10 =	vor.u32 v9, v3;
	_ =	sdelay $0x3  }
0x564: {  	[tilespmem:v8+s25+$0x0] =	vst.idx.msk $0xffff, v7  }
0x565: {  	v8 =	vor.u32 $0x38, v5;
	v7 =	vld.idx.msk [tilespmem:v10+s24+$0x0], $0xffff  }
0x566: {  	v9 =	vor.u32 v9, v4;
	_ =	sdelay $0x3  }
0x567: {  	[tilespmem:v8+s25+$0x0] =	vst.idx.msk $0xffff, v7  }
0x568: {  	v8 =	vor.u32 $0x78, v5;
	v7 =	vld.idx.msk [tilespmem:v9+s26+$0x0], $0xffff;
	v9 =	vor.u32 $0x7080, v6  }
0x569: {  	v10 =	vor.u32 v9, v3;
	_ =	sdelay $0x3  }
0x56a: {  	[tilespmem:v8+s25+$0x0] =	vst.idx.msk $0xffff, v7  }
0x56b: {  	v8 =	vor.u32 $0x39, v5;
	v7 =	vld.idx.msk [tilespmem:v10+s24+$0x0], $0xffff  }
0x56c: {  	v9 =	vor.u32 v9, v4;
	_ =	sdelay $0x3  }
0x56d: {  	[tilespmem:v8+s25+$0x0] =	vst.idx.msk $0xffff, v7  }
0x56e: {  	v8 =	vor.u32 $0x79, v5;
	v7 =	vld.idx.msk [tilespmem:v9+s26+$0x0], $0xffff;
	v9 =	vor.u32 $0x7100, v6  }
0x56f: {  	v10 =	vor.u32 v9, v3;
	_ =	sdelay $0x3  }
0x570: {  	[tilespmem:v8+s25+$0x0] =	vst.idx.msk $0xffff, v7  }
0x571: {  	v8 =	vor.u32 $0x3A, v5;
	v7 =	vld.idx.msk [tilespmem:v10+s24+$0x0], $0xffff  }
0x572: {  	v9 =	vor.u32 v9, v4;
	_ =	sdelay $0x3  }
0x573: {  	[tilespmem:v8+s25+$0x0] =	vst.idx.msk $0xffff, v7  }
0x574: {  	v8 =	vor.u32 $0x7A, v5;
	v7 =	vld.idx.msk [tilespmem:v9+s26+$0x0], $0xffff;
	v9 =	vor.u32 $0x7180, v6  }
0x575: {  	v10 =	vor.u32 v9, v3;
	_ =	sdelay $0x3  }
0x576: {  	[tilespmem:v8+s25+$0x0] =	vst.idx.msk $0xffff, v7  }
0x577: {  	v8 =	vor.u32 $0x3B, v5;
	v7 =	vld.idx.msk [tilespmem:v10+s24+$0x0], $0xffff  }
0x578: {  	v9 =	vor.u32 v9, v4;
	_ =	sdelay $0x3  }
0x579: {  	[tilespmem:v8+s25+$0x0] =	vst.idx.msk $0xffff, v7  }
0x57a: {  	v8 =	vor.u32 $0x7B, v5;
	v7 =	vld.idx.msk [tilespmem:v9+s26+$0x0], $0xffff;
	v9 =	vor.u32 $0x7200, v6  }
0x57b: {  	v10 =	vor.u32 v9, v3;
	_ =	sdelay $0x3  }
0x57c: {  	[tilespmem:v8+s25+$0x0] =	vst.idx.msk $0xffff, v7  }
0x57d: {  	v8 =	vor.u32 $0x3C, v5;
	v7 =	vld.idx.msk [tilespmem:v10+s24+$0x0], $0xffff  }
0x57e: {  	v9 =	vor.u32 v9, v4;
	_ =	sdelay $0x3  }
0x57f: {  	[tilespmem:v8+s25+$0x0] =	vst.idx.msk $0xffff, v7  }
0x580: {  	v8 =	vor.u32 $0x7C, v5;
	v7 =	vld.idx.msk [tilespmem:v9+s26+$0x0], $0xffff;
	v9 =	vor.u32 $0x7280, v6  }
0x581: {  	v10 =	vor.u32 v9, v3;
	_ =	sdelay $0x3  }
0x582: {  	[tilespmem:v8+s25+$0x0] =	vst.idx.msk $0xffff, v7  }
0x583: {  	v8 =	vor.u32 $0x3D, v5;
	v7 =	vld.idx.msk [tilespmem:v10+s24+$0x0], $0xffff  }
0x584: {  	v9 =	vor.u32 v9, v4;
	_ =	sdelay $0x3  }
0x585: {  	[tilespmem:v8+s25+$0x0] =	vst.idx.msk $0xffff, v7  }
0x586: {  	v8 =	vor.u32 $0x7D, v5;
	v7 =	vld.idx.msk [tilespmem:v9+s26+$0x0], $0xffff;
	v9 =	vor.u32 $0x7300, v6  }
0x587: {  	v10 =	vor.u32 v9, v3;
	_ =	sdelay $0x3  }
0x588: {  	[tilespmem:v8+s25+$0x0] =	vst.idx.msk $0xffff, v7  }
0x589: {  	v8 =	vor.u32 $0x3E, v5;
	v7 =	vld.idx.msk [tilespmem:v10+s24+$0x0], $0xffff  }
0x58a: {  	v9 =	vor.u32 v9, v4;
	_ =	sdelay $0x3  }
0x58b: {  	[tilespmem:v8+s25+$0x0] =	vst.idx.msk $0xffff, v7  }
0x58c: {  	v6 =	vor.u32 $0x7380, v6;
	v8 =	vor.u32 $0x7E, v5;
	v7 =	vld.idx.msk [tilespmem:v9+s26+$0x0], $0xffff  }
0x58d: {  	v9 =	vor.u32 v6, v3;
	_ =	sdelay $0x3  }
0x58e: {  	[tilespmem:v8+s25+$0x0] =	vst.idx.msk $0xffff, v7  }
0x58f: {  	v8 =	vor.u32 $0x3F, v5;
	v7 =	vld.idx.msk [tilespmem:v9+s24+$0x0], $0xffff  }
0x590: {  	v6 =	vor.u32 v6, v4;
	_ =	sdelay $0x3  }
0x591: {  	[tilespmem:v8+s25+$0x0] =	vst.idx.msk $0xffff, v7  }
0x592: {  	v2 =	vand.u32 $0x180, v2;
	v5 =	vor.u32 $0x7F, v5;
	v6 =	vld.idx.msk [tilespmem:v6+s26+$0x0], $0xffff  }
0x593: {  	v3 =	vor.u32 v2, v3  }
0x594: {  	v2 =	vor.u32 v2, v4;
	_ =	sdelay $0x2  }
0x595: {  	s20 =	simm.s32 $0x10400;
	[tilespmem:v5+s25+$0x0] =	vst.idx.msk $0xffff, v6  }
0x596: {  	s22 =	simm.s32 $0x10600;
	v3 =	vld.idx.msk [tilespmem:v3+s20+$0x0], $0xffff  }
0x597: {  	v2 =	vld.idx.msk [tilespmem:v2+s22+$0x0], $0xffff;
	_ =	sdelay $0x4  }
0x598: {  	s23 =	sadd.s32 s8, s12;
	s10 =	sshll.u32 s13, $0xB;
	v2 =	vadd.f32 v2, v3  }
.Ltmp8:
0x599: {  	s10 =	sadd.s32 $0x10800, s10;
	s12 =	sshll.u32 s23, $0x4;
	(pc) =	sbr.rel .LBB2_10-.Ltmp8, $4  }
0x59a: {  	s3 =	sshrl.u32 s23, $0x3;
	s29 =	rddreg [dreg:$0x5];
	s12 =	sadd.s32 s9, s12;
	[tilespmem:s14+$0x11800] =	vst v2  }
0x59b: {  	[hbm4b:s12+s4] =	stream.linear.scatter [tilespmem:s10], [sflag:$0x5], $0x800, $0x38;
	[tilespmem:$0x11880] =	vst v63  }
0x59c: {  	s28 =	sor.u32 $0x11800, s14;
	s3 =	sadd.s32 s29, s3  }
0x59d: {  	[hbm4b:s3+s4] =	stream.linear.scatter [tilespmem:s28], [sflag:$0x6], $0x10, $0x38;
	[tilespmem:$0x11880] =	vst v63  }
.LBB2_12:
0x59e: {  	_ =	sfence.sel $0x180000  }
0x59f: {  	[bflag:$0x0] =	sbarrier.arrive $0xFFFF  }
0x5a0: {  	_ =	strace $0x90000047  }
0x5a1: {  	s0 =	stileid.u32;
	[bflag:$0x2] =	sbarrier.arrive $0xFFFF  }
0x5a2: {  	p0 =	sne.s32 s0, $0x0;
	s0 =	rddreg [dreg:$0x6]  }
0x5a3: {  	s0 =	sadd.s32 @!p0 $0x100000, s0  }
0x5a4: {  	[sflag:s0] =	ssyncadd.tile.s32 @!p0 $0x1;
	_ =	shalt  }
.Lfunc_end2:
_tile_overlayer_lowered:
.L_overlay_start_2:
0x5a5: {  	(tag) =	ssettag $0x2  }
0x5a6: {  	s0 =	rddreg [dreg:$0x0];
	s2 =	stileid.u32  }
0x5a7: {  	s1 =	rddreg [dreg:$0x1];
	p0 =	sne.s32 s2, $0x0  }
0x5a8: {  	s3 =	rddreg [dreg:$0x2];
	[bflag:$0x3] =	sbarrier.arrive $0xFFFF;
	s2 =	simm.s32 @!p0 $0x1C07  }
0x5a9: {  	[timem:s3], [sflag:s2] =	dma.local @!p0 [hbm:s0], s1  }
0x5aa: {  	s0 =	simm.s32 @!p0 $0x7  }
0x5ab: {  	_ =	swait.ge @!p0 [sflag:s0], s1  }
0x5ac: {  	s1 =	ssub.s32 @!p0 $0x0, s1;
	[sflag:s0] =	ssyncset.done @!p0 $0x0  }
0x5ad: {  	[sflag:s0] =	ssyncadd.s32 @!p0 s1  }
0x5ae: {  	[bflag:$0x3] =	sbarrier.arrive $0xFFFF  }
0x5af: {  	_ =	shalt  }

</sc_bundles>
